<compile_context>
chip_gen: v7x
topology: tpu7x:2x2x1
jax: 0.10.2.dev20260603
libtpu: 0.0.44.dev20260713+nightly
codegen_flags: <defaults>
</compile_context>

<pallas_src>
import functools

import jax
import jax.numpy as jnp
from jax import lax
from jax.experimental import pallas as pl
from jax.experimental.pallas import tpu as pltpu
from jax.experimental.pallas import tpu_sc as plsc

_N_USER = 100000
_N_ITEM = 100000
_D = 128
_B = 4096
_K = 200
_KH = _K // 2
_MARGIN = 0.5
_LAMB_C = 10.0

_NC = 2
_NS = 16
_NW = _NC * _NS
_BPW = _B // _NW
_RPW = _N_USER // _NW
_CHUNK = 128
_NCHUNK = 25

_SC_PARAMS = pltpu.CompilerParams(
    use_tc_tiling_on_sc=False, needs_layout_passes=False)


_LANE = None


def _row_vregs(ref, b):
    return [ref[b, pl.ds(16 * j, 16)] for j in range(_D // 16)]


def _dot8(a, bvs):
    acc = a[0] * bvs[0]
    for j in range(1, _D // 16):
        acc = acc + a[j] * bvs[j]
    return jnp.sum(acc)


def _take(v, idx):
    return v.at[idx].get(mode="promise_in_bounds")


def _macc(a, bvs):
    acc = a[0] * bvs[0]
    for j in range(1, _D // 16):
        acc = acc + a[j] * bvs[j]
    return acc


def _lane_sum(v, perms):
    for p in perms:
        v = v + _take(v, p)
    return v


def _rsqrt_nr(nv):
    i = plsc.bitcast(nv, jnp.int32)
    i = jnp.full((16,), 0x5F3759DF, jnp.int32) - lax.shift_right_logical(i, 1)
    y = plsc.bitcast(i, jnp.float32)
    half = 0.5 * nv
    for _ in range(3):
        y = y * (1.5 - half * y * y)
    return y


@functools.partial(
    pl.kernel,
    out_type=(
        jax.ShapeDtypeStruct((_N_USER, 16), jnp.float32),
        jax.ShapeDtypeStruct((_N_ITEM, 16), jnp.float32),
    ),
    mesh=plsc.VectorSubcoreMesh(
        core_axis_name="c", subcore_axis_name="s",
        num_cores=_NC, num_subcores=_NS,
    ),
    compiler_params=_SC_PARAMS,
    scratch_types=[
        pltpu.VMEM((2, _CHUNK, _D), jnp.float32),
        pltpu.VMEM((_RPW, 16), jnp.float32),
        pltpu.SemaphoreType.DMA,
        pltpu.SemaphoreType.DMA,
    ],
)
def _sc_prep(p_h, q_h, pmeta_h, qmeta_h, rows_v, meta_v, sem_a, sem_b):
    wid = lax.axis_index("s") * _NC + lax.axis_index("c")
    base = wid * _RPW
    lane = lax.iota(jnp.int32, 16)
    zero16 = jnp.zeros((16,), jnp.int32)
    one16 = jnp.full((16,), 1, jnp.int32)

    def _start(c):
        return jnp.minimum(c * _CHUNK, _RPW - _CHUNK)

    for src_h, dst_h in ((p_h, pmeta_h), (q_h, qmeta_h)):
        def _issue(c, slot, sem):
            pltpu.async_copy(
                src_h.at[pl.ds(base + _start(c), _CHUNK), :],
                rows_v.at[slot], sem)

        def _wait(slot, sem):
            pltpu.make_async_copy(
                src_h.at[pl.ds(0, _CHUNK), :], rows_v.at[slot], sem).wait()

        def _compute(c, slot):
            start = _start(c)

            def _gbody(g, carry):
                row_idx = 16 * g + lane

                def _jbody(j, accs):
                    accs = list(accs)
                    for r in range(4):
                        col = plsc.load_gather(
                            rows_v.at[slot],
                            [row_idx, jnp.full((16,), 4 * j + r, jnp.int32)])
                        accs[r] = accs[r] + col * col
                    return tuple(accs)

                accs = lax.fori_loop(
                    0, _D // 4, _jbody,
                    tuple(jnp.zeros((16,), jnp.float32) for _ in range(4)))
                n2 = (accs[0] + accs[1]) + (accs[2] + accs[3])
                scale = jnp.minimum(1.0, _rsqrt_nr(n2))
                n2c = jnp.minimum(n2, 1.0)
                out_row = start + row_idx
                plsc.store_scatter(meta_v, [out_row, zero16], n2c)
                plsc.store_scatter(meta_v, [out_row, one16], scale)
                return carry

            lax.fori_loop(0, _CHUNK // 16, _gbody, 0)

        _issue(0, 0, sem_a)

        def _cbody(g, carry):
            c0 = 2 * g
            _issue(c0 + 1, 1, sem_b)
            _wait(0, sem_a)
            _compute(c0, 0)
            _issue(jnp.minimum(c0 + 2, _NCHUNK - 1), 0, sem_a)
            _wait(1, sem_b)
            _compute(c0 + 1, 1)
            return carry

        lax.fori_loop(0, _NCHUNK // 2, _cbody, 0)
        _wait(0, sem_a)
        _compute(_NCHUNK - 1, 0)

        pltpu.sync_copy(meta_v, dst_h.at[pl.ds(base, _RPW), :])


@functools.partial(
    pl.kernel,
    out_type=(
        jax.ShapeDtypeStruct((_B, 16), jnp.float32),
        jax.ShapeDtypeStruct((_B, _D), jnp.float32),
        jax.ShapeDtypeStruct((_B, _D), jnp.float32),
    ),
    mesh=plsc.VectorSubcoreMesh(
        core_axis_name="c", subcore_axis_name="s",
        num_cores=_NC, num_subcores=_NS,
    ),
    compiler_params=_SC_PARAMS,
    scratch_types=[
        pltpu.VMEM((_BPW,), jnp.int32),
        pltpu.VMEM((_BPW,), jnp.int32),
        pltpu.VMEM((2 * _BPW, _KH), jnp.int32),
        pltpu.VMEM((_BPW, _D), jnp.float32),
        pltpu.VMEM((_BPW, _D), jnp.float32),
        pltpu.VMEM((_BPW, 16), jnp.float32),
        pltpu.VMEM((_BPW, 16), jnp.float32),
        pltpu.VMEM((2, _K, _D), jnp.float32),
        pltpu.VMEM((2, _K, 16), jnp.float32),
        pltpu.VMEM((_BPW, 16), jnp.float32),
        pltpu.SemaphoreType.DMA,
        pltpu.SemaphoreType.DMA,
        pltpu.SemaphoreType.DMA,
    ],
)
def _sc_main(uid_h, iid_h, neg2_h, p_h, q_h, pmeta_h, qmeta_h,
             sc_h, uc_h, itc_h,
             uid_v, iid_v, ids_v, u_v, it_v, umeta_v, itmeta_v,
             neg_v, negmeta_v, sc_v, sem_ui, sem_a, sem_b):
    wid = lax.axis_index("s") * _NC + lax.axis_index("c")
    base = wid * _BPW

    pltpu.sync_copy(uid_h.at[pl.ds(base, _BPW)], uid_v)
    pltpu.sync_copy(iid_h.at[pl.ds(base, _BPW)], iid_v)
    pltpu.sync_copy(neg2_h.at[pl.ds(2 * base, 2 * _BPW), :], ids_v)

    cu = pltpu.async_copy(p_h.at[uid_v], u_v, sem_ui)
    cum = pltpu.async_copy(pmeta_h.at[uid_v], umeta_v, sem_ui)
    ci = pltpu.async_copy(q_h.at[iid_v], it_v, sem_ui)
    cim = pltpu.async_copy(qmeta_h.at[iid_v], itmeta_v, sem_ui)

    def _issue(b, slot, sem):
        pltpu.async_copy(q_h.at[ids_v.at[2 * b]],
                         neg_v.at[slot, pl.ds(0, _KH)], sem)
        pltpu.async_copy(q_h.at[ids_v.at[2 * b + 1]],
                         neg_v.at[slot, pl.ds(_KH, _KH)], sem)
        pltpu.async_copy(qmeta_h.at[ids_v.at[2 * b]],
                         negmeta_v.at[slot, pl.ds(0, _KH)], sem)
        pltpu.async_copy(qmeta_h.at[ids_v.at[2 * b + 1]],
                         negmeta_v.at[slot, pl.ds(_KH, _KH)], sem)

    def _wait_full(slot, sem):
        pltpu.make_async_copy(q_h.at[pl.ds(0, _K)], neg_v.at[slot], sem).wait()
        pltpu.make_async_copy(
            qmeta_h.at[pl.ds(0, _K)], negmeta_v.at[slot], sem).wait()

    _issue(0, 0, sem_a)
    cu.wait()
    cum.wait()
    ci.wait()
    cim.wait()

    lane = lax.iota(jnp.int32, 16)
    perms = [lane ^ sh for sh in (8, 4, 2, 1)]
    zeros16 = jnp.zeros((16,), jnp.int32)
    ones16 = jnp.full((16,), 1, jnp.int32)
    vzero = jnp.zeros((16,), jnp.float32)

    def _compute(b, slot):
        um = umeta_v[b, pl.ds(0, 16)]
        un2c = _take(um, zeros16)
        uscale = _take(um, ones16)
        im = itmeta_v[b, pl.ds(0, 16)]
        itn2c = _take(im, zeros16)
        itscale = _take(im, ones16)
        u8 = [uscale * v for v in _row_vregs(u_v, b)]
        it8 = [itscale * v for v in _row_vregs(it_v, b)]
        for j in range(_D // 16):
            u_v[b, pl.ds(16 * j, 16)] = u8[j]
            it_v[b, pl.ds(16 * j, 16)] = it8[j]
        d_ij = un2c + itn2c - 2.0 * _lane_sum(_macc(u8, it8), perms)
        md = _MARGIN + d_ij - un2c

        def _kbody(k, carry):
            acc = list(carry)
            for r in range(4):
                kk = 4 * k + r
                q8 = _row_vregs(neg_v.at[slot], kk)
                qm = negmeta_v[slot, kk, pl.ds(0, 16)]
                dot = _lane_sum(_macc(u8, q8), perms)
                t = md - _take(qm, zeros16) + (2.0 * _take(qm, ones16)) * dot
                acc[r] = acc[r] + jnp.maximum(t, vzero)
                acc[4 + r] = acc[4 + r] + jnp.where(t <= 0.0, 1.0, 0.0)
            return tuple(acc)

        accs = lax.fori_loop(0, _K // 4, _kbody,
                             tuple(vzero for _ in range(8)))
        s = (accs[0] + accs[1]) + (accs[2] + accs[3])
        c = (accs[4] + accs[5]) + (accs[6] + accs[7])
        sc_v[b, :] = jnp.where(lane == 0, s, jnp.where(lane == 1, c, 0.0))

    def _gbody(g, carry):
        b0 = 2 * g
        _issue(b0 + 1, 1, sem_b)
        _wait_full(0, sem_a)
        _compute(b0, 0)
        b_next = jnp.minimum(b0 + 2, _BPW - 1)
        _issue(b_next, 0, sem_a)
        _wait_full(1, sem_b)
        _compute(b0 + 1, 1)
        return carry

    lax.fori_loop(0, _BPW // 2, _gbody, 0)
    _wait_full(0, sem_a)

    pltpu.sync_copy(sc_v, sc_h.at[pl.ds(base, _BPW), :])
    pltpu.sync_copy(u_v, uc_h.at[pl.ds(base, _BPW), :])
    pltpu.sync_copy(it_v, itc_h.at[pl.ds(base, _BPW), :])


def _final_body(sc_ref, uc_ref, itc_ref, out_ref):
    s = sc_ref[:, 0:1]
    c = sc_ref[:, 1:2]
    w = jnp.log(c * float(_N_ITEM) / float(_K) + 1.0)
    loss_m = jnp.sum(w * s)

    m = jnp.concatenate([uc_ref[...], itc_ref[...]], axis=0)
    y = m - jnp.mean(m, axis=0, keepdims=True)
    cov = lax.dot_general(y, y, (((0,), (0,)), ((), ()))) / float(2 * _B)
    fro = jnp.sqrt(jnp.sum(cov * cov))
    ii = lax.broadcasted_iota(jnp.int32, (_D, _D), 0)
    jj = lax.broadcasted_iota(jnp.int32, (_D, _D), 1)
    diag = jnp.where(ii == jj, cov, 0.0)
    diagsq = jnp.sum(diag * diag)
    cov_loss = (fro - diagsq) / float(_N_USER)
    out_ref[...] = jnp.full((1, 1), loss_m + _LAMB_C * cov_loss, jnp.float32)


def _final(sc, uc, itc):
    return pl.pallas_call(
        _final_body,
        out_shape=jax.ShapeDtypeStruct((1, 1), jnp.float32),
    )(sc, uc, itc)


def kernel(user_id, item_id, neg_item_id, P, Q):
    pmeta, qmeta = _sc_prep(P, Q)
    neg2 = neg_item_id.astype(jnp.int32).reshape(2 * _B, _KH)
    sc, uc, itc = _sc_main(
        user_id.astype(jnp.int32), item_id.astype(jnp.int32), neg2,
        P, Q, pmeta, qmeta)
    out = _final(sc, uc, itc)
    return out[0, 0]

# --- scband reference (transcript-rebuilt; emitter-appended) ---
"""Pipeline reference for scband-cml-28647431864822 (READ-ONLY COPY).

The authoritative reference and input builder live on the scoring server;
editing this copy changes nothing except your own understanding.
"""

import jax, jax.numpy as jnp
import numpy as np

N_USER = 100000
N_ITEM = 100000
N_DIM = 128
BATCH = 4096
N_NEG = 200
MARGIN = 0.5
LAMB_C = 10.0


def setup_inputs(seed: int = 0) -> dict:
    key = jax.random.key(seed)
    k1, k2, k3, k4, k5 = jax.random.split(key, 5)
    user_id = jax.random.randint(k1, (BATCH,), 0, N_USER)
    item_id = jax.random.randint(k2, (BATCH,), 0, N_ITEM)
    neg_item_id = jax.random.randint(k3, (BATCH, N_NEG), 0, N_ITEM)
    P = jax.random.normal(k4, (N_USER, N_DIM), dtype=jnp.float32) * 0.1
    Q = jax.random.normal(k5, (N_ITEM, N_DIM), dtype=jnp.float32) * 0.1
    return {"user_id": user_id, "item_id": item_id, "neg_item_id": neg_item_id, "P": P, "Q": Q}


def _embed_max_norm(table, idx):
    # torch nn.Embedding(max_norm=1): renormalize looked-up rows to norm <= 1
    e = jnp.take(table, idx, axis=0)
    n = jnp.linalg.norm(e, axis=-1, keepdims=True)
    scale = jnp.minimum(1.0, 1.0 / jnp.maximum(n, 1e-12))
    return e * scale


def reference(user_id, item_id, neg_item_id, P, Q):
    # loss_m
    u = _embed_max_norm(P, user_id)            # [B, d]
    it = _embed_max_norm(Q, item_id)           # [B, d]
    neg = _embed_max_norm(Q, neg_item_id)      # [B, K, d]
    d_ij = jnp.sum((u - it) ** 2, axis=1, keepdims=True)           # [B, 1]  (cdist**2)
    d_ik = jnp.sum((u[:, None, :] - neg) ** 2, axis=2)             # [B, K]  (cdist**2)
    metric = jax.nn.relu(MARGIN + d_ij - d_ik)                     # [B, K]
    imposter = jnp.sum(metric == 0.0, axis=1).astype(jnp.float32)  # count of non-violating negatives
    w_ij = jnp.log(imposter * N_ITEM / N_NEG + 1.0).reshape(BATCH, 1)
    loss_m = jnp.sum(w_ij * metric)
    # cov_reg
    matrix = jnp.concatenate([u, it], axis=0)                      # [2B, d]
    y = matrix - jnp.mean(matrix, axis=0)
    cov = jnp.matmul(y.T, y) / (BATCH * 2)                         # [d, d]
    cov_loss = (jnp.linalg.norm(cov) - jnp.linalg.norm(jnp.diagonal(cov)) ** 2) / N_USER
    return loss_m + LAMB_C * cov_loss

if __name__ == "__main__":
    import jax
    _d = setup_inputs()
    print(jax.jit(kernel)(*tuple(_d.values())))

</pallas_src>

<mosaic_0001>
#map = affine_map<(d0, d1) -> (0, 0)>
module attributes {stable_mosaic.version = 14 : i64} {
  func.func @_sc_prep(%arg0: i32, %arg1: i32, %arg2: memref<100000x128xf32, #tpu.memory_space<hbm>>, %arg3: memref<100000x128xf32, #tpu.memory_space<hbm>>, %arg4: memref<100000x16xf32, #tpu.memory_space<hbm>>, %arg5: memref<100000x16xf32, #tpu.memory_space<hbm>>, %arg6: memref<2x128x128xf32, #tpu.memory_space<vmem>>, %arg7: memref<3125x16xf32, #tpu.memory_space<vmem>>, %arg8: memref<!tpu.dma_semaphore, #tpu.memory_space<semaphore_mem>>, %arg9: memref<!tpu.dma_semaphore, #tpu.memory_space<semaphore_mem>>) attributes {dimension_semantics = [#tpu.dimension_semantics<core_parallel>, #tpu.dimension_semantics<subcore_parallel>], iteration_bounds = array<i64: 2, 16>, scalar_prefetch = 0 : i64, scratch_operands = 4 : i64, tpu.core_type = #tpu.core_type<sc_vector_subcore>, window_params = [{transform_indices = #map}, {transform_indices = #map}, {transform_indices = #map}, {transform_indices = #map}]} {
    %mul3A = arith.constant 2 : i32
    %mul3A_0 = arith.muli %arg1, %mul3A : i32
    %add3A = arith.addi %mul3A_0, %arg0 : i32
    %mul3A_1 = arith.constant 3125 : i32
    %mul3A_2 = arith.muli %add3A, %mul3A_1 : i32
    %iota3A = tpu.iota {dimensions = array<i32: 0>} : vector<16xi32>
    %broadcast_in_dim3A = arith.constant 0 : i32
    %broadcast_in_dim3A_3 = vector.broadcast %broadcast_in_dim3A : i32 to vector<16xi32>
    %broadcast_in_dim3A_4 = arith.constant 1 : i32
    %broadcast_in_dim3A_5 = vector.broadcast %broadcast_in_dim3A_4 : i32 to vector<16xi32>
    %min3A = arith.constant 0 : i32
    %min3A_6 = arith.constant 2997 : i32
    %min3A_7 = arith.minsi %min3A, %min3A_6 : i32
    %add3A_8 = arith.addi %mul3A_2, %min3A_7 : i32
    %dma_start3A = arith.constant 0 : i32
    %dma_start3A_9 = arith.constant 0 : i32
    %dma_start3A_10 = arith.constant 0 : i32
    %dma_start3A_11 = tpu.memref_slice %arg6[%dma_start3A, %dma_start3A_9, %dma_start3A_10] : memref<2x128x128xf32, #tpu.memory_space<vmem>> -> memref<1x128x128xf32, #tpu.memory_space<vmem>>
    %dma_start3A_12 = tpu.memref_squeeze %dma_start3A_11 : memref<1x128x128xf32, #tpu.memory_space<vmem>> -> memref<128x128xf32, #tpu.memory_space<vmem>>
    %dma_start3A_13 = arith.constant 0 : i32
    %dma_start3A_14 = tpu.memref_slice %arg2[%add3A_8, %dma_start3A_13] : memref<100000x128xf32, #tpu.memory_space<hbm>> -> memref<128x128xf32, #tpu.memory_space<hbm>>
    %dma_start3A_15 = arith.constant 0 : i32
    %dma_start3A_16 = arith.constant 0 : i32
    %dma_start3A_17 = tpu.memref_slice %arg6[%dma_start3A, %dma_start3A_15, %dma_start3A_16] : memref<2x128x128xf32, #tpu.memory_space<vmem>> -> memref<1x128x128xf32, #tpu.memory_space<vmem>>
    %dma_start3A_18 = tpu.memref_squeeze %dma_start3A_17 : memref<1x128x128xf32, #tpu.memory_space<vmem>> -> memref<128x128xf32, #tpu.memory_space<vmem>>
    %dma_start3A_19 = arith.constant 0 : i32
    %dma_start3A_20 = tpu.memref_slice %arg2[%add3A_8, %dma_start3A_19] : memref<100000x128xf32, #tpu.memory_space<hbm>> -> memref<128x128xf32, #tpu.memory_space<hbm>>
    tpu.enqueue_dma source(%dma_start3A_20 : memref<128x128xf32, #tpu.memory_space<hbm>>) target(%dma_start3A_18 : memref<128x128xf32, #tpu.memory_space<vmem>>) target_semaphore(%arg8 : memref<!tpu.dma_semaphore, #tpu.memory_space<semaphore_mem>>)
    %scan3A = arith.constant 0 : i32
    %scan3A_21 = arith.constant 0 : i32
    %scan3A_22 = arith.constant 12 : i32
    %scan3A_23 = arith.addi %scan3A_21, %scan3A_22 : i32
    %scan3A_24 = arith.constant 1 : i32
    scf.for %scan3A_96 = %scan3A_21 to %scan3A_23 step %scan3A_24  : i32 {
      %mul3A_97 = arith.constant 2 : i32
      %mul3A_98 = arith.muli %mul3A_97, %scan3A_96 : i32
      %add3A_99 = arith.constant 1 : i32
      %add3A_100 = arith.addi %mul3A_98, %add3A_99 : i32
      %mul3A_101 = arith.constant 128 : i32
      %mul3A_102 = arith.muli %add3A_100, %mul3A_101 : i32
      %min3A_103 = arith.constant 2997 : i32
      %min3A_104 = arith.minsi %mul3A_102, %min3A_103 : i32
      %add3A_105 = arith.addi %mul3A_2, %min3A_104 : i32
      %dma_start3A_106 = arith.constant 1 : i32
      %dma_start3A_107 = arith.constant 0 : i32
      %dma_start3A_108 = arith.constant 0 : i32
      %dma_start3A_109 = tpu.memref_slice %arg6[%dma_start3A_106, %dma_start3A_107, %dma_start3A_108] : memref<2x128x128xf32, #tpu.memory_space<vmem>> -> memref<1x128x128xf32, #tpu.memory_space<vmem>>
      %dma_start3A_110 = tpu.memref_squeeze %dma_start3A_109 : memref<1x128x128xf32, #tpu.memory_space<vmem>> -> memref<128x128xf32, #tpu.memory_space<vmem>>
      %dma_start3A_111 = arith.constant 0 : i32
      %dma_start3A_112 = tpu.memref_slice %arg2[%add3A_105, %dma_start3A_111] : memref<100000x128xf32, #tpu.memory_space<hbm>> -> memref<128x128xf32, #tpu.memory_space<hbm>>
      %dma_start3A_113 = arith.constant 0 : i32
      %dma_start3A_114 = arith.constant 0 : i32
      %dma_start3A_115 = tpu.memref_slice %arg6[%dma_start3A_106, %dma_start3A_113, %dma_start3A_114] : memref<2x128x128xf32, #tpu.memory_space<vmem>> -> memref<1x128x128xf32, #tpu.memory_space<vmem>>
      %dma_start3A_116 = tpu.memref_squeeze %dma_start3A_115 : memref<1x128x128xf32, #tpu.memory_space<vmem>> -> memref<128x128xf32, #tpu.memory_space<vmem>>
      %dma_start3A_117 = arith.constant 0 : i32
      %dma_start3A_118 = tpu.memref_slice %arg2[%add3A_105, %dma_start3A_117] : memref<100000x128xf32, #tpu.memory_space<hbm>> -> memref<128x128xf32, #tpu.memory_space<hbm>>
      tpu.enqueue_dma source(%dma_start3A_118 : memref<128x128xf32, #tpu.memory_space<hbm>>) target(%dma_start3A_116 : memref<128x128xf32, #tpu.memory_space<vmem>>) target_semaphore(%arg9 : memref<!tpu.dma_semaphore, #tpu.memory_space<semaphore_mem>>)
      %dma_wait3A_119 = arith.constant 0 : i32
      %dma_wait3A_120 = arith.constant 0 : i32
      %dma_wait3A_121 = arith.constant 0 : i32
      %dma_wait3A_122 = tpu.memref_slice %arg6[%dma_wait3A_119, %dma_wait3A_120, %dma_wait3A_121] : memref<2x128x128xf32, #tpu.memory_space<vmem>> -> memref<1x128x128xf32, #tpu.memory_space<vmem>>
      %dma_wait3A_123 = tpu.memref_squeeze %dma_wait3A_122 : memref<1x128x128xf32, #tpu.memory_space<vmem>> -> memref<128x128xf32, #tpu.memory_space<vmem>>
      %dma_wait3A_124 = arith.constant 0 : i32
      %dma_wait3A_125 = arith.constant 0 : i32
      %dma_wait3A_126 = tpu.memref_slice %arg2[%dma_wait3A_124, %dma_wait3A_125] : memref<100000x128xf32, #tpu.memory_space<hbm>> -> memref<128x128xf32, #tpu.memory_space<hbm>>
      %dma_wait3A_127 = arith.constant 0 : i32
      %dma_wait3A_128 = arith.constant 0 : i32
      %dma_wait3A_129 = tpu.memref_slice %arg6[%dma_wait3A_119, %dma_wait3A_127, %dma_wait3A_128] : memref<2x128x128xf32, #tpu.memory_space<vmem>> -> memref<1x128x128xf32, #tpu.memory_space<vmem>>
      %dma_wait3A_130 = tpu.memref_squeeze %dma_wait3A_129 : memref<1x128x128xf32, #tpu.memory_space<vmem>> -> memref<128x128xf32, #tpu.memory_space<vmem>>
      %dma_wait3A_131 = arith.constant 0 : i32
      %dma_wait3A_132 = arith.constant 0 : i32
      %dma_wait3A_133 = tpu.memref_slice %arg2[%dma_wait3A_131, %dma_wait3A_132] : memref<100000x128xf32, #tpu.memory_space<hbm>> -> memref<128x128xf32, #tpu.memory_space<hbm>>
      tpu.wait_dma2 semaphore(%arg8 : memref<!tpu.dma_semaphore, #tpu.memory_space<semaphore_mem>>) src(%dma_wait3A_133 : memref<128x128xf32, #tpu.memory_space<hbm>>) dst(%dma_wait3A_130 : memref<128x128xf32, #tpu.memory_space<vmem>>)
      %mul3A_134 = arith.constant 128 : i32
      %mul3A_135 = arith.muli %mul3A_98, %mul3A_134 : i32
      %min3A_136 = arith.constant 2997 : i32
      %min3A_137 = arith.minsi %mul3A_135, %min3A_136 : i32
      %scan3A_138 = arith.constant 0 : i32
      %scan3A_139 = arith.constant 0 : i32
      %scan3A_140 = arith.constant 8 : i32
      %scan3A_141 = arith.addi %scan3A_139, %scan3A_140 : i32
      %scan3A_142 = arith.constant 1 : i32
      scf.for %scan3A_193 = %scan3A_139 to %scan3A_141 step %scan3A_142  : i32 {
        %mul3A_194 = arith.constant 16 : i32
        %mul3A_195 = arith.muli %mul3A_194, %scan3A_193 : i32
        %add3A_196 = vector.broadcast %mul3A_195 : i32 to vector<16xi32>
        %add3A_197 = arith.addi %add3A_196, %iota3A : vector<16xi32>
        %broadcast_in_dim3A_198 = arith.constant 0.000000e+00 : f32
        %broadcast_in_dim3A_199 = vector.broadcast %broadcast_in_dim3A_198 : f32 to vector<16xf32>
        %broadcast_in_dim3A_200 = arith.constant 0.000000e+00 : f32
        %broadcast_in_dim3A_201 = vector.broadcast %broadcast_in_dim3A_200 : f32 to vector<16xf32>
        %broadcast_in_dim3A_202 = arith.constant 0.000000e+00 : f32
        %broadcast_in_dim3A_203 = vector.broadcast %broadcast_in_dim3A_202 : f32 to vector<16xf32>
        %broadcast_in_dim3A_204 = arith.constant 0.000000e+00 : f32
        %broadcast_in_dim3A_205 = vector.broadcast %broadcast_in_dim3A_204 : f32 to vector<16xf32>
        %scan3A_206 = arith.constant 0 : i32
        %scan3A_207 = arith.constant 32 : i32
        %scan3A_208 = arith.addi %scan3A_206, %scan3A_207 : i32
        %scan3A_209 = arith.constant 1 : i32
        %scan3A_210:4 = scf.for %scan3A_249 = %scan3A_206 to %scan3A_208 step %scan3A_209 iter_args(%scan3A_250 = %broadcast_in_dim3A_199, %scan3A_251 = %broadcast_in_dim3A_201, %scan3A_252 = %broadcast_in_dim3A_203, %scan3A_253 = %broadcast_in_dim3A_205) -> (vector<16xf32>, vector<16xf32>, vector<16xf32>, vector<16xf32>)  : i32 {
          %mul3A_254 = arith.constant 4 : i32
          %mul3A_255 = arith.muli %mul3A_254, %scan3A_249 : i32
          %add3A_256 = arith.constant 0 : i32
          %add3A_257 = arith.addi %mul3A_255, %add3A_256 : i32
          %broadcast_in_dim3A_258 = vector.broadcast %add3A_257 : i32 to vector<16xi32>
          %gather3A = arith.constant 0 : i32
          %gather3A_259 = arith.constant 0 : i32
          %gather3A_260 = arith.constant 0 : i32
          %gather3A_261 = tpu.memref_slice %arg6[%gather3A, %gather3A_259, %gather3A_260] : memref<2x128x128xf32, #tpu.memory_space<vmem>> -> memref<1x128x128xf32, #tpu.memory_space<vmem>>
          %gather3A_262 = tpu.memref_squeeze %gather3A_261 : memref<1x128x128xf32, #tpu.memory_space<vmem>> -> memref<128x128xf32, #tpu.memory_space<vmem>>
          %gather3A_263 = tpu.vector_load_idx %gather3A_262[%add3A_197, %broadcast_in_dim3A_258] : memref<128x128xf32, #tpu.memory_space<vmem>>[vector<16xi32>, vector<16xi32>], vector<16xf32>,
          %mul3A_264 = arith.mulf %gather3A_263, %gather3A_263 : vector<16xf32>
          %add3A_265 = arith.addf %scan3A_250, %mul3A_264 : vector<16xf32>
          %mul3A_266 = arith.constant 4 : i32
          %mul3A_267 = arith.muli %mul3A_266, %scan3A_249 : i32
          %add3A_268 = arith.constant 1 : i32
          %add3A_269 = arith.addi %mul3A_267, %add3A_268 : i32
          %broadcast_in_dim3A_270 = vector.broadcast %add3A_269 : i32 to vector<16xi32>
          %gather3A_271 = arith.constant 0 : i32
          %gather3A_272 = arith.constant 0 : i32
          %gather3A_273 = arith.constant 0 : i32
          %gather3A_274 = tpu.memref_slice %arg6[%gather3A_271, %gather3A_272, %gather3A_273] : memref<2x128x128xf32, #tpu.memory_space<vmem>> -> memref<1x128x128xf32, #tpu.memory_space<vmem>>
          %gather3A_275 = tpu.memref_squeeze %gather3A_274 : memref<1x128x128xf32, #tpu.memory_space<vmem>> -> memref<128x128xf32, #tpu.memory_space<vmem>>
          %gather3A_276 = tpu.vector_load_idx %gather3A_275[%add3A_197, %broadcast_in_dim3A_270] : memref<128x128xf32, #tpu.memory_space<vmem>>[vector<16xi32>, vector<16xi32>], vector<16xf32>,
          %mul3A_277 = arith.mulf %gather3A_276, %gather3A_276 : vector<16xf32>
          %add3A_278 = arith.addf %scan3A_251, %mul3A_277 : vector<16xf32>
          %mul3A_279 = arith.constant 4 : i32
          %mul3A_280 = arith.muli %mul3A_279, %scan3A_249 : i32
          %add3A_281 = arith.constant 2 : i32
          %add3A_282 = arith.addi %mul3A_280, %add3A_281 : i32
          %broadcast_in_dim3A_283 = vector.broadcast %add3A_282 : i32 to vector<16xi32>
          %gather3A_284 = arith.constant 0 : i32
          %gather3A_285 = arith.constant 0 : i32
          %gather3A_286 = arith.constant 0 : i32
          %gather3A_287 = tpu.memref_slice %arg6[%gather3A_284, %gather3A_285, %gather3A_286] : memref<2x128x128xf32, #tpu.memory_space<vmem>> -> memref<1x128x128xf32, #tpu.memory_space<vmem>>
          %gather3A_288 = tpu.memref_squeeze %gather3A_287 : memref<1x128x128xf32, #tpu.memory_space<vmem>> -> memref<128x128xf32, #tpu.memory_space<vmem>>
          %gather3A_289 = tpu.vector_load_idx %gather3A_288[%add3A_197, %broadcast_in_dim3A_283] : memref<128x128xf32, #tpu.memory_space<vmem>>[vector<16xi32>, vector<16xi32>], vector<16xf32>,
          %mul3A_290 = arith.mulf %gather3A_289, %gather3A_289 : vector<16xf32>
          %add3A_291 = arith.addf %scan3A_252, %mul3A_290 : vector<16xf32>
          %mul3A_292 = arith.constant 4 : i32
          %mul3A_293 = arith.muli %mul3A_292, %scan3A_249 : i32
          %add3A_294 = arith.constant 3 : i32
          %add3A_295 = arith.addi %mul3A_293, %add3A_294 : i32
          %broadcast_in_dim3A_296 = vector.broadcast %add3A_295 : i32 to vector<16xi32>
          %gather3A_297 = arith.constant 0 : i32
          %gather3A_298 = arith.constant 0 : i32
          %gather3A_299 = arith.constant 0 : i32
          %gather3A_300 = tpu.memref_slice %arg6[%gather3A_297, %gather3A_298, %gather3A_299] : memref<2x128x128xf32, #tpu.memory_space<vmem>> -> memref<1x128x128xf32, #tpu.memory_space<vmem>>
          %gather3A_301 = tpu.memref_squeeze %gather3A_300 : memref<1x128x128xf32, #tpu.memory_space<vmem>> -> memref<128x128xf32, #tpu.memory_space<vmem>>
          %gather3A_302 = tpu.vector_load_idx %gather3A_301[%add3A_197, %broadcast_in_dim3A_296] : memref<128x128xf32, #tpu.memory_space<vmem>>[vector<16xi32>, vector<16xi32>], vector<16xf32>,
          %mul3A_303 = arith.mulf %gather3A_302, %gather3A_302 : vector<16xf32>
          %add3A_304 = arith.addf %scan3A_253, %mul3A_303 : vector<16xf32>
          scf.yield %add3A_265, %add3A_278, %add3A_291, %add3A_304 : vector<16xf32>, vector<16xf32>, vector<16xf32>, vector<16xf32>
        }
        %scan3A_211 = arith.constant 32 : i32
        %add3A_212 = arith.addf %scan3A_210#0, %scan3A_210#1 : vector<16xf32>
        %add3A_213 = arith.addf %scan3A_210#2, %scan3A_210#3 : vector<16xf32>
        %add3A_214 = arith.addf %add3A_212, %add3A_213 : vector<16xf32>
        %bitcast3A = vector.bitcast %add3A_214 : vector<16xf32> to vector<16xi32>
        %broadcast_in_dim3A_215 = arith.constant 1597463007 : i32
        %broadcast_in_dim3A_216 = vector.broadcast %broadcast_in_dim3A_215 : i32 to vector<16xi32>
        %shift_right_logical3A = arith.constant 1 : i32
        %shift_right_logical3A_217 = vector.broadcast %shift_right_logical3A : i32 to vector<16xi32>
        %shift_right_logical3A_218 = arith.shrui %bitcast3A, %shift_right_logical3A_217 : vector<16xi32>
        %sub3A = arith.subi %broadcast_in_dim3A_216, %shift_right_logical3A_218 : vector<16xi32>
        %bitcast3A_219 = vector.bitcast %sub3A : vector<16xi32> to vector<16xf32>
        %mul3A_220 = arith.constant 5.000000e-01 : f32
        %mul3A_221 = vector.broadcast %mul3A_220 : f32 to vector<16xf32>
        %mul3A_222 = arith.mulf %mul3A_221, %add3A_214 : vector<16xf32>
        %mul3A_223 = arith.mulf %mul3A_222, %bitcast3A_219 : vector<16xf32>
        %mul3A_224 = arith.mulf %mul3A_223, %bitcast3A_219 : vector<16xf32>
        %sub3A_225 = arith.constant 1.500000e+00 : f32
        %sub3A_226 = vector.broadcast %sub3A_225 : f32 to vector<16xf32>
        %sub3A_227 = arith.subf %sub3A_226, %mul3A_224 : vector<16xf32>
        %mul3A_228 = arith.mulf %bitcast3A_219, %sub3A_227 : vector<16xf32>
        %mul3A_229 = arith.mulf %mul3A_222, %mul3A_228 : vector<16xf32>
        %mul3A_230 = arith.mulf %mul3A_229, %mul3A_228 : vector<16xf32>
        %sub3A_231 = arith.constant 1.500000e+00 : f32
        %sub3A_232 = vector.broadcast %sub3A_231 : f32 to vector<16xf32>
        %sub3A_233 = arith.subf %sub3A_232, %mul3A_230 : vector<16xf32>
        %mul3A_234 = arith.mulf %mul3A_228, %sub3A_233 : vector<16xf32>
        %mul3A_235 = arith.mulf %mul3A_222, %mul3A_234 : vector<16xf32>
        %mul3A_236 = arith.mulf %mul3A_235, %mul3A_234 : vector<16xf32>
        %sub3A_237 = arith.constant 1.500000e+00 : f32
        %sub3A_238 = vector.broadcast %sub3A_237 : f32 to vector<16xf32>
        %sub3A_239 = arith.subf %sub3A_238, %mul3A_236 : vector<16xf32>
        %mul3A_240 = arith.mulf %mul3A_234, %sub3A_239 : vector<16xf32>
        %min3A_241 = arith.constant 1.000000e+00 : f32
        %min3A_242 = vector.broadcast %min3A_241 : f32 to vector<16xf32>
        %min3A_243 = arith.minimumf %min3A_242, %mul3A_240 : vector<16xf32>
        %min3A_244 = arith.constant 1.000000e+00 : f32
        %min3A_245 = vector.broadcast %min3A_244 : f32 to vector<16xf32>
        %min3A_246 = arith.minimumf %add3A_214, %min3A_245 : vector<16xf32>
        %add3A_247 = vector.broadcast %min3A_137 : i32 to vector<16xi32>
        %add3A_248 = arith.addi %add3A_247, %add3A_197 : vector<16xi32>
        tpu.vector_store_idx %arg7[%add3A_248, %broadcast_in_dim3A_3], %min3A_246 : memref<3125x16xf32, #tpu.memory_space<vmem>>[vector<16xi32>, vector<16xi32>], vector<16xf32>,
        tpu.vector_store_idx %arg7[%add3A_248, %broadcast_in_dim3A_5], %min3A_243 : memref<3125x16xf32, #tpu.memory_space<vmem>>[vector<16xi32>, vector<16xi32>], vector<16xf32>,
      }
      %scan3A_143 = arith.constant 8 : i32
      %add3A_144 = arith.constant 2 : i32
      %add3A_145 = arith.addi %mul3A_98, %add3A_144 : i32
      %min3A_146 = arith.constant 24 : i32
      %min3A_147 = arith.minsi %add3A_145, %min3A_146 : i32
      %mul3A_148 = arith.constant 128 : i32
      %mul3A_149 = arith.muli %min3A_147, %mul3A_148 : i32
      %min3A_150 = arith.constant 2997 : i32
      %min3A_151 = arith.minsi %mul3A_149, %min3A_150 : i32
      %add3A_152 = arith.addi %mul3A_2, %min3A_151 : i32
      %dma_start3A_153 = arith.constant 0 : i32
      %dma_start3A_154 = arith.constant 0 : i32
      %dma_start3A_155 = arith.constant 0 : i32
      %dma_start3A_156 = tpu.memref_slice %arg6[%dma_start3A_153, %dma_start3A_154, %dma_start3A_155] : memref<2x128x128xf32, #tpu.memory_space<vmem>> -> memref<1x128x128xf32, #tpu.memory_space<vmem>>
      %dma_start3A_157 = tpu.memref_squeeze %dma_start3A_156 : memref<1x128x128xf32, #tpu.memory_space<vmem>> -> memref<128x128xf32, #tpu.memory_space<vmem>>
      %dma_start3A_158 = arith.constant 0 : i32
      %dma_start3A_159 = tpu.memref_slice %arg2[%add3A_152, %dma_start3A_158] : memref<100000x128xf32, #tpu.memory_space<hbm>> -> memref<128x128xf32, #tpu.memory_space<hbm>>
      %dma_start3A_160 = arith.constant 0 : i32
      %dma_start3A_161 = arith.constant 0 : i32
      %dma_start3A_162 = tpu.memref_slice %arg6[%dma_start3A_153, %dma_start3A_160, %dma_start3A_161] : memref<2x128x128xf32, #tpu.memory_space<vmem>> -> memref<1x128x128xf32, #tpu.memory_space<vmem>>
      %dma_start3A_163 = tpu.memref_squeeze %dma_start3A_162 : memref<1x128x128xf32, #tpu.memory_space<vmem>> -> memref<128x128xf32, #tpu.memory_space<vmem>>
      %dma_start3A_164 = arith.constant 0 : i32
      %dma_start3A_165 = tpu.memref_slice %arg2[%add3A_152, %dma_start3A_164] : memref<100000x128xf32, #tpu.memory_space<hbm>> -> memref<128x128xf32, #tpu.memory_space<hbm>>
      tpu.enqueue_dma source(%dma_start3A_165 : memref<128x128xf32, #tpu.memory_space<hbm>>) target(%dma_start3A_163 : memref<128x128xf32, #tpu.memory_space<vmem>>) target_semaphore(%arg8 : memref<!tpu.dma_semaphore, #tpu.memory_space<semaphore_mem>>)
      %dma_wait3A_166 = arith.constant 1 : i32
      %dma_wait3A_167 = arith.constant 0 : i32
      %dma_wait3A_168 = arith.constant 0 : i32
      %dma_wait3A_169 = tpu.memref_slice %arg6[%dma_wait3A_166, %dma_wait3A_167, %dma_wait3A_168] : memref<2x128x128xf32, #tpu.memory_space<vmem>> -> memref<1x128x128xf32, #tpu.memory_space<vmem>>
      %dma_wait3A_170 = tpu.memref_squeeze %dma_wait3A_169 : memref<1x128x128xf32, #tpu.memory_space<vmem>> -> memref<128x128xf32, #tpu.memory_space<vmem>>
      %dma_wait3A_171 = arith.constant 0 : i32
      %dma_wait3A_172 = arith.constant 0 : i32
      %dma_wait3A_173 = tpu.memref_slice %arg2[%dma_wait3A_171, %dma_wait3A_172] : memref<100000x128xf32, #tpu.memory_space<hbm>> -> memref<128x128xf32, #tpu.memory_space<hbm>>
      %dma_wait3A_174 = arith.constant 0 : i32
      %dma_wait3A_175 = arith.constant 0 : i32
      %dma_wait3A_176 = tpu.memref_slice %arg6[%dma_wait3A_166, %dma_wait3A_174, %dma_wait3A_175] : memref<2x128x128xf32, #tpu.memory_space<vmem>> -> memref<1x128x128xf32, #tpu.memory_space<vmem>>
      %dma_wait3A_177 = tpu.memref_squeeze %dma_wait3A_176 : memref<1x128x128xf32, #tpu.memory_space<vmem>> -> memref<128x128xf32, #tpu.memory_space<vmem>>
      %dma_wait3A_178 = arith.constant 0 : i32
      %dma_wait3A_179 = arith.constant 0 : i32
      %dma_wait3A_180 = tpu.memref_slice %arg2[%dma_wait3A_178, %dma_wait3A_179] : memref<100000x128xf32, #tpu.memory_space<hbm>> -> memref<128x128xf32, #tpu.memory_space<hbm>>
      tpu.wait_dma2 semaphore(%arg9 : memref<!tpu.dma_semaphore, #tpu.memory_space<semaphore_mem>>) src(%dma_wait3A_180 : memref<128x128xf32, #tpu.memory_space<hbm>>) dst(%dma_wait3A_177 : memref<128x128xf32, #tpu.memory_space<vmem>>)
      %add3A_181 = arith.constant 1 : i32
      %add3A_182 = arith.addi %mul3A_98, %add3A_181 : i32
      %mul3A_183 = arith.constant 128 : i32
      %mul3A_184 = arith.muli %add3A_182, %mul3A_183 : i32
      %min3A_185 = arith.constant 2997 : i32
      %min3A_186 = arith.minsi %mul3A_184, %min3A_185 : i32
      %scan3A_187 = arith.constant 0 : i32
      %scan3A_188 = arith.constant 0 : i32
      %scan3A_189 = arith.constant 8 : i32
      %scan3A_190 = arith.addi %scan3A_188, %scan3A_189 : i32
      %scan3A_191 = arith.constant 1 : i32
      scf.for %scan3A_193 = %scan3A_188 to %scan3A_190 step %scan3A_191  : i32 {
        %mul3A_194 = arith.constant 16 : i32
        %mul3A_195 = arith.muli %mul3A_194, %scan3A_193 : i32
        %add3A_196 = vector.broadcast %mul3A_195 : i32 to vector<16xi32>
        %add3A_197 = arith.addi %add3A_196, %iota3A : vector<16xi32>
        %broadcast_in_dim3A_198 = arith.constant 0.000000e+00 : f32
        %broadcast_in_dim3A_199 = vector.broadcast %broadcast_in_dim3A_198 : f32 to vector<16xf32>
        %broadcast_in_dim3A_200 = arith.constant 0.000000e+00 : f32
        %broadcast_in_dim3A_201 = vector.broadcast %broadcast_in_dim3A_200 : f32 to vector<16xf32>
        %broadcast_in_dim3A_202 = arith.constant 0.000000e+00 : f32
        %broadcast_in_dim3A_203 = vector.broadcast %broadcast_in_dim3A_202 : f32 to vector<16xf32>
        %broadcast_in_dim3A_204 = arith.constant 0.000000e+00 : f32
        %broadcast_in_dim3A_205 = vector.broadcast %broadcast_in_dim3A_204 : f32 to vector<16xf32>
        %scan3A_206 = arith.constant 0 : i32
        %scan3A_207 = arith.constant 32 : i32
        %scan3A_208 = arith.addi %scan3A_206, %scan3A_207 : i32
        %scan3A_209 = arith.constant 1 : i32
        %scan3A_210:4 = scf.for %scan3A_249 = %scan3A_206 to %scan3A_208 step %scan3A_209 iter_args(%scan3A_250 = %broadcast_in_dim3A_199, %scan3A_251 = %broadcast_in_dim3A_201, %scan3A_252 = %broadcast_in_dim3A_203, %scan3A_253 = %broadcast_in_dim3A_205) -> (vector<16xf32>, vector<16xf32>, vector<16xf32>, vector<16xf32>)  : i32 {
          %mul3A_254 = arith.constant 4 : i32
          %mul3A_255 = arith.muli %mul3A_254, %scan3A_249 : i32
          %add3A_256 = arith.constant 0 : i32
          %add3A_257 = arith.addi %mul3A_255, %add3A_256 : i32
          %broadcast_in_dim3A_258 = vector.broadcast %add3A_257 : i32 to vector<16xi32>
          %gather3A = arith.constant 1 : i32
          %gather3A_259 = arith.constant 0 : i32
          %gather3A_260 = arith.constant 0 : i32
          %gather3A_261 = tpu.memref_slice %arg6[%gather3A, %gather3A_259, %gather3A_260] : memref<2x128x128xf32, #tpu.memory_space<vmem>> -> memref<1x128x128xf32, #tpu.memory_space<vmem>>
          %gather3A_262 = tpu.memref_squeeze %gather3A_261 : memref<1x128x128xf32, #tpu.memory_space<vmem>> -> memref<128x128xf32, #tpu.memory_space<vmem>>
          %gather3A_263 = tpu.vector_load_idx %gather3A_262[%add3A_197, %broadcast_in_dim3A_258] : memref<128x128xf32, #tpu.memory_space<vmem>>[vector<16xi32>, vector<16xi32>], vector<16xf32>,
          %mul3A_264 = arith.mulf %gather3A_263, %gather3A_263 : vector<16xf32>
          %add3A_265 = arith.addf %scan3A_250, %mul3A_264 : vector<16xf32>
          %mul3A_266 = arith.constant 4 : i32
          %mul3A_267 = arith.muli %mul3A_266, %scan3A_249 : i32
          %add3A_268 = arith.constant 1 : i32
          %add3A_269 = arith.addi %mul3A_267, %add3A_268 : i32
          %broadcast_in_dim3A_270 = vector.broadcast %add3A_269 : i32 to vector<16xi32>
          %gather3A_271 = arith.constant 1 : i32
          %gather3A_272 = arith.constant 0 : i32
          %gather3A_273 = arith.constant 0 : i32
          %gather3A_274 = tpu.memref_slice %arg6[%gather3A_271, %gather3A_272, %gather3A_273] : memref<2x128x128xf32, #tpu.memory_space<vmem>> -> memref<1x128x128xf32, #tpu.memory_space<vmem>>
          %gather3A_275 = tpu.memref_squeeze %gather3A_274 : memref<1x128x128xf32, #tpu.memory_space<vmem>> -> memref<128x128xf32, #tpu.memory_space<vmem>>
          %gather3A_276 = tpu.vector_load_idx %gather3A_275[%add3A_197, %broadcast_in_dim3A_270] : memref<128x128xf32, #tpu.memory_space<vmem>>[vector<16xi32>, vector<16xi32>], vector<16xf32>,
          %mul3A_277 = arith.mulf %gather3A_276, %gather3A_276 : vector<16xf32>
          %add3A_278 = arith.addf %scan3A_251, %mul3A_277 : vector<16xf32>
          %mul3A_279 = arith.constant 4 : i32
          %mul3A_280 = arith.muli %mul3A_279, %scan3A_249 : i32
          %add3A_281 = arith.constant 2 : i32
          %add3A_282 = arith.addi %mul3A_280, %add3A_281 : i32
          %broadcast_in_dim3A_283 = vector.broadcast %add3A_282 : i32 to vector<16xi32>
          %gather3A_284 = arith.constant 1 : i32
          %gather3A_285 = arith.constant 0 : i32
          %gather3A_286 = arith.constant 0 : i32
          %gather3A_287 = tpu.memref_slice %arg6[%gather3A_284, %gather3A_285, %gather3A_286] : memref<2x128x128xf32, #tpu.memory_space<vmem>> -> memref<1x128x128xf32, #tpu.memory_space<vmem>>
          %gather3A_288 = tpu.memref_squeeze %gather3A_287 : memref<1x128x128xf32, #tpu.memory_space<vmem>> -> memref<128x128xf32, #tpu.memory_space<vmem>>
          %gather3A_289 = tpu.vector_load_idx %gather3A_288[%add3A_197, %broadcast_in_dim3A_283] : memref<128x128xf32, #tpu.memory_space<vmem>>[vector<16xi32>, vector<16xi32>], vector<16xf32>,
          %mul3A_290 = arith.mulf %gather3A_289, %gather3A_289 : vector<16xf32>
          %add3A_291 = arith.addf %scan3A_252, %mul3A_290 : vector<16xf32>
          %mul3A_292 = arith.constant 4 : i32
          %mul3A_293 = arith.muli %mul3A_292, %scan3A_249 : i32
          %add3A_294 = arith.constant 3 : i32
          %add3A_295 = arith.addi %mul3A_293, %add3A_294 : i32
          %broadcast_in_dim3A_296 = vector.broadcast %add3A_295 : i32 to vector<16xi32>
          %gather3A_297 = arith.constant 1 : i32
          %gather3A_298 = arith.constant 0 : i32
          %gather3A_299 = arith.constant 0 : i32
          %gather3A_300 = tpu.memref_slice %arg6[%gather3A_297, %gather3A_298, %gather3A_299] : memref<2x128x128xf32, #tpu.memory_space<vmem>> -> memref<1x128x128xf32, #tpu.memory_space<vmem>>
          %gather3A_301 = tpu.memref_squeeze %gather3A_300 : memref<1x128x128xf32, #tpu.memory_space<vmem>> -> memref<128x128xf32, #tpu.memory_space<vmem>>
          %gather3A_302 = tpu.vector_load_idx %gather3A_301[%add3A_197, %broadcast_in_dim3A_296] : memref<128x128xf32, #tpu.memory_space<vmem>>[vector<16xi32>, vector<16xi32>], vector<16xf32>,
          %mul3A_303 = arith.mulf %gather3A_302, %gather3A_302 : vector<16xf32>
          %add3A_304 = arith.addf %scan3A_253, %mul3A_303 : vector<16xf32>
          scf.yield %add3A_265, %add3A_278, %add3A_291, %add3A_304 : vector<16xf32>, vector<16xf32>, vector<16xf32>, vector<16xf32>
        }
        %scan3A_211 = arith.constant 32 : i32
        %add3A_212 = arith.addf %scan3A_210#0, %scan3A_210#1 : vector<16xf32>
        %add3A_213 = arith.addf %scan3A_210#2, %scan3A_210#3 : vector<16xf32>
        %add3A_214 = arith.addf %add3A_212, %add3A_213 : vector<16xf32>
        %bitcast3A = vector.bitcast %add3A_214 : vector<16xf32> to vector<16xi32>
        %broadcast_in_dim3A_215 = arith.constant 1597463007 : i32
        %broadcast_in_dim3A_216 = vector.broadcast %broadcast_in_dim3A_215 : i32 to vector<16xi32>
        %shift_right_logical3A = arith.constant 1 : i32
        %shift_right_logical3A_217 = vector.broadcast %shift_right_logical3A : i32 to vector<16xi32>
        %shift_right_logical3A_218 = arith.shrui %bitcast3A, %shift_right_logical3A_217 : vector<16xi32>
        %sub3A = arith.subi %broadcast_in_dim3A_216, %shift_right_logical3A_218 : vector<16xi32>
        %bitcast3A_219 = vector.bitcast %sub3A : vector<16xi32> to vector<16xf32>
        %mul3A_220 = arith.constant 5.000000e-01 : f32
        %mul3A_221 = vector.broadcast %mul3A_220 : f32 to vector<16xf32>
        %mul3A_222 = arith.mulf %mul3A_221, %add3A_214 : vector<16xf32>
        %mul3A_223 = arith.mulf %mul3A_222, %bitcast3A_219 : vector<16xf32>
        %mul3A_224 = arith.mulf %mul3A_223, %bitcast3A_219 : vector<16xf32>
        %sub3A_225 = arith.constant 1.500000e+00 : f32
        %sub3A_226 = vector.broadcast %sub3A_225 : f32 to vector<16xf32>
        %sub3A_227 = arith.subf %sub3A_226, %mul3A_224 : vector<16xf32>
        %mul3A_228 = arith.mulf %bitcast3A_219, %sub3A_227 : vector<16xf32>
        %mul3A_229 = arith.mulf %mul3A_222, %mul3A_228 : vector<16xf32>
        %mul3A_230 = arith.mulf %mul3A_229, %mul3A_228 : vector<16xf32>
        %sub3A_231 = arith.constant 1.500000e+00 : f32
        %sub3A_232 = vector.broadcast %sub3A_231 : f32 to vector<16xf32>
        %sub3A_233 = arith.subf %sub3A_232, %mul3A_230 : vector<16xf32>
        %mul3A_234 = arith.mulf %mul3A_228, %sub3A_233 : vector<16xf32>
        %mul3A_235 = arith.mulf %mul3A_222, %mul3A_234 : vector<16xf32>
        %mul3A_236 = arith.mulf %mul3A_235, %mul3A_234 : vector<16xf32>
        %sub3A_237 = arith.constant 1.500000e+00 : f32
        %sub3A_238 = vector.broadcast %sub3A_237 : f32 to vector<16xf32>
        %sub3A_239 = arith.subf %sub3A_238, %mul3A_236 : vector<16xf32>
        %mul3A_240 = arith.mulf %mul3A_234, %sub3A_239 : vector<16xf32>
        %min3A_241 = arith.constant 1.000000e+00 : f32
        %min3A_242 = vector.broadcast %min3A_241 : f32 to vector<16xf32>
        %min3A_243 = arith.minimumf %min3A_242, %mul3A_240 : vector<16xf32>
        %min3A_244 = arith.constant 1.000000e+00 : f32
        %min3A_245 = vector.broadcast %min3A_244 : f32 to vector<16xf32>
        %min3A_246 = arith.minimumf %add3A_214, %min3A_245 : vector<16xf32>
        %add3A_247 = vector.broadcast %min3A_186 : i32 to vector<16xi32>
        %add3A_248 = arith.addi %add3A_247, %add3A_197 : vector<16xi32>
        tpu.vector_store_idx %arg7[%add3A_248, %broadcast_in_dim3A_3], %min3A_246 : memref<3125x16xf32, #tpu.memory_space<vmem>>[vector<16xi32>, vector<16xi32>], vector<16xf32>,
        tpu.vector_store_idx %arg7[%add3A_248, %broadcast_in_dim3A_5], %min3A_243 : memref<3125x16xf32, #tpu.memory_space<vmem>>[vector<16xi32>, vector<16xi32>], vector<16xf32>,
      }
      %scan3A_192 = arith.constant 8 : i32
    }
    %scan3A_25 = arith.constant 12 : i32
    %dma_wait3A = arith.constant 0 : i32
    %dma_wait3A_26 = arith.constant 0 : i32
    %dma_wait3A_27 = arith.constant 0 : i32
    %dma_wait3A_28 = tpu.memref_slice %arg6[%dma_wait3A, %dma_wait3A_26, %dma_wait3A_27] : memref<2x128x128xf32, #tpu.memory_space<vmem>> -> memref<1x128x128xf32, #tpu.memory_space<vmem>>
    %dma_wait3A_29 = tpu.memref_squeeze %dma_wait3A_28 : memref<1x128x128xf32, #tpu.memory_space<vmem>> -> memref<128x128xf32, #tpu.memory_space<vmem>>
    %dma_wait3A_30 = arith.constant 0 : i32
    %dma_wait3A_31 = arith.constant 0 : i32
    %dma_wait3A_32 = tpu.memref_slice %arg2[%dma_wait3A_30, %dma_wait3A_31] : memref<100000x128xf32, #tpu.memory_space<hbm>> -> memref<128x128xf32, #tpu.memory_space<hbm>>
    %dma_wait3A_33 = arith.constant 0 : i32
    %dma_wait3A_34 = arith.constant 0 : i32
    %dma_wait3A_35 = tpu.memref_slice %arg6[%dma_wait3A, %dma_wait3A_33, %dma_wait3A_34] : memref<2x128x128xf32, #tpu.memory_space<vmem>> -> memref<1x128x128xf32, #tpu.memory_space<vmem>>
    %dma_wait3A_36 = tpu.memref_squeeze %dma_wait3A_35 : memref<1x128x128xf32, #tpu.memory_space<vmem>> -> memref<128x128xf32, #tpu.memory_space<vmem>>
    %dma_wait3A_37 = arith.constant 0 : i32
    %dma_wait3A_38 = arith.constant 0 : i32
    %dma_wait3A_39 = tpu.memref_slice %arg2[%dma_wait3A_37, %dma_wait3A_38] : memref<100000x128xf32, #tpu.memory_space<hbm>> -> memref<128x128xf32, #tpu.memory_space<hbm>>
    tpu.wait_dma2 semaphore(%arg8 : memref<!tpu.dma_semaphore, #tpu.memory_space<semaphore_mem>>) src(%dma_wait3A_39 : memref<128x128xf32, #tpu.memory_space<hbm>>) dst(%dma_wait3A_36 : memref<128x128xf32, #tpu.memory_space<vmem>>)
    %min3A_40 = arith.constant 3072 : i32
    %min3A_41 = arith.constant 2997 : i32
    %min3A_42 = arith.minsi %min3A_40, %min3A_41 : i32
    %scan3A_43 = arith.constant 0 : i32
    %scan3A_44 = arith.constant 0 : i32
    %scan3A_45 = arith.constant 8 : i32
    %scan3A_46 = arith.addi %scan3A_44, %scan3A_45 : i32
    %scan3A_47 = arith.constant 1 : i32
    scf.for %scan3A_96 = %scan3A_44 to %scan3A_46 step %scan3A_47  : i32 {
      %mul3A_97 = arith.constant 16 : i32
      %mul3A_98 = arith.muli %mul3A_97, %scan3A_96 : i32
      %add3A_99 = vector.broadcast %mul3A_98 : i32 to vector<16xi32>
      %add3A_100 = arith.addi %add3A_99, %iota3A : vector<16xi32>
      %broadcast_in_dim3A_101 = arith.constant 0.000000e+00 : f32
      %broadcast_in_dim3A_102 = vector.broadcast %broadcast_in_dim3A_101 : f32 to vector<16xf32>
      %broadcast_in_dim3A_103 = arith.constant 0.000000e+00 : f32
      %broadcast_in_dim3A_104 = vector.broadcast %broadcast_in_dim3A_103 : f32 to vector<16xf32>
      %broadcast_in_dim3A_105 = arith.constant 0.000000e+00 : f32
      %broadcast_in_dim3A_106 = vector.broadcast %broadcast_in_dim3A_105 : f32 to vector<16xf32>
      %broadcast_in_dim3A_107 = arith.constant 0.000000e+00 : f32
      %broadcast_in_dim3A_108 = vector.broadcast %broadcast_in_dim3A_107 : f32 to vector<16xf32>
      %scan3A_109 = arith.constant 0 : i32
      %scan3A_110 = arith.constant 32 : i32
      %scan3A_111 = arith.addi %scan3A_109, %scan3A_110 : i32
      %scan3A_112 = arith.constant 1 : i32
      %scan3A_113:4 = scf.for %scan3A_152 = %scan3A_109 to %scan3A_111 step %scan3A_112 iter_args(%scan3A_153 = %broadcast_in_dim3A_102, %scan3A_154 = %broadcast_in_dim3A_104, %scan3A_155 = %broadcast_in_dim3A_106, %scan3A_156 = %broadcast_in_dim3A_108) -> (vector<16xf32>, vector<16xf32>, vector<16xf32>, vector<16xf32>)  : i32 {
        %mul3A_157 = arith.constant 4 : i32
        %mul3A_158 = arith.muli %mul3A_157, %scan3A_152 : i32
        %add3A_159 = arith.constant 0 : i32
        %add3A_160 = arith.addi %mul3A_158, %add3A_159 : i32
        %broadcast_in_dim3A_161 = vector.broadcast %add3A_160 : i32 to vector<16xi32>
        %gather3A = arith.constant 0 : i32
        %gather3A_162 = arith.constant 0 : i32
        %gather3A_163 = arith.constant 0 : i32
        %gather3A_164 = tpu.memref_slice %arg6[%gather3A, %gather3A_162, %gather3A_163] : memref<2x128x128xf32, #tpu.memory_space<vmem>> -> memref<1x128x128xf32, #tpu.memory_space<vmem>>
        %gather3A_165 = tpu.memref_squeeze %gather3A_164 : memref<1x128x128xf32, #tpu.memory_space<vmem>> -> memref<128x128xf32, #tpu.memory_space<vmem>>
        %gather3A_166 = tpu.vector_load_idx %gather3A_165[%add3A_100, %broadcast_in_dim3A_161] : memref<128x128xf32, #tpu.memory_space<vmem>>[vector<16xi32>, vector<16xi32>], vector<16xf32>,
        %mul3A_167 = arith.mulf %gather3A_166, %gather3A_166 : vector<16xf32>
        %add3A_168 = arith.addf %scan3A_153, %mul3A_167 : vector<16xf32>
        %mul3A_169 = arith.constant 4 : i32
        %mul3A_170 = arith.muli %mul3A_169, %scan3A_152 : i32
        %add3A_171 = arith.constant 1 : i32
        %add3A_172 = arith.addi %mul3A_170, %add3A_171 : i32
        %broadcast_in_dim3A_173 = vector.broadcast %add3A_172 : i32 to vector<16xi32>
        %gather3A_174 = arith.constant 0 : i32
        %gather3A_175 = arith.constant 0 : i32
        %gather3A_176 = arith.constant 0 : i32
        %gather3A_177 = tpu.memref_slice %arg6[%gather3A_174, %gather3A_175, %gather3A_176] : memref<2x128x128xf32, #tpu.memory_space<vmem>> -> memref<1x128x128xf32, #tpu.memory_space<vmem>>
        %gather3A_178 = tpu.memref_squeeze %gather3A_177 : memref<1x128x128xf32, #tpu.memory_space<vmem>> -> memref<128x128xf32, #tpu.memory_space<vmem>>
        %gather3A_179 = tpu.vector_load_idx %gather3A_178[%add3A_100, %broadcast_in_dim3A_173] : memref<128x128xf32, #tpu.memory_space<vmem>>[vector<16xi32>, vector<16xi32>], vector<16xf32>,
        %mul3A_180 = arith.mulf %gather3A_179, %gather3A_179 : vector<16xf32>
        %add3A_181 = arith.addf %scan3A_154, %mul3A_180 : vector<16xf32>
        %mul3A_182 = arith.constant 4 : i32
        %mul3A_183 = arith.muli %mul3A_182, %scan3A_152 : i32
        %add3A_184 = arith.constant 2 : i32
        %add3A_185 = arith.addi %mul3A_183, %add3A_184 : i32
        %broadcast_in_dim3A_186 = vector.broadcast %add3A_185 : i32 to vector<16xi32>
        %gather3A_187 = arith.constant 0 : i32
        %gather3A_188 = arith.constant 0 : i32
        %gather3A_189 = arith.constant 0 : i32
        %gather3A_190 = tpu.memref_slice %arg6[%gather3A_187, %gather3A_188, %gather3A_189] : memref<2x128x128xf32, #tpu.memory_space<vmem>> -> memref<1x128x128xf32, #tpu.memory_space<vmem>>
        %gather3A_191 = tpu.memref_squeeze %gather3A_190 : memref<1x128x128xf32, #tpu.memory_space<vmem>> -> memref<128x128xf32, #tpu.memory_space<vmem>>
        %gather3A_192 = tpu.vector_load_idx %gather3A_191[%add3A_100, %broadcast_in_dim3A_186] : memref<128x128xf32, #tpu.memory_space<vmem>>[vector<16xi32>, vector<16xi32>], vector<16xf32>,
        %mul3A_193 = arith.mulf %gather3A_192, %gather3A_192 : vector<16xf32>
        %add3A_194 = arith.addf %scan3A_155, %mul3A_193 : vector<16xf32>
        %mul3A_195 = arith.constant 4 : i32
        %mul3A_196 = arith.muli %mul3A_195, %scan3A_152 : i32
        %add3A_197 = arith.constant 3 : i32
        %add3A_198 = arith.addi %mul3A_196, %add3A_197 : i32
        %broadcast_in_dim3A_199 = vector.broadcast %add3A_198 : i32 to vector<16xi32>
        %gather3A_200 = arith.constant 0 : i32
        %gather3A_201 = arith.constant 0 : i32
        %gather3A_202 = arith.constant 0 : i32
        %gather3A_203 = tpu.memref_slice %arg6[%gather3A_200, %gather3A_201, %gather3A_202] : memref<2x128x128xf32, #tpu.memory_space<vmem>> -> memref<1x128x128xf32, #tpu.memory_space<vmem>>
        %gather3A_204 = tpu.memref_squeeze %gather3A_203 : memref<1x128x128xf32, #tpu.memory_space<vmem>> -> memref<128x128xf32, #tpu.memory_space<vmem>>
        %gather3A_205 = tpu.vector_load_idx %gather3A_204[%add3A_100, %broadcast_in_dim3A_199] : memref<128x128xf32, #tpu.memory_space<vmem>>[vector<16xi32>, vector<16xi32>], vector<16xf32>,
        %mul3A_206 = arith.mulf %gather3A_205, %gather3A_205 : vector<16xf32>
        %add3A_207 = arith.addf %scan3A_156, %mul3A_206 : vector<16xf32>
        scf.yield %add3A_168, %add3A_181, %add3A_194, %add3A_207 : vector<16xf32>, vector<16xf32>, vector<16xf32>, vector<16xf32>
      }
      %scan3A_114 = arith.constant 32 : i32
      %add3A_115 = arith.addf %scan3A_113#0, %scan3A_113#1 : vector<16xf32>
      %add3A_116 = arith.addf %scan3A_113#2, %scan3A_113#3 : vector<16xf32>
      %add3A_117 = arith.addf %add3A_115, %add3A_116 : vector<16xf32>
      %bitcast3A = vector.bitcast %add3A_117 : vector<16xf32> to vector<16xi32>
      %broadcast_in_dim3A_118 = arith.constant 1597463007 : i32
      %broadcast_in_dim3A_119 = vector.broadcast %broadcast_in_dim3A_118 : i32 to vector<16xi32>
      %shift_right_logical3A = arith.constant 1 : i32
      %shift_right_logical3A_120 = vector.broadcast %shift_right_logical3A : i32 to vector<16xi32>
      %shift_right_logical3A_121 = arith.shrui %bitcast3A, %shift_right_logical3A_120 : vector<16xi32>
      %sub3A = arith.subi %broadcast_in_dim3A_119, %shift_right_logical3A_121 : vector<16xi32>
      %bitcast3A_122 = vector.bitcast %sub3A : vector<16xi32> to vector<16xf32>
      %mul3A_123 = arith.constant 5.000000e-01 : f32
      %mul3A_124 = vector.broadcast %mul3A_123 : f32 to vector<16xf32>
      %mul3A_125 = arith.mulf %mul3A_124, %add3A_117 : vector<16xf32>
      %mul3A_126 = arith.mulf %mul3A_125, %bitcast3A_122 : vector<16xf32>
      %mul3A_127 = arith.mulf %mul3A_126, %bitcast3A_122 : vector<16xf32>
      %sub3A_128 = arith.constant 1.500000e+00 : f32
      %sub3A_129 = vector.broadcast %sub3A_128 : f32 to vector<16xf32>
      %sub3A_130 = arith.subf %sub3A_129, %mul3A_127 : vector<16xf32>
      %mul3A_131 = arith.mulf %bitcast3A_122, %sub3A_130 : vector<16xf32>
      %mul3A_132 = arith.mulf %mul3A_125, %mul3A_131 : vector<16xf32>
      %mul3A_133 = arith.mulf %mul3A_132, %mul3A_131 : vector<16xf32>
      %sub3A_134 = arith.constant 1.500000e+00 : f32
      %sub3A_135 = vector.broadcast %sub3A_134 : f32 to vector<16xf32>
      %sub3A_136 = arith.subf %sub3A_135, %mul3A_133 : vector<16xf32>
      %mul3A_137 = arith.mulf %mul3A_131, %sub3A_136 : vector<16xf32>
      %mul3A_138 = arith.mulf %mul3A_125, %mul3A_137 : vector<16xf32>
      %mul3A_139 = arith.mulf %mul3A_138, %mul3A_137 : vector<16xf32>
      %sub3A_140 = arith.constant 1.500000e+00 : f32
      %sub3A_141 = vector.broadcast %sub3A_140 : f32 to vector<16xf32>
      %sub3A_142 = arith.subf %sub3A_141, %mul3A_139 : vector<16xf32>
      %mul3A_143 = arith.mulf %mul3A_137, %sub3A_142 : vector<16xf32>
      %min3A_144 = arith.constant 1.000000e+00 : f32
      %min3A_145 = vector.broadcast %min3A_144 : f32 to vector<16xf32>
      %min3A_146 = arith.minimumf %min3A_145, %mul3A_143 : vector<16xf32>
      %min3A_147 = arith.constant 1.000000e+00 : f32
      %min3A_148 = vector.broadcast %min3A_147 : f32 to vector<16xf32>
      %min3A_149 = arith.minimumf %add3A_117, %min3A_148 : vector<16xf32>
      %add3A_150 = vector.broadcast %min3A_42 : i32 to vector<16xi32>
      %add3A_151 = arith.addi %add3A_150, %add3A_100 : vector<16xi32>
      tpu.vector_store_idx %arg7[%add3A_151, %broadcast_in_dim3A_3], %min3A_149 : memref<3125x16xf32, #tpu.memory_space<vmem>>[vector<16xi32>, vector<16xi32>], vector<16xf32>,
      tpu.vector_store_idx %arg7[%add3A_151, %broadcast_in_dim3A_5], %min3A_146 : memref<3125x16xf32, #tpu.memory_space<vmem>>[vector<16xi32>, vector<16xi32>], vector<16xf32>,
    }
    %scan3A_48 = arith.constant 8 : i32
    "tpu.region"() ({
      %run_scoped3A = tpu.sem_alloc : memref<!tpu.dma_semaphore, #tpu.memory_space<semaphore_mem>>
      %dma_start3A_96 = arith.constant 0 : i32
      %dma_start3A_97 = tpu.memref_slice %arg4[%mul3A_2, %dma_start3A_96] : memref<100000x16xf32, #tpu.memory_space<hbm>> -> memref<3125x16xf32, #tpu.memory_space<hbm>>
      %dma_start3A_98 = arith.constant 0 : i32
      %dma_start3A_99 = tpu.memref_slice %arg4[%mul3A_2, %dma_start3A_98] : memref<100000x16xf32, #tpu.memory_space<hbm>> -> memref<3125x16xf32, #tpu.memory_space<hbm>>
      tpu.enqueue_dma source(%arg7 : memref<3125x16xf32, #tpu.memory_space<vmem>>) target(%dma_start3A_99 : memref<3125x16xf32, #tpu.memory_space<hbm>>) target_semaphore(%run_scoped3A : memref<!tpu.dma_semaphore, #tpu.memory_space<semaphore_mem>>)
      %dma_wait3A_100 = arith.constant 0 : i32
      %dma_wait3A_101 = tpu.memref_slice %arg4[%mul3A_2, %dma_wait3A_100] : memref<100000x16xf32, #tpu.memory_space<hbm>> -> memref<3125x16xf32, #tpu.memory_space<hbm>>
      %dma_wait3A_102 = arith.constant 0 : i32
      %dma_wait3A_103 = tpu.memref_slice %arg4[%mul3A_2, %dma_wait3A_102] : memref<100000x16xf32, #tpu.memory_space<hbm>> -> memref<3125x16xf32, #tpu.memory_space<hbm>>
      tpu.wait_dma2 semaphore(%run_scoped3A : memref<!tpu.dma_semaphore, #tpu.memory_space<semaphore_mem>>) src(%arg7 : memref<3125x16xf32, #tpu.memory_space<vmem>>) dst(%dma_wait3A_103 : memref<3125x16xf32, #tpu.memory_space<hbm>>)
      tpu.yield
    }) : () -> ()
    %min3A_49 = arith.constant 0 : i32
    %min3A_50 = arith.constant 2997 : i32
    %min3A_51 = arith.minsi %min3A_49, %min3A_50 : i32
    %add3A_52 = arith.addi %mul3A_2, %min3A_51 : i32
    %dma_start3A_53 = arith.constant 0 : i32
    %dma_start3A_54 = arith.constant 0 : i32
    %dma_start3A_55 = arith.constant 0 : i32
    %dma_start3A_56 = tpu.memref_slice %arg6[%dma_start3A_53, %dma_start3A_54, %dma_start3A_55] : memref<2x128x128xf32, #tpu.memory_space<vmem>> -> memref<1x128x128xf32, #tpu.memory_space<vmem>>
    %dma_start3A_57 = tpu.memref_squeeze %dma_start3A_56 : memref<1x128x128xf32, #tpu.memory_space<vmem>> -> memref<128x128xf32, #tpu.memory_space<vmem>>
    %dma_start3A_58 = arith.constant 0 : i32
    %dma_start3A_59 = tpu.memref_slice %arg3[%add3A_52, %dma_start3A_58] : memref<100000x128xf32, #tpu.memory_space<hbm>> -> memref<128x128xf32, #tpu.memory_space<hbm>>
    %dma_start3A_60 = arith.constant 0 : i32
    %dma_start3A_61 = arith.constant 0 : i32
    %dma_start3A_62 = tpu.memref_slice %arg6[%dma_start3A_53, %dma_start3A_60, %dma_start3A_61] : memref<2x128x128xf32, #tpu.memory_space<vmem>> -> memref<1x128x128xf32, #tpu.memory_space<vmem>>
    %dma_start3A_63 = tpu.memref_squeeze %dma_start3A_62 : memref<1x128x128xf32, #tpu.memory_space<vmem>> -> memref<128x128xf32, #tpu.memory_space<vmem>>
    %dma_start3A_64 = arith.constant 0 : i32
    %dma_start3A_65 = tpu.memref_slice %arg3[%add3A_52, %dma_start3A_64] : memref<100000x128xf32, #tpu.memory_space<hbm>> -> memref<128x128xf32, #tpu.memory_space<hbm>>
    tpu.enqueue_dma source(%dma_start3A_65 : memref<128x128xf32, #tpu.memory_space<hbm>>) target(%dma_start3A_63 : memref<128x128xf32, #tpu.memory_space<vmem>>) target_semaphore(%arg8 : memref<!tpu.dma_semaphore, #tpu.memory_space<semaphore_mem>>)
    %scan3A_66 = arith.constant 0 : i32
    %scan3A_67 = arith.constant 0 : i32
    %scan3A_68 = arith.constant 12 : i32
    %scan3A_69 = arith.addi %scan3A_67, %scan3A_68 : i32
    %scan3A_70 = arith.constant 1 : i32
    scf.for %scan3A_96 = %scan3A_67 to %scan3A_69 step %scan3A_70  : i32 {
      %mul3A_97 = arith.constant 2 : i32
      %mul3A_98 = arith.muli %mul3A_97, %scan3A_96 : i32
      %add3A_99 = arith.constant 1 : i32
      %add3A_100 = arith.addi %mul3A_98, %add3A_99 : i32
      %mul3A_101 = arith.constant 128 : i32
      %mul3A_102 = arith.muli %add3A_100, %mul3A_101 : i32
      %min3A_103 = arith.constant 2997 : i32
      %min3A_104 = arith.minsi %mul3A_102, %min3A_103 : i32
      %add3A_105 = arith.addi %mul3A_2, %min3A_104 : i32
      %dma_start3A_106 = arith.constant 1 : i32
      %dma_start3A_107 = arith.constant 0 : i32
      %dma_start3A_108 = arith.constant 0 : i32
      %dma_start3A_109 = tpu.memref_slice %arg6[%dma_start3A_106, %dma_start3A_107, %dma_start3A_108] : memref<2x128x128xf32, #tpu.memory_space<vmem>> -> memref<1x128x128xf32, #tpu.memory_space<vmem>>
      %dma_start3A_110 = tpu.memref_squeeze %dma_start3A_109 : memref<1x128x128xf32, #tpu.memory_space<vmem>> -> memref<128x128xf32, #tpu.memory_space<vmem>>
      %dma_start3A_111 = arith.constant 0 : i32
      %dma_start3A_112 = tpu.memref_slice %arg3[%add3A_105, %dma_start3A_111] : memref<100000x128xf32, #tpu.memory_space<hbm>> -> memref<128x128xf32, #tpu.memory_space<hbm>>
      %dma_start3A_113 = arith.constant 0 : i32
      %dma_start3A_114 = arith.constant 0 : i32
      %dma_start3A_115 = tpu.memref_slice %arg6[%dma_start3A_106, %dma_start3A_113, %dma_start3A_114] : memref<2x128x128xf32, #tpu.memory_space<vmem>> -> memref<1x128x128xf32, #tpu.memory_space<vmem>>
      %dma_start3A_116 = tpu.memref_squeeze %dma_start3A_115 : memref<1x128x128xf32, #tpu.memory_space<vmem>> -> memref<128x128xf32, #tpu.memory_space<vmem>>
      %dma_start3A_117 = arith.constant 0 : i32
      %dma_start3A_118 = tpu.memref_slice %arg3[%add3A_105, %dma_start3A_117] : memref<100000x128xf32, #tpu.memory_space<hbm>> -> memref<128x128xf32, #tpu.memory_space<hbm>>
      tpu.enqueue_dma source(%dma_start3A_118 : memref<128x128xf32, #tpu.memory_space<hbm>>) target(%dma_start3A_116 : memref<128x128xf32, #tpu.memory_space<vmem>>) target_semaphore(%arg9 : memref<!tpu.dma_semaphore, #tpu.memory_space<semaphore_mem>>)
      %dma_wait3A_119 = arith.constant 0 : i32
      %dma_wait3A_120 = arith.constant 0 : i32
      %dma_wait3A_121 = arith.constant 0 : i32
      %dma_wait3A_122 = tpu.memref_slice %arg6[%dma_wait3A_119, %dma_wait3A_120, %dma_wait3A_121] : memref<2x128x128xf32, #tpu.memory_space<vmem>> -> memref<1x128x128xf32, #tpu.memory_space<vmem>>
      %dma_wait3A_123 = tpu.memref_squeeze %dma_wait3A_122 : memref<1x128x128xf32, #tpu.memory_space<vmem>> -> memref<128x128xf32, #tpu.memory_space<vmem>>
      %dma_wait3A_124 = arith.constant 0 : i32
      %dma_wait3A_125 = arith.constant 0 : i32
      %dma_wait3A_126 = tpu.memref_slice %arg3[%dma_wait3A_124, %dma_wait3A_125] : memref<100000x128xf32, #tpu.memory_space<hbm>> -> memref<128x128xf32, #tpu.memory_space<hbm>>
      %dma_wait3A_127 = arith.constant 0 : i32
      %dma_wait3A_128 = arith.constant 0 : i32
      %dma_wait3A_129 = tpu.memref_slice %arg6[%dma_wait3A_119, %dma_wait3A_127, %dma_wait3A_128] : memref<2x128x128xf32, #tpu.memory_space<vmem>> -> memref<1x128x128xf32, #tpu.memory_space<vmem>>
      %dma_wait3A_130 = tpu.memref_squeeze %dma_wait3A_129 : memref<1x128x128xf32, #tpu.memory_space<vmem>> -> memref<128x128xf32, #tpu.memory_space<vmem>>
      %dma_wait3A_131 = arith.constant 0 : i32
      %dma_wait3A_132 = arith.constant 0 : i32
      %dma_wait3A_133 = tpu.memref_slice %arg3[%dma_wait3A_131, %dma_wait3A_132] : memref<100000x128xf32, #tpu.memory_space<hbm>> -> memref<128x128xf32, #tpu.memory_space<hbm>>
      tpu.wait_dma2 semaphore(%arg8 : memref<!tpu.dma_semaphore, #tpu.memory_space<semaphore_mem>>) src(%dma_wait3A_133 : memref<128x128xf32, #tpu.memory_space<hbm>>) dst(%dma_wait3A_130 : memref<128x128xf32, #tpu.memory_space<vmem>>)
      %mul3A_134 = arith.constant 128 : i32
      %mul3A_135 = arith.muli %mul3A_98, %mul3A_134 : i32
      %min3A_136 = arith.constant 2997 : i32
      %min3A_137 = arith.minsi %mul3A_135, %min3A_136 : i32
      %scan3A_138 = arith.constant 0 : i32
      %scan3A_139 = arith.constant 0 : i32
      %scan3A_140 = arith.constant 8 : i32
      %scan3A_141 = arith.addi %scan3A_139, %scan3A_140 : i32
      %scan3A_142 = arith.constant 1 : i32
      scf.for %scan3A_193 = %scan3A_139 to %scan3A_141 step %scan3A_142  : i32 {
        %mul3A_194 = arith.constant 16 : i32
        %mul3A_195 = arith.muli %mul3A_194, %scan3A_193 : i32
        %add3A_196 = vector.broadcast %mul3A_195 : i32 to vector<16xi32>
        %add3A_197 = arith.addi %add3A_196, %iota3A : vector<16xi32>
        %broadcast_in_dim3A_198 = arith.constant 0.000000e+00 : f32
        %broadcast_in_dim3A_199 = vector.broadcast %broadcast_in_dim3A_198 : f32 to vector<16xf32>
        %broadcast_in_dim3A_200 = arith.constant 0.000000e+00 : f32
        %broadcast_in_dim3A_201 = vector.broadcast %broadcast_in_dim3A_200 : f32 to vector<16xf32>
        %broadcast_in_dim3A_202 = arith.constant 0.000000e+00 : f32
        %broadcast_in_dim3A_203 = vector.broadcast %broadcast_in_dim3A_202 : f32 to vector<16xf32>
        %broadcast_in_dim3A_204 = arith.constant 0.000000e+00 : f32
        %broadcast_in_dim3A_205 = vector.broadcast %broadcast_in_dim3A_204 : f32 to vector<16xf32>
        %scan3A_206 = arith.constant 0 : i32
        %scan3A_207 = arith.constant 32 : i32
        %scan3A_208 = arith.addi %scan3A_206, %scan3A_207 : i32
        %scan3A_209 = arith.constant 1 : i32
        %scan3A_210:4 = scf.for %scan3A_249 = %scan3A_206 to %scan3A_208 step %scan3A_209 iter_args(%scan3A_250 = %broadcast_in_dim3A_199, %scan3A_251 = %broadcast_in_dim3A_201, %scan3A_252 = %broadcast_in_dim3A_203, %scan3A_253 = %broadcast_in_dim3A_205) -> (vector<16xf32>, vector<16xf32>, vector<16xf32>, vector<16xf32>)  : i32 {
          %mul3A_254 = arith.constant 4 : i32
          %mul3A_255 = arith.muli %mul3A_254, %scan3A_249 : i32
          %add3A_256 = arith.constant 0 : i32
          %add3A_257 = arith.addi %mul3A_255, %add3A_256 : i32
          %broadcast_in_dim3A_258 = vector.broadcast %add3A_257 : i32 to vector<16xi32>
          %gather3A = arith.constant 0 : i32
          %gather3A_259 = arith.constant 0 : i32
          %gather3A_260 = arith.constant 0 : i32
          %gather3A_261 = tpu.memref_slice %arg6[%gather3A, %gather3A_259, %gather3A_260] : memref<2x128x128xf32, #tpu.memory_space<vmem>> -> memref<1x128x128xf32, #tpu.memory_space<vmem>>
          %gather3A_262 = tpu.memref_squeeze %gather3A_261 : memref<1x128x128xf32, #tpu.memory_space<vmem>> -> memref<128x128xf32, #tpu.memory_space<vmem>>
          %gather3A_263 = tpu.vector_load_idx %gather3A_262[%add3A_197, %broadcast_in_dim3A_258] : memref<128x128xf32, #tpu.memory_space<vmem>>[vector<16xi32>, vector<16xi32>], vector<16xf32>,
          %mul3A_264 = arith.mulf %gather3A_263, %gather3A_263 : vector<16xf32>
          %add3A_265 = arith.addf %scan3A_250, %mul3A_264 : vector<16xf32>
          %mul3A_266 = arith.constant 4 : i32
          %mul3A_267 = arith.muli %mul3A_266, %scan3A_249 : i32
          %add3A_268 = arith.constant 1 : i32
          %add3A_269 = arith.addi %mul3A_267, %add3A_268 : i32
          %broadcast_in_dim3A_270 = vector.broadcast %add3A_269 : i32 to vector<16xi32>
          %gather3A_271 = arith.constant 0 : i32
          %gather3A_272 = arith.constant 0 : i32
          %gather3A_273 = arith.constant 0 : i32
          %gather3A_274 = tpu.memref_slice %arg6[%gather3A_271, %gather3A_272, %gather3A_273] : memref<2x128x128xf32, #tpu.memory_space<vmem>> -> memref<1x128x128xf32, #tpu.memory_space<vmem>>
          %gather3A_275 = tpu.memref_squeeze %gather3A_274 : memref<1x128x128xf32, #tpu.memory_space<vmem>> -> memref<128x128xf32, #tpu.memory_space<vmem>>
          %gather3A_276 = tpu.vector_load_idx %gather3A_275[%add3A_197, %broadcast_in_dim3A_270] : memref<128x128xf32, #tpu.memory_space<vmem>>[vector<16xi32>, vector<16xi32>], vector<16xf32>,
          %mul3A_277 = arith.mulf %gather3A_276, %gather3A_276 : vector<16xf32>
          %add3A_278 = arith.addf %scan3A_251, %mul3A_277 : vector<16xf32>
          %mul3A_279 = arith.constant 4 : i32
          %mul3A_280 = arith.muli %mul3A_279, %scan3A_249 : i32
          %add3A_281 = arith.constant 2 : i32
          %add3A_282 = arith.addi %mul3A_280, %add3A_281 : i32
          %broadcast_in_dim3A_283 = vector.broadcast %add3A_282 : i32 to vector<16xi32>
          %gather3A_284 = arith.constant 0 : i32
          %gather3A_285 = arith.constant 0 : i32
          %gather3A_286 = arith.constant 0 : i32
          %gather3A_287 = tpu.memref_slice %arg6[%gather3A_284, %gather3A_285, %gather3A_286] : memref<2x128x128xf32, #tpu.memory_space<vmem>> -> memref<1x128x128xf32, #tpu.memory_space<vmem>>
          %gather3A_288 = tpu.memref_squeeze %gather3A_287 : memref<1x128x128xf32, #tpu.memory_space<vmem>> -> memref<128x128xf32, #tpu.memory_space<vmem>>
          %gather3A_289 = tpu.vector_load_idx %gather3A_288[%add3A_197, %broadcast_in_dim3A_283] : memref<128x128xf32, #tpu.memory_space<vmem>>[vector<16xi32>, vector<16xi32>], vector<16xf32>,
          %mul3A_290 = arith.mulf %gather3A_289, %gather3A_289 : vector<16xf32>
          %add3A_291 = arith.addf %scan3A_252, %mul3A_290 : vector<16xf32>
          %mul3A_292 = arith.constant 4 : i32
          %mul3A_293 = arith.muli %mul3A_292, %scan3A_249 : i32
          %add3A_294 = arith.constant 3 : i32
          %add3A_295 = arith.addi %mul3A_293, %add3A_294 : i32
          %broadcast_in_dim3A_296 = vector.broadcast %add3A_295 : i32 to vector<16xi32>
          %gather3A_297 = arith.constant 0 : i32
          %gather3A_298 = arith.constant 0 : i32
          %gather3A_299 = arith.constant 0 : i32
          %gather3A_300 = tpu.memref_slice %arg6[%gather3A_297, %gather3A_298, %gather3A_299] : memref<2x128x128xf32, #tpu.memory_space<vmem>> -> memref<1x128x128xf32, #tpu.memory_space<vmem>>
          %gather3A_301 = tpu.memref_squeeze %gather3A_300 : memref<1x128x128xf32, #tpu.memory_space<vmem>> -> memref<128x128xf32, #tpu.memory_space<vmem>>
          %gather3A_302 = tpu.vector_load_idx %gather3A_301[%add3A_197, %broadcast_in_dim3A_296] : memref<128x128xf32, #tpu.memory_space<vmem>>[vector<16xi32>, vector<16xi32>], vector<16xf32>,
          %mul3A_303 = arith.mulf %gather3A_302, %gather3A_302 : vector<16xf32>
          %add3A_304 = arith.addf %scan3A_253, %mul3A_303 : vector<16xf32>
          scf.yield %add3A_265, %add3A_278, %add3A_291, %add3A_304 : vector<16xf32>, vector<16xf32>, vector<16xf32>, vector<16xf32>
        }
        %scan3A_211 = arith.constant 32 : i32
        %add3A_212 = arith.addf %scan3A_210#0, %scan3A_210#1 : vector<16xf32>
        %add3A_213 = arith.addf %scan3A_210#2, %scan3A_210#3 : vector<16xf32>
        %add3A_214 = arith.addf %add3A_212, %add3A_213 : vector<16xf32>
        %bitcast3A = vector.bitcast %add3A_214 : vector<16xf32> to vector<16xi32>
        %broadcast_in_dim3A_215 = arith.constant 1597463007 : i32
        %broadcast_in_dim3A_216 = vector.broadcast %broadcast_in_dim3A_215 : i32 to vector<16xi32>
        %shift_right_logical3A = arith.constant 1 : i32
        %shift_right_logical3A_217 = vector.broadcast %shift_right_logical3A : i32 to vector<16xi32>
        %shift_right_logical3A_218 = arith.shrui %bitcast3A, %shift_right_logical3A_217 : vector<16xi32>
        %sub3A = arith.subi %broadcast_in_dim3A_216, %shift_right_logical3A_218 : vector<16xi32>
        %bitcast3A_219 = vector.bitcast %sub3A : vector<16xi32> to vector<16xf32>
        %mul3A_220 = arith.constant 5.000000e-01 : f32
        %mul3A_221 = vector.broadcast %mul3A_220 : f32 to vector<16xf32>
        %mul3A_222 = arith.mulf %mul3A_221, %add3A_214 : vector<16xf32>
        %mul3A_223 = arith.mulf %mul3A_222, %bitcast3A_219 : vector<16xf32>
        %mul3A_224 = arith.mulf %mul3A_223, %bitcast3A_219 : vector<16xf32>
        %sub3A_225 = arith.constant 1.500000e+00 : f32
        %sub3A_226 = vector.broadcast %sub3A_225 : f32 to vector<16xf32>
        %sub3A_227 = arith.subf %sub3A_226, %mul3A_224 : vector<16xf32>
        %mul3A_228 = arith.mulf %bitcast3A_219, %sub3A_227 : vector<16xf32>
        %mul3A_229 = arith.mulf %mul3A_222, %mul3A_228 : vector<16xf32>
        %mul3A_230 = arith.mulf %mul3A_229, %mul3A_228 : vector<16xf32>
        %sub3A_231 = arith.constant 1.500000e+00 : f32
        %sub3A_232 = vector.broadcast %sub3A_231 : f32 to vector<16xf32>
        %sub3A_233 = arith.subf %sub3A_232, %mul3A_230 : vector<16xf32>
        %mul3A_234 = arith.mulf %mul3A_228, %sub3A_233 : vector<16xf32>
        %mul3A_235 = arith.mulf %mul3A_222, %mul3A_234 : vector<16xf32>
        %mul3A_236 = arith.mulf %mul3A_235, %mul3A_234 : vector<16xf32>
        %sub3A_237 = arith.constant 1.500000e+00 : f32
        %sub3A_238 = vector.broadcast %sub3A_237 : f32 to vector<16xf32>
        %sub3A_239 = arith.subf %sub3A_238, %mul3A_236 : vector<16xf32>
        %mul3A_240 = arith.mulf %mul3A_234, %sub3A_239 : vector<16xf32>
        %min3A_241 = arith.constant 1.000000e+00 : f32
        %min3A_242 = vector.broadcast %min3A_241 : f32 to vector<16xf32>
        %min3A_243 = arith.minimumf %min3A_242, %mul3A_240 : vector<16xf32>
        %min3A_244 = arith.constant 1.000000e+00 : f32
        %min3A_245 = vector.broadcast %min3A_244 : f32 to vector<16xf32>
        %min3A_246 = arith.minimumf %add3A_214, %min3A_245 : vector<16xf32>
        %add3A_247 = vector.broadcast %min3A_137 : i32 to vector<16xi32>
        %add3A_248 = arith.addi %add3A_247, %add3A_197 : vector<16xi32>
        tpu.vector_store_idx %arg7[%add3A_248, %broadcast_in_dim3A_3], %min3A_246 : memref<3125x16xf32, #tpu.memory_space<vmem>>[vector<16xi32>, vector<16xi32>], vector<16xf32>,
        tpu.vector_store_idx %arg7[%add3A_248, %broadcast_in_dim3A_5], %min3A_243 : memref<3125x16xf32, #tpu.memory_space<vmem>>[vector<16xi32>, vector<16xi32>], vector<16xf32>,
      }
      %scan3A_143 = arith.constant 8 : i32
      %add3A_144 = arith.constant 2 : i32
      %add3A_145 = arith.addi %mul3A_98, %add3A_144 : i32
      %min3A_146 = arith.constant 24 : i32
      %min3A_147 = arith.minsi %add3A_145, %min3A_146 : i32
      %mul3A_148 = arith.constant 128 : i32
      %mul3A_149 = arith.muli %min3A_147, %mul3A_148 : i32
      %min3A_150 = arith.constant 2997 : i32
      %min3A_151 = arith.minsi %mul3A_149, %min3A_150 : i32
      %add3A_152 = arith.addi %mul3A_2, %min3A_151 : i32
      %dma_start3A_153 = arith.constant 0 : i32
      %dma_start3A_154 = arith.constant 0 : i32
      %dma_start3A_155 = arith.constant 0 : i32
      %dma_start3A_156 = tpu.memref_slice %arg6[%dma_start3A_153, %dma_start3A_154, %dma_start3A_155] : memref<2x128x128xf32, #tpu.memory_space<vmem>> -> memref<1x128x128xf32, #tpu.memory_space<vmem>>
      %dma_start3A_157 = tpu.memref_squeeze %dma_start3A_156 : memref<1x128x128xf32, #tpu.memory_space<vmem>> -> memref<128x128xf32, #tpu.memory_space<vmem>>
      %dma_start3A_158 = arith.constant 0 : i32
      %dma_start3A_159 = tpu.memref_slice %arg3[%add3A_152, %dma_start3A_158] : memref<100000x128xf32, #tpu.memory_space<hbm>> -> memref<128x128xf32, #tpu.memory_space<hbm>>
      %dma_start3A_160 = arith.constant 0 : i32
      %dma_start3A_161 = arith.constant 0 : i32
      %dma_start3A_162 = tpu.memref_slice %arg6[%dma_start3A_153, %dma_start3A_160, %dma_start3A_161] : memref<2x128x128xf32, #tpu.memory_space<vmem>> -> memref<1x128x128xf32, #tpu.memory_space<vmem>>
      %dma_start3A_163 = tpu.memref_squeeze %dma_start3A_162 : memref<1x128x128xf32, #tpu.memory_space<vmem>> -> memref<128x128xf32, #tpu.memory_space<vmem>>
      %dma_start3A_164 = arith.constant 0 : i32
      %dma_start3A_165 = tpu.memref_slice %arg3[%add3A_152, %dma_start3A_164] : memref<100000x128xf32, #tpu.memory_space<hbm>> -> memref<128x128xf32, #tpu.memory_space<hbm>>
      tpu.enqueue_dma source(%dma_start3A_165 : memref<128x128xf32, #tpu.memory_space<hbm>>) target(%dma_start3A_163 : memref<128x128xf32, #tpu.memory_space<vmem>>) target_semaphore(%arg8 : memref<!tpu.dma_semaphore, #tpu.memory_space<semaphore_mem>>)
      %dma_wait3A_166 = arith.constant 1 : i32
      %dma_wait3A_167 = arith.constant 0 : i32
      %dma_wait3A_168 = arith.constant 0 : i32
      %dma_wait3A_169 = tpu.memref_slice %arg6[%dma_wait3A_166, %dma_wait3A_167, %dma_wait3A_168] : memref<2x128x128xf32, #tpu.memory_space<vmem>> -> memref<1x128x128xf32, #tpu.memory_space<vmem>>
      %dma_wait3A_170 = tpu.memref_squeeze %dma_wait3A_169 : memref<1x128x128xf32, #tpu.memory_space<vmem>> -> memref<128x128xf32, #tpu.memory_space<vmem>>
      %dma_wait3A_171 = arith.constant 0 : i32
      %dma_wait3A_172 = arith.constant 0 : i32
      %dma_wait3A_173 = tpu.memref_slice %arg3[%dma_wait3A_171, %dma_wait3A_172] : memref<100000x128xf32, #tpu.memory_space<hbm>> -> memref<128x128xf32, #tpu.memory_space<hbm>>
      %dma_wait3A_174 = arith.constant 0 : i32
      %dma_wait3A_175 = arith.constant 0 : i32
      %dma_wait3A_176 = tpu.memref_slice %arg6[%dma_wait3A_166, %dma_wait3A_174, %dma_wait3A_175] : memref<2x128x128xf32, #tpu.memory_space<vmem>> -> memref<1x128x128xf32, #tpu.memory_space<vmem>>
      %dma_wait3A_177 = tpu.memref_squeeze %dma_wait3A_176 : memref<1x128x128xf32, #tpu.memory_space<vmem>> -> memref<128x128xf32, #tpu.memory_space<vmem>>
      %dma_wait3A_178 = arith.constant 0 : i32
      %dma_wait3A_179 = arith.constant 0 : i32
      %dma_wait3A_180 = tpu.memref_slice %arg3[%dma_wait3A_178, %dma_wait3A_179] : memref<100000x128xf32, #tpu.memory_space<hbm>> -> memref<128x128xf32, #tpu.memory_space<hbm>>
      tpu.wait_dma2 semaphore(%arg9 : memref<!tpu.dma_semaphore, #tpu.memory_space<semaphore_mem>>) src(%dma_wait3A_180 : memref<128x128xf32, #tpu.memory_space<hbm>>) dst(%dma_wait3A_177 : memref<128x128xf32, #tpu.memory_space<vmem>>)
      %add3A_181 = arith.constant 1 : i32
      %add3A_182 = arith.addi %mul3A_98, %add3A_181 : i32
      %mul3A_183 = arith.constant 128 : i32
      %mul3A_184 = arith.muli %add3A_182, %mul3A_183 : i32
      %min3A_185 = arith.constant 2997 : i32
      %min3A_186 = arith.minsi %mul3A_184, %min3A_185 : i32
      %scan3A_187 = arith.constant 0 : i32
      %scan3A_188 = arith.constant 0 : i32
      %scan3A_189 = arith.constant 8 : i32
      %scan3A_190 = arith.addi %scan3A_188, %scan3A_189 : i32
      %scan3A_191 = arith.constant 1 : i32
      scf.for %scan3A_193 = %scan3A_188 to %scan3A_190 step %scan3A_191  : i32 {
        %mul3A_194 = arith.constant 16 : i32
        %mul3A_195 = arith.muli %mul3A_194, %scan3A_193 : i32
        %add3A_196 = vector.broadcast %mul3A_195 : i32 to vector<16xi32>
        %add3A_197 = arith.addi %add3A_196, %iota3A : vector<16xi32>
        %broadcast_in_dim3A_198 = arith.constant 0.000000e+00 : f32
        %broadcast_in_dim3A_199 = vector.broadcast %broadcast_in_dim3A_198 : f32 to vector<16xf32>
        %broadcast_in_dim3A_200 = arith.constant 0.000000e+00 : f32
        %broadcast_in_dim3A_201 = vector.broadcast %broadcast_in_dim3A_200 : f32 to vector<16xf32>
        %broadcast_in_dim3A_202 = arith.constant 0.000000e+00 : f32
        %broadcast_in_dim3A_203 = vector.broadcast %broadcast_in_dim3A_202 : f32 to vector<16xf32>
        %broadcast_in_dim3A_204 = arith.constant 0.000000e+00 : f32
        %broadcast_in_dim3A_205 = vector.broadcast %broadcast_in_dim3A_204 : f32 to vector<16xf32>
        %scan3A_206 = arith.constant 0 : i32
        %scan3A_207 = arith.constant 32 : i32
        %scan3A_208 = arith.addi %scan3A_206, %scan3A_207 : i32
        %scan3A_209 = arith.constant 1 : i32
        %scan3A_210:4 = scf.for %scan3A_249 = %scan3A_206 to %scan3A_208 step %scan3A_209 iter_args(%scan3A_250 = %broadcast_in_dim3A_199, %scan3A_251 = %broadcast_in_dim3A_201, %scan3A_252 = %broadcast_in_dim3A_203, %scan3A_253 = %broadcast_in_dim3A_205) -> (vector<16xf32>, vector<16xf32>, vector<16xf32>, vector<16xf32>)  : i32 {
          %mul3A_254 = arith.constant 4 : i32
          %mul3A_255 = arith.muli %mul3A_254, %scan3A_249 : i32
          %add3A_256 = arith.constant 0 : i32
          %add3A_257 = arith.addi %mul3A_255, %add3A_256 : i32
          %broadcast_in_dim3A_258 = vector.broadcast %add3A_257 : i32 to vector<16xi32>
          %gather3A = arith.constant 1 : i32
          %gather3A_259 = arith.constant 0 : i32
          %gather3A_260 = arith.constant 0 : i32
          %gather3A_261 = tpu.memref_slice %arg6[%gather3A, %gather3A_259, %gather3A_260] : memref<2x128x128xf32, #tpu.memory_space<vmem>> -> memref<1x128x128xf32, #tpu.memory_space<vmem>>
          %gather3A_262 = tpu.memref_squeeze %gather3A_261 : memref<1x128x128xf32, #tpu.memory_space<vmem>> -> memref<128x128xf32, #tpu.memory_space<vmem>>
          %gather3A_263 = tpu.vector_load_idx %gather3A_262[%add3A_197, %broadcast_in_dim3A_258] : memref<128x128xf32, #tpu.memory_space<vmem>>[vector<16xi32>, vector<16xi32>], vector<16xf32>,
          %mul3A_264 = arith.mulf %gather3A_263, %gather3A_263 : vector<16xf32>
          %add3A_265 = arith.addf %scan3A_250, %mul3A_264 : vector<16xf32>
          %mul3A_266 = arith.constant 4 : i32
          %mul3A_267 = arith.muli %mul3A_266, %scan3A_249 : i32
          %add3A_268 = arith.constant 1 : i32
          %add3A_269 = arith.addi %mul3A_267, %add3A_268 : i32
          %broadcast_in_dim3A_270 = vector.broadcast %add3A_269 : i32 to vector<16xi32>
          %gather3A_271 = arith.constant 1 : i32
          %gather3A_272 = arith.constant 0 : i32
          %gather3A_273 = arith.constant 0 : i32
          %gather3A_274 = tpu.memref_slice %arg6[%gather3A_271, %gather3A_272, %gather3A_273] : memref<2x128x128xf32, #tpu.memory_space<vmem>> -> memref<1x128x128xf32, #tpu.memory_space<vmem>>
          %gather3A_275 = tpu.memref_squeeze %gather3A_274 : memref<1x128x128xf32, #tpu.memory_space<vmem>> -> memref<128x128xf32, #tpu.memory_space<vmem>>
          %gather3A_276 = tpu.vector_load_idx %gather3A_275[%add3A_197, %broadcast_in_dim3A_270] : memref<128x128xf32, #tpu.memory_space<vmem>>[vector<16xi32>, vector<16xi32>], vector<16xf32>,
          %mul3A_277 = arith.mulf %gather3A_276, %gather3A_276 : vector<16xf32>
          %add3A_278 = arith.addf %scan3A_251, %mul3A_277 : vector<16xf32>
          %mul3A_279 = arith.constant 4 : i32
          %mul3A_280 = arith.muli %mul3A_279, %scan3A_249 : i32
          %add3A_281 = arith.constant 2 : i32
          %add3A_282 = arith.addi %mul3A_280, %add3A_281 : i32
          %broadcast_in_dim3A_283 = vector.broadcast %add3A_282 : i32 to vector<16xi32>
          %gather3A_284 = arith.constant 1 : i32
          %gather3A_285 = arith.constant 0 : i32
          %gather3A_286 = arith.constant 0 : i32
          %gather3A_287 = tpu.memref_slice %arg6[%gather3A_284, %gather3A_285, %gather3A_286] : memref<2x128x128xf32, #tpu.memory_space<vmem>> -> memref<1x128x128xf32, #tpu.memory_space<vmem>>
          %gather3A_288 = tpu.memref_squeeze %gather3A_287 : memref<1x128x128xf32, #tpu.memory_space<vmem>> -> memref<128x128xf32, #tpu.memory_space<vmem>>
          %gather3A_289 = tpu.vector_load_idx %gather3A_288[%add3A_197, %broadcast_in_dim3A_283] : memref<128x128xf32, #tpu.memory_space<vmem>>[vector<16xi32>, vector<16xi32>], vector<16xf32>,
          %mul3A_290 = arith.mulf %gather3A_289, %gather3A_289 : vector<16xf32>
          %add3A_291 = arith.addf %scan3A_252, %mul3A_290 : vector<16xf32>
          %mul3A_292 = arith.constant 4 : i32
          %mul3A_293 = arith.muli %mul3A_292, %scan3A_249 : i32
          %add3A_294 = arith.constant 3 : i32
          %add3A_295 = arith.addi %mul3A_293, %add3A_294 : i32
          %broadcast_in_dim3A_296 = vector.broadcast %add3A_295 : i32 to vector<16xi32>
          %gather3A_297 = arith.constant 1 : i32
          %gather3A_298 = arith.constant 0 : i32
          %gather3A_299 = arith.constant 0 : i32
          %gather3A_300 = tpu.memref_slice %arg6[%gather3A_297, %gather3A_298, %gather3A_299] : memref<2x128x128xf32, #tpu.memory_space<vmem>> -> memref<1x128x128xf32, #tpu.memory_space<vmem>>
          %gather3A_301 = tpu.memref_squeeze %gather3A_300 : memref<1x128x128xf32, #tpu.memory_space<vmem>> -> memref<128x128xf32, #tpu.memory_space<vmem>>
          %gather3A_302 = tpu.vector_load_idx %gather3A_301[%add3A_197, %broadcast_in_dim3A_296] : memref<128x128xf32, #tpu.memory_space<vmem>>[vector<16xi32>, vector<16xi32>], vector<16xf32>,
          %mul3A_303 = arith.mulf %gather3A_302, %gather3A_302 : vector<16xf32>
          %add3A_304 = arith.addf %scan3A_253, %mul3A_303 : vector<16xf32>
          scf.yield %add3A_265, %add3A_278, %add3A_291, %add3A_304 : vector<16xf32>, vector<16xf32>, vector<16xf32>, vector<16xf32>
        }
        %scan3A_211 = arith.constant 32 : i32
        %add3A_212 = arith.addf %scan3A_210#0, %scan3A_210#1 : vector<16xf32>
        %add3A_213 = arith.addf %scan3A_210#2, %scan3A_210#3 : vector<16xf32>
        %add3A_214 = arith.addf %add3A_212, %add3A_213 : vector<16xf32>
        %bitcast3A = vector.bitcast %add3A_214 : vector<16xf32> to vector<16xi32>
        %broadcast_in_dim3A_215 = arith.constant 1597463007 : i32
        %broadcast_in_dim3A_216 = vector.broadcast %broadcast_in_dim3A_215 : i32 to vector<16xi32>
        %shift_right_logical3A = arith.constant 1 : i32
        %shift_right_logical3A_217 = vector.broadcast %shift_right_logical3A : i32 to vector<16xi32>
        %shift_right_logical3A_218 = arith.shrui %bitcast3A, %shift_right_logical3A_217 : vector<16xi32>
        %sub3A = arith.subi %broadcast_in_dim3A_216, %shift_right_logical3A_218 : vector<16xi32>
        %bitcast3A_219 = vector.bitcast %sub3A : vector<16xi32> to vector<16xf32>
        %mul3A_220 = arith.constant 5.000000e-01 : f32
        %mul3A_221 = vector.broadcast %mul3A_220 : f32 to vector<16xf32>
        %mul3A_222 = arith.mulf %mul3A_221, %add3A_214 : vector<16xf32>
        %mul3A_223 = arith.mulf %mul3A_222, %bitcast3A_219 : vector<16xf32>
        %mul3A_224 = arith.mulf %mul3A_223, %bitcast3A_219 : vector<16xf32>
        %sub3A_225 = arith.constant 1.500000e+00 : f32
        %sub3A_226 = vector.broadcast %sub3A_225 : f32 to vector<16xf32>
        %sub3A_227 = arith.subf %sub3A_226, %mul3A_224 : vector<16xf32>
        %mul3A_228 = arith.mulf %bitcast3A_219, %sub3A_227 : vector<16xf32>
        %mul3A_229 = arith.mulf %mul3A_222, %mul3A_228 : vector<16xf32>
        %mul3A_230 = arith.mulf %mul3A_229, %mul3A_228 : vector<16xf32>
        %sub3A_231 = arith.constant 1.500000e+00 : f32
        %sub3A_232 = vector.broadcast %sub3A_231 : f32 to vector<16xf32>
        %sub3A_233 = arith.subf %sub3A_232, %mul3A_230 : vector<16xf32>
        %mul3A_234 = arith.mulf %mul3A_228, %sub3A_233 : vector<16xf32>
        %mul3A_235 = arith.mulf %mul3A_222, %mul3A_234 : vector<16xf32>
        %mul3A_236 = arith.mulf %mul3A_235, %mul3A_234 : vector<16xf32>
        %sub3A_237 = arith.constant 1.500000e+00 : f32
        %sub3A_238 = vector.broadcast %sub3A_237 : f32 to vector<16xf32>
        %sub3A_239 = arith.subf %sub3A_238, %mul3A_236 : vector<16xf32>
        %mul3A_240 = arith.mulf %mul3A_234, %sub3A_239 : vector<16xf32>
        %min3A_241 = arith.constant 1.000000e+00 : f32
        %min3A_242 = vector.broadcast %min3A_241 : f32 to vector<16xf32>
        %min3A_243 = arith.minimumf %min3A_242, %mul3A_240 : vector<16xf32>
        %min3A_244 = arith.constant 1.000000e+00 : f32
        %min3A_245 = vector.broadcast %min3A_244 : f32 to vector<16xf32>
        %min3A_246 = arith.minimumf %add3A_214, %min3A_245 : vector<16xf32>
        %add3A_247 = vector.broadcast %min3A_186 : i32 to vector<16xi32>
        %add3A_248 = arith.addi %add3A_247, %add3A_197 : vector<16xi32>
        tpu.vector_store_idx %arg7[%add3A_248, %broadcast_in_dim3A_3], %min3A_246 : memref<3125x16xf32, #tpu.memory_space<vmem>>[vector<16xi32>, vector<16xi32>], vector<16xf32>,
        tpu.vector_store_idx %arg7[%add3A_248, %broadcast_in_dim3A_5], %min3A_243 : memref<3125x16xf32, #tpu.memory_space<vmem>>[vector<16xi32>, vector<16xi32>], vector<16xf32>,
      }
      %scan3A_192 = arith.constant 8 : i32
    }
    %scan3A_71 = arith.constant 12 : i32
    %dma_wait3A_72 = arith.constant 0 : i32
    %dma_wait3A_73 = arith.constant 0 : i32
    %dma_wait3A_74 = arith.constant 0 : i32
    %dma_wait3A_75 = tpu.memref_slice %arg6[%dma_wait3A_72, %dma_wait3A_73, %dma_wait3A_74] : memref<2x128x128xf32, #tpu.memory_space<vmem>> -> memref<1x128x128xf32, #tpu.memory_space<vmem>>
    %dma_wait3A_76 = tpu.memref_squeeze %dma_wait3A_75 : memref<1x128x128xf32, #tpu.memory_space<vmem>> -> memref<128x128xf32, #tpu.memory_space<vmem>>
    %dma_wait3A_77 = arith.constant 0 : i32
    %dma_wait3A_78 = arith.constant 0 : i32
    %dma_wait3A_79 = tpu.memref_slice %arg3[%dma_wait3A_77, %dma_wait3A_78] : memref<100000x128xf32, #tpu.memory_space<hbm>> -> memref<128x128xf32, #tpu.memory_space<hbm>>
    %dma_wait3A_80 = arith.constant 0 : i32
    %dma_wait3A_81 = arith.constant 0 : i32
    %dma_wait3A_82 = tpu.memref_slice %arg6[%dma_wait3A_72, %dma_wait3A_80, %dma_wait3A_81] : memref<2x128x128xf32, #tpu.memory_space<vmem>> -> memref<1x128x128xf32, #tpu.memory_space<vmem>>
    %dma_wait3A_83 = tpu.memref_squeeze %dma_wait3A_82 : memref<1x128x128xf32, #tpu.memory_space<vmem>> -> memref<128x128xf32, #tpu.memory_space<vmem>>
    %dma_wait3A_84 = arith.constant 0 : i32
    %dma_wait3A_85 = arith.constant 0 : i32
    %dma_wait3A_86 = tpu.memref_slice %arg3[%dma_wait3A_84, %dma_wait3A_85] : memref<100000x128xf32, #tpu.memory_space<hbm>> -> memref<128x128xf32, #tpu.memory_space<hbm>>
    tpu.wait_dma2 semaphore(%arg8 : memref<!tpu.dma_semaphore, #tpu.memory_space<semaphore_mem>>) src(%dma_wait3A_86 : memref<128x128xf32, #tpu.memory_space<hbm>>) dst(%dma_wait3A_83 : memref<128x128xf32, #tpu.memory_space<vmem>>)
    %min3A_87 = arith.constant 3072 : i32
    %min3A_88 = arith.constant 2997 : i32
    %min3A_89 = arith.minsi %min3A_87, %min3A_88 : i32
    %scan3A_90 = arith.constant 0 : i32
    %scan3A_91 = arith.constant 0 : i32
    %scan3A_92 = arith.constant 8 : i32
    %scan3A_93 = arith.addi %scan3A_91, %scan3A_92 : i32
    %scan3A_94 = arith.constant 1 : i32
    scf.for %scan3A_96 = %scan3A_91 to %scan3A_93 step %scan3A_94  : i32 {
      %mul3A_97 = arith.constant 16 : i32
      %mul3A_98 = arith.muli %mul3A_97, %scan3A_96 : i32
      %add3A_99 = vector.broadcast %mul3A_98 : i32 to vector<16xi32>
      %add3A_100 = arith.addi %add3A_99, %iota3A : vector<16xi32>
      %broadcast_in_dim3A_101 = arith.constant 0.000000e+00 : f32
      %broadcast_in_dim3A_102 = vector.broadcast %broadcast_in_dim3A_101 : f32 to vector<16xf32>
      %broadcast_in_dim3A_103 = arith.constant 0.000000e+00 : f32
      %broadcast_in_dim3A_104 = vector.broadcast %broadcast_in_dim3A_103 : f32 to vector<16xf32>
      %broadcast_in_dim3A_105 = arith.constant 0.000000e+00 : f32
      %broadcast_in_dim3A_106 = vector.broadcast %broadcast_in_dim3A_105 : f32 to vector<16xf32>
      %broadcast_in_dim3A_107 = arith.constant 0.000000e+00 : f32
      %broadcast_in_dim3A_108 = vector.broadcast %broadcast_in_dim3A_107 : f32 to vector<16xf32>
      %scan3A_109 = arith.constant 0 : i32
      %scan3A_110 = arith.constant 32 : i32
      %scan3A_111 = arith.addi %scan3A_109, %scan3A_110 : i32
      %scan3A_112 = arith.constant 1 : i32
      %scan3A_113:4 = scf.for %scan3A_152 = %scan3A_109 to %scan3A_111 step %scan3A_112 iter_args(%scan3A_153 = %broadcast_in_dim3A_102, %scan3A_154 = %broadcast_in_dim3A_104, %scan3A_155 = %broadcast_in_dim3A_106, %scan3A_156 = %broadcast_in_dim3A_108) -> (vector<16xf32>, vector<16xf32>, vector<16xf32>, vector<16xf32>)  : i32 {
        %mul3A_157 = arith.constant 4 : i32
        %mul3A_158 = arith.muli %mul3A_157, %scan3A_152 : i32
        %add3A_159 = arith.constant 0 : i32
        %add3A_160 = arith.addi %mul3A_158, %add3A_159 : i32
        %broadcast_in_dim3A_161 = vector.broadcast %add3A_160 : i32 to vector<16xi32>
        %gather3A = arith.constant 0 : i32
        %gather3A_162 = arith.constant 0 : i32
        %gather3A_163 = arith.constant 0 : i32
        %gather3A_164 = tpu.memref_slice %arg6[%gather3A, %gather3A_162, %gather3A_163] : memref<2x128x128xf32, #tpu.memory_space<vmem>> -> memref<1x128x128xf32, #tpu.memory_space<vmem>>
        %gather3A_165 = tpu.memref_squeeze %gather3A_164 : memref<1x128x128xf32, #tpu.memory_space<vmem>> -> memref<128x128xf32, #tpu.memory_space<vmem>>
        %gather3A_166 = tpu.vector_load_idx %gather3A_165[%add3A_100, %broadcast_in_dim3A_161] : memref<128x128xf32, #tpu.memory_space<vmem>>[vector<16xi32>, vector<16xi32>], vector<16xf32>,
        %mul3A_167 = arith.mulf %gather3A_166, %gather3A_166 : vector<16xf32>
        %add3A_168 = arith.addf %scan3A_153, %mul3A_167 : vector<16xf32>
        %mul3A_169 = arith.constant 4 : i32
        %mul3A_170 = arith.muli %mul3A_169, %scan3A_152 : i32
        %add3A_171 = arith.constant 1 : i32
        %add3A_172 = arith.addi %mul3A_170, %add3A_171 : i32
        %broadcast_in_dim3A_173 = vector.broadcast %add3A_172 : i32 to vector<16xi32>
        %gather3A_174 = arith.constant 0 : i32
        %gather3A_175 = arith.constant 0 : i32
        %gather3A_176 = arith.constant 0 : i32
        %gather3A_177 = tpu.memref_slice %arg6[%gather3A_174, %gather3A_175, %gather3A_176] : memref<2x128x128xf32, #tpu.memory_space<vmem>> -> memref<1x128x128xf32, #tpu.memory_space<vmem>>
        %gather3A_178 = tpu.memref_squeeze %gather3A_177 : memref<1x128x128xf32, #tpu.memory_space<vmem>> -> memref<128x128xf32, #tpu.memory_space<vmem>>
        %gather3A_179 = tpu.vector_load_idx %gather3A_178[%add3A_100, %broadcast_in_dim3A_173] : memref<128x128xf32, #tpu.memory_space<vmem>>[vector<16xi32>, vector<16xi32>], vector<16xf32>,
        %mul3A_180 = arith.mulf %gather3A_179, %gather3A_179 : vector<16xf32>
        %add3A_181 = arith.addf %scan3A_154, %mul3A_180 : vector<16xf32>
        %mul3A_182 = arith.constant 4 : i32
        %mul3A_183 = arith.muli %mul3A_182, %scan3A_152 : i32
        %add3A_184 = arith.constant 2 : i32
        %add3A_185 = arith.addi %mul3A_183, %add3A_184 : i32
        %broadcast_in_dim3A_186 = vector.broadcast %add3A_185 : i32 to vector<16xi32>
        %gather3A_187 = arith.constant 0 : i32
        %gather3A_188 = arith.constant 0 : i32
        %gather3A_189 = arith.constant 0 : i32
        %gather3A_190 = tpu.memref_slice %arg6[%gather3A_187, %gather3A_188, %gather3A_189] : memref<2x128x128xf32, #tpu.memory_space<vmem>> -> memref<1x128x128xf32, #tpu.memory_space<vmem>>
        %gather3A_191 = tpu.memref_squeeze %gather3A_190 : memref<1x128x128xf32, #tpu.memory_space<vmem>> -> memref<128x128xf32, #tpu.memory_space<vmem>>
        %gather3A_192 = tpu.vector_load_idx %gather3A_191[%add3A_100, %broadcast_in_dim3A_186] : memref<128x128xf32, #tpu.memory_space<vmem>>[vector<16xi32>, vector<16xi32>], vector<16xf32>,
        %mul3A_193 = arith.mulf %gather3A_192, %gather3A_192 : vector<16xf32>
        %add3A_194 = arith.addf %scan3A_155, %mul3A_193 : vector<16xf32>
        %mul3A_195 = arith.constant 4 : i32
        %mul3A_196 = arith.muli %mul3A_195, %scan3A_152 : i32
        %add3A_197 = arith.constant 3 : i32
        %add3A_198 = arith.addi %mul3A_196, %add3A_197 : i32
        %broadcast_in_dim3A_199 = vector.broadcast %add3A_198 : i32 to vector<16xi32>
        %gather3A_200 = arith.constant 0 : i32
        %gather3A_201 = arith.constant 0 : i32
        %gather3A_202 = arith.constant 0 : i32
        %gather3A_203 = tpu.memref_slice %arg6[%gather3A_200, %gather3A_201, %gather3A_202] : memref<2x128x128xf32, #tpu.memory_space<vmem>> -> memref<1x128x128xf32, #tpu.memory_space<vmem>>
        %gather3A_204 = tpu.memref_squeeze %gather3A_203 : memref<1x128x128xf32, #tpu.memory_space<vmem>> -> memref<128x128xf32, #tpu.memory_space<vmem>>
        %gather3A_205 = tpu.vector_load_idx %gather3A_204[%add3A_100, %broadcast_in_dim3A_199] : memref<128x128xf32, #tpu.memory_space<vmem>>[vector<16xi32>, vector<16xi32>], vector<16xf32>,
        %mul3A_206 = arith.mulf %gather3A_205, %gather3A_205 : vector<16xf32>
        %add3A_207 = arith.addf %scan3A_156, %mul3A_206 : vector<16xf32>
        scf.yield %add3A_168, %add3A_181, %add3A_194, %add3A_207 : vector<16xf32>, vector<16xf32>, vector<16xf32>, vector<16xf32>
      }
      %scan3A_114 = arith.constant 32 : i32
      %add3A_115 = arith.addf %scan3A_113#0, %scan3A_113#1 : vector<16xf32>
      %add3A_116 = arith.addf %scan3A_113#2, %scan3A_113#3 : vector<16xf32>
      %add3A_117 = arith.addf %add3A_115, %add3A_116 : vector<16xf32>
      %bitcast3A = vector.bitcast %add3A_117 : vector<16xf32> to vector<16xi32>
      %broadcast_in_dim3A_118 = arith.constant 1597463007 : i32
      %broadcast_in_dim3A_119 = vector.broadcast %broadcast_in_dim3A_118 : i32 to vector<16xi32>
      %shift_right_logical3A = arith.constant 1 : i32
      %shift_right_logical3A_120 = vector.broadcast %shift_right_logical3A : i32 to vector<16xi32>
      %shift_right_logical3A_121 = arith.shrui %bitcast3A, %shift_right_logical3A_120 : vector<16xi32>
      %sub3A = arith.subi %broadcast_in_dim3A_119, %shift_right_logical3A_121 : vector<16xi32>
      %bitcast3A_122 = vector.bitcast %sub3A : vector<16xi32> to vector<16xf32>
      %mul3A_123 = arith.constant 5.000000e-01 : f32
      %mul3A_124 = vector.broadcast %mul3A_123 : f32 to vector<16xf32>
      %mul3A_125 = arith.mulf %mul3A_124, %add3A_117 : vector<16xf32>
      %mul3A_126 = arith.mulf %mul3A_125, %bitcast3A_122 : vector<16xf32>
      %mul3A_127 = arith.mulf %mul3A_126, %bitcast3A_122 : vector<16xf32>
      %sub3A_128 = arith.constant 1.500000e+00 : f32
      %sub3A_129 = vector.broadcast %sub3A_128 : f32 to vector<16xf32>
      %sub3A_130 = arith.subf %sub3A_129, %mul3A_127 : vector<16xf32>
      %mul3A_131 = arith.mulf %bitcast3A_122, %sub3A_130 : vector<16xf32>
      %mul3A_132 = arith.mulf %mul3A_125, %mul3A_131 : vector<16xf32>
      %mul3A_133 = arith.mulf %mul3A_132, %mul3A_131 : vector<16xf32>
      %sub3A_134 = arith.constant 1.500000e+00 : f32
      %sub3A_135 = vector.broadcast %sub3A_134 : f32 to vector<16xf32>
      %sub3A_136 = arith.subf %sub3A_135, %mul3A_133 : vector<16xf32>
      %mul3A_137 = arith.mulf %mul3A_131, %sub3A_136 : vector<16xf32>
      %mul3A_138 = arith.mulf %mul3A_125, %mul3A_137 : vector<16xf32>
      %mul3A_139 = arith.mulf %mul3A_138, %mul3A_137 : vector<16xf32>
      %sub3A_140 = arith.constant 1.500000e+00 : f32
      %sub3A_141 = vector.broadcast %sub3A_140 : f32 to vector<16xf32>
      %sub3A_142 = arith.subf %sub3A_141, %mul3A_139 : vector<16xf32>
      %mul3A_143 = arith.mulf %mul3A_137, %sub3A_142 : vector<16xf32>
      %min3A_144 = arith.constant 1.000000e+00 : f32
      %min3A_145 = vector.broadcast %min3A_144 : f32 to vector<16xf32>
      %min3A_146 = arith.minimumf %min3A_145, %mul3A_143 : vector<16xf32>
      %min3A_147 = arith.constant 1.000000e+00 : f32
      %min3A_148 = vector.broadcast %min3A_147 : f32 to vector<16xf32>
      %min3A_149 = arith.minimumf %add3A_117, %min3A_148 : vector<16xf32>
      %add3A_150 = vector.broadcast %min3A_89 : i32 to vector<16xi32>
      %add3A_151 = arith.addi %add3A_150, %add3A_100 : vector<16xi32>
      tpu.vector_store_idx %arg7[%add3A_151, %broadcast_in_dim3A_3], %min3A_149 : memref<3125x16xf32, #tpu.memory_space<vmem>>[vector<16xi32>, vector<16xi32>], vector<16xf32>,
      tpu.vector_store_idx %arg7[%add3A_151, %broadcast_in_dim3A_5], %min3A_146 : memref<3125x16xf32, #tpu.memory_space<vmem>>[vector<16xi32>, vector<16xi32>], vector<16xf32>,
    }
    %scan3A_95 = arith.constant 8 : i32
    "tpu.region"() ({
      %run_scoped3A = tpu.sem_alloc : memref<!tpu.dma_semaphore, #tpu.memory_space<semaphore_mem>>
      %dma_start3A_96 = arith.constant 0 : i32
      %dma_start3A_97 = tpu.memref_slice %arg5[%mul3A_2, %dma_start3A_96] : memref<100000x16xf32, #tpu.memory_space<hbm>> -> memref<3125x16xf32, #tpu.memory_space<hbm>>
      %dma_start3A_98 = arith.constant 0 : i32
      %dma_start3A_99 = tpu.memref_slice %arg5[%mul3A_2, %dma_start3A_98] : memref<100000x16xf32, #tpu.memory_space<hbm>> -> memref<3125x16xf32, #tpu.memory_space<hbm>>
      tpu.enqueue_dma source(%arg7 : memref<3125x16xf32, #tpu.memory_space<vmem>>) target(%dma_start3A_99 : memref<3125x16xf32, #tpu.memory_space<hbm>>) target_semaphore(%run_scoped3A : memref<!tpu.dma_semaphore, #tpu.memory_space<semaphore_mem>>)
      %dma_wait3A_100 = arith.constant 0 : i32
      %dma_wait3A_101 = tpu.memref_slice %arg5[%mul3A_2, %dma_wait3A_100] : memref<100000x16xf32, #tpu.memory_space<hbm>> -> memref<3125x16xf32, #tpu.memory_space<hbm>>
      %dma_wait3A_102 = arith.constant 0 : i32
      %dma_wait3A_103 = tpu.memref_slice %arg5[%mul3A_2, %dma_wait3A_102] : memref<100000x16xf32, #tpu.memory_space<hbm>> -> memref<3125x16xf32, #tpu.memory_space<hbm>>
      tpu.wait_dma2 semaphore(%run_scoped3A : memref<!tpu.dma_semaphore, #tpu.memory_space<semaphore_mem>>) src(%arg7 : memref<3125x16xf32, #tpu.memory_space<vmem>>) dst(%dma_wait3A_103 : memref<3125x16xf32, #tpu.memory_space<hbm>>)
      tpu.yield
    }) : () -> ()
    return
  }
}

#map = affine_map<(d0, d1) -> (0)>
#map1 = affine_map<(d0, d1) -> (0, 0)>
module attributes {stable_mosaic.version = 14 : i64} {
  func.func @_sc_main(%arg0: i32, %arg1: i32, %arg2: memref<4096xi32, #tpu.memory_space<hbm>>, %arg3: memref<4096xi32, #tpu.memory_space<hbm>>, %arg4: memref<8192x100xi32, #tpu.memory_space<hbm>>, %arg5: memref<100000x128xf32, #tpu.memory_space<hbm>>, %arg6: memref<100000x128xf32, #tpu.memory_space<hbm>>, %arg7: memref<100000x16xf32, #tpu.memory_space<hbm>>, %arg8: memref<100000x16xf32, #tpu.memory_space<hbm>>, %arg9: memref<4096x16xf32, #tpu.memory_space<hbm>>, %arg10: memref<4096x128xf32, #tpu.memory_space<hbm>>, %arg11: memref<4096x128xf32, #tpu.memory_space<hbm>>, %arg12: memref<128xi32, #tpu.memory_space<vmem>>, %arg13: memref<128xi32, #tpu.memory_space<vmem>>, %arg14: memref<256x100xi32, #tpu.memory_space<vmem>>, %arg15: memref<128x128xf32, #tpu.memory_space<vmem>>, %arg16: memref<128x128xf32, #tpu.memory_space<vmem>>, %arg17: memref<128x16xf32, #tpu.memory_space<vmem>>, %arg18: memref<128x16xf32, #tpu.memory_space<vmem>>, %arg19: memref<2x200x128xf32, #tpu.memory_space<vmem>>, %arg20: memref<2x200x16xf32, #tpu.memory_space<vmem>>, %arg21: memref<128x16xf32, #tpu.memory_space<vmem>>, %arg22: memref<!tpu.dma_semaphore, #tpu.memory_space<semaphore_mem>>, %arg23: memref<!tpu.dma_semaphore, #tpu.memory_space<semaphore_mem>>, %arg24: memref<!tpu.dma_semaphore, #tpu.memory_space<semaphore_mem>>) attributes {dimension_semantics = [#tpu.dimension_semantics<core_parallel>, #tpu.dimension_semantics<subcore_parallel>], iteration_bounds = array<i64: 2, 16>, scalar_prefetch = 0 : i64, scratch_operands = 13 : i64, tpu.core_type = #tpu.core_type<sc_vector_subcore>, window_params = [{transform_indices = #map}, {transform_indices = #map}, {transform_indices = #map1}, {transform_indices = #map1}, {transform_indices = #map1}, {transform_indices = #map1}, {transform_indices = #map1}, {transform_indices = #map1}, {transform_indices = #map1}, {transform_indices = #map1}]} {
    %mul3A = arith.constant 2 : i32
    %mul3A_0 = arith.muli %arg1, %mul3A : i32
    %add3A = arith.addi %mul3A_0, %arg0 : i32
    %mul3A_1 = arith.constant 128 : i32
    %mul3A_2 = arith.muli %add3A, %mul3A_1 : i32
    "tpu.region"() ({
      %run_scoped3A = tpu.sem_alloc : memref<!tpu.dma_semaphore, #tpu.memory_space<semaphore_mem>>
      %dma_start3A_126 = tpu.memref_slice %arg2[%mul3A_2] : memref<4096xi32, #tpu.memory_space<hbm>> -> memref<128xi32, #tpu.memory_space<hbm>>
      %dma_start3A_127 = tpu.memref_slice %arg2[%mul3A_2] : memref<4096xi32, #tpu.memory_space<hbm>> -> memref<128xi32, #tpu.memory_space<hbm>>
      tpu.enqueue_dma source(%dma_start3A_127 : memref<128xi32, #tpu.memory_space<hbm>>) target(%arg12 : memref<128xi32, #tpu.memory_space<vmem>>) target_semaphore(%run_scoped3A : memref<!tpu.dma_semaphore, #tpu.memory_space<semaphore_mem>>)
      %dma_wait3A_128 = tpu.memref_slice %arg2[%mul3A_2] : memref<4096xi32, #tpu.memory_space<hbm>> -> memref<128xi32, #tpu.memory_space<hbm>>
      %dma_wait3A_129 = tpu.memref_slice %arg2[%mul3A_2] : memref<4096xi32, #tpu.memory_space<hbm>> -> memref<128xi32, #tpu.memory_space<hbm>>
      tpu.wait_dma2 semaphore(%run_scoped3A : memref<!tpu.dma_semaphore, #tpu.memory_space<semaphore_mem>>) src(%dma_wait3A_129 : memref<128xi32, #tpu.memory_space<hbm>>) dst(%arg12 : memref<128xi32, #tpu.memory_space<vmem>>)
      tpu.yield
    }) : () -> ()
    "tpu.region"() ({
      %run_scoped3A = tpu.sem_alloc : memref<!tpu.dma_semaphore, #tpu.memory_space<semaphore_mem>>
      %dma_start3A_126 = tpu.memref_slice %arg3[%mul3A_2] : memref<4096xi32, #tpu.memory_space<hbm>> -> memref<128xi32, #tpu.memory_space<hbm>>
      %dma_start3A_127 = tpu.memref_slice %arg3[%mul3A_2] : memref<4096xi32, #tpu.memory_space<hbm>> -> memref<128xi32, #tpu.memory_space<hbm>>
      tpu.enqueue_dma source(%dma_start3A_127 : memref<128xi32, #tpu.memory_space<hbm>>) target(%arg13 : memref<128xi32, #tpu.memory_space<vmem>>) target_semaphore(%run_scoped3A : memref<!tpu.dma_semaphore, #tpu.memory_space<semaphore_mem>>)
      %dma_wait3A_128 = tpu.memref_slice %arg3[%mul3A_2] : memref<4096xi32, #tpu.memory_space<hbm>> -> memref<128xi32, #tpu.memory_space<hbm>>
      %dma_wait3A_129 = tpu.memref_slice %arg3[%mul3A_2] : memref<4096xi32, #tpu.memory_space<hbm>> -> memref<128xi32, #tpu.memory_space<hbm>>
      tpu.wait_dma2 semaphore(%run_scoped3A : memref<!tpu.dma_semaphore, #tpu.memory_space<semaphore_mem>>) src(%dma_wait3A_129 : memref<128xi32, #tpu.memory_space<hbm>>) dst(%arg13 : memref<128xi32, #tpu.memory_space<vmem>>)
      tpu.yield
    }) : () -> ()
    %mul3A_3 = arith.constant 2 : i32
    %mul3A_4 = arith.muli %mul3A_3, %mul3A_2 : i32
    "tpu.region"() ({
      %run_scoped3A = tpu.sem_alloc : memref<!tpu.dma_semaphore, #tpu.memory_space<semaphore_mem>>
      %dma_start3A_126 = arith.constant 0 : i32
      %dma_start3A_127 = tpu.memref_slice %arg4[%mul3A_4, %dma_start3A_126] : memref<8192x100xi32, #tpu.memory_space<hbm>> -> memref<256x100xi32, #tpu.memory_space<hbm>>
      %dma_start3A_128 = arith.constant 0 : i32
      %dma_start3A_129 = tpu.memref_slice %arg4[%mul3A_4, %dma_start3A_128] : memref<8192x100xi32, #tpu.memory_space<hbm>> -> memref<256x100xi32, #tpu.memory_space<hbm>>
      tpu.enqueue_dma source(%dma_start3A_129 : memref<256x100xi32, #tpu.memory_space<hbm>>) target(%arg14 : memref<256x100xi32, #tpu.memory_space<vmem>>) target_semaphore(%run_scoped3A : memref<!tpu.dma_semaphore, #tpu.memory_space<semaphore_mem>>)
      %dma_wait3A_130 = arith.constant 0 : i32
      %dma_wait3A_131 = tpu.memref_slice %arg4[%mul3A_4, %dma_wait3A_130] : memref<8192x100xi32, #tpu.memory_space<hbm>> -> memref<256x100xi32, #tpu.memory_space<hbm>>
      %dma_wait3A_132 = arith.constant 0 : i32
      %dma_wait3A_133 = tpu.memref_slice %arg4[%mul3A_4, %dma_wait3A_132] : memref<8192x100xi32, #tpu.memory_space<hbm>> -> memref<256x100xi32, #tpu.memory_space<hbm>>
      tpu.wait_dma2 semaphore(%run_scoped3A : memref<!tpu.dma_semaphore, #tpu.memory_space<semaphore_mem>>) src(%dma_wait3A_133 : memref<256x100xi32, #tpu.memory_space<hbm>>) dst(%arg14 : memref<256x100xi32, #tpu.memory_space<vmem>>)
      tpu.yield
    }) : () -> ()
    %dma_start3A = arith.constant 0 : i32
    %dma_start3A_5 = arith.constant 0 : i32
    %dma_start3A_6 = tpu.memref_slice %arg5[%dma_start3A, %dma_start3A_5] : memref<100000x128xf32, #tpu.memory_space<hbm>> -> memref<100000x128xf32, #tpu.memory_space<hbm>>
    tpu.enqueue_indirect_dma source(%dma_start3A_6 : memref<100000x128xf32, #tpu.memory_space<hbm>>) target(%arg15 : memref<128x128xf32, #tpu.memory_space<vmem>>) offsets(%arg12 : memref<128xi32, #tpu.memory_space<vmem>>) semaphore(%arg22 : memref<!tpu.dma_semaphore, #tpu.memory_space<semaphore_mem>>)
    %dma_start3A_7 = arith.constant 0 : i32
    %dma_start3A_8 = arith.constant 0 : i32
    %dma_start3A_9 = tpu.memref_slice %arg7[%dma_start3A_7, %dma_start3A_8] : memref<100000x16xf32, #tpu.memory_space<hbm>> -> memref<100000x16xf32, #tpu.memory_space<hbm>>
    tpu.enqueue_indirect_dma source(%dma_start3A_9 : memref<100000x16xf32, #tpu.memory_space<hbm>>) target(%arg17 : memref<128x16xf32, #tpu.memory_space<vmem>>) offsets(%arg12 : memref<128xi32, #tpu.memory_space<vmem>>) semaphore(%arg22 : memref<!tpu.dma_semaphore, #tpu.memory_space<semaphore_mem>>)
    %dma_start3A_10 = arith.constant 0 : i32
    %dma_start3A_11 = arith.constant 0 : i32
    %dma_start3A_12 = tpu.memref_slice %arg6[%dma_start3A_10, %dma_start3A_11] : memref<100000x128xf32, #tpu.memory_space<hbm>> -> memref<100000x128xf32, #tpu.memory_space<hbm>>
    tpu.enqueue_indirect_dma source(%dma_start3A_12 : memref<100000x128xf32, #tpu.memory_space<hbm>>) target(%arg16 : memref<128x128xf32, #tpu.memory_space<vmem>>) offsets(%arg13 : memref<128xi32, #tpu.memory_space<vmem>>) semaphore(%arg22 : memref<!tpu.dma_semaphore, #tpu.memory_space<semaphore_mem>>)
    %dma_start3A_13 = arith.constant 0 : i32
    %dma_start3A_14 = arith.constant 0 : i32
    %dma_start3A_15 = tpu.memref_slice %arg8[%dma_start3A_13, %dma_start3A_14] : memref<100000x16xf32, #tpu.memory_space<hbm>> -> memref<100000x16xf32, #tpu.memory_space<hbm>>
    tpu.enqueue_indirect_dma source(%dma_start3A_15 : memref<100000x16xf32, #tpu.memory_space<hbm>>) target(%arg18 : memref<128x16xf32, #tpu.memory_space<vmem>>) offsets(%arg13 : memref<128xi32, #tpu.memory_space<vmem>>) semaphore(%arg22 : memref<!tpu.dma_semaphore, #tpu.memory_space<semaphore_mem>>)
    %dma_start3A_16 = arith.constant 0 : i32
    %dma_start3A_17 = arith.constant 0 : i32
    %dma_start3A_18 = arith.constant 0 : i32
    %dma_start3A_19 = arith.constant 0 : i32
    %dma_start3A_20 = tpu.memref_slice %arg19[%dma_start3A_17, %dma_start3A_18, %dma_start3A_19] : memref<2x200x128xf32, #tpu.memory_space<vmem>> -> memref<1x100x128xf32, #tpu.memory_space<vmem>>
    %dma_start3A_21 = tpu.memref_squeeze %dma_start3A_20 : memref<1x100x128xf32, #tpu.memory_space<vmem>> -> memref<100x128xf32, #tpu.memory_space<vmem>>
    %dma_start3A_22 = arith.constant 0 : i32
    %dma_start3A_23 = tpu.memref_slice %arg14[%dma_start3A_16, %dma_start3A_22] : memref<256x100xi32, #tpu.memory_space<vmem>> -> memref<1x100xi32, #tpu.memory_space<vmem>>
    %dma_start3A_24 = tpu.memref_squeeze %dma_start3A_23 : memref<1x100xi32, #tpu.memory_space<vmem>> -> memref<100xi32, #tpu.memory_space<vmem>>
    %dma_start3A_25 = arith.constant 0 : i32
    %dma_start3A_26 = arith.constant 0 : i32
    %dma_start3A_27 = tpu.memref_slice %arg6[%dma_start3A_25, %dma_start3A_26] : memref<100000x128xf32, #tpu.memory_space<hbm>> -> memref<100000x128xf32, #tpu.memory_space<hbm>>
    tpu.enqueue_indirect_dma source(%dma_start3A_27 : memref<100000x128xf32, #tpu.memory_space<hbm>>) target(%dma_start3A_21 : memref<100x128xf32, #tpu.memory_space<vmem>>) offsets(%dma_start3A_24 : memref<100xi32, #tpu.memory_space<vmem>>) semaphore(%arg23 : memref<!tpu.dma_semaphore, #tpu.memory_space<semaphore_mem>>)
    %dma_start3A_28 = arith.constant 1 : i32
    %dma_start3A_29 = arith.constant 0 : i32
    %dma_start3A_30 = arith.constant 100 : i32
    %dma_start3A_31 = arith.constant 0 : i32
    %dma_start3A_32 = tpu.memref_slice %arg19[%dma_start3A_29, %dma_start3A_30, %dma_start3A_31] : memref<2x200x128xf32, #tpu.memory_space<vmem>> -> memref<1x100x128xf32, #tpu.memory_space<vmem>>
    %dma_start3A_33 = tpu.memref_squeeze %dma_start3A_32 : memref<1x100x128xf32, #tpu.memory_space<vmem>> -> memref<100x128xf32, #tpu.memory_space<vmem>>
    %dma_start3A_34 = arith.constant 0 : i32
    %dma_start3A_35 = tpu.memref_slice %arg14[%dma_start3A_28, %dma_start3A_34] : memref<256x100xi32, #tpu.memory_space<vmem>> -> memref<1x100xi32, #tpu.memory_space<vmem>>
    %dma_start3A_36 = tpu.memref_squeeze %dma_start3A_35 : memref<1x100xi32, #tpu.memory_space<vmem>> -> memref<100xi32, #tpu.memory_space<vmem>>
    %dma_start3A_37 = arith.constant 0 : i32
    %dma_start3A_38 = arith.constant 0 : i32
    %dma_start3A_39 = tpu.memref_slice %arg6[%dma_start3A_37, %dma_start3A_38] : memref<100000x128xf32, #tpu.memory_space<hbm>> -> memref<100000x128xf32, #tpu.memory_space<hbm>>
    tpu.enqueue_indirect_dma source(%dma_start3A_39 : memref<100000x128xf32, #tpu.memory_space<hbm>>) target(%dma_start3A_33 : memref<100x128xf32, #tpu.memory_space<vmem>>) offsets(%dma_start3A_36 : memref<100xi32, #tpu.memory_space<vmem>>) semaphore(%arg23 : memref<!tpu.dma_semaphore, #tpu.memory_space<semaphore_mem>>)
    %dma_start3A_40 = arith.constant 0 : i32
    %dma_start3A_41 = arith.constant 0 : i32
    %dma_start3A_42 = arith.constant 0 : i32
    %dma_start3A_43 = arith.constant 0 : i32
    %dma_start3A_44 = tpu.memref_slice %arg20[%dma_start3A_41, %dma_start3A_42, %dma_start3A_43] : memref<2x200x16xf32, #tpu.memory_space<vmem>> -> memref<1x100x16xf32, #tpu.memory_space<vmem>>
    %dma_start3A_45 = tpu.memref_squeeze %dma_start3A_44 : memref<1x100x16xf32, #tpu.memory_space<vmem>> -> memref<100x16xf32, #tpu.memory_space<vmem>>
    %dma_start3A_46 = arith.constant 0 : i32
    %dma_start3A_47 = tpu.memref_slice %arg14[%dma_start3A_40, %dma_start3A_46] : memref<256x100xi32, #tpu.memory_space<vmem>> -> memref<1x100xi32, #tpu.memory_space<vmem>>
    %dma_start3A_48 = tpu.memref_squeeze %dma_start3A_47 : memref<1x100xi32, #tpu.memory_space<vmem>> -> memref<100xi32, #tpu.memory_space<vmem>>
    %dma_start3A_49 = arith.constant 0 : i32
    %dma_start3A_50 = arith.constant 0 : i32
    %dma_start3A_51 = tpu.memref_slice %arg8[%dma_start3A_49, %dma_start3A_50] : memref<100000x16xf32, #tpu.memory_space<hbm>> -> memref<100000x16xf32, #tpu.memory_space<hbm>>
    tpu.enqueue_indirect_dma source(%dma_start3A_51 : memref<100000x16xf32, #tpu.memory_space<hbm>>) target(%dma_start3A_45 : memref<100x16xf32, #tpu.memory_space<vmem>>) offsets(%dma_start3A_48 : memref<100xi32, #tpu.memory_space<vmem>>) semaphore(%arg23 : memref<!tpu.dma_semaphore, #tpu.memory_space<semaphore_mem>>)
    %dma_start3A_52 = arith.constant 1 : i32
    %dma_start3A_53 = arith.constant 0 : i32
    %dma_start3A_54 = arith.constant 100 : i32
    %dma_start3A_55 = arith.constant 0 : i32
    %dma_start3A_56 = tpu.memref_slice %arg20[%dma_start3A_53, %dma_start3A_54, %dma_start3A_55] : memref<2x200x16xf32, #tpu.memory_space<vmem>> -> memref<1x100x16xf32, #tpu.memory_space<vmem>>
    %dma_start3A_57 = tpu.memref_squeeze %dma_start3A_56 : memref<1x100x16xf32, #tpu.memory_space<vmem>> -> memref<100x16xf32, #tpu.memory_space<vmem>>
    %dma_start3A_58 = arith.constant 0 : i32
    %dma_start3A_59 = tpu.memref_slice %arg14[%dma_start3A_52, %dma_start3A_58] : memref<256x100xi32, #tpu.memory_space<vmem>> -> memref<1x100xi32, #tpu.memory_space<vmem>>
    %dma_start3A_60 = tpu.memref_squeeze %dma_start3A_59 : memref<1x100xi32, #tpu.memory_space<vmem>> -> memref<100xi32, #tpu.memory_space<vmem>>
    %dma_start3A_61 = arith.constant 0 : i32
    %dma_start3A_62 = arith.constant 0 : i32
    %dma_start3A_63 = tpu.memref_slice %arg8[%dma_start3A_61, %dma_start3A_62] : memref<100000x16xf32, #tpu.memory_space<hbm>> -> memref<100000x16xf32, #tpu.memory_space<hbm>>
    tpu.enqueue_indirect_dma source(%dma_start3A_63 : memref<100000x16xf32, #tpu.memory_space<hbm>>) target(%dma_start3A_57 : memref<100x16xf32, #tpu.memory_space<vmem>>) offsets(%dma_start3A_60 : memref<100xi32, #tpu.memory_space<vmem>>) semaphore(%arg23 : memref<!tpu.dma_semaphore, #tpu.memory_space<semaphore_mem>>)
    %dma_wait3A = arith.constant 0 : i32
    %dma_wait3A_64 = arith.constant 0 : i32
    %dma_wait3A_65 = tpu.memref_slice %arg5[%dma_wait3A, %dma_wait3A_64] : memref<100000x128xf32, #tpu.memory_space<hbm>> -> memref<100000x128xf32, #tpu.memory_space<hbm>>
    tpu.wait_indirect_dma semaphore(%arg22 : memref<!tpu.dma_semaphore, #tpu.memory_space<semaphore_mem>>) src(%dma_wait3A_65 : memref<100000x128xf32, #tpu.memory_space<hbm>>) dst(%arg15 : memref<128x128xf32, #tpu.memory_space<vmem>>)
    %dma_wait3A_66 = arith.constant 0 : i32
    %dma_wait3A_67 = arith.constant 0 : i32
    %dma_wait3A_68 = tpu.memref_slice %arg7[%dma_wait3A_66, %dma_wait3A_67] : memref<100000x16xf32, #tpu.memory_space<hbm>> -> memref<100000x16xf32, #tpu.memory_space<hbm>>
    tpu.wait_indirect_dma semaphore(%arg22 : memref<!tpu.dma_semaphore, #tpu.memory_space<semaphore_mem>>) src(%dma_wait3A_68 : memref<100000x16xf32, #tpu.memory_space<hbm>>) dst(%arg17 : memref<128x16xf32, #tpu.memory_space<vmem>>)
    %dma_wait3A_69 = arith.constant 0 : i32
    %dma_wait3A_70 = arith.constant 0 : i32
    %dma_wait3A_71 = tpu.memref_slice %arg6[%dma_wait3A_69, %dma_wait3A_70] : memref<100000x128xf32, #tpu.memory_space<hbm>> -> memref<100000x128xf32, #tpu.memory_space<hbm>>
    tpu.wait_indirect_dma semaphore(%arg22 : memref<!tpu.dma_semaphore, #tpu.memory_space<semaphore_mem>>) src(%dma_wait3A_71 : memref<100000x128xf32, #tpu.memory_space<hbm>>) dst(%arg16 : memref<128x128xf32, #tpu.memory_space<vmem>>)
    %dma_wait3A_72 = arith.constant 0 : i32
    %dma_wait3A_73 = arith.constant 0 : i32
    %dma_wait3A_74 = tpu.memref_slice %arg8[%dma_wait3A_72, %dma_wait3A_73] : memref<100000x16xf32, #tpu.memory_space<hbm>> -> memref<100000x16xf32, #tpu.memory_space<hbm>>
    tpu.wait_indirect_dma semaphore(%arg22 : memref<!tpu.dma_semaphore, #tpu.memory_space<semaphore_mem>>) src(%dma_wait3A_74 : memref<100000x16xf32, #tpu.memory_space<hbm>>) dst(%arg18 : memref<128x16xf32, #tpu.memory_space<vmem>>)
    %iota3A = tpu.iota {dimensions = array<i32: 0>} : vector<16xi32>
    %xor3A = arith.constant 8 : i32
    %xor3A_75 = vector.broadcast %xor3A : i32 to vector<16xi32>
    %xor3A_76 = arith.xori %iota3A, %xor3A_75 : vector<16xi32>
    %xor3A_77 = arith.constant 4 : i32
    %xor3A_78 = vector.broadcast %xor3A_77 : i32 to vector<16xi32>
    %xor3A_79 = arith.xori %iota3A, %xor3A_78 : vector<16xi32>
    %xor3A_80 = arith.constant 2 : i32
    %xor3A_81 = vector.broadcast %xor3A_80 : i32 to vector<16xi32>
    %xor3A_82 = arith.xori %iota3A, %xor3A_81 : vector<16xi32>
    %xor3A_83 = arith.constant 1 : i32
    %xor3A_84 = vector.broadcast %xor3A_83 : i32 to vector<16xi32>
    %xor3A_85 = arith.xori %iota3A, %xor3A_84 : vector<16xi32>
    %broadcast_in_dim3A = arith.constant 0 : i32
    %broadcast_in_dim3A_86 = vector.broadcast %broadcast_in_dim3A : i32 to vector<16xi32>
    %broadcast_in_dim3A_87 = arith.constant 1 : i32
    %broadcast_in_dim3A_88 = vector.broadcast %broadcast_in_dim3A_87 : i32 to vector<16xi32>
    %broadcast_in_dim3A_89 = arith.constant 0.000000e+00 : f32
    %broadcast_in_dim3A_90 = vector.broadcast %broadcast_in_dim3A_89 : f32 to vector<16xf32>
    %scan3A = arith.constant 0 : i32
    %scan3A_91 = arith.constant 0 : i32
    %scan3A_92 = arith.constant 64 : i32
    %scan3A_93 = arith.addi %scan3A_91, %scan3A_92 : i32
    %scan3A_94 = arith.constant 1 : i32
    scf.for %scan3A_126 = %scan3A_91 to %scan3A_93 step %scan3A_94  : i32 {
      %mul3A_127 = arith.constant 2 : i32
      %mul3A_128 = arith.muli %mul3A_127, %scan3A_126 : i32
      %add3A_129 = arith.constant 1 : i32
      %add3A_130 = arith.addi %mul3A_128, %add3A_129 : i32
      %mul3A_131 = arith.constant 2 : i32
      %mul3A_132 = arith.muli %mul3A_131, %add3A_130 : i32
      %dma_start3A_133 = arith.constant 1 : i32
      %dma_start3A_134 = arith.constant 0 : i32
      %dma_start3A_135 = arith.constant 0 : i32
      %dma_start3A_136 = tpu.memref_slice %arg19[%dma_start3A_133, %dma_start3A_134, %dma_start3A_135] : memref<2x200x128xf32, #tpu.memory_space<vmem>> -> memref<1x100x128xf32, #tpu.memory_space<vmem>>
      %dma_start3A_137 = tpu.memref_squeeze %dma_start3A_136 : memref<1x100x128xf32, #tpu.memory_space<vmem>> -> memref<100x128xf32, #tpu.memory_space<vmem>>
      %dma_start3A_138 = arith.constant 0 : i32
      %dma_start3A_139 = tpu.memref_slice %arg14[%mul3A_132, %dma_start3A_138] : memref<256x100xi32, #tpu.memory_space<vmem>> -> memref<1x100xi32, #tpu.memory_space<vmem>>
      %dma_start3A_140 = tpu.memref_squeeze %dma_start3A_139 : memref<1x100xi32, #tpu.memory_space<vmem>> -> memref<100xi32, #tpu.memory_space<vmem>>
      %dma_start3A_141 = arith.constant 0 : i32
      %dma_start3A_142 = arith.constant 0 : i32
      %dma_start3A_143 = tpu.memref_slice %arg6[%dma_start3A_141, %dma_start3A_142] : memref<100000x128xf32, #tpu.memory_space<hbm>> -> memref<100000x128xf32, #tpu.memory_space<hbm>>
      tpu.enqueue_indirect_dma source(%dma_start3A_143 : memref<100000x128xf32, #tpu.memory_space<hbm>>) target(%dma_start3A_137 : memref<100x128xf32, #tpu.memory_space<vmem>>) offsets(%dma_start3A_140 : memref<100xi32, #tpu.memory_space<vmem>>) semaphore(%arg24 : memref<!tpu.dma_semaphore, #tpu.memory_space<semaphore_mem>>)
      %mul3A_144 = arith.constant 2 : i32
      %mul3A_145 = arith.muli %mul3A_144, %add3A_130 : i32
      %add3A_146 = arith.constant 1 : i32
      %add3A_147 = arith.addi %mul3A_145, %add3A_146 : i32
      %dma_start3A_148 = arith.constant 1 : i32
      %dma_start3A_149 = arith.constant 100 : i32
      %dma_start3A_150 = arith.constant 0 : i32
      %dma_start3A_151 = tpu.memref_slice %arg19[%dma_start3A_148, %dma_start3A_149, %dma_start3A_150] : memref<2x200x128xf32, #tpu.memory_space<vmem>> -> memref<1x100x128xf32, #tpu.memory_space<vmem>>
      %dma_start3A_152 = tpu.memref_squeeze %dma_start3A_151 : memref<1x100x128xf32, #tpu.memory_space<vmem>> -> memref<100x128xf32, #tpu.memory_space<vmem>>
      %dma_start3A_153 = arith.constant 0 : i32
      %dma_start3A_154 = tpu.memref_slice %arg14[%add3A_147, %dma_start3A_153] : memref<256x100xi32, #tpu.memory_space<vmem>> -> memref<1x100xi32, #tpu.memory_space<vmem>>
      %dma_start3A_155 = tpu.memref_squeeze %dma_start3A_154 : memref<1x100xi32, #tpu.memory_space<vmem>> -> memref<100xi32, #tpu.memory_space<vmem>>
      %dma_start3A_156 = arith.constant 0 : i32
      %dma_start3A_157 = arith.constant 0 : i32
      %dma_start3A_158 = tpu.memref_slice %arg6[%dma_start3A_156, %dma_start3A_157] : memref<100000x128xf32, #tpu.memory_space<hbm>> -> memref<100000x128xf32, #tpu.memory_space<hbm>>
      tpu.enqueue_indirect_dma source(%dma_start3A_158 : memref<100000x128xf32, #tpu.memory_space<hbm>>) target(%dma_start3A_152 : memref<100x128xf32, #tpu.memory_space<vmem>>) offsets(%dma_start3A_155 : memref<100xi32, #tpu.memory_space<vmem>>) semaphore(%arg24 : memref<!tpu.dma_semaphore, #tpu.memory_space<semaphore_mem>>)
      %mul3A_159 = arith.constant 2 : i32
      %mul3A_160 = arith.muli %mul3A_159, %add3A_130 : i32
      %dma_start3A_161 = arith.constant 1 : i32
      %dma_start3A_162 = arith.constant 0 : i32
      %dma_start3A_163 = arith.constant 0 : i32
      %dma_start3A_164 = tpu.memref_slice %arg20[%dma_start3A_161, %dma_start3A_162, %dma_start3A_163] : memref<2x200x16xf32, #tpu.memory_space<vmem>> -> memref<1x100x16xf32, #tpu.memory_space<vmem>>
      %dma_start3A_165 = tpu.memref_squeeze %dma_start3A_164 : memref<1x100x16xf32, #tpu.memory_space<vmem>> -> memref<100x16xf32, #tpu.memory_space<vmem>>
      %dma_start3A_166 = arith.constant 0 : i32
      %dma_start3A_167 = tpu.memref_slice %arg14[%mul3A_160, %dma_start3A_166] : memref<256x100xi32, #tpu.memory_space<vmem>> -> memref<1x100xi32, #tpu.memory_space<vmem>>
      %dma_start3A_168 = tpu.memref_squeeze %dma_start3A_167 : memref<1x100xi32, #tpu.memory_space<vmem>> -> memref<100xi32, #tpu.memory_space<vmem>>
      %dma_start3A_169 = arith.constant 0 : i32
      %dma_start3A_170 = arith.constant 0 : i32
      %dma_start3A_171 = tpu.memref_slice %arg8[%dma_start3A_169, %dma_start3A_170] : memref<100000x16xf32, #tpu.memory_space<hbm>> -> memref<100000x16xf32, #tpu.memory_space<hbm>>
      tpu.enqueue_indirect_dma source(%dma_start3A_171 : memref<100000x16xf32, #tpu.memory_space<hbm>>) target(%dma_start3A_165 : memref<100x16xf32, #tpu.memory_space<vmem>>) offsets(%dma_start3A_168 : memref<100xi32, #tpu.memory_space<vmem>>) semaphore(%arg24 : memref<!tpu.dma_semaphore, #tpu.memory_space<semaphore_mem>>)
      %mul3A_172 = arith.constant 2 : i32
      %mul3A_173 = arith.muli %mul3A_172, %add3A_130 : i32
      %add3A_174 = arith.constant 1 : i32
      %add3A_175 = arith.addi %mul3A_173, %add3A_174 : i32
      %dma_start3A_176 = arith.constant 1 : i32
      %dma_start3A_177 = arith.constant 100 : i32
      %dma_start3A_178 = arith.constant 0 : i32
      %dma_start3A_179 = tpu.memref_slice %arg20[%dma_start3A_176, %dma_start3A_177, %dma_start3A_178] : memref<2x200x16xf32, #tpu.memory_space<vmem>> -> memref<1x100x16xf32, #tpu.memory_space<vmem>>
      %dma_start3A_180 = tpu.memref_squeeze %dma_start3A_179 : memref<1x100x16xf32, #tpu.memory_space<vmem>> -> memref<100x16xf32, #tpu.memory_space<vmem>>
      %dma_start3A_181 = arith.constant 0 : i32
      %dma_start3A_182 = tpu.memref_slice %arg14[%add3A_175, %dma_start3A_181] : memref<256x100xi32, #tpu.memory_space<vmem>> -> memref<1x100xi32, #tpu.memory_space<vmem>>
      %dma_start3A_183 = tpu.memref_squeeze %dma_start3A_182 : memref<1x100xi32, #tpu.memory_space<vmem>> -> memref<100xi32, #tpu.memory_space<vmem>>
      %dma_start3A_184 = arith.constant 0 : i32
      %dma_start3A_185 = arith.constant 0 : i32
      %dma_start3A_186 = tpu.memref_slice %arg8[%dma_start3A_184, %dma_start3A_185] : memref<100000x16xf32, #tpu.memory_space<hbm>> -> memref<100000x16xf32, #tpu.memory_space<hbm>>
      tpu.enqueue_indirect_dma source(%dma_start3A_186 : memref<100000x16xf32, #tpu.memory_space<hbm>>) target(%dma_start3A_180 : memref<100x16xf32, #tpu.memory_space<vmem>>) offsets(%dma_start3A_183 : memref<100xi32, #tpu.memory_space<vmem>>) semaphore(%arg24 : memref<!tpu.dma_semaphore, #tpu.memory_space<semaphore_mem>>)
      %dma_wait3A_187 = arith.constant 0 : i32
      %dma_wait3A_188 = arith.constant 0 : i32
      %dma_wait3A_189 = arith.constant 0 : i32
      %dma_wait3A_190 = tpu.memref_slice %arg19[%dma_wait3A_187, %dma_wait3A_188, %dma_wait3A_189] : memref<2x200x128xf32, #tpu.memory_space<vmem>> -> memref<1x200x128xf32, #tpu.memory_space<vmem>>
      %dma_wait3A_191 = tpu.memref_squeeze %dma_wait3A_190 : memref<1x200x128xf32, #tpu.memory_space<vmem>> -> memref<200x128xf32, #tpu.memory_space<vmem>>
      %dma_wait3A_192 = arith.constant 0 : i32
      %dma_wait3A_193 = arith.constant 0 : i32
      %dma_wait3A_194 = tpu.memref_slice %arg6[%dma_wait3A_192, %dma_wait3A_193] : memref<100000x128xf32, #tpu.memory_space<hbm>> -> memref<200x128xf32, #tpu.memory_space<hbm>>
      %dma_wait3A_195 = arith.constant 0 : i32
      %dma_wait3A_196 = arith.constant 0 : i32
      %dma_wait3A_197 = tpu.memref_slice %arg19[%dma_wait3A_187, %dma_wait3A_195, %dma_wait3A_196] : memref<2x200x128xf32, #tpu.memory_space<vmem>> -> memref<1x200x128xf32, #tpu.memory_space<vmem>>
      %dma_wait3A_198 = tpu.memref_squeeze %dma_wait3A_197 : memref<1x200x128xf32, #tpu.memory_space<vmem>> -> memref<200x128xf32, #tpu.memory_space<vmem>>
      %dma_wait3A_199 = arith.constant 0 : i32
      %dma_wait3A_200 = arith.constant 0 : i32
      %dma_wait3A_201 = tpu.memref_slice %arg6[%dma_wait3A_199, %dma_wait3A_200] : memref<100000x128xf32, #tpu.memory_space<hbm>> -> memref<200x128xf32, #tpu.memory_space<hbm>>
      tpu.wait_dma2 semaphore(%arg23 : memref<!tpu.dma_semaphore, #tpu.memory_space<semaphore_mem>>) src(%dma_wait3A_201 : memref<200x128xf32, #tpu.memory_space<hbm>>) dst(%dma_wait3A_198 : memref<200x128xf32, #tpu.memory_space<vmem>>)
      %dma_wait3A_202 = arith.constant 0 : i32
      %dma_wait3A_203 = arith.constant 0 : i32
      %dma_wait3A_204 = arith.constant 0 : i32
      %dma_wait3A_205 = tpu.memref_slice %arg20[%dma_wait3A_202, %dma_wait3A_203, %dma_wait3A_204] : memref<2x200x16xf32, #tpu.memory_space<vmem>> -> memref<1x200x16xf32, #tpu.memory_space<vmem>>
      %dma_wait3A_206 = tpu.memref_squeeze %dma_wait3A_205 : memref<1x200x16xf32, #tpu.memory_space<vmem>> -> memref<200x16xf32, #tpu.memory_space<vmem>>
      %dma_wait3A_207 = arith.constant 0 : i32
      %dma_wait3A_208 = arith.constant 0 : i32
      %dma_wait3A_209 = tpu.memref_slice %arg8[%dma_wait3A_207, %dma_wait3A_208] : memref<100000x16xf32, #tpu.memory_space<hbm>> -> memref<200x16xf32, #tpu.memory_space<hbm>>
      %dma_wait3A_210 = arith.constant 0 : i32
      %dma_wait3A_211 = arith.constant 0 : i32
      %dma_wait3A_212 = tpu.memref_slice %arg20[%dma_wait3A_202, %dma_wait3A_210, %dma_wait3A_211] : memref<2x200x16xf32, #tpu.memory_space<vmem>> -> memref<1x200x16xf32, #tpu.memory_space<vmem>>
      %dma_wait3A_213 = tpu.memref_squeeze %dma_wait3A_212 : memref<1x200x16xf32, #tpu.memory_space<vmem>> -> memref<200x16xf32, #tpu.memory_space<vmem>>
      %dma_wait3A_214 = arith.constant 0 : i32
      %dma_wait3A_215 = arith.constant 0 : i32
      %dma_wait3A_216 = tpu.memref_slice %arg8[%dma_wait3A_214, %dma_wait3A_215] : memref<100000x16xf32, #tpu.memory_space<hbm>> -> memref<200x16xf32, #tpu.memory_space<hbm>>
      tpu.wait_dma2 semaphore(%arg23 : memref<!tpu.dma_semaphore, #tpu.memory_space<semaphore_mem>>) src(%dma_wait3A_216 : memref<200x16xf32, #tpu.memory_space<hbm>>) dst(%dma_wait3A_213 : memref<200x16xf32, #tpu.memory_space<vmem>>)
      %get3A = arith.index_cast %mul3A_128 : i32 to index
      %get3A_217 = arith.constant 0 : index
      %get3A_218 = tpu.vector_load %arg17[%get3A, %get3A_217] {strides = array<i32>} : memref<128x16xf32, #tpu.memory_space<vmem>>, vector<16xf32>,
      %lt3A = arith.constant 0 : i32
      %lt3A_219 = vector.broadcast %lt3A : i32 to vector<16xi32>
      %lt3A_220 = arith.cmpi slt, %broadcast_in_dim3A_86, %lt3A_219 : vector<16xi32>
      %add3A_221 = arith.constant 16 : i32
      %add3A_222 = vector.broadcast %add3A_221 : i32 to vector<16xi32>
      %add3A_223 = arith.addi %broadcast_in_dim3A_86, %add3A_222 : vector<16xi32>
      %select_n3A = arith.select %lt3A_220, %add3A_223, %broadcast_in_dim3A_86 : vector<16xi1>, vector<16xi32>
      %broadcast_in_dim3A_224 = vector.shape_cast %select_n3A : vector<16xi32> to vector<16x1xi32>
      %gather3A = vector.shape_cast %broadcast_in_dim3A_224 : vector<16x1xi32> to vector<16xi32>
      %gather3A_225 = tpu.dynamic_gather %get3A_218[%gather3A] in [0] : vector<16xf32>, vector<16xi32> -> vector<16xf32>
      %lt3A_226 = arith.constant 0 : i32
      %lt3A_227 = vector.broadcast %lt3A_226 : i32 to vector<16xi32>
      %lt3A_228 = arith.cmpi slt, %broadcast_in_dim3A_88, %lt3A_227 : vector<16xi32>
      %add3A_229 = arith.constant 16 : i32
      %add3A_230 = vector.broadcast %add3A_229 : i32 to vector<16xi32>
      %add3A_231 = arith.addi %broadcast_in_dim3A_88, %add3A_230 : vector<16xi32>
      %select_n3A_232 = arith.select %lt3A_228, %add3A_231, %broadcast_in_dim3A_88 : vector<16xi1>, vector<16xi32>
      %broadcast_in_dim3A_233 = vector.shape_cast %select_n3A_232 : vector<16xi32> to vector<16x1xi32>
      %gather3A_234 = vector.shape_cast %broadcast_in_dim3A_233 : vector<16x1xi32> to vector<16xi32>
      %gather3A_235 = tpu.dynamic_gather %get3A_218[%gather3A_234] in [0] : vector<16xf32>, vector<16xi32> -> vector<16xf32>
      %get3A_236 = arith.index_cast %mul3A_128 : i32 to index
      %get3A_237 = arith.constant 0 : index
      %get3A_238 = tpu.vector_load %arg18[%get3A_236, %get3A_237] {strides = array<i32>} : memref<128x16xf32, #tpu.memory_space<vmem>>, vector<16xf32>,
      %lt3A_239 = arith.constant 0 : i32
      %lt3A_240 = vector.broadcast %lt3A_239 : i32 to vector<16xi32>
      %lt3A_241 = arith.cmpi slt, %broadcast_in_dim3A_86, %lt3A_240 : vector<16xi32>
      %add3A_242 = arith.constant 16 : i32
      %add3A_243 = vector.broadcast %add3A_242 : i32 to vector<16xi32>
      %add3A_244 = arith.addi %broadcast_in_dim3A_86, %add3A_243 : vector<16xi32>
      %select_n3A_245 = arith.select %lt3A_241, %add3A_244, %broadcast_in_dim3A_86 : vector<16xi1>, vector<16xi32>
      %broadcast_in_dim3A_246 = vector.shape_cast %select_n3A_245 : vector<16xi32> to vector<16x1xi32>
      %gather3A_247 = vector.shape_cast %broadcast_in_dim3A_246 : vector<16x1xi32> to vector<16xi32>
      %gather3A_248 = tpu.dynamic_gather %get3A_238[%gather3A_247] in [0] : vector<16xf32>, vector<16xi32> -> vector<16xf32>
      %lt3A_249 = arith.constant 0 : i32
      %lt3A_250 = vector.broadcast %lt3A_249 : i32 to vector<16xi32>
      %lt3A_251 = arith.cmpi slt, %broadcast_in_dim3A_88, %lt3A_250 : vector<16xi32>
      %add3A_252 = arith.constant 16 : i32
      %add3A_253 = vector.broadcast %add3A_252 : i32 to vector<16xi32>
      %add3A_254 = arith.addi %broadcast_in_dim3A_88, %add3A_253 : vector<16xi32>
      %select_n3A_255 = arith.select %lt3A_251, %add3A_254, %broadcast_in_dim3A_88 : vector<16xi1>, vector<16xi32>
      %broadcast_in_dim3A_256 = vector.shape_cast %select_n3A_255 : vector<16xi32> to vector<16x1xi32>
      %gather3A_257 = vector.shape_cast %broadcast_in_dim3A_256 : vector<16x1xi32> to vector<16xi32>
      %gather3A_258 = tpu.dynamic_gather %get3A_238[%gather3A_257] in [0] : vector<16xf32>, vector<16xi32> -> vector<16xf32>
      %get3A_259 = arith.index_cast %mul3A_128 : i32 to index
      %get3A_260 = arith.constant 0 : index
      %get3A_261 = tpu.vector_load %arg15[%get3A_259, %get3A_260] {strides = array<i32>} : memref<128x128xf32, #tpu.memory_space<vmem>>, vector<16xf32>,
      %get3A_262 = arith.index_cast %mul3A_128 : i32 to index
      %get3A_263 = arith.constant 16 : index
      %get3A_264 = tpu.vector_load %arg15[%get3A_262, %get3A_263] {strides = array<i32>} : memref<128x128xf32, #tpu.memory_space<vmem>>, vector<16xf32>,
      %get3A_265 = arith.index_cast %mul3A_128 : i32 to index
      %get3A_266 = arith.constant 32 : index
      %get3A_267 = tpu.vector_load %arg15[%get3A_265, %get3A_266] {strides = array<i32>} : memref<128x128xf32, #tpu.memory_space<vmem>>, vector<16xf32>,
      %get3A_268 = arith.index_cast %mul3A_128 : i32 to index
      %get3A_269 = arith.constant 48 : index
      %get3A_270 = tpu.vector_load %arg15[%get3A_268, %get3A_269] {strides = array<i32>} : memref<128x128xf32, #tpu.memory_space<vmem>>, vector<16xf32>,
      %get3A_271 = arith.index_cast %mul3A_128 : i32 to index
      %get3A_272 = arith.constant 64 : index
      %get3A_273 = tpu.vector_load %arg15[%get3A_271, %get3A_272] {strides = array<i32>} : memref<128x128xf32, #tpu.memory_space<vmem>>, vector<16xf32>,
      %get3A_274 = arith.index_cast %mul3A_128 : i32 to index
      %get3A_275 = arith.constant 80 : index
      %get3A_276 = tpu.vector_load %arg15[%get3A_274, %get3A_275] {strides = array<i32>} : memref<128x128xf32, #tpu.memory_space<vmem>>, vector<16xf32>,
      %get3A_277 = arith.index_cast %mul3A_128 : i32 to index
      %get3A_278 = arith.constant 96 : index
      %get3A_279 = tpu.vector_load %arg15[%get3A_277, %get3A_278] {strides = array<i32>} : memref<128x128xf32, #tpu.memory_space<vmem>>, vector<16xf32>,
      %get3A_280 = arith.index_cast %mul3A_128 : i32 to index
      %get3A_281 = arith.constant 112 : index
      %get3A_282 = tpu.vector_load %arg15[%get3A_280, %get3A_281] {strides = array<i32>} : memref<128x128xf32, #tpu.memory_space<vmem>>, vector<16xf32>,
      %mul3A_283 = arith.mulf %gather3A_235, %get3A_261 : vector<16xf32>
      %mul3A_284 = arith.mulf %gather3A_235, %get3A_264 : vector<16xf32>
      %mul3A_285 = arith.mulf %gather3A_235, %get3A_267 : vector<16xf32>
      %mul3A_286 = arith.mulf %gather3A_235, %get3A_270 : vector<16xf32>
      %mul3A_287 = arith.mulf %gather3A_235, %get3A_273 : vector<16xf32>
      %mul3A_288 = arith.mulf %gather3A_235, %get3A_276 : vector<16xf32>
      %mul3A_289 = arith.mulf %gather3A_235, %get3A_279 : vector<16xf32>
      %mul3A_290 = arith.mulf %gather3A_235, %get3A_282 : vector<16xf32>
      %get3A_291 = arith.index_cast %mul3A_128 : i32 to index
      %get3A_292 = arith.constant 0 : index
      %get3A_293 = tpu.vector_load %arg16[%get3A_291, %get3A_292] {strides = array<i32>} : memref<128x128xf32, #tpu.memory_space<vmem>>, vector<16xf32>,
      %get3A_294 = arith.index_cast %mul3A_128 : i32 to index
      %get3A_295 = arith.constant 16 : index
      %get3A_296 = tpu.vector_load %arg16[%get3A_294, %get3A_295] {strides = array<i32>} : memref<128x128xf32, #tpu.memory_space<vmem>>, vector<16xf32>,
      %get3A_297 = arith.index_cast %mul3A_128 : i32 to index
      %get3A_298 = arith.constant 32 : index
      %get3A_299 = tpu.vector_load %arg16[%get3A_297, %get3A_298] {strides = array<i32>} : memref<128x128xf32, #tpu.memory_space<vmem>>, vector<16xf32>,
      %get3A_300 = arith.index_cast %mul3A_128 : i32 to index
      %get3A_301 = arith.constant 48 : index
      %get3A_302 = tpu.vector_load %arg16[%get3A_300, %get3A_301] {strides = array<i32>} : memref<128x128xf32, #tpu.memory_space<vmem>>, vector<16xf32>,
      %get3A_303 = arith.index_cast %mul3A_128 : i32 to index
      %get3A_304 = arith.constant 64 : index
      %get3A_305 = tpu.vector_load %arg16[%get3A_303, %get3A_304] {strides = array<i32>} : memref<128x128xf32, #tpu.memory_space<vmem>>, vector<16xf32>,
      %get3A_306 = arith.index_cast %mul3A_128 : i32 to index
      %get3A_307 = arith.constant 80 : index
      %get3A_308 = tpu.vector_load %arg16[%get3A_306, %get3A_307] {strides = array<i32>} : memref<128x128xf32, #tpu.memory_space<vmem>>, vector<16xf32>,
      %get3A_309 = arith.index_cast %mul3A_128 : i32 to index
      %get3A_310 = arith.constant 96 : index
      %get3A_311 = tpu.vector_load %arg16[%get3A_309, %get3A_310] {strides = array<i32>} : memref<128x128xf32, #tpu.memory_space<vmem>>, vector<16xf32>,
      %get3A_312 = arith.index_cast %mul3A_128 : i32 to index
      %get3A_313 = arith.constant 112 : index
      %get3A_314 = tpu.vector_load %arg16[%get3A_312, %get3A_313] {strides = array<i32>} : memref<128x128xf32, #tpu.memory_space<vmem>>, vector<16xf32>,
      %mul3A_315 = arith.mulf %gather3A_258, %get3A_293 : vector<16xf32>
      %mul3A_316 = arith.mulf %gather3A_258, %get3A_296 : vector<16xf32>
      %mul3A_317 = arith.mulf %gather3A_258, %get3A_299 : vector<16xf32>
      %mul3A_318 = arith.mulf %gather3A_258, %get3A_302 : vector<16xf32>
      %mul3A_319 = arith.mulf %gather3A_258, %get3A_305 : vector<16xf32>
      %mul3A_320 = arith.mulf %gather3A_258, %get3A_308 : vector<16xf32>
      %mul3A_321 = arith.mulf %gather3A_258, %get3A_311 : vector<16xf32>
      %mul3A_322 = arith.mulf %gather3A_258, %get3A_314 : vector<16xf32>
      %swap3A = arith.index_cast %mul3A_128 : i32 to index
      %swap3A_323 = arith.constant 0 : index
      %swap3A_324 = tpu.vector_load %arg15[%swap3A, %swap3A_323] {strides = array<i32>} : memref<128x128xf32, #tpu.memory_space<vmem>>, vector<16xf32>,
      tpu.vector_store %arg15[%swap3A, %swap3A_323], %mul3A_283 {strides = array<i32>} : memref<128x128xf32, #tpu.memory_space<vmem>>, vector<16xf32>,
      %swap3A_325 = arith.index_cast %mul3A_128 : i32 to index
      %swap3A_326 = arith.constant 0 : index
      %swap3A_327 = tpu.vector_load %arg16[%swap3A_325, %swap3A_326] {strides = array<i32>} : memref<128x128xf32, #tpu.memory_space<vmem>>, vector<16xf32>,
      tpu.vector_store %arg16[%swap3A_325, %swap3A_326], %mul3A_315 {strides = array<i32>} : memref<128x128xf32, #tpu.memory_space<vmem>>, vector<16xf32>,
      %swap3A_328 = arith.index_cast %mul3A_128 : i32 to index
      %swap3A_329 = arith.constant 16 : index
      %swap3A_330 = tpu.vector_load %arg15[%swap3A_328, %swap3A_329] {strides = array<i32>} : memref<128x128xf32, #tpu.memory_space<vmem>>, vector<16xf32>,
      tpu.vector_store %arg15[%swap3A_328, %swap3A_329], %mul3A_284 {strides = array<i32>} : memref<128x128xf32, #tpu.memory_space<vmem>>, vector<16xf32>,
      %swap3A_331 = arith.index_cast %mul3A_128 : i32 to index
      %swap3A_332 = arith.constant 16 : index
      %swap3A_333 = tpu.vector_load %arg16[%swap3A_331, %swap3A_332] {strides = array<i32>} : memref<128x128xf32, #tpu.memory_space<vmem>>, vector<16xf32>,
      tpu.vector_store %arg16[%swap3A_331, %swap3A_332], %mul3A_316 {strides = array<i32>} : memref<128x128xf32, #tpu.memory_space<vmem>>, vector<16xf32>,
      %swap3A_334 = arith.index_cast %mul3A_128 : i32 to index
      %swap3A_335 = arith.constant 32 : index
      %swap3A_336 = tpu.vector_load %arg15[%swap3A_334, %swap3A_335] {strides = array<i32>} : memref<128x128xf32, #tpu.memory_space<vmem>>, vector<16xf32>,
      tpu.vector_store %arg15[%swap3A_334, %swap3A_335], %mul3A_285 {strides = array<i32>} : memref<128x128xf32, #tpu.memory_space<vmem>>, vector<16xf32>,
      %swap3A_337 = arith.index_cast %mul3A_128 : i32 to index
      %swap3A_338 = arith.constant 32 : index
      %swap3A_339 = tpu.vector_load %arg16[%swap3A_337, %swap3A_338] {strides = array<i32>} : memref<128x128xf32, #tpu.memory_space<vmem>>, vector<16xf32>,
      tpu.vector_store %arg16[%swap3A_337, %swap3A_338], %mul3A_317 {strides = array<i32>} : memref<128x128xf32, #tpu.memory_space<vmem>>, vector<16xf32>,
      %swap3A_340 = arith.index_cast %mul3A_128 : i32 to index
      %swap3A_341 = arith.constant 48 : index
      %swap3A_342 = tpu.vector_load %arg15[%swap3A_340, %swap3A_341] {strides = array<i32>} : memref<128x128xf32, #tpu.memory_space<vmem>>, vector<16xf32>,
      tpu.vector_store %arg15[%swap3A_340, %swap3A_341], %mul3A_286 {strides = array<i32>} : memref<128x128xf32, #tpu.memory_space<vmem>>, vector<16xf32>,
      %swap3A_343 = arith.index_cast %mul3A_128 : i32 to index
      %swap3A_344 = arith.constant 48 : index
      %swap3A_345 = tpu.vector_load %arg16[%swap3A_343, %swap3A_344] {strides = array<i32>} : memref<128x128xf32, #tpu.memory_space<vmem>>, vector<16xf32>,
      tpu.vector_store %arg16[%swap3A_343, %swap3A_344], %mul3A_318 {strides = array<i32>} : memref<128x128xf32, #tpu.memory_space<vmem>>, vector<16xf32>,
      %swap3A_346 = arith.index_cast %mul3A_128 : i32 to index
      %swap3A_347 = arith.constant 64 : index
      %swap3A_348 = tpu.vector_load %arg15[%swap3A_346, %swap3A_347] {strides = array<i32>} : memref<128x128xf32, #tpu.memory_space<vmem>>, vector<16xf32>,
      tpu.vector_store %arg15[%swap3A_346, %swap3A_347], %mul3A_287 {strides = array<i32>} : memref<128x128xf32, #tpu.memory_space<vmem>>, vector<16xf32>,
      %swap3A_349 = arith.index_cast %mul3A_128 : i32 to index
      %swap3A_350 = arith.constant 64 : index
      %swap3A_351 = tpu.vector_load %arg16[%swap3A_349, %swap3A_350] {strides = array<i32>} : memref<128x128xf32, #tpu.memory_space<vmem>>, vector<16xf32>,
      tpu.vector_store %arg16[%swap3A_349, %swap3A_350], %mul3A_319 {strides = array<i32>} : memref<128x128xf32, #tpu.memory_space<vmem>>, vector<16xf32>,
      %swap3A_352 = arith.index_cast %mul3A_128 : i32 to index
      %swap3A_353 = arith.constant 80 : index
      %swap3A_354 = tpu.vector_load %arg15[%swap3A_352, %swap3A_353] {strides = array<i32>} : memref<128x128xf32, #tpu.memory_space<vmem>>, vector<16xf32>,
      tpu.vector_store %arg15[%swap3A_352, %swap3A_353], %mul3A_288 {strides = array<i32>} : memref<128x128xf32, #tpu.memory_space<vmem>>, vector<16xf32>,
      %swap3A_355 = arith.index_cast %mul3A_128 : i32 to index
      %swap3A_356 = arith.constant 80 : index
      %swap3A_357 = tpu.vector_load %arg16[%swap3A_355, %swap3A_356] {strides = array<i32>} : memref<128x128xf32, #tpu.memory_space<vmem>>, vector<16xf32>,
      tpu.vector_store %arg16[%swap3A_355, %swap3A_356], %mul3A_320 {strides = array<i32>} : memref<128x128xf32, #tpu.memory_space<vmem>>, vector<16xf32>,
      %swap3A_358 = arith.index_cast %mul3A_128 : i32 to index
      %swap3A_359 = arith.constant 96 : index
      %swap3A_360 = tpu.vector_load %arg15[%swap3A_358, %swap3A_359] {strides = array<i32>} : memref<128x128xf32, #tpu.memory_space<vmem>>, vector<16xf32>,
      tpu.vector_store %arg15[%swap3A_358, %swap3A_359], %mul3A_289 {strides = array<i32>} : memref<128x128xf32, #tpu.memory_space<vmem>>, vector<16xf32>,
      %swap3A_361 = arith.index_cast %mul3A_128 : i32 to index
      %swap3A_362 = arith.constant 96 : index
      %swap3A_363 = tpu.vector_load %arg16[%swap3A_361, %swap3A_362] {strides = array<i32>} : memref<128x128xf32, #tpu.memory_space<vmem>>, vector<16xf32>,
      tpu.vector_store %arg16[%swap3A_361, %swap3A_362], %mul3A_321 {strides = array<i32>} : memref<128x128xf32, #tpu.memory_space<vmem>>, vector<16xf32>,
      %swap3A_364 = arith.index_cast %mul3A_128 : i32 to index
      %swap3A_365 = arith.constant 112 : index
      %swap3A_366 = tpu.vector_load %arg15[%swap3A_364, %swap3A_365] {strides = array<i32>} : memref<128x128xf32, #tpu.memory_space<vmem>>, vector<16xf32>,
      tpu.vector_store %arg15[%swap3A_364, %swap3A_365], %mul3A_290 {strides = array<i32>} : memref<128x128xf32, #tpu.memory_space<vmem>>, vector<16xf32>,
      %swap3A_367 = arith.index_cast %mul3A_128 : i32 to index
      %swap3A_368 = arith.constant 112 : index
      %swap3A_369 = tpu.vector_load %arg16[%swap3A_367, %swap3A_368] {strides = array<i32>} : memref<128x128xf32, #tpu.memory_space<vmem>>, vector<16xf32>,
      tpu.vector_store %arg16[%swap3A_367, %swap3A_368], %mul3A_322 {strides = array<i32>} : memref<128x128xf32, #tpu.memory_space<vmem>>, vector<16xf32>,
      %add3A_370 = arith.addf %gather3A_225, %gather3A_248 : vector<16xf32>
      %mul3A_371 = arith.mulf %mul3A_283, %mul3A_315 : vector<16xf32>
      %mul3A_372 = arith.mulf %mul3A_284, %mul3A_316 : vector<16xf32>
      %add3A_373 = arith.addf %mul3A_371, %mul3A_372 : vector<16xf32>
      %mul3A_374 = arith.mulf %mul3A_285, %mul3A_317 : vector<16xf32>
      %add3A_375 = arith.addf %add3A_373, %mul3A_374 : vector<16xf32>
      %mul3A_376 = arith.mulf %mul3A_286, %mul3A_318 : vector<16xf32>
      %add3A_377 = arith.addf %add3A_375, %mul3A_376 : vector<16xf32>
      %mul3A_378 = arith.mulf %mul3A_287, %mul3A_319 : vector<16xf32>
      %add3A_379 = arith.addf %add3A_377, %mul3A_378 : vector<16xf32>
      %mul3A_380 = arith.mulf %mul3A_288, %mul3A_320 : vector<16xf32>
      %add3A_381 = arith.addf %add3A_379, %mul3A_380 : vector<16xf32>
      %mul3A_382 = arith.mulf %mul3A_289, %mul3A_321 : vector<16xf32>
      %add3A_383 = arith.addf %add3A_381, %mul3A_382 : vector<16xf32>
      %mul3A_384 = arith.mulf %mul3A_290, %mul3A_322 : vector<16xf32>
      %add3A_385 = arith.addf %add3A_383, %mul3A_384 : vector<16xf32>
      %lt3A_386 = arith.constant 0 : i32
      %lt3A_387 = vector.broadcast %lt3A_386 : i32 to vector<16xi32>
      %lt3A_388 = arith.cmpi slt, %xor3A_76, %lt3A_387 : vector<16xi32>
      %add3A_389 = arith.constant 16 : i32
      %add3A_390 = vector.broadcast %add3A_389 : i32 to vector<16xi32>
      %add3A_391 = arith.addi %xor3A_76, %add3A_390 : vector<16xi32>
      %select_n3A_392 = arith.select %lt3A_388, %add3A_391, %xor3A_76 : vector<16xi1>, vector<16xi32>
      %broadcast_in_dim3A_393 = vector.shape_cast %select_n3A_392 : vector<16xi32> to vector<16x1xi32>
      %gather3A_394 = vector.shape_cast %broadcast_in_dim3A_393 : vector<16x1xi32> to vector<16xi32>
      %gather3A_395 = tpu.dynamic_gather %add3A_385[%gather3A_394] in [0] : vector<16xf32>, vector<16xi32> -> vector<16xf32>
      %add3A_396 = arith.addf %add3A_385, %gather3A_395 : vector<16xf32>
      %lt3A_397 = arith.constant 0 : i32
      %lt3A_398 = vector.broadcast %lt3A_397 : i32 to vector<16xi32>
      %lt3A_399 = arith.cmpi slt, %xor3A_79, %lt3A_398 : vector<16xi32>
      %add3A_400 = arith.constant 16 : i32
      %add3A_401 = vector.broadcast %add3A_400 : i32 to vector<16xi32>
      %add3A_402 = arith.addi %xor3A_79, %add3A_401 : vector<16xi32>
      %select_n3A_403 = arith.select %lt3A_399, %add3A_402, %xor3A_79 : vector<16xi1>, vector<16xi32>
      %broadcast_in_dim3A_404 = vector.shape_cast %select_n3A_403 : vector<16xi32> to vector<16x1xi32>
      %gather3A_405 = vector.shape_cast %broadcast_in_dim3A_404 : vector<16x1xi32> to vector<16xi32>
      %gather3A_406 = tpu.dynamic_gather %add3A_396[%gather3A_405] in [0] : vector<16xf32>, vector<16xi32> -> vector<16xf32>
      %add3A_407 = arith.addf %add3A_396, %gather3A_406 : vector<16xf32>
      %lt3A_408 = arith.constant 0 : i32
      %lt3A_409 = vector.broadcast %lt3A_408 : i32 to vector<16xi32>
      %lt3A_410 = arith.cmpi slt, %xor3A_82, %lt3A_409 : vector<16xi32>
      %add3A_411 = arith.constant 16 : i32
      %add3A_412 = vector.broadcast %add3A_411 : i32 to vector<16xi32>
      %add3A_413 = arith.addi %xor3A_82, %add3A_412 : vector<16xi32>
      %select_n3A_414 = arith.select %lt3A_410, %add3A_413, %xor3A_82 : vector<16xi1>, vector<16xi32>
      %broadcast_in_dim3A_415 = vector.shape_cast %select_n3A_414 : vector<16xi32> to vector<16x1xi32>
      %gather3A_416 = vector.shape_cast %broadcast_in_dim3A_415 : vector<16x1xi32> to vector<16xi32>
      %gather3A_417 = tpu.dynamic_gather %add3A_407[%gather3A_416] in [0] : vector<16xf32>, vector<16xi32> -> vector<16xf32>
      %add3A_418 = arith.addf %add3A_407, %gather3A_417 : vector<16xf32>
      %lt3A_419 = arith.constant 0 : i32
      %lt3A_420 = vector.broadcast %lt3A_419 : i32 to vector<16xi32>
      %lt3A_421 = arith.cmpi slt, %xor3A_85, %lt3A_420 : vector<16xi32>
      %add3A_422 = arith.constant 16 : i32
      %add3A_423 = vector.broadcast %add3A_422 : i32 to vector<16xi32>
      %add3A_424 = arith.addi %xor3A_85, %add3A_423 : vector<16xi32>
      %select_n3A_425 = arith.select %lt3A_421, %add3A_424, %xor3A_85 : vector<16xi1>, vector<16xi32>
      %broadcast_in_dim3A_426 = vector.shape_cast %select_n3A_425 : vector<16xi32> to vector<16x1xi32>
      %gather3A_427 = vector.shape_cast %broadcast_in_dim3A_426 : vector<16x1xi32> to vector<16xi32>
      %gather3A_428 = tpu.dynamic_gather %add3A_418[%gather3A_427] in [0] : vector<16xf32>, vector<16xi32> -> vector<16xf32>
      %add3A_429 = arith.addf %add3A_418, %gather3A_428 : vector<16xf32>
      %mul3A_430 = arith.constant 2.000000e+00 : f32
      %mul3A_431 = vector.broadcast %mul3A_430 : f32 to vector<16xf32>
      %mul3A_432 = arith.mulf %mul3A_431, %add3A_429 : vector<16xf32>
      %sub3A = arith.subf %add3A_370, %mul3A_432 : vector<16xf32>
      %add3A_433 = arith.constant 5.000000e-01 : f32
      %add3A_434 = vector.broadcast %add3A_433 : f32 to vector<16xf32>
      %add3A_435 = arith.addf %add3A_434, %sub3A : vector<16xf32>
      %sub3A_436 = arith.subf %add3A_435, %gather3A_225 : vector<16xf32>
      %scan3A_437 = arith.constant 0 : i32
      %scan3A_438 = arith.constant 50 : i32
      %scan3A_439 = arith.addi %scan3A_437, %scan3A_438 : i32
      %scan3A_440 = arith.constant 1 : i32
      %scan3A_441:8 = scf.for %scan3A_802 = %scan3A_437 to %scan3A_439 step %scan3A_440 iter_args(%scan3A_803 = %broadcast_in_dim3A_90, %scan3A_804 = %broadcast_in_dim3A_90, %scan3A_805 = %broadcast_in_dim3A_90, %scan3A_806 = %broadcast_in_dim3A_90, %scan3A_807 = %broadcast_in_dim3A_90, %scan3A_808 = %broadcast_in_dim3A_90, %scan3A_809 = %broadcast_in_dim3A_90, %scan3A_810 = %broadcast_in_dim3A_90) -> (vector<16xf32>, vector<16xf32>, vector<16xf32>, vector<16xf32>, vector<16xf32>, vector<16xf32>, vector<16xf32>, vector<16xf32>)  : i32 {
        %mul3A_811 = arith.constant 4 : i32
        %mul3A_812 = arith.muli %mul3A_811, %scan3A_802 : i32
        %add3A_813 = arith.constant 0 : i32
        %add3A_814 = arith.addi %mul3A_812, %add3A_813 : i32
        %get3A_815 = arith.constant 0 : i32
        %get3A_816 = arith.constant 0 : i32
        %get3A_817 = arith.constant 0 : i32
        %get3A_818 = tpu.memref_slice %arg19[%get3A_815, %get3A_816, %get3A_817] : memref<2x200x128xf32, #tpu.memory_space<vmem>> -> memref<1x200x128xf32, #tpu.memory_space<vmem>>
        %get3A_819 = tpu.memref_squeeze %get3A_818 : memref<1x200x128xf32, #tpu.memory_space<vmem>> -> memref<200x128xf32, #tpu.memory_space<vmem>>
        %get3A_820 = arith.index_cast %add3A_814 : i32 to index
        %get3A_821 = arith.constant 0 : index
        %get3A_822 = tpu.vector_load %get3A_819[%get3A_820, %get3A_821] {strides = array<i32>} : memref<200x128xf32, #tpu.memory_space<vmem>>, vector<16xf32>,
        %get3A_823 = arith.constant 0 : i32
        %get3A_824 = arith.constant 0 : i32
        %get3A_825 = arith.constant 0 : i32
        %get3A_826 = tpu.memref_slice %arg19[%get3A_823, %get3A_824, %get3A_825] : memref<2x200x128xf32, #tpu.memory_space<vmem>> -> memref<1x200x128xf32, #tpu.memory_space<vmem>>
        %get3A_827 = tpu.memref_squeeze %get3A_826 : memref<1x200x128xf32, #tpu.memory_space<vmem>> -> memref<200x128xf32, #tpu.memory_space<vmem>>
        %get3A_828 = arith.index_cast %add3A_814 : i32 to index
        %get3A_829 = arith.constant 16 : index
        %get3A_830 = tpu.vector_load %get3A_827[%get3A_828, %get3A_829] {strides = array<i32>} : memref<200x128xf32, #tpu.memory_space<vmem>>, vector<16xf32>,
        %get3A_831 = arith.constant 0 : i32
        %get3A_832 = arith.constant 0 : i32
        %get3A_833 = arith.constant 0 : i32
        %get3A_834 = tpu.memref_slice %arg19[%get3A_831, %get3A_832, %get3A_833] : memref<2x200x128xf32, #tpu.memory_space<vmem>> -> memref<1x200x128xf32, #tpu.memory_space<vmem>>
        %get3A_835 = tpu.memref_squeeze %get3A_834 : memref<1x200x128xf32, #tpu.memory_space<vmem>> -> memref<200x128xf32, #tpu.memory_space<vmem>>
        %get3A_836 = arith.index_cast %add3A_814 : i32 to index
        %get3A_837 = arith.constant 32 : index
        %get3A_838 = tpu.vector_load %get3A_835[%get3A_836, %get3A_837] {strides = array<i32>} : memref<200x128xf32, #tpu.memory_space<vmem>>, vector<16xf32>,
        %get3A_839 = arith.constant 0 : i32
        %get3A_840 = arith.constant 0 : i32
        %get3A_841 = arith.constant 0 : i32
        %get3A_842 = tpu.memref_slice %arg19[%get3A_839, %get3A_840, %get3A_841] : memref<2x200x128xf32, #tpu.memory_space<vmem>> -> memref<1x200x128xf32, #tpu.memory_space<vmem>>
        %get3A_843 = tpu.memref_squeeze %get3A_842 : memref<1x200x128xf32, #tpu.memory_space<vmem>> -> memref<200x128xf32, #tpu.memory_space<vmem>>
        %get3A_844 = arith.index_cast %add3A_814 : i32 to index
        %get3A_845 = arith.constant 48 : index
        %get3A_846 = tpu.vector_load %get3A_843[%get3A_844, %get3A_845] {strides = array<i32>} : memref<200x128xf32, #tpu.memory_space<vmem>>, vector<16xf32>,
        %get3A_847 = arith.constant 0 : i32
        %get3A_848 = arith.constant 0 : i32
        %get3A_849 = arith.constant 0 : i32
        %get3A_850 = tpu.memref_slice %arg19[%get3A_847, %get3A_848, %get3A_849] : memref<2x200x128xf32, #tpu.memory_space<vmem>> -> memref<1x200x128xf32, #tpu.memory_space<vmem>>
        %get3A_851 = tpu.memref_squeeze %get3A_850 : memref<1x200x128xf32, #tpu.memory_space<vmem>> -> memref<200x128xf32, #tpu.memory_space<vmem>>
        %get3A_852 = arith.index_cast %add3A_814 : i32 to index
        %get3A_853 = arith.constant 64 : index
        %get3A_854 = tpu.vector_load %get3A_851[%get3A_852, %get3A_853] {strides = array<i32>} : memref<200x128xf32, #tpu.memory_space<vmem>>, vector<16xf32>,
        %get3A_855 = arith.constant 0 : i32
        %get3A_856 = arith.constant 0 : i32
        %get3A_857 = arith.constant 0 : i32
        %get3A_858 = tpu.memref_slice %arg19[%get3A_855, %get3A_856, %get3A_857] : memref<2x200x128xf32, #tpu.memory_space<vmem>> -> memref<1x200x128xf32, #tpu.memory_space<vmem>>
        %get3A_859 = tpu.memref_squeeze %get3A_858 : memref<1x200x128xf32, #tpu.memory_space<vmem>> -> memref<200x128xf32, #tpu.memory_space<vmem>>
        %get3A_860 = arith.index_cast %add3A_814 : i32 to index
        %get3A_861 = arith.constant 80 : index
        %get3A_862 = tpu.vector_load %get3A_859[%get3A_860, %get3A_861] {strides = array<i32>} : memref<200x128xf32, #tpu.memory_space<vmem>>, vector<16xf32>,
        %get3A_863 = arith.constant 0 : i32
        %get3A_864 = arith.constant 0 : i32
        %get3A_865 = arith.constant 0 : i32
        %get3A_866 = tpu.memref_slice %arg19[%get3A_863, %get3A_864, %get3A_865] : memref<2x200x128xf32, #tpu.memory_space<vmem>> -> memref<1x200x128xf32, #tpu.memory_space<vmem>>
        %get3A_867 = tpu.memref_squeeze %get3A_866 : memref<1x200x128xf32, #tpu.memory_space<vmem>> -> memref<200x128xf32, #tpu.memory_space<vmem>>
        %get3A_868 = arith.index_cast %add3A_814 : i32 to index
        %get3A_869 = arith.constant 96 : index
        %get3A_870 = tpu.vector_load %get3A_867[%get3A_868, %get3A_869] {strides = array<i32>} : memref<200x128xf32, #tpu.memory_space<vmem>>, vector<16xf32>,
        %get3A_871 = arith.constant 0 : i32
        %get3A_872 = arith.constant 0 : i32
        %get3A_873 = arith.constant 0 : i32
        %get3A_874 = tpu.memref_slice %arg19[%get3A_871, %get3A_872, %get3A_873] : memref<2x200x128xf32, #tpu.memory_space<vmem>> -> memref<1x200x128xf32, #tpu.memory_space<vmem>>
        %get3A_875 = tpu.memref_squeeze %get3A_874 : memref<1x200x128xf32, #tpu.memory_space<vmem>> -> memref<200x128xf32, #tpu.memory_space<vmem>>
        %get3A_876 = arith.index_cast %add3A_814 : i32 to index
        %get3A_877 = arith.constant 112 : index
        %get3A_878 = tpu.vector_load %get3A_875[%get3A_876, %get3A_877] {strides = array<i32>} : memref<200x128xf32, #tpu.memory_space<vmem>>, vector<16xf32>,
        %get3A_879 = arith.constant 0 : i32
        %get3A_880 = arith.index_cast %get3A_879 : i32 to index
        %get3A_881 = arith.index_cast %add3A_814 : i32 to index
        %get3A_882 = arith.constant 0 : index
        %get3A_883 = tpu.vector_load %arg20[%get3A_880, %get3A_881, %get3A_882] {strides = array<i32>} : memref<2x200x16xf32, #tpu.memory_space<vmem>>, vector<16xf32>,
        %mul3A_884 = arith.mulf %mul3A_283, %get3A_822 : vector<16xf32>
        %mul3A_885 = arith.mulf %mul3A_284, %get3A_830 : vector<16xf32>
        %add3A_886 = arith.addf %mul3A_884, %mul3A_885 : vector<16xf32>
        %mul3A_887 = arith.mulf %mul3A_285, %get3A_838 : vector<16xf32>
        %add3A_888 = arith.addf %add3A_886, %mul3A_887 : vector<16xf32>
        %mul3A_889 = arith.mulf %mul3A_286, %get3A_846 : vector<16xf32>
        %add3A_890 = arith.addf %add3A_888, %mul3A_889 : vector<16xf32>
        %mul3A_891 = arith.mulf %mul3A_287, %get3A_854 : vector<16xf32>
        %add3A_892 = arith.addf %add3A_890, %mul3A_891 : vector<16xf32>
        %mul3A_893 = arith.mulf %mul3A_288, %get3A_862 : vector<16xf32>
        %add3A_894 = arith.addf %add3A_892, %mul3A_893 : vector<16xf32>
        %mul3A_895 = arith.mulf %mul3A_289, %get3A_870 : vector<16xf32>
        %add3A_896 = arith.addf %add3A_894, %mul3A_895 : vector<16xf32>
        %mul3A_897 = arith.mulf %mul3A_290, %get3A_878 : vector<16xf32>
        %add3A_898 = arith.addf %add3A_896, %mul3A_897 : vector<16xf32>
        %lt3A_899 = arith.constant 0 : i32
        %lt3A_900 = vector.broadcast %lt3A_899 : i32 to vector<16xi32>
        %lt3A_901 = arith.cmpi slt, %xor3A_76, %lt3A_900 : vector<16xi32>
        %add3A_902 = arith.constant 16 : i32
        %add3A_903 = vector.broadcast %add3A_902 : i32 to vector<16xi32>
        %add3A_904 = arith.addi %xor3A_76, %add3A_903 : vector<16xi32>
        %select_n3A_905 = arith.select %lt3A_901, %add3A_904, %xor3A_76 : vector<16xi1>, vector<16xi32>
        %broadcast_in_dim3A_906 = vector.shape_cast %select_n3A_905 : vector<16xi32> to vector<16x1xi32>
        %gather3A_907 = vector.shape_cast %broadcast_in_dim3A_906 : vector<16x1xi32> to vector<16xi32>
        %gather3A_908 = tpu.dynamic_gather %add3A_898[%gather3A_907] in [0] : vector<16xf32>, vector<16xi32> -> vector<16xf32>
        %add3A_909 = arith.addf %add3A_898, %gather3A_908 : vector<16xf32>
        %lt3A_910 = arith.constant 0 : i32
        %lt3A_911 = vector.broadcast %lt3A_910 : i32 to vector<16xi32>
        %lt3A_912 = arith.cmpi slt, %xor3A_79, %lt3A_911 : vector<16xi32>
        %add3A_913 = arith.constant 16 : i32
        %add3A_914 = vector.broadcast %add3A_913 : i32 to vector<16xi32>
        %add3A_915 = arith.addi %xor3A_79, %add3A_914 : vector<16xi32>
        %select_n3A_916 = arith.select %lt3A_912, %add3A_915, %xor3A_79 : vector<16xi1>, vector<16xi32>
        %broadcast_in_dim3A_917 = vector.shape_cast %select_n3A_916 : vector<16xi32> to vector<16x1xi32>
        %gather3A_918 = vector.shape_cast %broadcast_in_dim3A_917 : vector<16x1xi32> to vector<16xi32>
        %gather3A_919 = tpu.dynamic_gather %add3A_909[%gather3A_918] in [0] : vector<16xf32>, vector<16xi32> -> vector<16xf32>
        %add3A_920 = arith.addf %add3A_909, %gather3A_919 : vector<16xf32>
        %lt3A_921 = arith.constant 0 : i32
        %lt3A_922 = vector.broadcast %lt3A_921 : i32 to vector<16xi32>
        %lt3A_923 = arith.cmpi slt, %xor3A_82, %lt3A_922 : vector<16xi32>
        %add3A_924 = arith.constant 16 : i32
        %add3A_925 = vector.broadcast %add3A_924 : i32 to vector<16xi32>
        %add3A_926 = arith.addi %xor3A_82, %add3A_925 : vector<16xi32>
        %select_n3A_927 = arith.select %lt3A_923, %add3A_926, %xor3A_82 : vector<16xi1>, vector<16xi32>
        %broadcast_in_dim3A_928 = vector.shape_cast %select_n3A_927 : vector<16xi32> to vector<16x1xi32>
        %gather3A_929 = vector.shape_cast %broadcast_in_dim3A_928 : vector<16x1xi32> to vector<16xi32>
        %gather3A_930 = tpu.dynamic_gather %add3A_920[%gather3A_929] in [0] : vector<16xf32>, vector<16xi32> -> vector<16xf32>
        %add3A_931 = arith.addf %add3A_920, %gather3A_930 : vector<16xf32>
        %lt3A_932 = arith.constant 0 : i32
        %lt3A_933 = vector.broadcast %lt3A_932 : i32 to vector<16xi32>
        %lt3A_934 = arith.cmpi slt, %xor3A_85, %lt3A_933 : vector<16xi32>
        %add3A_935 = arith.constant 16 : i32
        %add3A_936 = vector.broadcast %add3A_935 : i32 to vector<16xi32>
        %add3A_937 = arith.addi %xor3A_85, %add3A_936 : vector<16xi32>
        %select_n3A_938 = arith.select %lt3A_934, %add3A_937, %xor3A_85 : vector<16xi1>, vector<16xi32>
        %broadcast_in_dim3A_939 = vector.shape_cast %select_n3A_938 : vector<16xi32> to vector<16x1xi32>
        %gather3A_940 = vector.shape_cast %broadcast_in_dim3A_939 : vector<16x1xi32> to vector<16xi32>
        %gather3A_941 = tpu.dynamic_gather %add3A_931[%gather3A_940] in [0] : vector<16xf32>, vector<16xi32> -> vector<16xf32>
        %add3A_942 = arith.addf %add3A_931, %gather3A_941 : vector<16xf32>
        %lt3A_943 = arith.constant 0 : i32
        %lt3A_944 = vector.broadcast %lt3A_943 : i32 to vector<16xi32>
        %lt3A_945 = arith.cmpi slt, %broadcast_in_dim3A_86, %lt3A_944 : vector<16xi32>
        %add3A_946 = arith.constant 16 : i32
        %add3A_947 = vector.broadcast %add3A_946 : i32 to vector<16xi32>
        %add3A_948 = arith.addi %broadcast_in_dim3A_86, %add3A_947 : vector<16xi32>
        %select_n3A_949 = arith.select %lt3A_945, %add3A_948, %broadcast_in_dim3A_86 : vector<16xi1>, vector<16xi32>
        %broadcast_in_dim3A_950 = vector.shape_cast %select_n3A_949 : vector<16xi32> to vector<16x1xi32>
        %gather3A_951 = vector.shape_cast %broadcast_in_dim3A_950 : vector<16x1xi32> to vector<16xi32>
        %gather3A_952 = tpu.dynamic_gather %get3A_883[%gather3A_951] in [0] : vector<16xf32>, vector<16xi32> -> vector<16xf32>
        %sub3A_953 = arith.subf %sub3A_436, %gather3A_952 : vector<16xf32>
        %lt3A_954 = arith.constant 0 : i32
        %lt3A_955 = vector.broadcast %lt3A_954 : i32 to vector<16xi32>
        %lt3A_956 = arith.cmpi slt, %broadcast_in_dim3A_88, %lt3A_955 : vector<16xi32>
        %add3A_957 = arith.constant 16 : i32
        %add3A_958 = vector.broadcast %add3A_957 : i32 to vector<16xi32>
        %add3A_959 = arith.addi %broadcast_in_dim3A_88, %add3A_958 : vector<16xi32>
        %select_n3A_960 = arith.select %lt3A_956, %add3A_959, %broadcast_in_dim3A_88 : vector<16xi1>, vector<16xi32>
        %broadcast_in_dim3A_961 = vector.shape_cast %select_n3A_960 : vector<16xi32> to vector<16x1xi32>
        %gather3A_962 = vector.shape_cast %broadcast_in_dim3A_961 : vector<16x1xi32> to vector<16xi32>
        %gather3A_963 = tpu.dynamic_gather %get3A_883[%gather3A_962] in [0] : vector<16xf32>, vector<16xi32> -> vector<16xf32>
        %mul3A_964 = arith.constant 2.000000e+00 : f32
        %mul3A_965 = vector.broadcast %mul3A_964 : f32 to vector<16xf32>
        %mul3A_966 = arith.mulf %mul3A_965, %gather3A_963 : vector<16xf32>
        %mul3A_967 = arith.mulf %mul3A_966, %add3A_942 : vector<16xf32>
        %add3A_968 = arith.addf %sub3A_953, %mul3A_967 : vector<16xf32>
        %max3A = arith.maximumf %add3A_968, %broadcast_in_dim3A_90 : vector<16xf32>
        %add3A_969 = arith.addf %scan3A_803, %max3A : vector<16xf32>
        %le3A = arith.constant 0.000000e+00 : f32
        %le3A_970 = vector.broadcast %le3A : f32 to vector<16xf32>
        %le3A_971 = arith.cmpf ole, %add3A_968, %le3A_970 : vector<16xf32>
        %jit3A_972 = arith.constant 1.000000e+00 : f32
        %jit3A_973 = arith.constant 0.000000e+00 : f32
        %broadcast_in_dim3A_974 = vector.broadcast %jit3A_972 : f32 to vector<16xf32>
        %broadcast_in_dim3A_975 = vector.broadcast %jit3A_973 : f32 to vector<16xf32>
        %select_n3A_976 = arith.select %le3A_971, %broadcast_in_dim3A_974, %broadcast_in_dim3A_975 : vector<16xi1>, vector<16xf32>
        %add3A_977 = arith.addf %scan3A_807, %select_n3A_976 : vector<16xf32>
        %mul3A_978 = arith.constant 4 : i32
        %mul3A_979 = arith.muli %mul3A_978, %scan3A_802 : i32
        %add3A_980 = arith.constant 1 : i32
        %add3A_981 = arith.addi %mul3A_979, %add3A_980 : i32
        %get3A_982 = arith.constant 0 : i32
        %get3A_983 = arith.constant 0 : i32
        %get3A_984 = arith.constant 0 : i32
        %get3A_985 = tpu.memref_slice %arg19[%get3A_982, %get3A_983, %get3A_984] : memref<2x200x128xf32, #tpu.memory_space<vmem>> -> memref<1x200x128xf32, #tpu.memory_space<vmem>>
        %get3A_986 = tpu.memref_squeeze %get3A_985 : memref<1x200x128xf32, #tpu.memory_space<vmem>> -> memref<200x128xf32, #tpu.memory_space<vmem>>
        %get3A_987 = arith.index_cast %add3A_981 : i32 to index
        %get3A_988 = arith.constant 0 : index
        %get3A_989 = tpu.vector_load %get3A_986[%get3A_987, %get3A_988] {strides = array<i32>} : memref<200x128xf32, #tpu.memory_space<vmem>>, vector<16xf32>,
        %get3A_990 = arith.constant 0 : i32
        %get3A_991 = arith.constant 0 : i32
        %get3A_992 = arith.constant 0 : i32
        %get3A_993 = tpu.memref_slice %arg19[%get3A_990, %get3A_991, %get3A_992] : memref<2x200x128xf32, #tpu.memory_space<vmem>> -> memref<1x200x128xf32, #tpu.memory_space<vmem>>
        %get3A_994 = tpu.memref_squeeze %get3A_993 : memref<1x200x128xf32, #tpu.memory_space<vmem>> -> memref<200x128xf32, #tpu.memory_space<vmem>>
        %get3A_995 = arith.index_cast %add3A_981 : i32 to index
        %get3A_996 = arith.constant 16 : index
        %get3A_997 = tpu.vector_load %get3A_994[%get3A_995, %get3A_996] {strides = array<i32>} : memref<200x128xf32, #tpu.memory_space<vmem>>, vector<16xf32>,
        %get3A_998 = arith.constant 0 : i32
        %get3A_999 = arith.constant 0 : i32
        %get3A_1000 = arith.constant 0 : i32
        %get3A_1001 = tpu.memref_slice %arg19[%get3A_998, %get3A_999, %get3A_1000] : memref<2x200x128xf32, #tpu.memory_space<vmem>> -> memref<1x200x128xf32, #tpu.memory_space<vmem>>
        %get3A_1002 = tpu.memref_squeeze %get3A_1001 : memref<1x200x128xf32, #tpu.memory_space<vmem>> -> memref<200x128xf32, #tpu.memory_space<vmem>>
        %get3A_1003 = arith.index_cast %add3A_981 : i32 to index
        %get3A_1004 = arith.constant 32 : index
        %get3A_1005 = tpu.vector_load %get3A_1002[%get3A_1003, %get3A_1004] {strides = array<i32>} : memref<200x128xf32, #tpu.memory_space<vmem>>, vector<16xf32>,
        %get3A_1006 = arith.constant 0 : i32
        %get3A_1007 = arith.constant 0 : i32
        %get3A_1008 = arith.constant 0 : i32
        %get3A_1009 = tpu.memref_slice %arg19[%get3A_1006, %get3A_1007, %get3A_1008] : memref<2x200x128xf32, #tpu.memory_space<vmem>> -> memref<1x200x128xf32, #tpu.memory_space<vmem>>
        %get3A_1010 = tpu.memref_squeeze %get3A_1009 : memref<1x200x128xf32, #tpu.memory_space<vmem>> -> memref<200x128xf32, #tpu.memory_space<vmem>>
        %get3A_1011 = arith.index_cast %add3A_981 : i32 to index
        %get3A_1012 = arith.constant 48 : index
        %get3A_1013 = tpu.vector_load %get3A_1010[%get3A_1011, %get3A_1012] {strides = array<i32>} : memref<200x128xf32, #tpu.memory_space<vmem>>, vector<16xf32>,
        %get3A_1014 = arith.constant 0 : i32
        %get3A_1015 = arith.constant 0 : i32
        %get3A_1016 = arith.constant 0 : i32
        %get3A_1017 = tpu.memref_slice %arg19[%get3A_1014, %get3A_1015, %get3A_1016] : memref<2x200x128xf32, #tpu.memory_space<vmem>> -> memref<1x200x128xf32, #tpu.memory_space<vmem>>
        %get3A_1018 = tpu.memref_squeeze %get3A_1017 : memref<1x200x128xf32, #tpu.memory_space<vmem>> -> memref<200x128xf32, #tpu.memory_space<vmem>>
        %get3A_1019 = arith.index_cast %add3A_981 : i32 to index
        %get3A_1020 = arith.constant 64 : index
        %get3A_1021 = tpu.vector_load %get3A_1018[%get3A_1019, %get3A_1020] {strides = array<i32>} : memref<200x128xf32, #tpu.memory_space<vmem>>, vector<16xf32>,
        %get3A_1022 = arith.constant 0 : i32
        %get3A_1023 = arith.constant 0 : i32
        %get3A_1024 = arith.constant 0 : i32
        %get3A_1025 = tpu.memref_slice %arg19[%get3A_1022, %get3A_1023, %get3A_1024] : memref<2x200x128xf32, #tpu.memory_space<vmem>> -> memref<1x200x128xf32, #tpu.memory_space<vmem>>
        %get3A_1026 = tpu.memref_squeeze %get3A_1025 : memref<1x200x128xf32, #tpu.memory_space<vmem>> -> memref<200x128xf32, #tpu.memory_space<vmem>>
        %get3A_1027 = arith.index_cast %add3A_981 : i32 to index
        %get3A_1028 = arith.constant 80 : index
        %get3A_1029 = tpu.vector_load %get3A_1026[%get3A_1027, %get3A_1028] {strides = array<i32>} : memref<200x128xf32, #tpu.memory_space<vmem>>, vector<16xf32>,
        %get3A_1030 = arith.constant 0 : i32
        %get3A_1031 = arith.constant 0 : i32
        %get3A_1032 = arith.constant 0 : i32
        %get3A_1033 = tpu.memref_slice %arg19[%get3A_1030, %get3A_1031, %get3A_1032] : memref<2x200x128xf32, #tpu.memory_space<vmem>> -> memref<1x200x128xf32, #tpu.memory_space<vmem>>
        %get3A_1034 = tpu.memref_squeeze %get3A_1033 : memref<1x200x128xf32, #tpu.memory_space<vmem>> -> memref<200x128xf32, #tpu.memory_space<vmem>>
        %get3A_1035 = arith.index_cast %add3A_981 : i32 to index
        %get3A_1036 = arith.constant 96 : index
        %get3A_1037 = tpu.vector_load %get3A_1034[%get3A_1035, %get3A_1036] {strides = array<i32>} : memref<200x128xf32, #tpu.memory_space<vmem>>, vector<16xf32>,
        %get3A_1038 = arith.constant 0 : i32
        %get3A_1039 = arith.constant 0 : i32
        %get3A_1040 = arith.constant 0 : i32
        %get3A_1041 = tpu.memref_slice %arg19[%get3A_1038, %get3A_1039, %get3A_1040] : memref<2x200x128xf32, #tpu.memory_space<vmem>> -> memref<1x200x128xf32, #tpu.memory_space<vmem>>
        %get3A_1042 = tpu.memref_squeeze %get3A_1041 : memref<1x200x128xf32, #tpu.memory_space<vmem>> -> memref<200x128xf32, #tpu.memory_space<vmem>>
        %get3A_1043 = arith.index_cast %add3A_981 : i32 to index
        %get3A_1044 = arith.constant 112 : index
        %get3A_1045 = tpu.vector_load %get3A_1042[%get3A_1043, %get3A_1044] {strides = array<i32>} : memref<200x128xf32, #tpu.memory_space<vmem>>, vector<16xf32>,
        %get3A_1046 = arith.constant 0 : i32
        %get3A_1047 = arith.index_cast %get3A_1046 : i32 to index
        %get3A_1048 = arith.index_cast %add3A_981 : i32 to index
        %get3A_1049 = arith.constant 0 : index
        %get3A_1050 = tpu.vector_load %arg20[%get3A_1047, %get3A_1048, %get3A_1049] {strides = array<i32>} : memref<2x200x16xf32, #tpu.memory_space<vmem>>, vector<16xf32>,
        %mul3A_1051 = arith.mulf %mul3A_283, %get3A_989 : vector<16xf32>
        %mul3A_1052 = arith.mulf %mul3A_284, %get3A_997 : vector<16xf32>
        %add3A_1053 = arith.addf %mul3A_1051, %mul3A_1052 : vector<16xf32>
        %mul3A_1054 = arith.mulf %mul3A_285, %get3A_1005 : vector<16xf32>
        %add3A_1055 = arith.addf %add3A_1053, %mul3A_1054 : vector<16xf32>
        %mul3A_1056 = arith.mulf %mul3A_286, %get3A_1013 : vector<16xf32>
        %add3A_1057 = arith.addf %add3A_1055, %mul3A_1056 : vector<16xf32>
        %mul3A_1058 = arith.mulf %mul3A_287, %get3A_1021 : vector<16xf32>
        %add3A_1059 = arith.addf %add3A_1057, %mul3A_1058 : vector<16xf32>
        %mul3A_1060 = arith.mulf %mul3A_288, %get3A_1029 : vector<16xf32>
        %add3A_1061 = arith.addf %add3A_1059, %mul3A_1060 : vector<16xf32>
        %mul3A_1062 = arith.mulf %mul3A_289, %get3A_1037 : vector<16xf32>
        %add3A_1063 = arith.addf %add3A_1061, %mul3A_1062 : vector<16xf32>
        %mul3A_1064 = arith.mulf %mul3A_290, %get3A_1045 : vector<16xf32>
        %add3A_1065 = arith.addf %add3A_1063, %mul3A_1064 : vector<16xf32>
        %lt3A_1066 = arith.constant 0 : i32
        %lt3A_1067 = vector.broadcast %lt3A_1066 : i32 to vector<16xi32>
        %lt3A_1068 = arith.cmpi slt, %xor3A_76, %lt3A_1067 : vector<16xi32>
        %add3A_1069 = arith.constant 16 : i32
        %add3A_1070 = vector.broadcast %add3A_1069 : i32 to vector<16xi32>
        %add3A_1071 = arith.addi %xor3A_76, %add3A_1070 : vector<16xi32>
        %select_n3A_1072 = arith.select %lt3A_1068, %add3A_1071, %xor3A_76 : vector<16xi1>, vector<16xi32>
        %broadcast_in_dim3A_1073 = vector.shape_cast %select_n3A_1072 : vector<16xi32> to vector<16x1xi32>
        %gather3A_1074 = vector.shape_cast %broadcast_in_dim3A_1073 : vector<16x1xi32> to vector<16xi32>
        %gather3A_1075 = tpu.dynamic_gather %add3A_1065[%gather3A_1074] in [0] : vector<16xf32>, vector<16xi32> -> vector<16xf32>
        %add3A_1076 = arith.addf %add3A_1065, %gather3A_1075 : vector<16xf32>
        %lt3A_1077 = arith.constant 0 : i32
        %lt3A_1078 = vector.broadcast %lt3A_1077 : i32 to vector<16xi32>
        %lt3A_1079 = arith.cmpi slt, %xor3A_79, %lt3A_1078 : vector<16xi32>
        %add3A_1080 = arith.constant 16 : i32
        %add3A_1081 = vector.broadcast %add3A_1080 : i32 to vector<16xi32>
        %add3A_1082 = arith.addi %xor3A_79, %add3A_1081 : vector<16xi32>
        %select_n3A_1083 = arith.select %lt3A_1079, %add3A_1082, %xor3A_79 : vector<16xi1>, vector<16xi32>
        %broadcast_in_dim3A_1084 = vector.shape_cast %select_n3A_1083 : vector<16xi32> to vector<16x1xi32>
        %gather3A_1085 = vector.shape_cast %broadcast_in_dim3A_1084 : vector<16x1xi32> to vector<16xi32>
        %gather3A_1086 = tpu.dynamic_gather %add3A_1076[%gather3A_1085] in [0] : vector<16xf32>, vector<16xi32> -> vector<16xf32>
        %add3A_1087 = arith.addf %add3A_1076, %gather3A_1086 : vector<16xf32>
        %lt3A_1088 = arith.constant 0 : i32
        %lt3A_1089 = vector.broadcast %lt3A_1088 : i32 to vector<16xi32>
        %lt3A_1090 = arith.cmpi slt, %xor3A_82, %lt3A_1089 : vector<16xi32>
        %add3A_1091 = arith.constant 16 : i32
        %add3A_1092 = vector.broadcast %add3A_1091 : i32 to vector<16xi32>
        %add3A_1093 = arith.addi %xor3A_82, %add3A_1092 : vector<16xi32>
        %select_n3A_1094 = arith.select %lt3A_1090, %add3A_1093, %xor3A_82 : vector<16xi1>, vector<16xi32>
        %broadcast_in_dim3A_1095 = vector.shape_cast %select_n3A_1094 : vector<16xi32> to vector<16x1xi32>
        %gather3A_1096 = vector.shape_cast %broadcast_in_dim3A_1095 : vector<16x1xi32> to vector<16xi32>
        %gather3A_1097 = tpu.dynamic_gather %add3A_1087[%gather3A_1096] in [0] : vector<16xf32>, vector<16xi32> -> vector<16xf32>
        %add3A_1098 = arith.addf %add3A_1087, %gather3A_1097 : vector<16xf32>
        %lt3A_1099 = arith.constant 0 : i32
        %lt3A_1100 = vector.broadcast %lt3A_1099 : i32 to vector<16xi32>
        %lt3A_1101 = arith.cmpi slt, %xor3A_85, %lt3A_1100 : vector<16xi32>
        %add3A_1102 = arith.constant 16 : i32
        %add3A_1103 = vector.broadcast %add3A_1102 : i32 to vector<16xi32>
        %add3A_1104 = arith.addi %xor3A_85, %add3A_1103 : vector<16xi32>
        %select_n3A_1105 = arith.select %lt3A_1101, %add3A_1104, %xor3A_85 : vector<16xi1>, vector<16xi32>
        %broadcast_in_dim3A_1106 = vector.shape_cast %select_n3A_1105 : vector<16xi32> to vector<16x1xi32>
        %gather3A_1107 = vector.shape_cast %broadcast_in_dim3A_1106 : vector<16x1xi32> to vector<16xi32>
        %gather3A_1108 = tpu.dynamic_gather %add3A_1098[%gather3A_1107] in [0] : vector<16xf32>, vector<16xi32> -> vector<16xf32>
        %add3A_1109 = arith.addf %add3A_1098, %gather3A_1108 : vector<16xf32>
        %lt3A_1110 = arith.constant 0 : i32
        %lt3A_1111 = vector.broadcast %lt3A_1110 : i32 to vector<16xi32>
        %lt3A_1112 = arith.cmpi slt, %broadcast_in_dim3A_86, %lt3A_1111 : vector<16xi32>
        %add3A_1113 = arith.constant 16 : i32
        %add3A_1114 = vector.broadcast %add3A_1113 : i32 to vector<16xi32>
        %add3A_1115 = arith.addi %broadcast_in_dim3A_86, %add3A_1114 : vector<16xi32>
        %select_n3A_1116 = arith.select %lt3A_1112, %add3A_1115, %broadcast_in_dim3A_86 : vector<16xi1>, vector<16xi32>
        %broadcast_in_dim3A_1117 = vector.shape_cast %select_n3A_1116 : vector<16xi32> to vector<16x1xi32>
        %gather3A_1118 = vector.shape_cast %broadcast_in_dim3A_1117 : vector<16x1xi32> to vector<16xi32>
        %gather3A_1119 = tpu.dynamic_gather %get3A_1050[%gather3A_1118] in [0] : vector<16xf32>, vector<16xi32> -> vector<16xf32>
        %sub3A_1120 = arith.subf %sub3A_436, %gather3A_1119 : vector<16xf32>
        %lt3A_1121 = arith.constant 0 : i32
        %lt3A_1122 = vector.broadcast %lt3A_1121 : i32 to vector<16xi32>
        %lt3A_1123 = arith.cmpi slt, %broadcast_in_dim3A_88, %lt3A_1122 : vector<16xi32>
        %add3A_1124 = arith.constant 16 : i32
        %add3A_1125 = vector.broadcast %add3A_1124 : i32 to vector<16xi32>
        %add3A_1126 = arith.addi %broadcast_in_dim3A_88, %add3A_1125 : vector<16xi32>
        %select_n3A_1127 = arith.select %lt3A_1123, %add3A_1126, %broadcast_in_dim3A_88 : vector<16xi1>, vector<16xi32>
        %broadcast_in_dim3A_1128 = vector.shape_cast %select_n3A_1127 : vector<16xi32> to vector<16x1xi32>
        %gather3A_1129 = vector.shape_cast %broadcast_in_dim3A_1128 : vector<16x1xi32> to vector<16xi32>
        %gather3A_1130 = tpu.dynamic_gather %get3A_1050[%gather3A_1129] in [0] : vector<16xf32>, vector<16xi32> -> vector<16xf32>
        %mul3A_1131 = arith.constant 2.000000e+00 : f32
        %mul3A_1132 = vector.broadcast %mul3A_1131 : f32 to vector<16xf32>
        %mul3A_1133 = arith.mulf %mul3A_1132, %gather3A_1130 : vector<16xf32>
        %mul3A_1134 = arith.mulf %mul3A_1133, %add3A_1109 : vector<16xf32>
        %add3A_1135 = arith.addf %sub3A_1120, %mul3A_1134 : vector<16xf32>
        %max3A_1136 = arith.maximumf %add3A_1135, %broadcast_in_dim3A_90 : vector<16xf32>
        %add3A_1137 = arith.addf %scan3A_804, %max3A_1136 : vector<16xf32>
        %le3A_1138 = arith.constant 0.000000e+00 : f32
        %le3A_1139 = vector.broadcast %le3A_1138 : f32 to vector<16xf32>
        %le3A_1140 = arith.cmpf ole, %add3A_1135, %le3A_1139 : vector<16xf32>
        %jit3A_1141 = arith.constant 1.000000e+00 : f32
        %jit3A_1142 = arith.constant 0.000000e+00 : f32
        %broadcast_in_dim3A_1143 = vector.broadcast %jit3A_1141 : f32 to vector<16xf32>
        %broadcast_in_dim3A_1144 = vector.broadcast %jit3A_1142 : f32 to vector<16xf32>
        %select_n3A_1145 = arith.select %le3A_1140, %broadcast_in_dim3A_1143, %broadcast_in_dim3A_1144 : vector<16xi1>, vector<16xf32>
        %add3A_1146 = arith.addf %scan3A_808, %select_n3A_1145 : vector<16xf32>
        %mul3A_1147 = arith.constant 4 : i32
        %mul3A_1148 = arith.muli %mul3A_1147, %scan3A_802 : i32
        %add3A_1149 = arith.constant 2 : i32
        %add3A_1150 = arith.addi %mul3A_1148, %add3A_1149 : i32
        %get3A_1151 = arith.constant 0 : i32
        %get3A_1152 = arith.constant 0 : i32
        %get3A_1153 = arith.constant 0 : i32
        %get3A_1154 = tpu.memref_slice %arg19[%get3A_1151, %get3A_1152, %get3A_1153] : memref<2x200x128xf32, #tpu.memory_space<vmem>> -> memref<1x200x128xf32, #tpu.memory_space<vmem>>
        %get3A_1155 = tpu.memref_squeeze %get3A_1154 : memref<1x200x128xf32, #tpu.memory_space<vmem>> -> memref<200x128xf32, #tpu.memory_space<vmem>>
        %get3A_1156 = arith.index_cast %add3A_1150 : i32 to index
        %get3A_1157 = arith.constant 0 : index
        %get3A_1158 = tpu.vector_load %get3A_1155[%get3A_1156, %get3A_1157] {strides = array<i32>} : memref<200x128xf32, #tpu.memory_space<vmem>>, vector<16xf32>,
        %get3A_1159 = arith.constant 0 : i32
        %get3A_1160 = arith.constant 0 : i32
        %get3A_1161 = arith.constant 0 : i32
        %get3A_1162 = tpu.memref_slice %arg19[%get3A_1159, %get3A_1160, %get3A_1161] : memref<2x200x128xf32, #tpu.memory_space<vmem>> -> memref<1x200x128xf32, #tpu.memory_space<vmem>>
        %get3A_1163 = tpu.memref_squeeze %get3A_1162 : memref<1x200x128xf32, #tpu.memory_space<vmem>> -> memref<200x128xf32, #tpu.memory_space<vmem>>
        %get3A_1164 = arith.index_cast %add3A_1150 : i32 to index
        %get3A_1165 = arith.constant 16 : index
        %get3A_1166 = tpu.vector_load %get3A_1163[%get3A_1164, %get3A_1165] {strides = array<i32>} : memref<200x128xf32, #tpu.memory_space<vmem>>, vector<16xf32>,
        %get3A_1167 = arith.constant 0 : i32
        %get3A_1168 = arith.constant 0 : i32
        %get3A_1169 = arith.constant 0 : i32
        %get3A_1170 = tpu.memref_slice %arg19[%get3A_1167, %get3A_1168, %get3A_1169] : memref<2x200x128xf32, #tpu.memory_space<vmem>> -> memref<1x200x128xf32, #tpu.memory_space<vmem>>
        %get3A_1171 = tpu.memref_squeeze %get3A_1170 : memref<1x200x128xf32, #tpu.memory_space<vmem>> -> memref<200x128xf32, #tpu.memory_space<vmem>>
        %get3A_1172 = arith.index_cast %add3A_1150 : i32 to index
        %get3A_1173 = arith.constant 32 : index
        %get3A_1174 = tpu.vector_load %get3A_1171[%get3A_1172, %get3A_1173] {strides = array<i32>} : memref<200x128xf32, #tpu.memory_space<vmem>>, vector<16xf32>,
        %get3A_1175 = arith.constant 0 : i32
        %get3A_1176 = arith.constant 0 : i32
        %get3A_1177 = arith.constant 0 : i32
        %get3A_1178 = tpu.memref_slice %arg19[%get3A_1175, %get3A_1176, %get3A_1177] : memref<2x200x128xf32, #tpu.memory_space<vmem>> -> memref<1x200x128xf32, #tpu.memory_space<vmem>>
        %get3A_1179 = tpu.memref_squeeze %get3A_1178 : memref<1x200x128xf32, #tpu.memory_space<vmem>> -> memref<200x128xf32, #tpu.memory_space<vmem>>
        %get3A_1180 = arith.index_cast %add3A_1150 : i32 to index
        %get3A_1181 = arith.constant 48 : index
        %get3A_1182 = tpu.vector_load %get3A_1179[%get3A_1180, %get3A_1181] {strides = array<i32>} : memref<200x128xf32, #tpu.memory_space<vmem>>, vector<16xf32>,
        %get3A_1183 = arith.constant 0 : i32
        %get3A_1184 = arith.constant 0 : i32
        %get3A_1185 = arith.constant 0 : i32
        %get3A_1186 = tpu.memref_slice %arg19[%get3A_1183, %get3A_1184, %get3A_1185] : memref<2x200x128xf32, #tpu.memory_space<vmem>> -> memref<1x200x128xf32, #tpu.memory_space<vmem>>
        %get3A_1187 = tpu.memref_squeeze %get3A_1186 : memref<1x200x128xf32, #tpu.memory_space<vmem>> -> memref<200x128xf32, #tpu.memory_space<vmem>>
        %get3A_1188 = arith.index_cast %add3A_1150 : i32 to index
        %get3A_1189 = arith.constant 64 : index
        %get3A_1190 = tpu.vector_load %get3A_1187[%get3A_1188, %get3A_1189] {strides = array<i32>} : memref<200x128xf32, #tpu.memory_space<vmem>>, vector<16xf32>,
        %get3A_1191 = arith.constant 0 : i32
        %get3A_1192 = arith.constant 0 : i32
        %get3A_1193 = arith.constant 0 : i32
        %get3A_1194 = tpu.memref_slice %arg19[%get3A_1191, %get3A_1192, %get3A_1193] : memref<2x200x128xf32, #tpu.memory_space<vmem>> -> memref<1x200x128xf32, #tpu.memory_space<vmem>>
        %get3A_1195 = tpu.memref_squeeze %get3A_1194 : memref<1x200x128xf32, #tpu.memory_space<vmem>> -> memref<200x128xf32, #tpu.memory_space<vmem>>
        %get3A_1196 = arith.index_cast %add3A_1150 : i32 to index
        %get3A_1197 = arith.constant 80 : index
        %get3A_1198 = tpu.vector_load %get3A_1195[%get3A_1196, %get3A_1197] {strides = array<i32>} : memref<200x128xf32, #tpu.memory_space<vmem>>, vector<16xf32>,
        %get3A_1199 = arith.constant 0 : i32
        %get3A_1200 = arith.constant 0 : i32
        %get3A_1201 = arith.constant 0 : i32
        %get3A_1202 = tpu.memref_slice %arg19[%get3A_1199, %get3A_1200, %get3A_1201] : memref<2x200x128xf32, #tpu.memory_space<vmem>> -> memref<1x200x128xf32, #tpu.memory_space<vmem>>
        %get3A_1203 = tpu.memref_squeeze %get3A_1202 : memref<1x200x128xf32, #tpu.memory_space<vmem>> -> memref<200x128xf32, #tpu.memory_space<vmem>>
        %get3A_1204 = arith.index_cast %add3A_1150 : i32 to index
        %get3A_1205 = arith.constant 96 : index
        %get3A_1206 = tpu.vector_load %get3A_1203[%get3A_1204, %get3A_1205] {strides = array<i32>} : memref<200x128xf32, #tpu.memory_space<vmem>>, vector<16xf32>,
        %get3A_1207 = arith.constant 0 : i32
        %get3A_1208 = arith.constant 0 : i32
        %get3A_1209 = arith.constant 0 : i32
        %get3A_1210 = tpu.memref_slice %arg19[%get3A_1207, %get3A_1208, %get3A_1209] : memref<2x200x128xf32, #tpu.memory_space<vmem>> -> memref<1x200x128xf32, #tpu.memory_space<vmem>>
        %get3A_1211 = tpu.memref_squeeze %get3A_1210 : memref<1x200x128xf32, #tpu.memory_space<vmem>> -> memref<200x128xf32, #tpu.memory_space<vmem>>
        %get3A_1212 = arith.index_cast %add3A_1150 : i32 to index
        %get3A_1213 = arith.constant 112 : index
        %get3A_1214 = tpu.vector_load %get3A_1211[%get3A_1212, %get3A_1213] {strides = array<i32>} : memref<200x128xf32, #tpu.memory_space<vmem>>, vector<16xf32>,
        %get3A_1215 = arith.constant 0 : i32
        %get3A_1216 = arith.index_cast %get3A_1215 : i32 to index
        %get3A_1217 = arith.index_cast %add3A_1150 : i32 to index
        %get3A_1218 = arith.constant 0 : index
        %get3A_1219 = tpu.vector_load %arg20[%get3A_1216, %get3A_1217, %get3A_1218] {strides = array<i32>} : memref<2x200x16xf32, #tpu.memory_space<vmem>>, vector<16xf32>,
        %mul3A_1220 = arith.mulf %mul3A_283, %get3A_1158 : vector<16xf32>
        %mul3A_1221 = arith.mulf %mul3A_284, %get3A_1166 : vector<16xf32>
        %add3A_1222 = arith.addf %mul3A_1220, %mul3A_1221 : vector<16xf32>
        %mul3A_1223 = arith.mulf %mul3A_285, %get3A_1174 : vector<16xf32>
        %add3A_1224 = arith.addf %add3A_1222, %mul3A_1223 : vector<16xf32>
        %mul3A_1225 = arith.mulf %mul3A_286, %get3A_1182 : vector<16xf32>
        %add3A_1226 = arith.addf %add3A_1224, %mul3A_1225 : vector<16xf32>
        %mul3A_1227 = arith.mulf %mul3A_287, %get3A_1190 : vector<16xf32>
        %add3A_1228 = arith.addf %add3A_1226, %mul3A_1227 : vector<16xf32>
        %mul3A_1229 = arith.mulf %mul3A_288, %get3A_1198 : vector<16xf32>
        %add3A_1230 = arith.addf %add3A_1228, %mul3A_1229 : vector<16xf32>
        %mul3A_1231 = arith.mulf %mul3A_289, %get3A_1206 : vector<16xf32>
        %add3A_1232 = arith.addf %add3A_1230, %mul3A_1231 : vector<16xf32>
        %mul3A_1233 = arith.mulf %mul3A_290, %get3A_1214 : vector<16xf32>
        %add3A_1234 = arith.addf %add3A_1232, %mul3A_1233 : vector<16xf32>
        %lt3A_1235 = arith.constant 0 : i32
        %lt3A_1236 = vector.broadcast %lt3A_1235 : i32 to vector<16xi32>
        %lt3A_1237 = arith.cmpi slt, %xor3A_76, %lt3A_1236 : vector<16xi32>
        %add3A_1238 = arith.constant 16 : i32
        %add3A_1239 = vector.broadcast %add3A_1238 : i32 to vector<16xi32>
        %add3A_1240 = arith.addi %xor3A_76, %add3A_1239 : vector<16xi32>
        %select_n3A_1241 = arith.select %lt3A_1237, %add3A_1240, %xor3A_76 : vector<16xi1>, vector<16xi32>
        %broadcast_in_dim3A_1242 = vector.shape_cast %select_n3A_1241 : vector<16xi32> to vector<16x1xi32>
        %gather3A_1243 = vector.shape_cast %broadcast_in_dim3A_1242 : vector<16x1xi32> to vector<16xi32>
        %gather3A_1244 = tpu.dynamic_gather %add3A_1234[%gather3A_1243] in [0] : vector<16xf32>, vector<16xi32> -> vector<16xf32>
        %add3A_1245 = arith.addf %add3A_1234, %gather3A_1244 : vector<16xf32>
        %lt3A_1246 = arith.constant 0 : i32
        %lt3A_1247 = vector.broadcast %lt3A_1246 : i32 to vector<16xi32>
        %lt3A_1248 = arith.cmpi slt, %xor3A_79, %lt3A_1247 : vector<16xi32>
        %add3A_1249 = arith.constant 16 : i32
        %add3A_1250 = vector.broadcast %add3A_1249 : i32 to vector<16xi32>
        %add3A_1251 = arith.addi %xor3A_79, %add3A_1250 : vector<16xi32>
        %select_n3A_1252 = arith.select %lt3A_1248, %add3A_1251, %xor3A_79 : vector<16xi1>, vector<16xi32>
        %broadcast_in_dim3A_1253 = vector.shape_cast %select_n3A_1252 : vector<16xi32> to vector<16x1xi32>
        %gather3A_1254 = vector.shape_cast %broadcast_in_dim3A_1253 : vector<16x1xi32> to vector<16xi32>
        %gather3A_1255 = tpu.dynamic_gather %add3A_1245[%gather3A_1254] in [0] : vector<16xf32>, vector<16xi32> -> vector<16xf32>
        %add3A_1256 = arith.addf %add3A_1245, %gather3A_1255 : vector<16xf32>
        %lt3A_1257 = arith.constant 0 : i32
        %lt3A_1258 = vector.broadcast %lt3A_1257 : i32 to vector<16xi32>
        %lt3A_1259 = arith.cmpi slt, %xor3A_82, %lt3A_1258 : vector<16xi32>
        %add3A_1260 = arith.constant 16 : i32
        %add3A_1261 = vector.broadcast %add3A_1260 : i32 to vector<16xi32>
        %add3A_1262 = arith.addi %xor3A_82, %add3A_1261 : vector<16xi32>
        %select_n3A_1263 = arith.select %lt3A_1259, %add3A_1262, %xor3A_82 : vector<16xi1>, vector<16xi32>
        %broadcast_in_dim3A_1264 = vector.shape_cast %select_n3A_1263 : vector<16xi32> to vector<16x1xi32>
        %gather3A_1265 = vector.shape_cast %broadcast_in_dim3A_1264 : vector<16x1xi32> to vector<16xi32>
        %gather3A_1266 = tpu.dynamic_gather %add3A_1256[%gather3A_1265] in [0] : vector<16xf32>, vector<16xi32> -> vector<16xf32>
        %add3A_1267 = arith.addf %add3A_1256, %gather3A_1266 : vector<16xf32>
        %lt3A_1268 = arith.constant 0 : i32
        %lt3A_1269 = vector.broadcast %lt3A_1268 : i32 to vector<16xi32>
        %lt3A_1270 = arith.cmpi slt, %xor3A_85, %lt3A_1269 : vector<16xi32>
        %add3A_1271 = arith.constant 16 : i32
        %add3A_1272 = vector.broadcast %add3A_1271 : i32 to vector<16xi32>
        %add3A_1273 = arith.addi %xor3A_85, %add3A_1272 : vector<16xi32>
        %select_n3A_1274 = arith.select %lt3A_1270, %add3A_1273, %xor3A_85 : vector<16xi1>, vector<16xi32>
        %broadcast_in_dim3A_1275 = vector.shape_cast %select_n3A_1274 : vector<16xi32> to vector<16x1xi32>
        %gather3A_1276 = vector.shape_cast %broadcast_in_dim3A_1275 : vector<16x1xi32> to vector<16xi32>
        %gather3A_1277 = tpu.dynamic_gather %add3A_1267[%gather3A_1276] in [0] : vector<16xf32>, vector<16xi32> -> vector<16xf32>
        %add3A_1278 = arith.addf %add3A_1267, %gather3A_1277 : vector<16xf32>
        %lt3A_1279 = arith.constant 0 : i32
        %lt3A_1280 = vector.broadcast %lt3A_1279 : i32 to vector<16xi32>
        %lt3A_1281 = arith.cmpi slt, %broadcast_in_dim3A_86, %lt3A_1280 : vector<16xi32>
        %add3A_1282 = arith.constant 16 : i32
        %add3A_1283 = vector.broadcast %add3A_1282 : i32 to vector<16xi32>
        %add3A_1284 = arith.addi %broadcast_in_dim3A_86, %add3A_1283 : vector<16xi32>
        %select_n3A_1285 = arith.select %lt3A_1281, %add3A_1284, %broadcast_in_dim3A_86 : vector<16xi1>, vector<16xi32>
        %broadcast_in_dim3A_1286 = vector.shape_cast %select_n3A_1285 : vector<16xi32> to vector<16x1xi32>
        %gather3A_1287 = vector.shape_cast %broadcast_in_dim3A_1286 : vector<16x1xi32> to vector<16xi32>
        %gather3A_1288 = tpu.dynamic_gather %get3A_1219[%gather3A_1287] in [0] : vector<16xf32>, vector<16xi32> -> vector<16xf32>
        %sub3A_1289 = arith.subf %sub3A_436, %gather3A_1288 : vector<16xf32>
        %lt3A_1290 = arith.constant 0 : i32
        %lt3A_1291 = vector.broadcast %lt3A_1290 : i32 to vector<16xi32>
        %lt3A_1292 = arith.cmpi slt, %broadcast_in_dim3A_88, %lt3A_1291 : vector<16xi32>
        %add3A_1293 = arith.constant 16 : i32
        %add3A_1294 = vector.broadcast %add3A_1293 : i32 to vector<16xi32>
        %add3A_1295 = arith.addi %broadcast_in_dim3A_88, %add3A_1294 : vector<16xi32>
        %select_n3A_1296 = arith.select %lt3A_1292, %add3A_1295, %broadcast_in_dim3A_88 : vector<16xi1>, vector<16xi32>
        %broadcast_in_dim3A_1297 = vector.shape_cast %select_n3A_1296 : vector<16xi32> to vector<16x1xi32>
        %gather3A_1298 = vector.shape_cast %broadcast_in_dim3A_1297 : vector<16x1xi32> to vector<16xi32>
        %gather3A_1299 = tpu.dynamic_gather %get3A_1219[%gather3A_1298] in [0] : vector<16xf32>, vector<16xi32> -> vector<16xf32>
        %mul3A_1300 = arith.constant 2.000000e+00 : f32
        %mul3A_1301 = vector.broadcast %mul3A_1300 : f32 to vector<16xf32>
        %mul3A_1302 = arith.mulf %mul3A_1301, %gather3A_1299 : vector<16xf32>
        %mul3A_1303 = arith.mulf %mul3A_1302, %add3A_1278 : vector<16xf32>
        %add3A_1304 = arith.addf %sub3A_1289, %mul3A_1303 : vector<16xf32>
        %max3A_1305 = arith.maximumf %add3A_1304, %broadcast_in_dim3A_90 : vector<16xf32>
        %add3A_1306 = arith.addf %scan3A_805, %max3A_1305 : vector<16xf32>
        %le3A_1307 = arith.constant 0.000000e+00 : f32
        %le3A_1308 = vector.broadcast %le3A_1307 : f32 to vector<16xf32>
        %le3A_1309 = arith.cmpf ole, %add3A_1304, %le3A_1308 : vector<16xf32>
        %jit3A_1310 = arith.constant 1.000000e+00 : f32
        %jit3A_1311 = arith.constant 0.000000e+00 : f32
        %broadcast_in_dim3A_1312 = vector.broadcast %jit3A_1310 : f32 to vector<16xf32>
        %broadcast_in_dim3A_1313 = vector.broadcast %jit3A_1311 : f32 to vector<16xf32>
        %select_n3A_1314 = arith.select %le3A_1309, %broadcast_in_dim3A_1312, %broadcast_in_dim3A_1313 : vector<16xi1>, vector<16xf32>
        %add3A_1315 = arith.addf %scan3A_809, %select_n3A_1314 : vector<16xf32>
        %mul3A_1316 = arith.constant 4 : i32
        %mul3A_1317 = arith.muli %mul3A_1316, %scan3A_802 : i32
        %add3A_1318 = arith.constant 3 : i32
        %add3A_1319 = arith.addi %mul3A_1317, %add3A_1318 : i32
        %get3A_1320 = arith.constant 0 : i32
        %get3A_1321 = arith.constant 0 : i32
        %get3A_1322 = arith.constant 0 : i32
        %get3A_1323 = tpu.memref_slice %arg19[%get3A_1320, %get3A_1321, %get3A_1322] : memref<2x200x128xf32, #tpu.memory_space<vmem>> -> memref<1x200x128xf32, #tpu.memory_space<vmem>>
        %get3A_1324 = tpu.memref_squeeze %get3A_1323 : memref<1x200x128xf32, #tpu.memory_space<vmem>> -> memref<200x128xf32, #tpu.memory_space<vmem>>
        %get3A_1325 = arith.index_cast %add3A_1319 : i32 to index
        %get3A_1326 = arith.constant 0 : index
        %get3A_1327 = tpu.vector_load %get3A_1324[%get3A_1325, %get3A_1326] {strides = array<i32>} : memref<200x128xf32, #tpu.memory_space<vmem>>, vector<16xf32>,
        %get3A_1328 = arith.constant 0 : i32
        %get3A_1329 = arith.constant 0 : i32
        %get3A_1330 = arith.constant 0 : i32
        %get3A_1331 = tpu.memref_slice %arg19[%get3A_1328, %get3A_1329, %get3A_1330] : memref<2x200x128xf32, #tpu.memory_space<vmem>> -> memref<1x200x128xf32, #tpu.memory_space<vmem>>
        %get3A_1332 = tpu.memref_squeeze %get3A_1331 : memref<1x200x128xf32, #tpu.memory_space<vmem>> -> memref<200x128xf32, #tpu.memory_space<vmem>>
        %get3A_1333 = arith.index_cast %add3A_1319 : i32 to index
        %get3A_1334 = arith.constant 16 : index
        %get3A_1335 = tpu.vector_load %get3A_1332[%get3A_1333, %get3A_1334] {strides = array<i32>} : memref<200x128xf32, #tpu.memory_space<vmem>>, vector<16xf32>,
        %get3A_1336 = arith.constant 0 : i32
        %get3A_1337 = arith.constant 0 : i32
        %get3A_1338 = arith.constant 0 : i32
        %get3A_1339 = tpu.memref_slice %arg19[%get3A_1336, %get3A_1337, %get3A_1338] : memref<2x200x128xf32, #tpu.memory_space<vmem>> -> memref<1x200x128xf32, #tpu.memory_space<vmem>>
        %get3A_1340 = tpu.memref_squeeze %get3A_1339 : memref<1x200x128xf32, #tpu.memory_space<vmem>> -> memref<200x128xf32, #tpu.memory_space<vmem>>
        %get3A_1341 = arith.index_cast %add3A_1319 : i32 to index
        %get3A_1342 = arith.constant 32 : index
        %get3A_1343 = tpu.vector_load %get3A_1340[%get3A_1341, %get3A_1342] {strides = array<i32>} : memref<200x128xf32, #tpu.memory_space<vmem>>, vector<16xf32>,
        %get3A_1344 = arith.constant 0 : i32
        %get3A_1345 = arith.constant 0 : i32
        %get3A_1346 = arith.constant 0 : i32
        %get3A_1347 = tpu.memref_slice %arg19[%get3A_1344, %get3A_1345, %get3A_1346] : memref<2x200x128xf32, #tpu.memory_space<vmem>> -> memref<1x200x128xf32, #tpu.memory_space<vmem>>
        %get3A_1348 = tpu.memref_squeeze %get3A_1347 : memref<1x200x128xf32, #tpu.memory_space<vmem>> -> memref<200x128xf32, #tpu.memory_space<vmem>>
        %get3A_1349 = arith.index_cast %add3A_1319 : i32 to index
        %get3A_1350 = arith.constant 48 : index
        %get3A_1351 = tpu.vector_load %get3A_1348[%get3A_1349, %get3A_1350] {strides = array<i32>} : memref<200x128xf32, #tpu.memory_space<vmem>>, vector<16xf32>,
        %get3A_1352 = arith.constant 0 : i32
        %get3A_1353 = arith.constant 0 : i32
        %get3A_1354 = arith.constant 0 : i32
        %get3A_1355 = tpu.memref_slice %arg19[%get3A_1352, %get3A_1353, %get3A_1354] : memref<2x200x128xf32, #tpu.memory_space<vmem>> -> memref<1x200x128xf32, #tpu.memory_space<vmem>>
        %get3A_1356 = tpu.memref_squeeze %get3A_1355 : memref<1x200x128xf32, #tpu.memory_space<vmem>> -> memref<200x128xf32, #tpu.memory_space<vmem>>
        %get3A_1357 = arith.index_cast %add3A_1319 : i32 to index
        %get3A_1358 = arith.constant 64 : index
        %get3A_1359 = tpu.vector_load %get3A_1356[%get3A_1357, %get3A_1358] {strides = array<i32>} : memref<200x128xf32, #tpu.memory_space<vmem>>, vector<16xf32>,
        %get3A_1360 = arith.constant 0 : i32
        %get3A_1361 = arith.constant 0 : i32
        %get3A_1362 = arith.constant 0 : i32
        %get3A_1363 = tpu.memref_slice %arg19[%get3A_1360, %get3A_1361, %get3A_1362] : memref<2x200x128xf32, #tpu.memory_space<vmem>> -> memref<1x200x128xf32, #tpu.memory_space<vmem>>
        %get3A_1364 = tpu.memref_squeeze %get3A_1363 : memref<1x200x128xf32, #tpu.memory_space<vmem>> -> memref<200x128xf32, #tpu.memory_space<vmem>>
        %get3A_1365 = arith.index_cast %add3A_1319 : i32 to index
        %get3A_1366 = arith.constant 80 : index
        %get3A_1367 = tpu.vector_load %get3A_1364[%get3A_1365, %get3A_1366] {strides = array<i32>} : memref<200x128xf32, #tpu.memory_space<vmem>>, vector<16xf32>,
        %get3A_1368 = arith.constant 0 : i32
        %get3A_1369 = arith.constant 0 : i32
        %get3A_1370 = arith.constant 0 : i32
        %get3A_1371 = tpu.memref_slice %arg19[%get3A_1368, %get3A_1369, %get3A_1370] : memref<2x200x128xf32, #tpu.memory_space<vmem>> -> memref<1x200x128xf32, #tpu.memory_space<vmem>>
        %get3A_1372 = tpu.memref_squeeze %get3A_1371 : memref<1x200x128xf32, #tpu.memory_space<vmem>> -> memref<200x128xf32, #tpu.memory_space<vmem>>
        %get3A_1373 = arith.index_cast %add3A_1319 : i32 to index
        %get3A_1374 = arith.constant 96 : index
        %get3A_1375 = tpu.vector_load %get3A_1372[%get3A_1373, %get3A_1374] {strides = array<i32>} : memref<200x128xf32, #tpu.memory_space<vmem>>, vector<16xf32>,
        %get3A_1376 = arith.constant 0 : i32
        %get3A_1377 = arith.constant 0 : i32
        %get3A_1378 = arith.constant 0 : i32
        %get3A_1379 = tpu.memref_slice %arg19[%get3A_1376, %get3A_1377, %get3A_1378] : memref<2x200x128xf32, #tpu.memory_space<vmem>> -> memref<1x200x128xf32, #tpu.memory_space<vmem>>
        %get3A_1380 = tpu.memref_squeeze %get3A_1379 : memref<1x200x128xf32, #tpu.memory_space<vmem>> -> memref<200x128xf32, #tpu.memory_space<vmem>>
        %get3A_1381 = arith.index_cast %add3A_1319 : i32 to index
        %get3A_1382 = arith.constant 112 : index
        %get3A_1383 = tpu.vector_load %get3A_1380[%get3A_1381, %get3A_1382] {strides = array<i32>} : memref<200x128xf32, #tpu.memory_space<vmem>>, vector<16xf32>,
        %get3A_1384 = arith.constant 0 : i32
        %get3A_1385 = arith.index_cast %get3A_1384 : i32 to index
        %get3A_1386 = arith.index_cast %add3A_1319 : i32 to index
        %get3A_1387 = arith.constant 0 : index
        %get3A_1388 = tpu.vector_load %arg20[%get3A_1385, %get3A_1386, %get3A_1387] {strides = array<i32>} : memref<2x200x16xf32, #tpu.memory_space<vmem>>, vector<16xf32>,
        %mul3A_1389 = arith.mulf %mul3A_283, %get3A_1327 : vector<16xf32>
        %mul3A_1390 = arith.mulf %mul3A_284, %get3A_1335 : vector<16xf32>
        %add3A_1391 = arith.addf %mul3A_1389, %mul3A_1390 : vector<16xf32>
        %mul3A_1392 = arith.mulf %mul3A_285, %get3A_1343 : vector<16xf32>
        %add3A_1393 = arith.addf %add3A_1391, %mul3A_1392 : vector<16xf32>
        %mul3A_1394 = arith.mulf %mul3A_286, %get3A_1351 : vector<16xf32>
        %add3A_1395 = arith.addf %add3A_1393, %mul3A_1394 : vector<16xf32>
        %mul3A_1396 = arith.mulf %mul3A_287, %get3A_1359 : vector<16xf32>
        %add3A_1397 = arith.addf %add3A_1395, %mul3A_1396 : vector<16xf32>
        %mul3A_1398 = arith.mulf %mul3A_288, %get3A_1367 : vector<16xf32>
        %add3A_1399 = arith.addf %add3A_1397, %mul3A_1398 : vector<16xf32>
        %mul3A_1400 = arith.mulf %mul3A_289, %get3A_1375 : vector<16xf32>
        %add3A_1401 = arith.addf %add3A_1399, %mul3A_1400 : vector<16xf32>
        %mul3A_1402 = arith.mulf %mul3A_290, %get3A_1383 : vector<16xf32>
        %add3A_1403 = arith.addf %add3A_1401, %mul3A_1402 : vector<16xf32>
        %lt3A_1404 = arith.constant 0 : i32
        %lt3A_1405 = vector.broadcast %lt3A_1404 : i32 to vector<16xi32>
        %lt3A_1406 = arith.cmpi slt, %xor3A_76, %lt3A_1405 : vector<16xi32>
        %add3A_1407 = arith.constant 16 : i32
        %add3A_1408 = vector.broadcast %add3A_1407 : i32 to vector<16xi32>
        %add3A_1409 = arith.addi %xor3A_76, %add3A_1408 : vector<16xi32>
        %select_n3A_1410 = arith.select %lt3A_1406, %add3A_1409, %xor3A_76 : vector<16xi1>, vector<16xi32>
        %broadcast_in_dim3A_1411 = vector.shape_cast %select_n3A_1410 : vector<16xi32> to vector<16x1xi32>
        %gather3A_1412 = vector.shape_cast %broadcast_in_dim3A_1411 : vector<16x1xi32> to vector<16xi32>
        %gather3A_1413 = tpu.dynamic_gather %add3A_1403[%gather3A_1412] in [0] : vector<16xf32>, vector<16xi32> -> vector<16xf32>
        %add3A_1414 = arith.addf %add3A_1403, %gather3A_1413 : vector<16xf32>
        %lt3A_1415 = arith.constant 0 : i32
        %lt3A_1416 = vector.broadcast %lt3A_1415 : i32 to vector<16xi32>
        %lt3A_1417 = arith.cmpi slt, %xor3A_79, %lt3A_1416 : vector<16xi32>
        %add3A_1418 = arith.constant 16 : i32
        %add3A_1419 = vector.broadcast %add3A_1418 : i32 to vector<16xi32>
        %add3A_1420 = arith.addi %xor3A_79, %add3A_1419 : vector<16xi32>
        %select_n3A_1421 = arith.select %lt3A_1417, %add3A_1420, %xor3A_79 : vector<16xi1>, vector<16xi32>
        %broadcast_in_dim3A_1422 = vector.shape_cast %select_n3A_1421 : vector<16xi32> to vector<16x1xi32>
        %gather3A_1423 = vector.shape_cast %broadcast_in_dim3A_1422 : vector<16x1xi32> to vector<16xi32>
        %gather3A_1424 = tpu.dynamic_gather %add3A_1414[%gather3A_1423] in [0] : vector<16xf32>, vector<16xi32> -> vector<16xf32>
        %add3A_1425 = arith.addf %add3A_1414, %gather3A_1424 : vector<16xf32>
        %lt3A_1426 = arith.constant 0 : i32
        %lt3A_1427 = vector.broadcast %lt3A_1426 : i32 to vector<16xi32>
        %lt3A_1428 = arith.cmpi slt, %xor3A_82, %lt3A_1427 : vector<16xi32>
        %add3A_1429 = arith.constant 16 : i32
        %add3A_1430 = vector.broadcast %add3A_1429 : i32 to vector<16xi32>
        %add3A_1431 = arith.addi %xor3A_82, %add3A_1430 : vector<16xi32>
        %select_n3A_1432 = arith.select %lt3A_1428, %add3A_1431, %xor3A_82 : vector<16xi1>, vector<16xi32>
        %broadcast_in_dim3A_1433 = vector.shape_cast %select_n3A_1432 : vector<16xi32> to vector<16x1xi32>
        %gather3A_1434 = vector.shape_cast %broadcast_in_dim3A_1433 : vector<16x1xi32> to vector<16xi32>
        %gather3A_1435 = tpu.dynamic_gather %add3A_1425[%gather3A_1434] in [0] : vector<16xf32>, vector<16xi32> -> vector<16xf32>
        %add3A_1436 = arith.addf %add3A_1425, %gather3A_1435 : vector<16xf32>
        %lt3A_1437 = arith.constant 0 : i32
        %lt3A_1438 = vector.broadcast %lt3A_1437 : i32 to vector<16xi32>
        %lt3A_1439 = arith.cmpi slt, %xor3A_85, %lt3A_1438 : vector<16xi32>
        %add3A_1440 = arith.constant 16 : i32
        %add3A_1441 = vector.broadcast %add3A_1440 : i32 to vector<16xi32>
        %add3A_1442 = arith.addi %xor3A_85, %add3A_1441 : vector<16xi32>
        %select_n3A_1443 = arith.select %lt3A_1439, %add3A_1442, %xor3A_85 : vector<16xi1>, vector<16xi32>
        %broadcast_in_dim3A_1444 = vector.shape_cast %select_n3A_1443 : vector<16xi32> to vector<16x1xi32>
        %gather3A_1445 = vector.shape_cast %broadcast_in_dim3A_1444 : vector<16x1xi32> to vector<16xi32>
        %gather3A_1446 = tpu.dynamic_gather %add3A_1436[%gather3A_1445] in [0] : vector<16xf32>, vector<16xi32> -> vector<16xf32>
        %add3A_1447 = arith.addf %add3A_1436, %gather3A_1446 : vector<16xf32>
        %lt3A_1448 = arith.constant 0 : i32
        %lt3A_1449 = vector.broadcast %lt3A_1448 : i32 to vector<16xi32>
        %lt3A_1450 = arith.cmpi slt, %broadcast_in_dim3A_86, %lt3A_1449 : vector<16xi32>
        %add3A_1451 = arith.constant 16 : i32
        %add3A_1452 = vector.broadcast %add3A_1451 : i32 to vector<16xi32>
        %add3A_1453 = arith.addi %broadcast_in_dim3A_86, %add3A_1452 : vector<16xi32>
        %select_n3A_1454 = arith.select %lt3A_1450, %add3A_1453, %broadcast_in_dim3A_86 : vector<16xi1>, vector<16xi32>
        %broadcast_in_dim3A_1455 = vector.shape_cast %select_n3A_1454 : vector<16xi32> to vector<16x1xi32>
        %gather3A_1456 = vector.shape_cast %broadcast_in_dim3A_1455 : vector<16x1xi32> to vector<16xi32>
        %gather3A_1457 = tpu.dynamic_gather %get3A_1388[%gather3A_1456] in [0] : vector<16xf32>, vector<16xi32> -> vector<16xf32>
        %sub3A_1458 = arith.subf %sub3A_436, %gather3A_1457 : vector<16xf32>
        %lt3A_1459 = arith.constant 0 : i32
        %lt3A_1460 = vector.broadcast %lt3A_1459 : i32 to vector<16xi32>
        %lt3A_1461 = arith.cmpi slt, %broadcast_in_dim3A_88, %lt3A_1460 : vector<16xi32>
        %add3A_1462 = arith.constant 16 : i32
        %add3A_1463 = vector.broadcast %add3A_1462 : i32 to vector<16xi32>
        %add3A_1464 = arith.addi %broadcast_in_dim3A_88, %add3A_1463 : vector<16xi32>
        %select_n3A_1465 = arith.select %lt3A_1461, %add3A_1464, %broadcast_in_dim3A_88 : vector<16xi1>, vector<16xi32>
        %broadcast_in_dim3A_1466 = vector.shape_cast %select_n3A_1465 : vector<16xi32> to vector<16x1xi32>
        %gather3A_1467 = vector.shape_cast %broadcast_in_dim3A_1466 : vector<16x1xi32> to vector<16xi32>
        %gather3A_1468 = tpu.dynamic_gather %get3A_1388[%gather3A_1467] in [0] : vector<16xf32>, vector<16xi32> -> vector<16xf32>
        %mul3A_1469 = arith.constant 2.000000e+00 : f32
        %mul3A_1470 = vector.broadcast %mul3A_1469 : f32 to vector<16xf32>
        %mul3A_1471 = arith.mulf %mul3A_1470, %gather3A_1468 : vector<16xf32>
        %mul3A_1472 = arith.mulf %mul3A_1471, %add3A_1447 : vector<16xf32>
        %add3A_1473 = arith.addf %sub3A_1458, %mul3A_1472 : vector<16xf32>
        %max3A_1474 = arith.maximumf %add3A_1473, %broadcast_in_dim3A_90 : vector<16xf32>
        %add3A_1475 = arith.addf %scan3A_806, %max3A_1474 : vector<16xf32>
        %le3A_1476 = arith.constant 0.000000e+00 : f32
        %le3A_1477 = vector.broadcast %le3A_1476 : f32 to vector<16xf32>
        %le3A_1478 = arith.cmpf ole, %add3A_1473, %le3A_1477 : vector<16xf32>
        %jit3A_1479 = arith.constant 1.000000e+00 : f32
        %jit3A_1480 = arith.constant 0.000000e+00 : f32
        %broadcast_in_dim3A_1481 = vector.broadcast %jit3A_1479 : f32 to vector<16xf32>
        %broadcast_in_dim3A_1482 = vector.broadcast %jit3A_1480 : f32 to vector<16xf32>
        %select_n3A_1483 = arith.select %le3A_1478, %broadcast_in_dim3A_1481, %broadcast_in_dim3A_1482 : vector<16xi1>, vector<16xf32>
        %add3A_1484 = arith.addf %scan3A_810, %select_n3A_1483 : vector<16xf32>
        scf.yield %add3A_969, %add3A_1137, %add3A_1306, %add3A_1475, %add3A_977, %add3A_1146, %add3A_1315, %add3A_1484 : vector<16xf32>, vector<16xf32>, vector<16xf32>, vector<16xf32>, vector<16xf32>, vector<16xf32>, vector<16xf32>, vector<16xf32>
      }
      %scan3A_442 = arith.constant 50 : i32
      %add3A_443 = arith.addf %scan3A_441#0, %scan3A_441#1 : vector<16xf32>
      %add3A_444 = arith.addf %scan3A_441#2, %scan3A_441#3 : vector<16xf32>
      %add3A_445 = arith.addf %add3A_443, %add3A_444 : vector<16xf32>
      %add3A_446 = arith.addf %scan3A_441#4, %scan3A_441#5 : vector<16xf32>
      %add3A_447 = arith.addf %scan3A_441#6, %scan3A_441#7 : vector<16xf32>
      %add3A_448 = arith.addf %add3A_446, %add3A_447 : vector<16xf32>
      %eq3A = arith.constant 0 : i32
      %eq3A_449 = vector.broadcast %eq3A : i32 to vector<16xi32>
      %eq3A_450 = arith.cmpi eq, %iota3A, %eq3A_449 : vector<16xi32>
      %eq3A_451 = arith.constant 1 : i32
      %eq3A_452 = vector.broadcast %eq3A_451 : i32 to vector<16xi32>
      %eq3A_453 = arith.cmpi eq, %iota3A, %eq3A_452 : vector<16xi32>
      %jit3A = arith.constant 0.000000e+00 : f32
      %broadcast_in_dim3A_454 = vector.broadcast %jit3A : f32 to vector<16xf32>
      %select_n3A_455 = arith.select %eq3A_453, %add3A_448, %broadcast_in_dim3A_454 : vector<16xi1>, vector<16xf32>
      %select_n3A_456 = arith.select %eq3A_450, %add3A_445, %select_n3A_455 : vector<16xi1>, vector<16xf32>
      %swap3A_457 = arith.index_cast %mul3A_128 : i32 to index
      %swap3A_458 = arith.constant 0 : index
      %swap3A_459 = tpu.vector_load %arg21[%swap3A_457, %swap3A_458] {strides = array<i32>} : memref<128x16xf32, #tpu.memory_space<vmem>>, vector<16xf32>,
      tpu.vector_store %arg21[%swap3A_457, %swap3A_458], %select_n3A_456 {strides = array<i32>} : memref<128x16xf32, #tpu.memory_space<vmem>>, vector<16xf32>,
      %add3A_460 = arith.constant 2 : i32
      %add3A_461 = arith.addi %mul3A_128, %add3A_460 : i32
      %min3A = arith.constant 127 : i32
      %min3A_462 = arith.minsi %add3A_461, %min3A : i32
      %mul3A_463 = arith.constant 2 : i32
      %mul3A_464 = arith.muli %mul3A_463, %min3A_462 : i32
      %dma_start3A_465 = arith.constant 0 : i32
      %dma_start3A_466 = arith.constant 0 : i32
      %dma_start3A_467 = arith.constant 0 : i32
      %dma_start3A_468 = tpu.memref_slice %arg19[%dma_start3A_465, %dma_start3A_466, %dma_start3A_467] : memref<2x200x128xf32, #tpu.memory_space<vmem>> -> memref<1x100x128xf32, #tpu.memory_space<vmem>>
      %dma_start3A_469 = tpu.memref_squeeze %dma_start3A_468 : memref<1x100x128xf32, #tpu.memory_space<vmem>> -> memref<100x128xf32, #tpu.memory_space<vmem>>
      %dma_start3A_470 = arith.constant 0 : i32
      %dma_start3A_471 = tpu.memref_slice %arg14[%mul3A_464, %dma_start3A_470] : memref<256x100xi32, #tpu.memory_space<vmem>> -> memref<1x100xi32, #tpu.memory_space<vmem>>
      %dma_start3A_472 = tpu.memref_squeeze %dma_start3A_471 : memref<1x100xi32, #tpu.memory_space<vmem>> -> memref<100xi32, #tpu.memory_space<vmem>>
      %dma_start3A_473 = arith.constant 0 : i32
      %dma_start3A_474 = arith.constant 0 : i32
      %dma_start3A_475 = tpu.memref_slice %arg6[%dma_start3A_473, %dma_start3A_474] : memref<100000x128xf32, #tpu.memory_space<hbm>> -> memref<100000x128xf32, #tpu.memory_space<hbm>>
      tpu.enqueue_indirect_dma source(%dma_start3A_475 : memref<100000x128xf32, #tpu.memory_space<hbm>>) target(%dma_start3A_469 : memref<100x128xf32, #tpu.memory_space<vmem>>) offsets(%dma_start3A_472 : memref<100xi32, #tpu.memory_space<vmem>>) semaphore(%arg23 : memref<!tpu.dma_semaphore, #tpu.memory_space<semaphore_mem>>)
      %mul3A_476 = arith.constant 2 : i32
      %mul3A_477 = arith.muli %mul3A_476, %min3A_462 : i32
      %add3A_478 = arith.constant 1 : i32
      %add3A_479 = arith.addi %mul3A_477, %add3A_478 : i32
      %dma_start3A_480 = arith.constant 0 : i32
      %dma_start3A_481 = arith.constant 100 : i32
      %dma_start3A_482 = arith.constant 0 : i32
      %dma_start3A_483 = tpu.memref_slice %arg19[%dma_start3A_480, %dma_start3A_481, %dma_start3A_482] : memref<2x200x128xf32, #tpu.memory_space<vmem>> -> memref<1x100x128xf32, #tpu.memory_space<vmem>>
      %dma_start3A_484 = tpu.memref_squeeze %dma_start3A_483 : memref<1x100x128xf32, #tpu.memory_space<vmem>> -> memref<100x128xf32, #tpu.memory_space<vmem>>
      %dma_start3A_485 = arith.constant 0 : i32
      %dma_start3A_486 = tpu.memref_slice %arg14[%add3A_479, %dma_start3A_485] : memref<256x100xi32, #tpu.memory_space<vmem>> -> memref<1x100xi32, #tpu.memory_space<vmem>>
      %dma_start3A_487 = tpu.memref_squeeze %dma_start3A_486 : memref<1x100xi32, #tpu.memory_space<vmem>> -> memref<100xi32, #tpu.memory_space<vmem>>
      %dma_start3A_488 = arith.constant 0 : i32
      %dma_start3A_489 = arith.constant 0 : i32
      %dma_start3A_490 = tpu.memref_slice %arg6[%dma_start3A_488, %dma_start3A_489] : memref<100000x128xf32, #tpu.memory_space<hbm>> -> memref<100000x128xf32, #tpu.memory_space<hbm>>
      tpu.enqueue_indirect_dma source(%dma_start3A_490 : memref<100000x128xf32, #tpu.memory_space<hbm>>) target(%dma_start3A_484 : memref<100x128xf32, #tpu.memory_space<vmem>>) offsets(%dma_start3A_487 : memref<100xi32, #tpu.memory_space<vmem>>) semaphore(%arg23 : memref<!tpu.dma_semaphore, #tpu.memory_space<semaphore_mem>>)
      %mul3A_491 = arith.constant 2 : i32
      %mul3A_492 = arith.muli %mul3A_491, %min3A_462 : i32
      %dma_start3A_493 = arith.constant 0 : i32
      %dma_start3A_494 = arith.constant 0 : i32
      %dma_start3A_495 = arith.constant 0 : i32
      %dma_start3A_496 = tpu.memref_slice %arg20[%dma_start3A_493, %dma_start3A_494, %dma_start3A_495] : memref<2x200x16xf32, #tpu.memory_space<vmem>> -> memref<1x100x16xf32, #tpu.memory_space<vmem>>
      %dma_start3A_497 = tpu.memref_squeeze %dma_start3A_496 : memref<1x100x16xf32, #tpu.memory_space<vmem>> -> memref<100x16xf32, #tpu.memory_space<vmem>>
      %dma_start3A_498 = arith.constant 0 : i32
      %dma_start3A_499 = tpu.memref_slice %arg14[%mul3A_492, %dma_start3A_498] : memref<256x100xi32, #tpu.memory_space<vmem>> -> memref<1x100xi32, #tpu.memory_space<vmem>>
      %dma_start3A_500 = tpu.memref_squeeze %dma_start3A_499 : memref<1x100xi32, #tpu.memory_space<vmem>> -> memref<100xi32, #tpu.memory_space<vmem>>
      %dma_start3A_501 = arith.constant 0 : i32
      %dma_start3A_502 = arith.constant 0 : i32
      %dma_start3A_503 = tpu.memref_slice %arg8[%dma_start3A_501, %dma_start3A_502] : memref<100000x16xf32, #tpu.memory_space<hbm>> -> memref<100000x16xf32, #tpu.memory_space<hbm>>
      tpu.enqueue_indirect_dma source(%dma_start3A_503 : memref<100000x16xf32, #tpu.memory_space<hbm>>) target(%dma_start3A_497 : memref<100x16xf32, #tpu.memory_space<vmem>>) offsets(%dma_start3A_500 : memref<100xi32, #tpu.memory_space<vmem>>) semaphore(%arg23 : memref<!tpu.dma_semaphore, #tpu.memory_space<semaphore_mem>>)
      %mul3A_504 = arith.constant 2 : i32
      %mul3A_505 = arith.muli %mul3A_504, %min3A_462 : i32
      %add3A_506 = arith.constant 1 : i32
      %add3A_507 = arith.addi %mul3A_505, %add3A_506 : i32
      %dma_start3A_508 = arith.constant 0 : i32
      %dma_start3A_509 = arith.constant 100 : i32
      %dma_start3A_510 = arith.constant 0 : i32
      %dma_start3A_511 = tpu.memref_slice %arg20[%dma_start3A_508, %dma_start3A_509, %dma_start3A_510] : memref<2x200x16xf32, #tpu.memory_space<vmem>> -> memref<1x100x16xf32, #tpu.memory_space<vmem>>
      %dma_start3A_512 = tpu.memref_squeeze %dma_start3A_511 : memref<1x100x16xf32, #tpu.memory_space<vmem>> -> memref<100x16xf32, #tpu.memory_space<vmem>>
      %dma_start3A_513 = arith.constant 0 : i32
      %dma_start3A_514 = tpu.memref_slice %arg14[%add3A_507, %dma_start3A_513] : memref<256x100xi32, #tpu.memory_space<vmem>> -> memref<1x100xi32, #tpu.memory_space<vmem>>
      %dma_start3A_515 = tpu.memref_squeeze %dma_start3A_514 : memref<1x100xi32, #tpu.memory_space<vmem>> -> memref<100xi32, #tpu.memory_space<vmem>>
      %dma_start3A_516 = arith.constant 0 : i32
      %dma_start3A_517 = arith.constant 0 : i32
      %dma_start3A_518 = tpu.memref_slice %arg8[%dma_start3A_516, %dma_start3A_517] : memref<100000x16xf32, #tpu.memory_space<hbm>> -> memref<100000x16xf32, #tpu.memory_space<hbm>>
      tpu.enqueue_indirect_dma source(%dma_start3A_518 : memref<100000x16xf32, #tpu.memory_space<hbm>>) target(%dma_start3A_512 : memref<100x16xf32, #tpu.memory_space<vmem>>) offsets(%dma_start3A_515 : memref<100xi32, #tpu.memory_space<vmem>>) semaphore(%arg23 : memref<!tpu.dma_semaphore, #tpu.memory_space<semaphore_mem>>)
      %dma_wait3A_519 = arith.constant 1 : i32
      %dma_wait3A_520 = arith.constant 0 : i32
      %dma_wait3A_521 = arith.constant 0 : i32
      %dma_wait3A_522 = tpu.memref_slice %arg19[%dma_wait3A_519, %dma_wait3A_520, %dma_wait3A_521] : memref<2x200x128xf32, #tpu.memory_space<vmem>> -> memref<1x200x128xf32, #tpu.memory_space<vmem>>
      %dma_wait3A_523 = tpu.memref_squeeze %dma_wait3A_522 : memref<1x200x128xf32, #tpu.memory_space<vmem>> -> memref<200x128xf32, #tpu.memory_space<vmem>>
      %dma_wait3A_524 = arith.constant 0 : i32
      %dma_wait3A_525 = arith.constant 0 : i32
      %dma_wait3A_526 = tpu.memref_slice %arg6[%dma_wait3A_524, %dma_wait3A_525] : memref<100000x128xf32, #tpu.memory_space<hbm>> -> memref<200x128xf32, #tpu.memory_space<hbm>>
      %dma_wait3A_527 = arith.constant 0 : i32
      %dma_wait3A_528 = arith.constant 0 : i32
      %dma_wait3A_529 = tpu.memref_slice %arg19[%dma_wait3A_519, %dma_wait3A_527, %dma_wait3A_528] : memref<2x200x128xf32, #tpu.memory_space<vmem>> -> memref<1x200x128xf32, #tpu.memory_space<vmem>>
      %dma_wait3A_530 = tpu.memref_squeeze %dma_wait3A_529 : memref<1x200x128xf32, #tpu.memory_space<vmem>> -> memref<200x128xf32, #tpu.memory_space<vmem>>
      %dma_wait3A_531 = arith.constant 0 : i32
      %dma_wait3A_532 = arith.constant 0 : i32
      %dma_wait3A_533 = tpu.memref_slice %arg6[%dma_wait3A_531, %dma_wait3A_532] : memref<100000x128xf32, #tpu.memory_space<hbm>> -> memref<200x128xf32, #tpu.memory_space<hbm>>
      tpu.wait_dma2 semaphore(%arg24 : memref<!tpu.dma_semaphore, #tpu.memory_space<semaphore_mem>>) src(%dma_wait3A_533 : memref<200x128xf32, #tpu.memory_space<hbm>>) dst(%dma_wait3A_530 : memref<200x128xf32, #tpu.memory_space<vmem>>)
      %dma_wait3A_534 = arith.constant 1 : i32
      %dma_wait3A_535 = arith.constant 0 : i32
      %dma_wait3A_536 = arith.constant 0 : i32
      %dma_wait3A_537 = tpu.memref_slice %arg20[%dma_wait3A_534, %dma_wait3A_535, %dma_wait3A_536] : memref<2x200x16xf32, #tpu.memory_space<vmem>> -> memref<1x200x16xf32, #tpu.memory_space<vmem>>
      %dma_wait3A_538 = tpu.memref_squeeze %dma_wait3A_537 : memref<1x200x16xf32, #tpu.memory_space<vmem>> -> memref<200x16xf32, #tpu.memory_space<vmem>>
      %dma_wait3A_539 = arith.constant 0 : i32
      %dma_wait3A_540 = arith.constant 0 : i32
      %dma_wait3A_541 = tpu.memref_slice %arg8[%dma_wait3A_539, %dma_wait3A_540] : memref<100000x16xf32, #tpu.memory_space<hbm>> -> memref<200x16xf32, #tpu.memory_space<hbm>>
      %dma_wait3A_542 = arith.constant 0 : i32
      %dma_wait3A_543 = arith.constant 0 : i32
      %dma_wait3A_544 = tpu.memref_slice %arg20[%dma_wait3A_534, %dma_wait3A_542, %dma_wait3A_543] : memref<2x200x16xf32, #tpu.memory_space<vmem>> -> memref<1x200x16xf32, #tpu.memory_space<vmem>>
      %dma_wait3A_545 = tpu.memref_squeeze %dma_wait3A_544 : memref<1x200x16xf32, #tpu.memory_space<vmem>> -> memref<200x16xf32, #tpu.memory_space<vmem>>
      %dma_wait3A_546 = arith.constant 0 : i32
      %dma_wait3A_547 = arith.constant 0 : i32
      %dma_wait3A_548 = tpu.memref_slice %arg8[%dma_wait3A_546, %dma_wait3A_547] : memref<100000x16xf32, #tpu.memory_space<hbm>> -> memref<200x16xf32, #tpu.memory_space<hbm>>
      tpu.wait_dma2 semaphore(%arg24 : memref<!tpu.dma_semaphore, #tpu.memory_space<semaphore_mem>>) src(%dma_wait3A_548 : memref<200x16xf32, #tpu.memory_space<hbm>>) dst(%dma_wait3A_545 : memref<200x16xf32, #tpu.memory_space<vmem>>)
      %add3A_549 = arith.constant 1 : i32
      %add3A_550 = arith.addi %mul3A_128, %add3A_549 : i32
      %get3A_551 = arith.index_cast %add3A_550 : i32 to index
      %get3A_552 = arith.constant 0 : index
      %get3A_553 = tpu.vector_load %arg17[%get3A_551, %get3A_552] {strides = array<i32>} : memref<128x16xf32, #tpu.memory_space<vmem>>, vector<16xf32>,
      %lt3A_554 = arith.constant 0 : i32
      %lt3A_555 = vector.broadcast %lt3A_554 : i32 to vector<16xi32>
      %lt3A_556 = arith.cmpi slt, %broadcast_in_dim3A_86, %lt3A_555 : vector<16xi32>
      %add3A_557 = arith.constant 16 : i32
      %add3A_558 = vector.broadcast %add3A_557 : i32 to vector<16xi32>
      %add3A_559 = arith.addi %broadcast_in_dim3A_86, %add3A_558 : vector<16xi32>
      %select_n3A_560 = arith.select %lt3A_556, %add3A_559, %broadcast_in_dim3A_86 : vector<16xi1>, vector<16xi32>
      %broadcast_in_dim3A_561 = vector.shape_cast %select_n3A_560 : vector<16xi32> to vector<16x1xi32>
      %gather3A_562 = vector.shape_cast %broadcast_in_dim3A_561 : vector<16x1xi32> to vector<16xi32>
      %gather3A_563 = tpu.dynamic_gather %get3A_553[%gather3A_562] in [0] : vector<16xf32>, vector<16xi32> -> vector<16xf32>
      %lt3A_564 = arith.constant 0 : i32
      %lt3A_565 = vector.broadcast %lt3A_564 : i32 to vector<16xi32>
      %lt3A_566 = arith.cmpi slt, %broadcast_in_dim3A_88, %lt3A_565 : vector<16xi32>
      %add3A_567 = arith.constant 16 : i32
      %add3A_568 = vector.broadcast %add3A_567 : i32 to vector<16xi32>
      %add3A_569 = arith.addi %broadcast_in_dim3A_88, %add3A_568 : vector<16xi32>
      %select_n3A_570 = arith.select %lt3A_566, %add3A_569, %broadcast_in_dim3A_88 : vector<16xi1>, vector<16xi32>
      %broadcast_in_dim3A_571 = vector.shape_cast %select_n3A_570 : vector<16xi32> to vector<16x1xi32>
      %gather3A_572 = vector.shape_cast %broadcast_in_dim3A_571 : vector<16x1xi32> to vector<16xi32>
      %gather3A_573 = tpu.dynamic_gather %get3A_553[%gather3A_572] in [0] : vector<16xf32>, vector<16xi32> -> vector<16xf32>
      %get3A_574 = arith.index_cast %add3A_550 : i32 to index
      %get3A_575 = arith.constant 0 : index
      %get3A_576 = tpu.vector_load %arg18[%get3A_574, %get3A_575] {strides = array<i32>} : memref<128x16xf32, #tpu.memory_space<vmem>>, vector<16xf32>,
      %lt3A_577 = arith.constant 0 : i32
      %lt3A_578 = vector.broadcast %lt3A_577 : i32 to vector<16xi32>
      %lt3A_579 = arith.cmpi slt, %broadcast_in_dim3A_86, %lt3A_578 : vector<16xi32>
      %add3A_580 = arith.constant 16 : i32
      %add3A_581 = vector.broadcast %add3A_580 : i32 to vector<16xi32>
      %add3A_582 = arith.addi %broadcast_in_dim3A_86, %add3A_581 : vector<16xi32>
      %select_n3A_583 = arith.select %lt3A_579, %add3A_582, %broadcast_in_dim3A_86 : vector<16xi1>, vector<16xi32>
      %broadcast_in_dim3A_584 = vector.shape_cast %select_n3A_583 : vector<16xi32> to vector<16x1xi32>
      %gather3A_585 = vector.shape_cast %broadcast_in_dim3A_584 : vector<16x1xi32> to vector<16xi32>
      %gather3A_586 = tpu.dynamic_gather %get3A_576[%gather3A_585] in [0] : vector<16xf32>, vector<16xi32> -> vector<16xf32>
      %lt3A_587 = arith.constant 0 : i32
      %lt3A_588 = vector.broadcast %lt3A_587 : i32 to vector<16xi32>
      %lt3A_589 = arith.cmpi slt, %broadcast_in_dim3A_88, %lt3A_588 : vector<16xi32>
      %add3A_590 = arith.constant 16 : i32
      %add3A_591 = vector.broadcast %add3A_590 : i32 to vector<16xi32>
      %add3A_592 = arith.addi %broadcast_in_dim3A_88, %add3A_591 : vector<16xi32>
      %select_n3A_593 = arith.select %lt3A_589, %add3A_592, %broadcast_in_dim3A_88 : vector<16xi1>, vector<16xi32>
      %broadcast_in_dim3A_594 = vector.shape_cast %select_n3A_593 : vector<16xi32> to vector<16x1xi32>
      %gather3A_595 = vector.shape_cast %broadcast_in_dim3A_594 : vector<16x1xi32> to vector<16xi32>
      %gather3A_596 = tpu.dynamic_gather %get3A_576[%gather3A_595] in [0] : vector<16xf32>, vector<16xi32> -> vector<16xf32>
      %get3A_597 = arith.index_cast %add3A_550 : i32 to index
      %get3A_598 = arith.constant 0 : index
      %get3A_599 = tpu.vector_load %arg15[%get3A_597, %get3A_598] {strides = array<i32>} : memref<128x128xf32, #tpu.memory_space<vmem>>, vector<16xf32>,
      %get3A_600 = arith.index_cast %add3A_550 : i32 to index
      %get3A_601 = arith.constant 16 : index
      %get3A_602 = tpu.vector_load %arg15[%get3A_600, %get3A_601] {strides = array<i32>} : memref<128x128xf32, #tpu.memory_space<vmem>>, vector<16xf32>,
      %get3A_603 = arith.index_cast %add3A_550 : i32 to index
      %get3A_604 = arith.constant 32 : index
      %get3A_605 = tpu.vector_load %arg15[%get3A_603, %get3A_604] {strides = array<i32>} : memref<128x128xf32, #tpu.memory_space<vmem>>, vector<16xf32>,
      %get3A_606 = arith.index_cast %add3A_550 : i32 to index
      %get3A_607 = arith.constant 48 : index
      %get3A_608 = tpu.vector_load %arg15[%get3A_606, %get3A_607] {strides = array<i32>} : memref<128x128xf32, #tpu.memory_space<vmem>>, vector<16xf32>,
      %get3A_609 = arith.index_cast %add3A_550 : i32 to index
      %get3A_610 = arith.constant 64 : index
      %get3A_611 = tpu.vector_load %arg15[%get3A_609, %get3A_610] {strides = array<i32>} : memref<128x128xf32, #tpu.memory_space<vmem>>, vector<16xf32>,
      %get3A_612 = arith.index_cast %add3A_550 : i32 to index
      %get3A_613 = arith.constant 80 : index
      %get3A_614 = tpu.vector_load %arg15[%get3A_612, %get3A_613] {strides = array<i32>} : memref<128x128xf32, #tpu.memory_space<vmem>>, vector<16xf32>,
      %get3A_615 = arith.index_cast %add3A_550 : i32 to index
      %get3A_616 = arith.constant 96 : index
      %get3A_617 = tpu.vector_load %arg15[%get3A_615, %get3A_616] {strides = array<i32>} : memref<128x128xf32, #tpu.memory_space<vmem>>, vector<16xf32>,
      %get3A_618 = arith.index_cast %add3A_550 : i32 to index
      %get3A_619 = arith.constant 112 : index
      %get3A_620 = tpu.vector_load %arg15[%get3A_618, %get3A_619] {strides = array<i32>} : memref<128x128xf32, #tpu.memory_space<vmem>>, vector<16xf32>,
      %mul3A_621 = arith.mulf %gather3A_573, %get3A_599 : vector<16xf32>
      %mul3A_622 = arith.mulf %gather3A_573, %get3A_602 : vector<16xf32>
      %mul3A_623 = arith.mulf %gather3A_573, %get3A_605 : vector<16xf32>
      %mul3A_624 = arith.mulf %gather3A_573, %get3A_608 : vector<16xf32>
      %mul3A_625 = arith.mulf %gather3A_573, %get3A_611 : vector<16xf32>
      %mul3A_626 = arith.mulf %gather3A_573, %get3A_614 : vector<16xf32>
      %mul3A_627 = arith.mulf %gather3A_573, %get3A_617 : vector<16xf32>
      %mul3A_628 = arith.mulf %gather3A_573, %get3A_620 : vector<16xf32>
      %get3A_629 = arith.index_cast %add3A_550 : i32 to index
      %get3A_630 = arith.constant 0 : index
      %get3A_631 = tpu.vector_load %arg16[%get3A_629, %get3A_630] {strides = array<i32>} : memref<128x128xf32, #tpu.memory_space<vmem>>, vector<16xf32>,
      %get3A_632 = arith.index_cast %add3A_550 : i32 to index
      %get3A_633 = arith.constant 16 : index
      %get3A_634 = tpu.vector_load %arg16[%get3A_632, %get3A_633] {strides = array<i32>} : memref<128x128xf32, #tpu.memory_space<vmem>>, vector<16xf32>,
      %get3A_635 = arith.index_cast %add3A_550 : i32 to index
      %get3A_636 = arith.constant 32 : index
      %get3A_637 = tpu.vector_load %arg16[%get3A_635, %get3A_636] {strides = array<i32>} : memref<128x128xf32, #tpu.memory_space<vmem>>, vector<16xf32>,
      %get3A_638 = arith.index_cast %add3A_550 : i32 to index
      %get3A_639 = arith.constant 48 : index
      %get3A_640 = tpu.vector_load %arg16[%get3A_638, %get3A_639] {strides = array<i32>} : memref<128x128xf32, #tpu.memory_space<vmem>>, vector<16xf32>,
      %get3A_641 = arith.index_cast %add3A_550 : i32 to index
      %get3A_642 = arith.constant 64 : index
      %get3A_643 = tpu.vector_load %arg16[%get3A_641, %get3A_642] {strides = array<i32>} : memref<128x128xf32, #tpu.memory_space<vmem>>, vector<16xf32>,
      %get3A_644 = arith.index_cast %add3A_550 : i32 to index
      %get3A_645 = arith.constant 80 : index
      %get3A_646 = tpu.vector_load %arg16[%get3A_644, %get3A_645] {strides = array<i32>} : memref<128x128xf32, #tpu.memory_space<vmem>>, vector<16xf32>,
      %get3A_647 = arith.index_cast %add3A_550 : i32 to index
      %get3A_648 = arith.constant 96 : index
      %get3A_649 = tpu.vector_load %arg16[%get3A_647, %get3A_648] {strides = array<i32>} : memref<128x128xf32, #tpu.memory_space<vmem>>, vector<16xf32>,
      %get3A_650 = arith.index_cast %add3A_550 : i32 to index
      %get3A_651 = arith.constant 112 : index
      %get3A_652 = tpu.vector_load %arg16[%get3A_650, %get3A_651] {strides = array<i32>} : memref<128x128xf32, #tpu.memory_space<vmem>>, vector<16xf32>,
      %mul3A_653 = arith.mulf %gather3A_596, %get3A_631 : vector<16xf32>
      %mul3A_654 = arith.mulf %gather3A_596, %get3A_634 : vector<16xf32>
      %mul3A_655 = arith.mulf %gather3A_596, %get3A_637 : vector<16xf32>
      %mul3A_656 = arith.mulf %gather3A_596, %get3A_640 : vector<16xf32>
      %mul3A_657 = arith.mulf %gather3A_596, %get3A_643 : vector<16xf32>
      %mul3A_658 = arith.mulf %gather3A_596, %get3A_646 : vector<16xf32>
      %mul3A_659 = arith.mulf %gather3A_596, %get3A_649 : vector<16xf32>
      %mul3A_660 = arith.mulf %gather3A_596, %get3A_652 : vector<16xf32>
      %swap3A_661 = arith.index_cast %add3A_550 : i32 to index
      %swap3A_662 = arith.constant 0 : index
      %swap3A_663 = tpu.vector_load %arg15[%swap3A_661, %swap3A_662] {strides = array<i32>} : memref<128x128xf32, #tpu.memory_space<vmem>>, vector<16xf32>,
      tpu.vector_store %arg15[%swap3A_661, %swap3A_662], %mul3A_621 {strides = array<i32>} : memref<128x128xf32, #tpu.memory_space<vmem>>, vector<16xf32>,
      %swap3A_664 = arith.index_cast %add3A_550 : i32 to index
      %swap3A_665 = arith.constant 0 : index
      %swap3A_666 = tpu.vector_load %arg16[%swap3A_664, %swap3A_665] {strides = array<i32>} : memref<128x128xf32, #tpu.memory_space<vmem>>, vector<16xf32>,
      tpu.vector_store %arg16[%swap3A_664, %swap3A_665], %mul3A_653 {strides = array<i32>} : memref<128x128xf32, #tpu.memory_space<vmem>>, vector<16xf32>,
      %swap3A_667 = arith.index_cast %add3A_550 : i32 to index
      %swap3A_668 = arith.constant 16 : index
      %swap3A_669 = tpu.vector_load %arg15[%swap3A_667, %swap3A_668] {strides = array<i32>} : memref<128x128xf32, #tpu.memory_space<vmem>>, vector<16xf32>,
      tpu.vector_store %arg15[%swap3A_667, %swap3A_668], %mul3A_622 {strides = array<i32>} : memref<128x128xf32, #tpu.memory_space<vmem>>, vector<16xf32>,
      %swap3A_670 = arith.index_cast %add3A_550 : i32 to index
      %swap3A_671 = arith.constant 16 : index
      %swap3A_672 = tpu.vector_load %arg16[%swap3A_670, %swap3A_671] {strides = array<i32>} : memref<128x128xf32, #tpu.memory_space<vmem>>, vector<16xf32>,
      tpu.vector_store %arg16[%swap3A_670, %swap3A_671], %mul3A_654 {strides = array<i32>} : memref<128x128xf32, #tpu.memory_space<vmem>>, vector<16xf32>,
      %swap3A_673 = arith.index_cast %add3A_550 : i32 to index
      %swap3A_674 = arith.constant 32 : index
      %swap3A_675 = tpu.vector_load %arg15[%swap3A_673, %swap3A_674] {strides = array<i32>} : memref<128x128xf32, #tpu.memory_space<vmem>>, vector<16xf32>,
      tpu.vector_store %arg15[%swap3A_673, %swap3A_674], %mul3A_623 {strides = array<i32>} : memref<128x128xf32, #tpu.memory_space<vmem>>, vector<16xf32>,
      %swap3A_676 = arith.index_cast %add3A_550 : i32 to index
      %swap3A_677 = arith.constant 32 : index
      %swap3A_678 = tpu.vector_load %arg16[%swap3A_676, %swap3A_677] {strides = array<i32>} : memref<128x128xf32, #tpu.memory_space<vmem>>, vector<16xf32>,
      tpu.vector_store %arg16[%swap3A_676, %swap3A_677], %mul3A_655 {strides = array<i32>} : memref<128x128xf32, #tpu.memory_space<vmem>>, vector<16xf32>,
      %swap3A_679 = arith.index_cast %add3A_550 : i32 to index
      %swap3A_680 = arith.constant 48 : index
      %swap3A_681 = tpu.vector_load %arg15[%swap3A_679, %swap3A_680] {strides = array<i32>} : memref<128x128xf32, #tpu.memory_space<vmem>>, vector<16xf32>,
      tpu.vector_store %arg15[%swap3A_679, %swap3A_680], %mul3A_624 {strides = array<i32>} : memref<128x128xf32, #tpu.memory_space<vmem>>, vector<16xf32>,
      %swap3A_682 = arith.index_cast %add3A_550 : i32 to index
      %swap3A_683 = arith.constant 48 : index
      %swap3A_684 = tpu.vector_load %arg16[%swap3A_682, %swap3A_683] {strides = array<i32>} : memref<128x128xf32, #tpu.memory_space<vmem>>, vector<16xf32>,
      tpu.vector_store %arg16[%swap3A_682, %swap3A_683], %mul3A_656 {strides = array<i32>} : memref<128x128xf32, #tpu.memory_space<vmem>>, vector<16xf32>,
      %swap3A_685 = arith.index_cast %add3A_550 : i32 to index
      %swap3A_686 = arith.constant 64 : index
      %swap3A_687 = tpu.vector_load %arg15[%swap3A_685, %swap3A_686] {strides = array<i32>} : memref<128x128xf32, #tpu.memory_space<vmem>>, vector<16xf32>,
      tpu.vector_store %arg15[%swap3A_685, %swap3A_686], %mul3A_625 {strides = array<i32>} : memref<128x128xf32, #tpu.memory_space<vmem>>, vector<16xf32>,
      %swap3A_688 = arith.index_cast %add3A_550 : i32 to index
      %swap3A_689 = arith.constant 64 : index
      %swap3A_690 = tpu.vector_load %arg16[%swap3A_688, %swap3A_689] {strides = array<i32>} : memref<128x128xf32, #tpu.memory_space<vmem>>, vector<16xf32>,
      tpu.vector_store %arg16[%swap3A_688, %swap3A_689], %mul3A_657 {strides = array<i32>} : memref<128x128xf32, #tpu.memory_space<vmem>>, vector<16xf32>,
      %swap3A_691 = arith.index_cast %add3A_550 : i32 to index
      %swap3A_692 = arith.constant 80 : index
      %swap3A_693 = tpu.vector_load %arg15[%swap3A_691, %swap3A_692] {strides = array<i32>} : memref<128x128xf32, #tpu.memory_space<vmem>>, vector<16xf32>,
      tpu.vector_store %arg15[%swap3A_691, %swap3A_692], %mul3A_626 {strides = array<i32>} : memref<128x128xf32, #tpu.memory_space<vmem>>, vector<16xf32>,
      %swap3A_694 = arith.index_cast %add3A_550 : i32 to index
      %swap3A_695 = arith.constant 80 : index
      %swap3A_696 = tpu.vector_load %arg16[%swap3A_694, %swap3A_695] {strides = array<i32>} : memref<128x128xf32, #tpu.memory_space<vmem>>, vector<16xf32>,
      tpu.vector_store %arg16[%swap3A_694, %swap3A_695], %mul3A_658 {strides = array<i32>} : memref<128x128xf32, #tpu.memory_space<vmem>>, vector<16xf32>,
      %swap3A_697 = arith.index_cast %add3A_550 : i32 to index
      %swap3A_698 = arith.constant 96 : index
      %swap3A_699 = tpu.vector_load %arg15[%swap3A_697, %swap3A_698] {strides = array<i32>} : memref<128x128xf32, #tpu.memory_space<vmem>>, vector<16xf32>,
      tpu.vector_store %arg15[%swap3A_697, %swap3A_698], %mul3A_627 {strides = array<i32>} : memref<128x128xf32, #tpu.memory_space<vmem>>, vector<16xf32>,
      %swap3A_700 = arith.index_cast %add3A_550 : i32 to index
      %swap3A_701 = arith.constant 96 : index
      %swap3A_702 = tpu.vector_load %arg16[%swap3A_700, %swap3A_701] {strides = array<i32>} : memref<128x128xf32, #tpu.memory_space<vmem>>, vector<16xf32>,
      tpu.vector_store %arg16[%swap3A_700, %swap3A_701], %mul3A_659 {strides = array<i32>} : memref<128x128xf32, #tpu.memory_space<vmem>>, vector<16xf32>,
      %swap3A_703 = arith.index_cast %add3A_550 : i32 to index
      %swap3A_704 = arith.constant 112 : index
      %swap3A_705 = tpu.vector_load %arg15[%swap3A_703, %swap3A_704] {strides = array<i32>} : memref<128x128xf32, #tpu.memory_space<vmem>>, vector<16xf32>,
      tpu.vector_store %arg15[%swap3A_703, %swap3A_704], %mul3A_628 {strides = array<i32>} : memref<128x128xf32, #tpu.memory_space<vmem>>, vector<16xf32>,
      %swap3A_706 = arith.index_cast %add3A_550 : i32 to index
      %swap3A_707 = arith.constant 112 : index
      %swap3A_708 = tpu.vector_load %arg16[%swap3A_706, %swap3A_707] {strides = array<i32>} : memref<128x128xf32, #tpu.memory_space<vmem>>, vector<16xf32>,
      tpu.vector_store %arg16[%swap3A_706, %swap3A_707], %mul3A_660 {strides = array<i32>} : memref<128x128xf32, #tpu.memory_space<vmem>>, vector<16xf32>,
      %add3A_709 = arith.addf %gather3A_563, %gather3A_586 : vector<16xf32>
      %mul3A_710 = arith.mulf %mul3A_621, %mul3A_653 : vector<16xf32>
      %mul3A_711 = arith.mulf %mul3A_622, %mul3A_654 : vector<16xf32>
      %add3A_712 = arith.addf %mul3A_710, %mul3A_711 : vector<16xf32>
      %mul3A_713 = arith.mulf %mul3A_623, %mul3A_655 : vector<16xf32>
      %add3A_714 = arith.addf %add3A_712, %mul3A_713 : vector<16xf32>
      %mul3A_715 = arith.mulf %mul3A_624, %mul3A_656 : vector<16xf32>
      %add3A_716 = arith.addf %add3A_714, %mul3A_715 : vector<16xf32>
      %mul3A_717 = arith.mulf %mul3A_625, %mul3A_657 : vector<16xf32>
      %add3A_718 = arith.addf %add3A_716, %mul3A_717 : vector<16xf32>
      %mul3A_719 = arith.mulf %mul3A_626, %mul3A_658 : vector<16xf32>
      %add3A_720 = arith.addf %add3A_718, %mul3A_719 : vector<16xf32>
      %mul3A_721 = arith.mulf %mul3A_627, %mul3A_659 : vector<16xf32>
      %add3A_722 = arith.addf %add3A_720, %mul3A_721 : vector<16xf32>
      %mul3A_723 = arith.mulf %mul3A_628, %mul3A_660 : vector<16xf32>
      %add3A_724 = arith.addf %add3A_722, %mul3A_723 : vector<16xf32>
      %lt3A_725 = arith.constant 0 : i32
      %lt3A_726 = vector.broadcast %lt3A_725 : i32 to vector<16xi32>
      %lt3A_727 = arith.cmpi slt, %xor3A_76, %lt3A_726 : vector<16xi32>
      %add3A_728 = arith.constant 16 : i32
      %add3A_729 = vector.broadcast %add3A_728 : i32 to vector<16xi32>
      %add3A_730 = arith.addi %xor3A_76, %add3A_729 : vector<16xi32>
      %select_n3A_731 = arith.select %lt3A_727, %add3A_730, %xor3A_76 : vector<16xi1>, vector<16xi32>
      %broadcast_in_dim3A_732 = vector.shape_cast %select_n3A_731 : vector<16xi32> to vector<16x1xi32>
      %gather3A_733 = vector.shape_cast %broadcast_in_dim3A_732 : vector<16x1xi32> to vector<16xi32>
      %gather3A_734 = tpu.dynamic_gather %add3A_724[%gather3A_733] in [0] : vector<16xf32>, vector<16xi32> -> vector<16xf32>
      %add3A_735 = arith.addf %add3A_724, %gather3A_734 : vector<16xf32>
      %lt3A_736 = arith.constant 0 : i32
      %lt3A_737 = vector.broadcast %lt3A_736 : i32 to vector<16xi32>
      %lt3A_738 = arith.cmpi slt, %xor3A_79, %lt3A_737 : vector<16xi32>
      %add3A_739 = arith.constant 16 : i32
      %add3A_740 = vector.broadcast %add3A_739 : i32 to vector<16xi32>
      %add3A_741 = arith.addi %xor3A_79, %add3A_740 : vector<16xi32>
      %select_n3A_742 = arith.select %lt3A_738, %add3A_741, %xor3A_79 : vector<16xi1>, vector<16xi32>
      %broadcast_in_dim3A_743 = vector.shape_cast %select_n3A_742 : vector<16xi32> to vector<16x1xi32>
      %gather3A_744 = vector.shape_cast %broadcast_in_dim3A_743 : vector<16x1xi32> to vector<16xi32>
      %gather3A_745 = tpu.dynamic_gather %add3A_735[%gather3A_744] in [0] : vector<16xf32>, vector<16xi32> -> vector<16xf32>
      %add3A_746 = arith.addf %add3A_735, %gather3A_745 : vector<16xf32>
      %lt3A_747 = arith.constant 0 : i32
      %lt3A_748 = vector.broadcast %lt3A_747 : i32 to vector<16xi32>
      %lt3A_749 = arith.cmpi slt, %xor3A_82, %lt3A_748 : vector<16xi32>
      %add3A_750 = arith.constant 16 : i32
      %add3A_751 = vector.broadcast %add3A_750 : i32 to vector<16xi32>
      %add3A_752 = arith.addi %xor3A_82, %add3A_751 : vector<16xi32>
      %select_n3A_753 = arith.select %lt3A_749, %add3A_752, %xor3A_82 : vector<16xi1>, vector<16xi32>
      %broadcast_in_dim3A_754 = vector.shape_cast %select_n3A_753 : vector<16xi32> to vector<16x1xi32>
      %gather3A_755 = vector.shape_cast %broadcast_in_dim3A_754 : vector<16x1xi32> to vector<16xi32>
      %gather3A_756 = tpu.dynamic_gather %add3A_746[%gather3A_755] in [0] : vector<16xf32>, vector<16xi32> -> vector<16xf32>
      %add3A_757 = arith.addf %add3A_746, %gather3A_756 : vector<16xf32>
      %lt3A_758 = arith.constant 0 : i32
      %lt3A_759 = vector.broadcast %lt3A_758 : i32 to vector<16xi32>
      %lt3A_760 = arith.cmpi slt, %xor3A_85, %lt3A_759 : vector<16xi32>
      %add3A_761 = arith.constant 16 : i32
      %add3A_762 = vector.broadcast %add3A_761 : i32 to vector<16xi32>
      %add3A_763 = arith.addi %xor3A_85, %add3A_762 : vector<16xi32>
      %select_n3A_764 = arith.select %lt3A_760, %add3A_763, %xor3A_85 : vector<16xi1>, vector<16xi32>
      %broadcast_in_dim3A_765 = vector.shape_cast %select_n3A_764 : vector<16xi32> to vector<16x1xi32>
      %gather3A_766 = vector.shape_cast %broadcast_in_dim3A_765 : vector<16x1xi32> to vector<16xi32>
      %gather3A_767 = tpu.dynamic_gather %add3A_757[%gather3A_766] in [0] : vector<16xf32>, vector<16xi32> -> vector<16xf32>
      %add3A_768 = arith.addf %add3A_757, %gather3A_767 : vector<16xf32>
      %mul3A_769 = arith.constant 2.000000e+00 : f32
      %mul3A_770 = vector.broadcast %mul3A_769 : f32 to vector<16xf32>
      %mul3A_771 = arith.mulf %mul3A_770, %add3A_768 : vector<16xf32>
      %sub3A_772 = arith.subf %add3A_709, %mul3A_771 : vector<16xf32>
      %add3A_773 = arith.constant 5.000000e-01 : f32
      %add3A_774 = vector.broadcast %add3A_773 : f32 to vector<16xf32>
      %add3A_775 = arith.addf %add3A_774, %sub3A_772 : vector<16xf32>
      %sub3A_776 = arith.subf %add3A_775, %gather3A_563 : vector<16xf32>
      %scan3A_777 = arith.constant 0 : i32
      %scan3A_778 = arith.constant 50 : i32
      %scan3A_779 = arith.addi %scan3A_777, %scan3A_778 : i32
      %scan3A_780 = arith.constant 1 : i32
      %scan3A_781:8 = scf.for %scan3A_802 = %scan3A_777 to %scan3A_779 step %scan3A_780 iter_args(%scan3A_803 = %broadcast_in_dim3A_90, %scan3A_804 = %broadcast_in_dim3A_90, %scan3A_805 = %broadcast_in_dim3A_90, %scan3A_806 = %broadcast_in_dim3A_90, %scan3A_807 = %broadcast_in_dim3A_90, %scan3A_808 = %broadcast_in_dim3A_90, %scan3A_809 = %broadcast_in_dim3A_90, %scan3A_810 = %broadcast_in_dim3A_90) -> (vector<16xf32>, vector<16xf32>, vector<16xf32>, vector<16xf32>, vector<16xf32>, vector<16xf32>, vector<16xf32>, vector<16xf32>)  : i32 {
        %mul3A_811 = arith.constant 4 : i32
        %mul3A_812 = arith.muli %mul3A_811, %scan3A_802 : i32
        %add3A_813 = arith.constant 0 : i32
        %add3A_814 = arith.addi %mul3A_812, %add3A_813 : i32
        %get3A_815 = arith.constant 1 : i32
        %get3A_816 = arith.constant 0 : i32
        %get3A_817 = arith.constant 0 : i32
        %get3A_818 = tpu.memref_slice %arg19[%get3A_815, %get3A_816, %get3A_817] : memref<2x200x128xf32, #tpu.memory_space<vmem>> -> memref<1x200x128xf32, #tpu.memory_space<vmem>>
        %get3A_819 = tpu.memref_squeeze %get3A_818 : memref<1x200x128xf32, #tpu.memory_space<vmem>> -> memref<200x128xf32, #tpu.memory_space<vmem>>
        %get3A_820 = arith.index_cast %add3A_814 : i32 to index
        %get3A_821 = arith.constant 0 : index
        %get3A_822 = tpu.vector_load %get3A_819[%get3A_820, %get3A_821] {strides = array<i32>} : memref<200x128xf32, #tpu.memory_space<vmem>>, vector<16xf32>,
        %get3A_823 = arith.constant 1 : i32
        %get3A_824 = arith.constant 0 : i32
        %get3A_825 = arith.constant 0 : i32
        %get3A_826 = tpu.memref_slice %arg19[%get3A_823, %get3A_824, %get3A_825] : memref<2x200x128xf32, #tpu.memory_space<vmem>> -> memref<1x200x128xf32, #tpu.memory_space<vmem>>
        %get3A_827 = tpu.memref_squeeze %get3A_826 : memref<1x200x128xf32, #tpu.memory_space<vmem>> -> memref<200x128xf32, #tpu.memory_space<vmem>>
        %get3A_828 = arith.index_cast %add3A_814 : i32 to index
        %get3A_829 = arith.constant 16 : index
        %get3A_830 = tpu.vector_load %get3A_827[%get3A_828, %get3A_829] {strides = array<i32>} : memref<200x128xf32, #tpu.memory_space<vmem>>, vector<16xf32>,
        %get3A_831 = arith.constant 1 : i32
        %get3A_832 = arith.constant 0 : i32
        %get3A_833 = arith.constant 0 : i32
        %get3A_834 = tpu.memref_slice %arg19[%get3A_831, %get3A_832, %get3A_833] : memref<2x200x128xf32, #tpu.memory_space<vmem>> -> memref<1x200x128xf32, #tpu.memory_space<vmem>>
        %get3A_835 = tpu.memref_squeeze %get3A_834 : memref<1x200x128xf32, #tpu.memory_space<vmem>> -> memref<200x128xf32, #tpu.memory_space<vmem>>
        %get3A_836 = arith.index_cast %add3A_814 : i32 to index
        %get3A_837 = arith.constant 32 : index
        %get3A_838 = tpu.vector_load %get3A_835[%get3A_836, %get3A_837] {strides = array<i32>} : memref<200x128xf32, #tpu.memory_space<vmem>>, vector<16xf32>,
        %get3A_839 = arith.constant 1 : i32
        %get3A_840 = arith.constant 0 : i32
        %get3A_841 = arith.constant 0 : i32
        %get3A_842 = tpu.memref_slice %arg19[%get3A_839, %get3A_840, %get3A_841] : memref<2x200x128xf32, #tpu.memory_space<vmem>> -> memref<1x200x128xf32, #tpu.memory_space<vmem>>
        %get3A_843 = tpu.memref_squeeze %get3A_842 : memref<1x200x128xf32, #tpu.memory_space<vmem>> -> memref<200x128xf32, #tpu.memory_space<vmem>>
        %get3A_844 = arith.index_cast %add3A_814 : i32 to index
        %get3A_845 = arith.constant 48 : index
        %get3A_846 = tpu.vector_load %get3A_843[%get3A_844, %get3A_845] {strides = array<i32>} : memref<200x128xf32, #tpu.memory_space<vmem>>, vector<16xf32>,
        %get3A_847 = arith.constant 1 : i32
        %get3A_848 = arith.constant 0 : i32
        %get3A_849 = arith.constant 0 : i32
        %get3A_850 = tpu.memref_slice %arg19[%get3A_847, %get3A_848, %get3A_849] : memref<2x200x128xf32, #tpu.memory_space<vmem>> -> memref<1x200x128xf32, #tpu.memory_space<vmem>>
        %get3A_851 = tpu.memref_squeeze %get3A_850 : memref<1x200x128xf32, #tpu.memory_space<vmem>> -> memref<200x128xf32, #tpu.memory_space<vmem>>
        %get3A_852 = arith.index_cast %add3A_814 : i32 to index
        %get3A_853 = arith.constant 64 : index
        %get3A_854 = tpu.vector_load %get3A_851[%get3A_852, %get3A_853] {strides = array<i32>} : memref<200x128xf32, #tpu.memory_space<vmem>>, vector<16xf32>,
        %get3A_855 = arith.constant 1 : i32
        %get3A_856 = arith.constant 0 : i32
        %get3A_857 = arith.constant 0 : i32
        %get3A_858 = tpu.memref_slice %arg19[%get3A_855, %get3A_856, %get3A_857] : memref<2x200x128xf32, #tpu.memory_space<vmem>> -> memref<1x200x128xf32, #tpu.memory_space<vmem>>
        %get3A_859 = tpu.memref_squeeze %get3A_858 : memref<1x200x128xf32, #tpu.memory_space<vmem>> -> memref<200x128xf32, #tpu.memory_space<vmem>>
        %get3A_860 = arith.index_cast %add3A_814 : i32 to index
        %get3A_861 = arith.constant 80 : index
        %get3A_862 = tpu.vector_load %get3A_859[%get3A_860, %get3A_861] {strides = array<i32>} : memref<200x128xf32, #tpu.memory_space<vmem>>, vector<16xf32>,
        %get3A_863 = arith.constant 1 : i32
        %get3A_864 = arith.constant 0 : i32
        %get3A_865 = arith.constant 0 : i32
        %get3A_866 = tpu.memref_slice %arg19[%get3A_863, %get3A_864, %get3A_865] : memref<2x200x128xf32, #tpu.memory_space<vmem>> -> memref<1x200x128xf32, #tpu.memory_space<vmem>>
        %get3A_867 = tpu.memref_squeeze %get3A_866 : memref<1x200x128xf32, #tpu.memory_space<vmem>> -> memref<200x128xf32, #tpu.memory_space<vmem>>
        %get3A_868 = arith.index_cast %add3A_814 : i32 to index
        %get3A_869 = arith.constant 96 : index
        %get3A_870 = tpu.vector_load %get3A_867[%get3A_868, %get3A_869] {strides = array<i32>} : memref<200x128xf32, #tpu.memory_space<vmem>>, vector<16xf32>,
        %get3A_871 = arith.constant 1 : i32
        %get3A_872 = arith.constant 0 : i32
        %get3A_873 = arith.constant 0 : i32
        %get3A_874 = tpu.memref_slice %arg19[%get3A_871, %get3A_872, %get3A_873] : memref<2x200x128xf32, #tpu.memory_space<vmem>> -> memref<1x200x128xf32, #tpu.memory_space<vmem>>
        %get3A_875 = tpu.memref_squeeze %get3A_874 : memref<1x200x128xf32, #tpu.memory_space<vmem>> -> memref<200x128xf32, #tpu.memory_space<vmem>>
        %get3A_876 = arith.index_cast %add3A_814 : i32 to index
        %get3A_877 = arith.constant 112 : index
        %get3A_878 = tpu.vector_load %get3A_875[%get3A_876, %get3A_877] {strides = array<i32>} : memref<200x128xf32, #tpu.memory_space<vmem>>, vector<16xf32>,
        %get3A_879 = arith.constant 1 : i32
        %get3A_880 = arith.index_cast %get3A_879 : i32 to index
        %get3A_881 = arith.index_cast %add3A_814 : i32 to index
        %get3A_882 = arith.constant 0 : index
        %get3A_883 = tpu.vector_load %arg20[%get3A_880, %get3A_881, %get3A_882] {strides = array<i32>} : memref<2x200x16xf32, #tpu.memory_space<vmem>>, vector<16xf32>,
        %mul3A_884 = arith.mulf %mul3A_621, %get3A_822 : vector<16xf32>
        %mul3A_885 = arith.mulf %mul3A_622, %get3A_830 : vector<16xf32>
        %add3A_886 = arith.addf %mul3A_884, %mul3A_885 : vector<16xf32>
        %mul3A_887 = arith.mulf %mul3A_623, %get3A_838 : vector<16xf32>
        %add3A_888 = arith.addf %add3A_886, %mul3A_887 : vector<16xf32>
        %mul3A_889 = arith.mulf %mul3A_624, %get3A_846 : vector<16xf32>
        %add3A_890 = arith.addf %add3A_888, %mul3A_889 : vector<16xf32>
        %mul3A_891 = arith.mulf %mul3A_625, %get3A_854 : vector<16xf32>
        %add3A_892 = arith.addf %add3A_890, %mul3A_891 : vector<16xf32>
        %mul3A_893 = arith.mulf %mul3A_626, %get3A_862 : vector<16xf32>
        %add3A_894 = arith.addf %add3A_892, %mul3A_893 : vector<16xf32>
        %mul3A_895 = arith.mulf %mul3A_627, %get3A_870 : vector<16xf32>
        %add3A_896 = arith.addf %add3A_894, %mul3A_895 : vector<16xf32>
        %mul3A_897 = arith.mulf %mul3A_628, %get3A_878 : vector<16xf32>
        %add3A_898 = arith.addf %add3A_896, %mul3A_897 : vector<16xf32>
        %lt3A_899 = arith.constant 0 : i32
        %lt3A_900 = vector.broadcast %lt3A_899 : i32 to vector<16xi32>
        %lt3A_901 = arith.cmpi slt, %xor3A_76, %lt3A_900 : vector<16xi32>
        %add3A_902 = arith.constant 16 : i32
        %add3A_903 = vector.broadcast %add3A_902 : i32 to vector<16xi32>
        %add3A_904 = arith.addi %xor3A_76, %add3A_903 : vector<16xi32>
        %select_n3A_905 = arith.select %lt3A_901, %add3A_904, %xor3A_76 : vector<16xi1>, vector<16xi32>
        %broadcast_in_dim3A_906 = vector.shape_cast %select_n3A_905 : vector<16xi32> to vector<16x1xi32>
        %gather3A_907 = vector.shape_cast %broadcast_in_dim3A_906 : vector<16x1xi32> to vector<16xi32>
        %gather3A_908 = tpu.dynamic_gather %add3A_898[%gather3A_907] in [0] : vector<16xf32>, vector<16xi32> -> vector<16xf32>
        %add3A_909 = arith.addf %add3A_898, %gather3A_908 : vector<16xf32>
        %lt3A_910 = arith.constant 0 : i32
        %lt3A_911 = vector.broadcast %lt3A_910 : i32 to vector<16xi32>
        %lt3A_912 = arith.cmpi slt, %xor3A_79, %lt3A_911 : vector<16xi32>
        %add3A_913 = arith.constant 16 : i32
        %add3A_914 = vector.broadcast %add3A_913 : i32 to vector<16xi32>
        %add3A_915 = arith.addi %xor3A_79, %add3A_914 : vector<16xi32>
        %select_n3A_916 = arith.select %lt3A_912, %add3A_915, %xor3A_79 : vector<16xi1>, vector<16xi32>
        %broadcast_in_dim3A_917 = vector.shape_cast %select_n3A_916 : vector<16xi32> to vector<16x1xi32>
        %gather3A_918 = vector.shape_cast %broadcast_in_dim3A_917 : vector<16x1xi32> to vector<16xi32>
        %gather3A_919 = tpu.dynamic_gather %add3A_909[%gather3A_918] in [0] : vector<16xf32>, vector<16xi32> -> vector<16xf32>
        %add3A_920 = arith.addf %add3A_909, %gather3A_919 : vector<16xf32>
        %lt3A_921 = arith.constant 0 : i32
        %lt3A_922 = vector.broadcast %lt3A_921 : i32 to vector<16xi32>
        %lt3A_923 = arith.cmpi slt, %xor3A_82, %lt3A_922 : vector<16xi32>
        %add3A_924 = arith.constant 16 : i32
        %add3A_925 = vector.broadcast %add3A_924 : i32 to vector<16xi32>
        %add3A_926 = arith.addi %xor3A_82, %add3A_925 : vector<16xi32>
        %select_n3A_927 = arith.select %lt3A_923, %add3A_926, %xor3A_82 : vector<16xi1>, vector<16xi32>
        %broadcast_in_dim3A_928 = vector.shape_cast %select_n3A_927 : vector<16xi32> to vector<16x1xi32>
        %gather3A_929 = vector.shape_cast %broadcast_in_dim3A_928 : vector<16x1xi32> to vector<16xi32>
        %gather3A_930 = tpu.dynamic_gather %add3A_920[%gather3A_929] in [0] : vector<16xf32>, vector<16xi32> -> vector<16xf32>
        %add3A_931 = arith.addf %add3A_920, %gather3A_930 : vector<16xf32>
        %lt3A_932 = arith.constant 0 : i32
        %lt3A_933 = vector.broadcast %lt3A_932 : i32 to vector<16xi32>
        %lt3A_934 = arith.cmpi slt, %xor3A_85, %lt3A_933 : vector<16xi32>
        %add3A_935 = arith.constant 16 : i32
        %add3A_936 = vector.broadcast %add3A_935 : i32 to vector<16xi32>
        %add3A_937 = arith.addi %xor3A_85, %add3A_936 : vector<16xi32>
        %select_n3A_938 = arith.select %lt3A_934, %add3A_937, %xor3A_85 : vector<16xi1>, vector<16xi32>
        %broadcast_in_dim3A_939 = vector.shape_cast %select_n3A_938 : vector<16xi32> to vector<16x1xi32>
        %gather3A_940 = vector.shape_cast %broadcast_in_dim3A_939 : vector<16x1xi32> to vector<16xi32>
        %gather3A_941 = tpu.dynamic_gather %add3A_931[%gather3A_940] in [0] : vector<16xf32>, vector<16xi32> -> vector<16xf32>
        %add3A_942 = arith.addf %add3A_931, %gather3A_941 : vector<16xf32>
        %lt3A_943 = arith.constant 0 : i32
        %lt3A_944 = vector.broadcast %lt3A_943 : i32 to vector<16xi32>
        %lt3A_945 = arith.cmpi slt, %broadcast_in_dim3A_86, %lt3A_944 : vector<16xi32>
        %add3A_946 = arith.constant 16 : i32
        %add3A_947 = vector.broadcast %add3A_946 : i32 to vector<16xi32>
        %add3A_948 = arith.addi %broadcast_in_dim3A_86, %add3A_947 : vector<16xi32>
        %select_n3A_949 = arith.select %lt3A_945, %add3A_948, %broadcast_in_dim3A_86 : vector<16xi1>, vector<16xi32>
        %broadcast_in_dim3A_950 = vector.shape_cast %select_n3A_949 : vector<16xi32> to vector<16x1xi32>
        %gather3A_951 = vector.shape_cast %broadcast_in_dim3A_950 : vector<16x1xi32> to vector<16xi32>
        %gather3A_952 = tpu.dynamic_gather %get3A_883[%gather3A_951] in [0] : vector<16xf32>, vector<16xi32> -> vector<16xf32>
        %sub3A_953 = arith.subf %sub3A_776, %gather3A_952 : vector<16xf32>
        %lt3A_954 = arith.constant 0 : i32
        %lt3A_955 = vector.broadcast %lt3A_954 : i32 to vector<16xi32>
        %lt3A_956 = arith.cmpi slt, %broadcast_in_dim3A_88, %lt3A_955 : vector<16xi32>
        %add3A_957 = arith.constant 16 : i32
        %add3A_958 = vector.broadcast %add3A_957 : i32 to vector<16xi32>
        %add3A_959 = arith.addi %broadcast_in_dim3A_88, %add3A_958 : vector<16xi32>
        %select_n3A_960 = arith.select %lt3A_956, %add3A_959, %broadcast_in_dim3A_88 : vector<16xi1>, vector<16xi32>
        %broadcast_in_dim3A_961 = vector.shape_cast %select_n3A_960 : vector<16xi32> to vector<16x1xi32>
        %gather3A_962 = vector.shape_cast %broadcast_in_dim3A_961 : vector<16x1xi32> to vector<16xi32>
        %gather3A_963 = tpu.dynamic_gather %get3A_883[%gather3A_962] in [0] : vector<16xf32>, vector<16xi32> -> vector<16xf32>
        %mul3A_964 = arith.constant 2.000000e+00 : f32
        %mul3A_965 = vector.broadcast %mul3A_964 : f32 to vector<16xf32>
        %mul3A_966 = arith.mulf %mul3A_965, %gather3A_963 : vector<16xf32>
        %mul3A_967 = arith.mulf %mul3A_966, %add3A_942 : vector<16xf32>
        %add3A_968 = arith.addf %sub3A_953, %mul3A_967 : vector<16xf32>
        %max3A = arith.maximumf %add3A_968, %broadcast_in_dim3A_90 : vector<16xf32>
        %add3A_969 = arith.addf %scan3A_803, %max3A : vector<16xf32>
        %le3A = arith.constant 0.000000e+00 : f32
        %le3A_970 = vector.broadcast %le3A : f32 to vector<16xf32>
        %le3A_971 = arith.cmpf ole, %add3A_968, %le3A_970 : vector<16xf32>
        %jit3A_972 = arith.constant 1.000000e+00 : f32
        %jit3A_973 = arith.constant 0.000000e+00 : f32
        %broadcast_in_dim3A_974 = vector.broadcast %jit3A_972 : f32 to vector<16xf32>
        %broadcast_in_dim3A_975 = vector.broadcast %jit3A_973 : f32 to vector<16xf32>
        %select_n3A_976 = arith.select %le3A_971, %broadcast_in_dim3A_974, %broadcast_in_dim3A_975 : vector<16xi1>, vector<16xf32>
        %add3A_977 = arith.addf %scan3A_807, %select_n3A_976 : vector<16xf32>
        %mul3A_978 = arith.constant 4 : i32
        %mul3A_979 = arith.muli %mul3A_978, %scan3A_802 : i32
        %add3A_980 = arith.constant 1 : i32
        %add3A_981 = arith.addi %mul3A_979, %add3A_980 : i32
        %get3A_982 = arith.constant 1 : i32
        %get3A_983 = arith.constant 0 : i32
        %get3A_984 = arith.constant 0 : i32
        %get3A_985 = tpu.memref_slice %arg19[%get3A_982, %get3A_983, %get3A_984] : memref<2x200x128xf32, #tpu.memory_space<vmem>> -> memref<1x200x128xf32, #tpu.memory_space<vmem>>
        %get3A_986 = tpu.memref_squeeze %get3A_985 : memref<1x200x128xf32, #tpu.memory_space<vmem>> -> memref<200x128xf32, #tpu.memory_space<vmem>>
        %get3A_987 = arith.index_cast %add3A_981 : i32 to index
        %get3A_988 = arith.constant 0 : index
        %get3A_989 = tpu.vector_load %get3A_986[%get3A_987, %get3A_988] {strides = array<i32>} : memref<200x128xf32, #tpu.memory_space<vmem>>, vector<16xf32>,
        %get3A_990 = arith.constant 1 : i32
        %get3A_991 = arith.constant 0 : i32
        %get3A_992 = arith.constant 0 : i32
        %get3A_993 = tpu.memref_slice %arg19[%get3A_990, %get3A_991, %get3A_992] : memref<2x200x128xf32, #tpu.memory_space<vmem>> -> memref<1x200x128xf32, #tpu.memory_space<vmem>>
        %get3A_994 = tpu.memref_squeeze %get3A_993 : memref<1x200x128xf32, #tpu.memory_space<vmem>> -> memref<200x128xf32, #tpu.memory_space<vmem>>
        %get3A_995 = arith.index_cast %add3A_981 : i32 to index
        %get3A_996 = arith.constant 16 : index
        %get3A_997 = tpu.vector_load %get3A_994[%get3A_995, %get3A_996] {strides = array<i32>} : memref<200x128xf32, #tpu.memory_space<vmem>>, vector<16xf32>,
        %get3A_998 = arith.constant 1 : i32
        %get3A_999 = arith.constant 0 : i32
        %get3A_1000 = arith.constant 0 : i32
        %get3A_1001 = tpu.memref_slice %arg19[%get3A_998, %get3A_999, %get3A_1000] : memref<2x200x128xf32, #tpu.memory_space<vmem>> -> memref<1x200x128xf32, #tpu.memory_space<vmem>>
        %get3A_1002 = tpu.memref_squeeze %get3A_1001 : memref<1x200x128xf32, #tpu.memory_space<vmem>> -> memref<200x128xf32, #tpu.memory_space<vmem>>
        %get3A_1003 = arith.index_cast %add3A_981 : i32 to index
        %get3A_1004 = arith.constant 32 : index
        %get3A_1005 = tpu.vector_load %get3A_1002[%get3A_1003, %get3A_1004] {strides = array<i32>} : memref<200x128xf32, #tpu.memory_space<vmem>>, vector<16xf32>,
        %get3A_1006 = arith.constant 1 : i32
        %get3A_1007 = arith.constant 0 : i32
        %get3A_1008 = arith.constant 0 : i32
        %get3A_1009 = tpu.memref_slice %arg19[%get3A_1006, %get3A_1007, %get3A_1008] : memref<2x200x128xf32, #tpu.memory_space<vmem>> -> memref<1x200x128xf32, #tpu.memory_space<vmem>>
        %get3A_1010 = tpu.memref_squeeze %get3A_1009 : memref<1x200x128xf32, #tpu.memory_space<vmem>> -> memref<200x128xf32, #tpu.memory_space<vmem>>
        %get3A_1011 = arith.index_cast %add3A_981 : i32 to index
        %get3A_1012 = arith.constant 48 : index
        %get3A_1013 = tpu.vector_load %get3A_1010[%get3A_1011, %get3A_1012] {strides = array<i32>} : memref<200x128xf32, #tpu.memory_space<vmem>>, vector<16xf32>,
        %get3A_1014 = arith.constant 1 : i32
        %get3A_1015 = arith.constant 0 : i32
        %get3A_1016 = arith.constant 0 : i32
        %get3A_1017 = tpu.memref_slice %arg19[%get3A_1014, %get3A_1015, %get3A_1016] : memref<2x200x128xf32, #tpu.memory_space<vmem>> -> memref<1x200x128xf32, #tpu.memory_space<vmem>>
        %get3A_1018 = tpu.memref_squeeze %get3A_1017 : memref<1x200x128xf32, #tpu.memory_space<vmem>> -> memref<200x128xf32, #tpu.memory_space<vmem>>
        %get3A_1019 = arith.index_cast %add3A_981 : i32 to index
        %get3A_1020 = arith.constant 64 : index
        %get3A_1021 = tpu.vector_load %get3A_1018[%get3A_1019, %get3A_1020] {strides = array<i32>} : memref<200x128xf32, #tpu.memory_space<vmem>>, vector<16xf32>,
        %get3A_1022 = arith.constant 1 : i32
        %get3A_1023 = arith.constant 0 : i32
        %get3A_1024 = arith.constant 0 : i32
        %get3A_1025 = tpu.memref_slice %arg19[%get3A_1022, %get3A_1023, %get3A_1024] : memref<2x200x128xf32, #tpu.memory_space<vmem>> -> memref<1x200x128xf32, #tpu.memory_space<vmem>>
        %get3A_1026 = tpu.memref_squeeze %get3A_1025 : memref<1x200x128xf32, #tpu.memory_space<vmem>> -> memref<200x128xf32, #tpu.memory_space<vmem>>
        %get3A_1027 = arith.index_cast %add3A_981 : i32 to index
        %get3A_1028 = arith.constant 80 : index
        %get3A_1029 = tpu.vector_load %get3A_1026[%get3A_1027, %get3A_1028] {strides = array<i32>} : memref<200x128xf32, #tpu.memory_space<vmem>>, vector<16xf32>,
        %get3A_1030 = arith.constant 1 : i32
        %get3A_1031 = arith.constant 0 : i32
        %get3A_1032 = arith.constant 0 : i32
        %get3A_1033 = tpu.memref_slice %arg19[%get3A_1030, %get3A_1031, %get3A_1032] : memref<2x200x128xf32, #tpu.memory_space<vmem>> -> memref<1x200x128xf32, #tpu.memory_space<vmem>>
        %get3A_1034 = tpu.memref_squeeze %get3A_1033 : memref<1x200x128xf32, #tpu.memory_space<vmem>> -> memref<200x128xf32, #tpu.memory_space<vmem>>
        %get3A_1035 = arith.index_cast %add3A_981 : i32 to index
        %get3A_1036 = arith.constant 96 : index
        %get3A_1037 = tpu.vector_load %get3A_1034[%get3A_1035, %get3A_1036] {strides = array<i32>} : memref<200x128xf32, #tpu.memory_space<vmem>>, vector<16xf32>,
        %get3A_1038 = arith.constant 1 : i32
        %get3A_1039 = arith.constant 0 : i32
        %get3A_1040 = arith.constant 0 : i32
        %get3A_1041 = tpu.memref_slice %arg19[%get3A_1038, %get3A_1039, %get3A_1040] : memref<2x200x128xf32, #tpu.memory_space<vmem>> -> memref<1x200x128xf32, #tpu.memory_space<vmem>>
        %get3A_1042 = tpu.memref_squeeze %get3A_1041 : memref<1x200x128xf32, #tpu.memory_space<vmem>> -> memref<200x128xf32, #tpu.memory_space<vmem>>
        %get3A_1043 = arith.index_cast %add3A_981 : i32 to index
        %get3A_1044 = arith.constant 112 : index
        %get3A_1045 = tpu.vector_load %get3A_1042[%get3A_1043, %get3A_1044] {strides = array<i32>} : memref<200x128xf32, #tpu.memory_space<vmem>>, vector<16xf32>,
        %get3A_1046 = arith.constant 1 : i32
        %get3A_1047 = arith.index_cast %get3A_1046 : i32 to index
        %get3A_1048 = arith.index_cast %add3A_981 : i32 to index
        %get3A_1049 = arith.constant 0 : index
        %get3A_1050 = tpu.vector_load %arg20[%get3A_1047, %get3A_1048, %get3A_1049] {strides = array<i32>} : memref<2x200x16xf32, #tpu.memory_space<vmem>>, vector<16xf32>,
        %mul3A_1051 = arith.mulf %mul3A_621, %get3A_989 : vector<16xf32>
        %mul3A_1052 = arith.mulf %mul3A_622, %get3A_997 : vector<16xf32>
        %add3A_1053 = arith.addf %mul3A_1051, %mul3A_1052 : vector<16xf32>
        %mul3A_1054 = arith.mulf %mul3A_623, %get3A_1005 : vector<16xf32>
        %add3A_1055 = arith.addf %add3A_1053, %mul3A_1054 : vector<16xf32>
        %mul3A_1056 = arith.mulf %mul3A_624, %get3A_1013 : vector<16xf32>
        %add3A_1057 = arith.addf %add3A_1055, %mul3A_1056 : vector<16xf32>
        %mul3A_1058 = arith.mulf %mul3A_625, %get3A_1021 : vector<16xf32>
        %add3A_1059 = arith.addf %add3A_1057, %mul3A_1058 : vector<16xf32>
        %mul3A_1060 = arith.mulf %mul3A_626, %get3A_1029 : vector<16xf32>
        %add3A_1061 = arith.addf %add3A_1059, %mul3A_1060 : vector<16xf32>
        %mul3A_1062 = arith.mulf %mul3A_627, %get3A_1037 : vector<16xf32>
        %add3A_1063 = arith.addf %add3A_1061, %mul3A_1062 : vector<16xf32>
        %mul3A_1064 = arith.mulf %mul3A_628, %get3A_1045 : vector<16xf32>
        %add3A_1065 = arith.addf %add3A_1063, %mul3A_1064 : vector<16xf32>
        %lt3A_1066 = arith.constant 0 : i32
        %lt3A_1067 = vector.broadcast %lt3A_1066 : i32 to vector<16xi32>
        %lt3A_1068 = arith.cmpi slt, %xor3A_76, %lt3A_1067 : vector<16xi32>
        %add3A_1069 = arith.constant 16 : i32
        %add3A_1070 = vector.broadcast %add3A_1069 : i32 to vector<16xi32>
        %add3A_1071 = arith.addi %xor3A_76, %add3A_1070 : vector<16xi32>
        %select_n3A_1072 = arith.select %lt3A_1068, %add3A_1071, %xor3A_76 : vector<16xi1>, vector<16xi32>
        %broadcast_in_dim3A_1073 = vector.shape_cast %select_n3A_1072 : vector<16xi32> to vector<16x1xi32>
        %gather3A_1074 = vector.shape_cast %broadcast_in_dim3A_1073 : vector<16x1xi32> to vector<16xi32>
        %gather3A_1075 = tpu.dynamic_gather %add3A_1065[%gather3A_1074] in [0] : vector<16xf32>, vector<16xi32> -> vector<16xf32>
        %add3A_1076 = arith.addf %add3A_1065, %gather3A_1075 : vector<16xf32>
        %lt3A_1077 = arith.constant 0 : i32
        %lt3A_1078 = vector.broadcast %lt3A_1077 : i32 to vector<16xi32>
        %lt3A_1079 = arith.cmpi slt, %xor3A_79, %lt3A_1078 : vector<16xi32>
        %add3A_1080 = arith.constant 16 : i32
        %add3A_1081 = vector.broadcast %add3A_1080 : i32 to vector<16xi32>
        %add3A_1082 = arith.addi %xor3A_79, %add3A_1081 : vector<16xi32>
        %select_n3A_1083 = arith.select %lt3A_1079, %add3A_1082, %xor3A_79 : vector<16xi1>, vector<16xi32>
        %broadcast_in_dim3A_1084 = vector.shape_cast %select_n3A_1083 : vector<16xi32> to vector<16x1xi32>
        %gather3A_1085 = vector.shape_cast %broadcast_in_dim3A_1084 : vector<16x1xi32> to vector<16xi32>
        %gather3A_1086 = tpu.dynamic_gather %add3A_1076[%gather3A_1085] in [0] : vector<16xf32>, vector<16xi32> -> vector<16xf32>
        %add3A_1087 = arith.addf %add3A_1076, %gather3A_1086 : vector<16xf32>
        %lt3A_1088 = arith.constant 0 : i32
        %lt3A_1089 = vector.broadcast %lt3A_1088 : i32 to vector<16xi32>
        %lt3A_1090 = arith.cmpi slt, %xor3A_82, %lt3A_1089 : vector<16xi32>
        %add3A_1091 = arith.constant 16 : i32
        %add3A_1092 = vector.broadcast %add3A_1091 : i32 to vector<16xi32>
        %add3A_1093 = arith.addi %xor3A_82, %add3A_1092 : vector<16xi32>
        %select_n3A_1094 = arith.select %lt3A_1090, %add3A_1093, %xor3A_82 : vector<16xi1>, vector<16xi32>
        %broadcast_in_dim3A_1095 = vector.shape_cast %select_n3A_1094 : vector<16xi32> to vector<16x1xi32>
        %gather3A_1096 = vector.shape_cast %broadcast_in_dim3A_1095 : vector<16x1xi32> to vector<16xi32>
        %gather3A_1097 = tpu.dynamic_gather %add3A_1087[%gather3A_1096] in [0] : vector<16xf32>, vector<16xi32> -> vector<16xf32>
        %add3A_1098 = arith.addf %add3A_1087, %gather3A_1097 : vector<16xf32>
        %lt3A_1099 = arith.constant 0 : i32
        %lt3A_1100 = vector.broadcast %lt3A_1099 : i32 to vector<16xi32>
        %lt3A_1101 = arith.cmpi slt, %xor3A_85, %lt3A_1100 : vector<16xi32>
        %add3A_1102 = arith.constant 16 : i32
        %add3A_1103 = vector.broadcast %add3A_1102 : i32 to vector<16xi32>
        %add3A_1104 = arith.addi %xor3A_85, %add3A_1103 : vector<16xi32>
        %select_n3A_1105 = arith.select %lt3A_1101, %add3A_1104, %xor3A_85 : vector<16xi1>, vector<16xi32>
        %broadcast_in_dim3A_1106 = vector.shape_cast %select_n3A_1105 : vector<16xi32> to vector<16x1xi32>
        %gather3A_1107 = vector.shape_cast %broadcast_in_dim3A_1106 : vector<16x1xi32> to vector<16xi32>
        %gather3A_1108 = tpu.dynamic_gather %add3A_1098[%gather3A_1107] in [0] : vector<16xf32>, vector<16xi32> -> vector<16xf32>
        %add3A_1109 = arith.addf %add3A_1098, %gather3A_1108 : vector<16xf32>
        %lt3A_1110 = arith.constant 0 : i32
        %lt3A_1111 = vector.broadcast %lt3A_1110 : i32 to vector<16xi32>
        %lt3A_1112 = arith.cmpi slt, %broadcast_in_dim3A_86, %lt3A_1111 : vector<16xi32>
        %add3A_1113 = arith.constant 16 : i32
        %add3A_1114 = vector.broadcast %add3A_1113 : i32 to vector<16xi32>
        %add3A_1115 = arith.addi %broadcast_in_dim3A_86, %add3A_1114 : vector<16xi32>
        %select_n3A_1116 = arith.select %lt3A_1112, %add3A_1115, %broadcast_in_dim3A_86 : vector<16xi1>, vector<16xi32>
        %broadcast_in_dim3A_1117 = vector.shape_cast %select_n3A_1116 : vector<16xi32> to vector<16x1xi32>
        %gather3A_1118 = vector.shape_cast %broadcast_in_dim3A_1117 : vector<16x1xi32> to vector<16xi32>
        %gather3A_1119 = tpu.dynamic_gather %get3A_1050[%gather3A_1118] in [0] : vector<16xf32>, vector<16xi32> -> vector<16xf32>
        %sub3A_1120 = arith.subf %sub3A_776, %gather3A_1119 : vector<16xf32>
        %lt3A_1121 = arith.constant 0 : i32
        %lt3A_1122 = vector.broadcast %lt3A_1121 : i32 to vector<16xi32>
        %lt3A_1123 = arith.cmpi slt, %broadcast_in_dim3A_88, %lt3A_1122 : vector<16xi32>
        %add3A_1124 = arith.constant 16 : i32
        %add3A_1125 = vector.broadcast %add3A_1124 : i32 to vector<16xi32>
        %add3A_1126 = arith.addi %broadcast_in_dim3A_88, %add3A_1125 : vector<16xi32>
        %select_n3A_1127 = arith.select %lt3A_1123, %add3A_1126, %broadcast_in_dim3A_88 : vector<16xi1>, vector<16xi32>
        %broadcast_in_dim3A_1128 = vector.shape_cast %select_n3A_1127 : vector<16xi32> to vector<16x1xi32>
        %gather3A_1129 = vector.shape_cast %broadcast_in_dim3A_1128 : vector<16x1xi32> to vector<16xi32>
        %gather3A_1130 = tpu.dynamic_gather %get3A_1050[%gather3A_1129] in [0] : vector<16xf32>, vector<16xi32> -> vector<16xf32>
        %mul3A_1131 = arith.constant 2.000000e+00 : f32
        %mul3A_1132 = vector.broadcast %mul3A_1131 : f32 to vector<16xf32>
        %mul3A_1133 = arith.mulf %mul3A_1132, %gather3A_1130 : vector<16xf32>
        %mul3A_1134 = arith.mulf %mul3A_1133, %add3A_1109 : vector<16xf32>
        %add3A_1135 = arith.addf %sub3A_1120, %mul3A_1134 : vector<16xf32>
        %max3A_1136 = arith.maximumf %add3A_1135, %broadcast_in_dim3A_90 : vector<16xf32>
        %add3A_1137 = arith.addf %scan3A_804, %max3A_1136 : vector<16xf32>
        %le3A_1138 = arith.constant 0.000000e+00 : f32
        %le3A_1139 = vector.broadcast %le3A_1138 : f32 to vector<16xf32>
        %le3A_1140 = arith.cmpf ole, %add3A_1135, %le3A_1139 : vector<16xf32>
        %jit3A_1141 = arith.constant 1.000000e+00 : f32
        %jit3A_1142 = arith.constant 0.000000e+00 : f32
        %broadcast_in_dim3A_1143 = vector.broadcast %jit3A_1141 : f32 to vector<16xf32>
        %broadcast_in_dim3A_1144 = vector.broadcast %jit3A_1142 : f32 to vector<16xf32>
        %select_n3A_1145 = arith.select %le3A_1140, %broadcast_in_dim3A_1143, %broadcast_in_dim3A_1144 : vector<16xi1>, vector<16xf32>
        %add3A_1146 = arith.addf %scan3A_808, %select_n3A_1145 : vector<16xf32>
        %mul3A_1147 = arith.constant 4 : i32
        %mul3A_1148 = arith.muli %mul3A_1147, %scan3A_802 : i32
        %add3A_1149 = arith.constant 2 : i32
        %add3A_1150 = arith.addi %mul3A_1148, %add3A_1149 : i32
        %get3A_1151 = arith.constant 1 : i32
        %get3A_1152 = arith.constant 0 : i32
        %get3A_1153 = arith.constant 0 : i32
        %get3A_1154 = tpu.memref_slice %arg19[%get3A_1151, %get3A_1152, %get3A_1153] : memref<2x200x128xf32, #tpu.memory_space<vmem>> -> memref<1x200x128xf32, #tpu.memory_space<vmem>>
        %get3A_1155 = tpu.memref_squeeze %get3A_1154 : memref<1x200x128xf32, #tpu.memory_space<vmem>> -> memref<200x128xf32, #tpu.memory_space<vmem>>
        %get3A_1156 = arith.index_cast %add3A_1150 : i32 to index
        %get3A_1157 = arith.constant 0 : index
        %get3A_1158 = tpu.vector_load %get3A_1155[%get3A_1156, %get3A_1157] {strides = array<i32>} : memref<200x128xf32, #tpu.memory_space<vmem>>, vector<16xf32>,
        %get3A_1159 = arith.constant 1 : i32
        %get3A_1160 = arith.constant 0 : i32
        %get3A_1161 = arith.constant 0 : i32
        %get3A_1162 = tpu.memref_slice %arg19[%get3A_1159, %get3A_1160, %get3A_1161] : memref<2x200x128xf32, #tpu.memory_space<vmem>> -> memref<1x200x128xf32, #tpu.memory_space<vmem>>
        %get3A_1163 = tpu.memref_squeeze %get3A_1162 : memref<1x200x128xf32, #tpu.memory_space<vmem>> -> memref<200x128xf32, #tpu.memory_space<vmem>>
        %get3A_1164 = arith.index_cast %add3A_1150 : i32 to index
        %get3A_1165 = arith.constant 16 : index
        %get3A_1166 = tpu.vector_load %get3A_1163[%get3A_1164, %get3A_1165] {strides = array<i32>} : memref<200x128xf32, #tpu.memory_space<vmem>>, vector<16xf32>,
        %get3A_1167 = arith.constant 1 : i32
        %get3A_1168 = arith.constant 0 : i32
        %get3A_1169 = arith.constant 0 : i32
        %get3A_1170 = tpu.memref_slice %arg19[%get3A_1167, %get3A_1168, %get3A_1169] : memref<2x200x128xf32, #tpu.memory_space<vmem>> -> memref<1x200x128xf32, #tpu.memory_space<vmem>>
        %get3A_1171 = tpu.memref_squeeze %get3A_1170 : memref<1x200x128xf32, #tpu.memory_space<vmem>> -> memref<200x128xf32, #tpu.memory_space<vmem>>
        %get3A_1172 = arith.index_cast %add3A_1150 : i32 to index
        %get3A_1173 = arith.constant 32 : index
        %get3A_1174 = tpu.vector_load %get3A_1171[%get3A_1172, %get3A_1173] {strides = array<i32>} : memref<200x128xf32, #tpu.memory_space<vmem>>, vector<16xf32>,
        %get3A_1175 = arith.constant 1 : i32
        %get3A_1176 = arith.constant 0 : i32
        %get3A_1177 = arith.constant 0 : i32
        %get3A_1178 = tpu.memref_slice %arg19[%get3A_1175, %get3A_1176, %get3A_1177] : memref<2x200x128xf32, #tpu.memory_space<vmem>> -> memref<1x200x128xf32, #tpu.memory_space<vmem>>
        %get3A_1179 = tpu.memref_squeeze %get3A_1178 : memref<1x200x128xf32, #tpu.memory_space<vmem>> -> memref<200x128xf32, #tpu.memory_space<vmem>>
        %get3A_1180 = arith.index_cast %add3A_1150 : i32 to index
        %get3A_1181 = arith.constant 48 : index
        %get3A_1182 = tpu.vector_load %get3A_1179[%get3A_1180, %get3A_1181] {strides = array<i32>} : memref<200x128xf32, #tpu.memory_space<vmem>>, vector<16xf32>,
        %get3A_1183 = arith.constant 1 : i32
        %get3A_1184 = arith.constant 0 : i32
        %get3A_1185 = arith.constant 0 : i32
        %get3A_1186 = tpu.memref_slice %arg19[%get3A_1183, %get3A_1184, %get3A_1185] : memref<2x200x128xf32, #tpu.memory_space<vmem>> -> memref<1x200x128xf32, #tpu.memory_space<vmem>>
        %get3A_1187 = tpu.memref_squeeze %get3A_1186 : memref<1x200x128xf32, #tpu.memory_space<vmem>> -> memref<200x128xf32, #tpu.memory_space<vmem>>
        %get3A_1188 = arith.index_cast %add3A_1150 : i32 to index
        %get3A_1189 = arith.constant 64 : index
        %get3A_1190 = tpu.vector_load %get3A_1187[%get3A_1188, %get3A_1189] {strides = array<i32>} : memref<200x128xf32, #tpu.memory_space<vmem>>, vector<16xf32>,
        %get3A_1191 = arith.constant 1 : i32
        %get3A_1192 = arith.constant 0 : i32
        %get3A_1193 = arith.constant 0 : i32
        %get3A_1194 = tpu.memref_slice %arg19[%get3A_1191, %get3A_1192, %get3A_1193] : memref<2x200x128xf32, #tpu.memory_space<vmem>> -> memref<1x200x128xf32, #tpu.memory_space<vmem>>
        %get3A_1195 = tpu.memref_squeeze %get3A_1194 : memref<1x200x128xf32, #tpu.memory_space<vmem>> -> memref<200x128xf32, #tpu.memory_space<vmem>>
        %get3A_1196 = arith.index_cast %add3A_1150 : i32 to index
        %get3A_1197 = arith.constant 80 : index
        %get3A_1198 = tpu.vector_load %get3A_1195[%get3A_1196, %get3A_1197] {strides = array<i32>} : memref<200x128xf32, #tpu.memory_space<vmem>>, vector<16xf32>,
        %get3A_1199 = arith.constant 1 : i32
        %get3A_1200 = arith.constant 0 : i32
        %get3A_1201 = arith.constant 0 : i32
        %get3A_1202 = tpu.memref_slice %arg19[%get3A_1199, %get3A_1200, %get3A_1201] : memref<2x200x128xf32, #tpu.memory_space<vmem>> -> memref<1x200x128xf32, #tpu.memory_space<vmem>>
        %get3A_1203 = tpu.memref_squeeze %get3A_1202 : memref<1x200x128xf32, #tpu.memory_space<vmem>> -> memref<200x128xf32, #tpu.memory_space<vmem>>
        %get3A_1204 = arith.index_cast %add3A_1150 : i32 to index
        %get3A_1205 = arith.constant 96 : index
        %get3A_1206 = tpu.vector_load %get3A_1203[%get3A_1204, %get3A_1205] {strides = array<i32>} : memref<200x128xf32, #tpu.memory_space<vmem>>, vector<16xf32>,
        %get3A_1207 = arith.constant 1 : i32
        %get3A_1208 = arith.constant 0 : i32
        %get3A_1209 = arith.constant 0 : i32
        %get3A_1210 = tpu.memref_slice %arg19[%get3A_1207, %get3A_1208, %get3A_1209] : memref<2x200x128xf32, #tpu.memory_space<vmem>> -> memref<1x200x128xf32, #tpu.memory_space<vmem>>
        %get3A_1211 = tpu.memref_squeeze %get3A_1210 : memref<1x200x128xf32, #tpu.memory_space<vmem>> -> memref<200x128xf32, #tpu.memory_space<vmem>>
        %get3A_1212 = arith.index_cast %add3A_1150 : i32 to index
        %get3A_1213 = arith.constant 112 : index
        %get3A_1214 = tpu.vector_load %get3A_1211[%get3A_1212, %get3A_1213] {strides = array<i32>} : memref<200x128xf32, #tpu.memory_space<vmem>>, vector<16xf32>,
        %get3A_1215 = arith.constant 1 : i32
        %get3A_1216 = arith.index_cast %get3A_1215 : i32 to index
        %get3A_1217 = arith.index_cast %add3A_1150 : i32 to index
        %get3A_1218 = arith.constant 0 : index
        %get3A_1219 = tpu.vector_load %arg20[%get3A_1216, %get3A_1217, %get3A_1218] {strides = array<i32>} : memref<2x200x16xf32, #tpu.memory_space<vmem>>, vector<16xf32>,
        %mul3A_1220 = arith.mulf %mul3A_621, %get3A_1158 : vector<16xf32>
        %mul3A_1221 = arith.mulf %mul3A_622, %get3A_1166 : vector<16xf32>
        %add3A_1222 = arith.addf %mul3A_1220, %mul3A_1221 : vector<16xf32>
        %mul3A_1223 = arith.mulf %mul3A_623, %get3A_1174 : vector<16xf32>
        %add3A_1224 = arith.addf %add3A_1222, %mul3A_1223 : vector<16xf32>
        %mul3A_1225 = arith.mulf %mul3A_624, %get3A_1182 : vector<16xf32>
        %add3A_1226 = arith.addf %add3A_1224, %mul3A_1225 : vector<16xf32>
        %mul3A_1227 = arith.mulf %mul3A_625, %get3A_1190 : vector<16xf32>
        %add3A_1228 = arith.addf %add3A_1226, %mul3A_1227 : vector<16xf32>
        %mul3A_1229 = arith.mulf %mul3A_626, %get3A_1198 : vector<16xf32>
        %add3A_1230 = arith.addf %add3A_1228, %mul3A_1229 : vector<16xf32>
        %mul3A_1231 = arith.mulf %mul3A_627, %get3A_1206 : vector<16xf32>
        %add3A_1232 = arith.addf %add3A_1230, %mul3A_1231 : vector<16xf32>
        %mul3A_1233 = arith.mulf %mul3A_628, %get3A_1214 : vector<16xf32>
        %add3A_1234 = arith.addf %add3A_1232, %mul3A_1233 : vector<16xf32>
        %lt3A_1235 = arith.constant 0 : i32
        %lt3A_1236 = vector.broadcast %lt3A_1235 : i32 to vector<16xi32>
        %lt3A_1237 = arith.cmpi slt, %xor3A_76, %lt3A_1236 : vector<16xi32>
        %add3A_1238 = arith.constant 16 : i32
        %add3A_1239 = vector.broadcast %add3A_1238 : i32 to vector<16xi32>
        %add3A_1240 = arith.addi %xor3A_76, %add3A_1239 : vector<16xi32>
        %select_n3A_1241 = arith.select %lt3A_1237, %add3A_1240, %xor3A_76 : vector<16xi1>, vector<16xi32>
        %broadcast_in_dim3A_1242 = vector.shape_cast %select_n3A_1241 : vector<16xi32> to vector<16x1xi32>
        %gather3A_1243 = vector.shape_cast %broadcast_in_dim3A_1242 : vector<16x1xi32> to vector<16xi32>
        %gather3A_1244 = tpu.dynamic_gather %add3A_1234[%gather3A_1243] in [0] : vector<16xf32>, vector<16xi32> -> vector<16xf32>
        %add3A_1245 = arith.addf %add3A_1234, %gather3A_1244 : vector<16xf32>
        %lt3A_1246 = arith.constant 0 : i32
        %lt3A_1247 = vector.broadcast %lt3A_1246 : i32 to vector<16xi32>
        %lt3A_1248 = arith.cmpi slt, %xor3A_79, %lt3A_1247 : vector<16xi32>
        %add3A_1249 = arith.constant 16 : i32
        %add3A_1250 = vector.broadcast %add3A_1249 : i32 to vector<16xi32>
        %add3A_1251 = arith.addi %xor3A_79, %add3A_1250 : vector<16xi32>
        %select_n3A_1252 = arith.select %lt3A_1248, %add3A_1251, %xor3A_79 : vector<16xi1>, vector<16xi32>
        %broadcast_in_dim3A_1253 = vector.shape_cast %select_n3A_1252 : vector<16xi32> to vector<16x1xi32>
        %gather3A_1254 = vector.shape_cast %broadcast_in_dim3A_1253 : vector<16x1xi32> to vector<16xi32>
        %gather3A_1255 = tpu.dynamic_gather %add3A_1245[%gather3A_1254] in [0] : vector<16xf32>, vector<16xi32> -> vector<16xf32>
        %add3A_1256 = arith.addf %add3A_1245, %gather3A_1255 : vector<16xf32>
        %lt3A_1257 = arith.constant 0 : i32
        %lt3A_1258 = vector.broadcast %lt3A_1257 : i32 to vector<16xi32>
        %lt3A_1259 = arith.cmpi slt, %xor3A_82, %lt3A_1258 : vector<16xi32>
        %add3A_1260 = arith.constant 16 : i32
        %add3A_1261 = vector.broadcast %add3A_1260 : i32 to vector<16xi32>
        %add3A_1262 = arith.addi %xor3A_82, %add3A_1261 : vector<16xi32>
        %select_n3A_1263 = arith.select %lt3A_1259, %add3A_1262, %xor3A_82 : vector<16xi1>, vector<16xi32>
        %broadcast_in_dim3A_1264 = vector.shape_cast %select_n3A_1263 : vector<16xi32> to vector<16x1xi32>
        %gather3A_1265 = vector.shape_cast %broadcast_in_dim3A_1264 : vector<16x1xi32> to vector<16xi32>
        %gather3A_1266 = tpu.dynamic_gather %add3A_1256[%gather3A_1265] in [0] : vector<16xf32>, vector<16xi32> -> vector<16xf32>
        %add3A_1267 = arith.addf %add3A_1256, %gather3A_1266 : vector<16xf32>
        %lt3A_1268 = arith.constant 0 : i32
        %lt3A_1269 = vector.broadcast %lt3A_1268 : i32 to vector<16xi32>
        %lt3A_1270 = arith.cmpi slt, %xor3A_85, %lt3A_1269 : vector<16xi32>
        %add3A_1271 = arith.constant 16 : i32
        %add3A_1272 = vector.broadcast %add3A_1271 : i32 to vector<16xi32>
        %add3A_1273 = arith.addi %xor3A_85, %add3A_1272 : vector<16xi32>
        %select_n3A_1274 = arith.select %lt3A_1270, %add3A_1273, %xor3A_85 : vector<16xi1>, vector<16xi32>
        %broadcast_in_dim3A_1275 = vector.shape_cast %select_n3A_1274 : vector<16xi32> to vector<16x1xi32>
        %gather3A_1276 = vector.shape_cast %broadcast_in_dim3A_1275 : vector<16x1xi32> to vector<16xi32>
        %gather3A_1277 = tpu.dynamic_gather %add3A_1267[%gather3A_1276] in [0] : vector<16xf32>, vector<16xi32> -> vector<16xf32>
        %add3A_1278 = arith.addf %add3A_1267, %gather3A_1277 : vector<16xf32>
        %lt3A_1279 = arith.constant 0 : i32
        %lt3A_1280 = vector.broadcast %lt3A_1279 : i32 to vector<16xi32>
        %lt3A_1281 = arith.cmpi slt, %broadcast_in_dim3A_86, %lt3A_1280 : vector<16xi32>
        %add3A_1282 = arith.constant 16 : i32
        %add3A_1283 = vector.broadcast %add3A_1282 : i32 to vector<16xi32>
        %add3A_1284 = arith.addi %broadcast_in_dim3A_86, %add3A_1283 : vector<16xi32>
        %select_n3A_1285 = arith.select %lt3A_1281, %add3A_1284, %broadcast_in_dim3A_86 : vector<16xi1>, vector<16xi32>
        %broadcast_in_dim3A_1286 = vector.shape_cast %select_n3A_1285 : vector<16xi32> to vector<16x1xi32>
        %gather3A_1287 = vector.shape_cast %broadcast_in_dim3A_1286 : vector<16x1xi32> to vector<16xi32>
        %gather3A_1288 = tpu.dynamic_gather %get3A_1219[%gather3A_1287] in [0] : vector<16xf32>, vector<16xi32> -> vector<16xf32>
        %sub3A_1289 = arith.subf %sub3A_776, %gather3A_1288 : vector<16xf32>
        %lt3A_1290 = arith.constant 0 : i32
        %lt3A_1291 = vector.broadcast %lt3A_1290 : i32 to vector<16xi32>
        %lt3A_1292 = arith.cmpi slt, %broadcast_in_dim3A_88, %lt3A_1291 : vector<16xi32>
        %add3A_1293 = arith.constant 16 : i32
        %add3A_1294 = vector.broadcast %add3A_1293 : i32 to vector<16xi32>
        %add3A_1295 = arith.addi %broadcast_in_dim3A_88, %add3A_1294 : vector<16xi32>
        %select_n3A_1296 = arith.select %lt3A_1292, %add3A_1295, %broadcast_in_dim3A_88 : vector<16xi1>, vector<16xi32>
        %broadcast_in_dim3A_1297 = vector.shape_cast %select_n3A_1296 : vector<16xi32> to vector<16x1xi32>
        %gather3A_1298 = vector.shape_cast %broadcast_in_dim3A_1297 : vector<16x1xi32> to vector<16xi32>
        %gather3A_1299 = tpu.dynamic_gather %get3A_1219[%gather3A_1298] in [0] : vector<16xf32>, vector<16xi32> -> vector<16xf32>
        %mul3A_1300 = arith.constant 2.000000e+00 : f32
        %mul3A_1301 = vector.broadcast %mul3A_1300 : f32 to vector<16xf32>
        %mul3A_1302 = arith.mulf %mul3A_1301, %gather3A_1299 : vector<16xf32>
        %mul3A_1303 = arith.mulf %mul3A_1302, %add3A_1278 : vector<16xf32>
        %add3A_1304 = arith.addf %sub3A_1289, %mul3A_1303 : vector<16xf32>
        %max3A_1305 = arith.maximumf %add3A_1304, %broadcast_in_dim3A_90 : vector<16xf32>
        %add3A_1306 = arith.addf %scan3A_805, %max3A_1305 : vector<16xf32>
        %le3A_1307 = arith.constant 0.000000e+00 : f32
        %le3A_1308 = vector.broadcast %le3A_1307 : f32 to vector<16xf32>
        %le3A_1309 = arith.cmpf ole, %add3A_1304, %le3A_1308 : vector<16xf32>
        %jit3A_1310 = arith.constant 1.000000e+00 : f32
        %jit3A_1311 = arith.constant 0.000000e+00 : f32
        %broadcast_in_dim3A_1312 = vector.broadcast %jit3A_1310 : f32 to vector<16xf32>
        %broadcast_in_dim3A_1313 = vector.broadcast %jit3A_1311 : f32 to vector<16xf32>
        %select_n3A_1314 = arith.select %le3A_1309, %broadcast_in_dim3A_1312, %broadcast_in_dim3A_1313 : vector<16xi1>, vector<16xf32>
        %add3A_1315 = arith.addf %scan3A_809, %select_n3A_1314 : vector<16xf32>
        %mul3A_1316 = arith.constant 4 : i32
        %mul3A_1317 = arith.muli %mul3A_1316, %scan3A_802 : i32
        %add3A_1318 = arith.constant 3 : i32
        %add3A_1319 = arith.addi %mul3A_1317, %add3A_1318 : i32
        %get3A_1320 = arith.constant 1 : i32
        %get3A_1321 = arith.constant 0 : i32
        %get3A_1322 = arith.constant 0 : i32
        %get3A_1323 = tpu.memref_slice %arg19[%get3A_1320, %get3A_1321, %get3A_1322] : memref<2x200x128xf32, #tpu.memory_space<vmem>> -> memref<1x200x128xf32, #tpu.memory_space<vmem>>
        %get3A_1324 = tpu.memref_squeeze %get3A_1323 : memref<1x200x128xf32, #tpu.memory_space<vmem>> -> memref<200x128xf32, #tpu.memory_space<vmem>>
        %get3A_1325 = arith.index_cast %add3A_1319 : i32 to index
        %get3A_1326 = arith.constant 0 : index
        %get3A_1327 = tpu.vector_load %get3A_1324[%get3A_1325, %get3A_1326] {strides = array<i32>} : memref<200x128xf32, #tpu.memory_space<vmem>>, vector<16xf32>,
        %get3A_1328 = arith.constant 1 : i32
        %get3A_1329 = arith.constant 0 : i32
        %get3A_1330 = arith.constant 0 : i32
        %get3A_1331 = tpu.memref_slice %arg19[%get3A_1328, %get3A_1329, %get3A_1330] : memref<2x200x128xf32, #tpu.memory_space<vmem>> -> memref<1x200x128xf32, #tpu.memory_space<vmem>>
        %get3A_1332 = tpu.memref_squeeze %get3A_1331 : memref<1x200x128xf32, #tpu.memory_space<vmem>> -> memref<200x128xf32, #tpu.memory_space<vmem>>
        %get3A_1333 = arith.index_cast %add3A_1319 : i32 to index
        %get3A_1334 = arith.constant 16 : index
        %get3A_1335 = tpu.vector_load %get3A_1332[%get3A_1333, %get3A_1334] {strides = array<i32>} : memref<200x128xf32, #tpu.memory_space<vmem>>, vector<16xf32>,
        %get3A_1336 = arith.constant 1 : i32
        %get3A_1337 = arith.constant 0 : i32
        %get3A_1338 = arith.constant 0 : i32
        %get3A_1339 = tpu.memref_slice %arg19[%get3A_1336, %get3A_1337, %get3A_1338] : memref<2x200x128xf32, #tpu.memory_space<vmem>> -> memref<1x200x128xf32, #tpu.memory_space<vmem>>
        %get3A_1340 = tpu.memref_squeeze %get3A_1339 : memref<1x200x128xf32, #tpu.memory_space<vmem>> -> memref<200x128xf32, #tpu.memory_space<vmem>>
        %get3A_1341 = arith.index_cast %add3A_1319 : i32 to index
        %get3A_1342 = arith.constant 32 : index
        %get3A_1343 = tpu.vector_load %get3A_1340[%get3A_1341, %get3A_1342] {strides = array<i32>} : memref<200x128xf32, #tpu.memory_space<vmem>>, vector<16xf32>,
        %get3A_1344 = arith.constant 1 : i32
        %get3A_1345 = arith.constant 0 : i32
        %get3A_1346 = arith.constant 0 : i32
        %get3A_1347 = tpu.memref_slice %arg19[%get3A_1344, %get3A_1345, %get3A_1346] : memref<2x200x128xf32, #tpu.memory_space<vmem>> -> memref<1x200x128xf32, #tpu.memory_space<vmem>>
        %get3A_1348 = tpu.memref_squeeze %get3A_1347 : memref<1x200x128xf32, #tpu.memory_space<vmem>> -> memref<200x128xf32, #tpu.memory_space<vmem>>
        %get3A_1349 = arith.index_cast %add3A_1319 : i32 to index
        %get3A_1350 = arith.constant 48 : index
        %get3A_1351 = tpu.vector_load %get3A_1348[%get3A_1349, %get3A_1350] {strides = array<i32>} : memref<200x128xf32, #tpu.memory_space<vmem>>, vector<16xf32>,
        %get3A_1352 = arith.constant 1 : i32
        %get3A_1353 = arith.constant 0 : i32
        %get3A_1354 = arith.constant 0 : i32
        %get3A_1355 = tpu.memref_slice %arg19[%get3A_1352, %get3A_1353, %get3A_1354] : memref<2x200x128xf32, #tpu.memory_space<vmem>> -> memref<1x200x128xf32, #tpu.memory_space<vmem>>
        %get3A_1356 = tpu.memref_squeeze %get3A_1355 : memref<1x200x128xf32, #tpu.memory_space<vmem>> -> memref<200x128xf32, #tpu.memory_space<vmem>>
        %get3A_1357 = arith.index_cast %add3A_1319 : i32 to index
        %get3A_1358 = arith.constant 64 : index
        %get3A_1359 = tpu.vector_load %get3A_1356[%get3A_1357, %get3A_1358] {strides = array<i32>} : memref<200x128xf32, #tpu.memory_space<vmem>>, vector<16xf32>,
        %get3A_1360 = arith.constant 1 : i32
        %get3A_1361 = arith.constant 0 : i32
        %get3A_1362 = arith.constant 0 : i32
        %get3A_1363 = tpu.memref_slice %arg19[%get3A_1360, %get3A_1361, %get3A_1362] : memref<2x200x128xf32, #tpu.memory_space<vmem>> -> memref<1x200x128xf32, #tpu.memory_space<vmem>>
        %get3A_1364 = tpu.memref_squeeze %get3A_1363 : memref<1x200x128xf32, #tpu.memory_space<vmem>> -> memref<200x128xf32, #tpu.memory_space<vmem>>
        %get3A_1365 = arith.index_cast %add3A_1319 : i32 to index
        %get3A_1366 = arith.constant 80 : index
        %get3A_1367 = tpu.vector_load %get3A_1364[%get3A_1365, %get3A_1366] {strides = array<i32>} : memref<200x128xf32, #tpu.memory_space<vmem>>, vector<16xf32>,
        %get3A_1368 = arith.constant 1 : i32
        %get3A_1369 = arith.constant 0 : i32
        %get3A_1370 = arith.constant 0 : i32
        %get3A_1371 = tpu.memref_slice %arg19[%get3A_1368, %get3A_1369, %get3A_1370] : memref<2x200x128xf32, #tpu.memory_space<vmem>> -> memref<1x200x128xf32, #tpu.memory_space<vmem>>
        %get3A_1372 = tpu.memref_squeeze %get3A_1371 : memref<1x200x128xf32, #tpu.memory_space<vmem>> -> memref<200x128xf32, #tpu.memory_space<vmem>>
        %get3A_1373 = arith.index_cast %add3A_1319 : i32 to index
        %get3A_1374 = arith.constant 96 : index
        %get3A_1375 = tpu.vector_load %get3A_1372[%get3A_1373, %get3A_1374] {strides = array<i32>} : memref<200x128xf32, #tpu.memory_space<vmem>>, vector<16xf32>,
        %get3A_1376 = arith.constant 1 : i32
        %get3A_1377 = arith.constant 0 : i32
        %get3A_1378 = arith.constant 0 : i32
        %get3A_1379 = tpu.memref_slice %arg19[%get3A_1376, %get3A_1377, %get3A_1378] : memref<2x200x128xf32, #tpu.memory_space<vmem>> -> memref<1x200x128xf32, #tpu.memory_space<vmem>>
        %get3A_1380 = tpu.memref_squeeze %get3A_1379 : memref<1x200x128xf32, #tpu.memory_space<vmem>> -> memref<200x128xf32, #tpu.memory_space<vmem>>
        %get3A_1381 = arith.index_cast %add3A_1319 : i32 to index
        %get3A_1382 = arith.constant 112 : index
        %get3A_1383 = tpu.vector_load %get3A_1380[%get3A_1381, %get3A_1382] {strides = array<i32>} : memref<200x128xf32, #tpu.memory_space<vmem>>, vector<16xf32>,
        %get3A_1384 = arith.constant 1 : i32
        %get3A_1385 = arith.index_cast %get3A_1384 : i32 to index
        %get3A_1386 = arith.index_cast %add3A_1319 : i32 to index
        %get3A_1387 = arith.constant 0 : index
        %get3A_1388 = tpu.vector_load %arg20[%get3A_1385, %get3A_1386, %get3A_1387] {strides = array<i32>} : memref<2x200x16xf32, #tpu.memory_space<vmem>>, vector<16xf32>,
        %mul3A_1389 = arith.mulf %mul3A_621, %get3A_1327 : vector<16xf32>
        %mul3A_1390 = arith.mulf %mul3A_622, %get3A_1335 : vector<16xf32>
        %add3A_1391 = arith.addf %mul3A_1389, %mul3A_1390 : vector<16xf32>
        %mul3A_1392 = arith.mulf %mul3A_623, %get3A_1343 : vector<16xf32>
        %add3A_1393 = arith.addf %add3A_1391, %mul3A_1392 : vector<16xf32>
        %mul3A_1394 = arith.mulf %mul3A_624, %get3A_1351 : vector<16xf32>
        %add3A_1395 = arith.addf %add3A_1393, %mul3A_1394 : vector<16xf32>
        %mul3A_1396 = arith.mulf %mul3A_625, %get3A_1359 : vector<16xf32>
        %add3A_1397 = arith.addf %add3A_1395, %mul3A_1396 : vector<16xf32>
        %mul3A_1398 = arith.mulf %mul3A_626, %get3A_1367 : vector<16xf32>
        %add3A_1399 = arith.addf %add3A_1397, %mul3A_1398 : vector<16xf32>
        %mul3A_1400 = arith.mulf %mul3A_627, %get3A_1375 : vector<16xf32>
        %add3A_1401 = arith.addf %add3A_1399, %mul3A_1400 : vector<16xf32>
        %mul3A_1402 = arith.mulf %mul3A_628, %get3A_1383 : vector<16xf32>
        %add3A_1403 = arith.addf %add3A_1401, %mul3A_1402 : vector<16xf32>
        %lt3A_1404 = arith.constant 0 : i32
        %lt3A_1405 = vector.broadcast %lt3A_1404 : i32 to vector<16xi32>
        %lt3A_1406 = arith.cmpi slt, %xor3A_76, %lt3A_1405 : vector<16xi32>
        %add3A_1407 = arith.constant 16 : i32
        %add3A_1408 = vector.broadcast %add3A_1407 : i32 to vector<16xi32>
        %add3A_1409 = arith.addi %xor3A_76, %add3A_1408 : vector<16xi32>
        %select_n3A_1410 = arith.select %lt3A_1406, %add3A_1409, %xor3A_76 : vector<16xi1>, vector<16xi32>
        %broadcast_in_dim3A_1411 = vector.shape_cast %select_n3A_1410 : vector<16xi32> to vector<16x1xi32>
        %gather3A_1412 = vector.shape_cast %broadcast_in_dim3A_1411 : vector<16x1xi32> to vector<16xi32>
        %gather3A_1413 = tpu.dynamic_gather %add3A_1403[%gather3A_1412] in [0] : vector<16xf32>, vector<16xi32> -> vector<16xf32>
        %add3A_1414 = arith.addf %add3A_1403, %gather3A_1413 : vector<16xf32>
        %lt3A_1415 = arith.constant 0 : i32
        %lt3A_1416 = vector.broadcast %lt3A_1415 : i32 to vector<16xi32>
        %lt3A_1417 = arith.cmpi slt, %xor3A_79, %lt3A_1416 : vector<16xi32>
        %add3A_1418 = arith.constant 16 : i32
        %add3A_1419 = vector.broadcast %add3A_1418 : i32 to vector<16xi32>
        %add3A_1420 = arith.addi %xor3A_79, %add3A_1419 : vector<16xi32>
        %select_n3A_1421 = arith.select %lt3A_1417, %add3A_1420, %xor3A_79 : vector<16xi1>, vector<16xi32>
        %broadcast_in_dim3A_1422 = vector.shape_cast %select_n3A_1421 : vector<16xi32> to vector<16x1xi32>
        %gather3A_1423 = vector.shape_cast %broadcast_in_dim3A_1422 : vector<16x1xi32> to vector<16xi32>
        %gather3A_1424 = tpu.dynamic_gather %add3A_1414[%gather3A_1423] in [0] : vector<16xf32>, vector<16xi32> -> vector<16xf32>
        %add3A_1425 = arith.addf %add3A_1414, %gather3A_1424 : vector<16xf32>
        %lt3A_1426 = arith.constant 0 : i32
        %lt3A_1427 = vector.broadcast %lt3A_1426 : i32 to vector<16xi32>
        %lt3A_1428 = arith.cmpi slt, %xor3A_82, %lt3A_1427 : vector<16xi32>
        %add3A_1429 = arith.constant 16 : i32
        %add3A_1430 = vector.broadcast %add3A_1429 : i32 to vector<16xi32>
        %add3A_1431 = arith.addi %xor3A_82, %add3A_1430 : vector<16xi32>
        %select_n3A_1432 = arith.select %lt3A_1428, %add3A_1431, %xor3A_82 : vector<16xi1>, vector<16xi32>
        %broadcast_in_dim3A_1433 = vector.shape_cast %select_n3A_1432 : vector<16xi32> to vector<16x1xi32>
        %gather3A_1434 = vector.shape_cast %broadcast_in_dim3A_1433 : vector<16x1xi32> to vector<16xi32>
        %gather3A_1435 = tpu.dynamic_gather %add3A_1425[%gather3A_1434] in [0] : vector<16xf32>, vector<16xi32> -> vector<16xf32>
        %add3A_1436 = arith.addf %add3A_1425, %gather3A_1435 : vector<16xf32>
        %lt3A_1437 = arith.constant 0 : i32
        %lt3A_1438 = vector.broadcast %lt3A_1437 : i32 to vector<16xi32>
        %lt3A_1439 = arith.cmpi slt, %xor3A_85, %lt3A_1438 : vector<16xi32>
        %add3A_1440 = arith.constant 16 : i32
        %add3A_1441 = vector.broadcast %add3A_1440 : i32 to vector<16xi32>
        %add3A_1442 = arith.addi %xor3A_85, %add3A_1441 : vector<16xi32>
        %select_n3A_1443 = arith.select %lt3A_1439, %add3A_1442, %xor3A_85 : vector<16xi1>, vector<16xi32>
        %broadcast_in_dim3A_1444 = vector.shape_cast %select_n3A_1443 : vector<16xi32> to vector<16x1xi32>
        %gather3A_1445 = vector.shape_cast %broadcast_in_dim3A_1444 : vector<16x1xi32> to vector<16xi32>
        %gather3A_1446 = tpu.dynamic_gather %add3A_1436[%gather3A_1445] in [0] : vector<16xf32>, vector<16xi32> -> vector<16xf32>
        %add3A_1447 = arith.addf %add3A_1436, %gather3A_1446 : vector<16xf32>
        %lt3A_1448 = arith.constant 0 : i32
        %lt3A_1449 = vector.broadcast %lt3A_1448 : i32 to vector<16xi32>
        %lt3A_1450 = arith.cmpi slt, %broadcast_in_dim3A_86, %lt3A_1449 : vector<16xi32>
        %add3A_1451 = arith.constant 16 : i32
        %add3A_1452 = vector.broadcast %add3A_1451 : i32 to vector<16xi32>
        %add3A_1453 = arith.addi %broadcast_in_dim3A_86, %add3A_1452 : vector<16xi32>
        %select_n3A_1454 = arith.select %lt3A_1450, %add3A_1453, %broadcast_in_dim3A_86 : vector<16xi1>, vector<16xi32>
        %broadcast_in_dim3A_1455 = vector.shape_cast %select_n3A_1454 : vector<16xi32> to vector<16x1xi32>
        %gather3A_1456 = vector.shape_cast %broadcast_in_dim3A_1455 : vector<16x1xi32> to vector<16xi32>
        %gather3A_1457 = tpu.dynamic_gather %get3A_1388[%gather3A_1456] in [0] : vector<16xf32>, vector<16xi32> -> vector<16xf32>
        %sub3A_1458 = arith.subf %sub3A_776, %gather3A_1457 : vector<16xf32>
        %lt3A_1459 = arith.constant 0 : i32
        %lt3A_1460 = vector.broadcast %lt3A_1459 : i32 to vector<16xi32>
        %lt3A_1461 = arith.cmpi slt, %broadcast_in_dim3A_88, %lt3A_1460 : vector<16xi32>
        %add3A_1462 = arith.constant 16 : i32
        %add3A_1463 = vector.broadcast %add3A_1462 : i32 to vector<16xi32>
        %add3A_1464 = arith.addi %broadcast_in_dim3A_88, %add3A_1463 : vector<16xi32>
        %select_n3A_1465 = arith.select %lt3A_1461, %add3A_1464, %broadcast_in_dim3A_88 : vector<16xi1>, vector<16xi32>
        %broadcast_in_dim3A_1466 = vector.shape_cast %select_n3A_1465 : vector<16xi32> to vector<16x1xi32>
        %gather3A_1467 = vector.shape_cast %broadcast_in_dim3A_1466 : vector<16x1xi32> to vector<16xi32>
        %gather3A_1468 = tpu.dynamic_gather %get3A_1388[%gather3A_1467] in [0] : vector<16xf32>, vector<16xi32> -> vector<16xf32>
        %mul3A_1469 = arith.constant 2.000000e+00 : f32
        %mul3A_1470 = vector.broadcast %mul3A_1469 : f32 to vector<16xf32>
        %mul3A_1471 = arith.mulf %mul3A_1470, %gather3A_1468 : vector<16xf32>
        %mul3A_1472 = arith.mulf %mul3A_1471, %add3A_1447 : vector<16xf32>
        %add3A_1473 = arith.addf %sub3A_1458, %mul3A_1472 : vector<16xf32>
        %max3A_1474 = arith.maximumf %add3A_1473, %broadcast_in_dim3A_90 : vector<16xf32>
        %add3A_1475 = arith.addf %scan3A_806, %max3A_1474 : vector<16xf32>
        %le3A_1476 = arith.constant 0.000000e+00 : f32
        %le3A_1477 = vector.broadcast %le3A_1476 : f32 to vector<16xf32>
        %le3A_1478 = arith.cmpf ole, %add3A_1473, %le3A_1477 : vector<16xf32>
        %jit3A_1479 = arith.constant 1.000000e+00 : f32
        %jit3A_1480 = arith.constant 0.000000e+00 : f32
        %broadcast_in_dim3A_1481 = vector.broadcast %jit3A_1479 : f32 to vector<16xf32>
        %broadcast_in_dim3A_1482 = vector.broadcast %jit3A_1480 : f32 to vector<16xf32>
        %select_n3A_1483 = arith.select %le3A_1478, %broadcast_in_dim3A_1481, %broadcast_in_dim3A_1482 : vector<16xi1>, vector<16xf32>
        %add3A_1484 = arith.addf %scan3A_810, %select_n3A_1483 : vector<16xf32>
        scf.yield %add3A_969, %add3A_1137, %add3A_1306, %add3A_1475, %add3A_977, %add3A_1146, %add3A_1315, %add3A_1484 : vector<16xf32>, vector<16xf32>, vector<16xf32>, vector<16xf32>, vector<16xf32>, vector<16xf32>, vector<16xf32>, vector<16xf32>
      }
      %scan3A_782 = arith.constant 50 : i32
      %add3A_783 = arith.addf %scan3A_781#0, %scan3A_781#1 : vector<16xf32>
      %add3A_784 = arith.addf %scan3A_781#2, %scan3A_781#3 : vector<16xf32>
      %add3A_785 = arith.addf %add3A_783, %add3A_784 : vector<16xf32>
      %add3A_786 = arith.addf %scan3A_781#4, %scan3A_781#5 : vector<16xf32>
      %add3A_787 = arith.addf %scan3A_781#6, %scan3A_781#7 : vector<16xf32>
      %add3A_788 = arith.addf %add3A_786, %add3A_787 : vector<16xf32>
      %eq3A_789 = arith.constant 0 : i32
      %eq3A_790 = vector.broadcast %eq3A_789 : i32 to vector<16xi32>
      %eq3A_791 = arith.cmpi eq, %iota3A, %eq3A_790 : vector<16xi32>
      %eq3A_792 = arith.constant 1 : i32
      %eq3A_793 = vector.broadcast %eq3A_792 : i32 to vector<16xi32>
      %eq3A_794 = arith.cmpi eq, %iota3A, %eq3A_793 : vector<16xi32>
      %jit3A_795 = arith.constant 0.000000e+00 : f32
      %broadcast_in_dim3A_796 = vector.broadcast %jit3A_795 : f32 to vector<16xf32>
      %select_n3A_797 = arith.select %eq3A_794, %add3A_788, %broadcast_in_dim3A_796 : vector<16xi1>, vector<16xf32>
      %select_n3A_798 = arith.select %eq3A_791, %add3A_785, %select_n3A_797 : vector<16xi1>, vector<16xf32>
      %swap3A_799 = arith.index_cast %add3A_550 : i32 to index
      %swap3A_800 = arith.constant 0 : index
      %swap3A_801 = tpu.vector_load %arg21[%swap3A_799, %swap3A_800] {strides = array<i32>} : memref<128x16xf32, #tpu.memory_space<vmem>>, vector<16xf32>,
      tpu.vector_store %arg21[%swap3A_799, %swap3A_800], %select_n3A_798 {strides = array<i32>} : memref<128x16xf32, #tpu.memory_space<vmem>>, vector<16xf32>,
    }
    %scan3A_95 = arith.constant 64 : i32
    %dma_wait3A_96 = arith.constant 0 : i32
    %dma_wait3A_97 = arith.constant 0 : i32
    %dma_wait3A_98 = arith.constant 0 : i32
    %dma_wait3A_99 = tpu.memref_slice %arg19[%dma_wait3A_96, %dma_wait3A_97, %dma_wait3A_98] : memref<2x200x128xf32, #tpu.memory_space<vmem>> -> memref<1x200x128xf32, #tpu.memory_space<vmem>>
    %dma_wait3A_100 = tpu.memref_squeeze %dma_wait3A_99 : memref<1x200x128xf32, #tpu.memory_space<vmem>> -> memref<200x128xf32, #tpu.memory_space<vmem>>
    %dma_wait3A_101 = arith.constant 0 : i32
    %dma_wait3A_102 = arith.constant 0 : i32
    %dma_wait3A_103 = tpu.memref_slice %arg6[%dma_wait3A_101, %dma_wait3A_102] : memref<100000x128xf32, #tpu.memory_space<hbm>> -> memref<200x128xf32, #tpu.memory_space<hbm>>
    %dma_wait3A_104 = arith.constant 0 : i32
    %dma_wait3A_105 = arith.constant 0 : i32
    %dma_wait3A_106 = tpu.memref_slice %arg19[%dma_wait3A_96, %dma_wait3A_104, %dma_wait3A_105] : memref<2x200x128xf32, #tpu.memory_space<vmem>> -> memref<1x200x128xf32, #tpu.memory_space<vmem>>
    %dma_wait3A_107 = tpu.memref_squeeze %dma_wait3A_106 : memref<1x200x128xf32, #tpu.memory_space<vmem>> -> memref<200x128xf32, #tpu.memory_space<vmem>>
    %dma_wait3A_108 = arith.constant 0 : i32
    %dma_wait3A_109 = arith.constant 0 : i32
    %dma_wait3A_110 = tpu.memref_slice %arg6[%dma_wait3A_108, %dma_wait3A_109] : memref<100000x128xf32, #tpu.memory_space<hbm>> -> memref<200x128xf32, #tpu.memory_space<hbm>>
    tpu.wait_dma2 semaphore(%arg23 : memref<!tpu.dma_semaphore, #tpu.memory_space<semaphore_mem>>) src(%dma_wait3A_110 : memref<200x128xf32, #tpu.memory_space<hbm>>) dst(%dma_wait3A_107 : memref<200x128xf32, #tpu.memory_space<vmem>>)
    %dma_wait3A_111 = arith.constant 0 : i32
    %dma_wait3A_112 = arith.constant 0 : i32
    %dma_wait3A_113 = arith.constant 0 : i32
    %dma_wait3A_114 = tpu.memref_slice %arg20[%dma_wait3A_111, %dma_wait3A_112, %dma_wait3A_113] : memref<2x200x16xf32, #tpu.memory_space<vmem>> -> memref<1x200x16xf32, #tpu.memory_space<vmem>>
    %dma_wait3A_115 = tpu.memref_squeeze %dma_wait3A_114 : memref<1x200x16xf32, #tpu.memory_space<vmem>> -> memref<200x16xf32, #tpu.memory_space<vmem>>
    %dma_wait3A_116 = arith.constant 0 : i32
    %dma_wait3A_117 = arith.constant 0 : i32
    %dma_wait3A_118 = tpu.memref_slice %arg8[%dma_wait3A_116, %dma_wait3A_117] : memref<100000x16xf32, #tpu.memory_space<hbm>> -> memref<200x16xf32, #tpu.memory_space<hbm>>
    %dma_wait3A_119 = arith.constant 0 : i32
    %dma_wait3A_120 = arith.constant 0 : i32
    %dma_wait3A_121 = tpu.memref_slice %arg20[%dma_wait3A_111, %dma_wait3A_119, %dma_wait3A_120] : memref<2x200x16xf32, #tpu.memory_space<vmem>> -> memref<1x200x16xf32, #tpu.memory_space<vmem>>
    %dma_wait3A_122 = tpu.memref_squeeze %dma_wait3A_121 : memref<1x200x16xf32, #tpu.memory_space<vmem>> -> memref<200x16xf32, #tpu.memory_space<vmem>>
    %dma_wait3A_123 = arith.constant 0 : i32
    %dma_wait3A_124 = arith.constant 0 : i32
    %dma_wait3A_125 = tpu.memref_slice %arg8[%dma_wait3A_123, %dma_wait3A_124] : memref<100000x16xf32, #tpu.memory_space<hbm>> -> memref<200x16xf32, #tpu.memory_space<hbm>>
    tpu.wait_dma2 semaphore(%arg23 : memref<!tpu.dma_semaphore, #tpu.memory_space<semaphore_mem>>) src(%dma_wait3A_125 : memref<200x16xf32, #tpu.memory_space<hbm>>) dst(%dma_wait3A_122 : memref<200x16xf32, #tpu.memory_space<vmem>>)
    "tpu.region"() ({
      %run_scoped3A = tpu.sem_alloc : memref<!tpu.dma_semaphore, #tpu.memory_space<semaphore_mem>>
      %dma_start3A_126 = arith.constant 0 : i32
      %dma_start3A_127 = tpu.memref_slice %arg9[%mul3A_2, %dma_start3A_126] : memref<4096x16xf32, #tpu.memory_space<hbm>> -> memref<128x16xf32, #tpu.memory_space<hbm>>
      %dma_start3A_128 = arith.constant 0 : i32
      %dma_start3A_129 = tpu.memref_slice %arg9[%mul3A_2, %dma_start3A_128] : memref<4096x16xf32, #tpu.memory_space<hbm>> -> memref<128x16xf32, #tpu.memory_space<hbm>>
      tpu.enqueue_dma source(%arg21 : memref<128x16xf32, #tpu.memory_space<vmem>>) target(%dma_start3A_129 : memref<128x16xf32, #tpu.memory_space<hbm>>) target_semaphore(%run_scoped3A : memref<!tpu.dma_semaphore, #tpu.memory_space<semaphore_mem>>)
      %dma_wait3A_130 = arith.constant 0 : i32
      %dma_wait3A_131 = tpu.memref_slice %arg9[%mul3A_2, %dma_wait3A_130] : memref<4096x16xf32, #tpu.memory_space<hbm>> -> memref<128x16xf32, #tpu.memory_space<hbm>>
      %dma_wait3A_132 = arith.constant 0 : i32
      %dma_wait3A_133 = tpu.memref_slice %arg9[%mul3A_2, %dma_wait3A_132] : memref<4096x16xf32, #tpu.memory_space<hbm>> -> memref<128x16xf32, #tpu.memory_space<hbm>>
      tpu.wait_dma2 semaphore(%run_scoped3A : memref<!tpu.dma_semaphore, #tpu.memory_space<semaphore_mem>>) src(%arg21 : memref<128x16xf32, #tpu.memory_space<vmem>>) dst(%dma_wait3A_133 : memref<128x16xf32, #tpu.memory_space<hbm>>)
      tpu.yield
    }) : () -> ()
    "tpu.region"() ({
      %run_scoped3A = tpu.sem_alloc : memref<!tpu.dma_semaphore, #tpu.memory_space<semaphore_mem>>
      %dma_start3A_126 = arith.constant 0 : i32
      %dma_start3A_127 = tpu.memref_slice %arg10[%mul3A_2, %dma_start3A_126] : memref<4096x128xf32, #tpu.memory_space<hbm>> -> memref<128x128xf32, #tpu.memory_space<hbm>>
      %dma_start3A_128 = arith.constant 0 : i32
      %dma_start3A_129 = tpu.memref_slice %arg10[%mul3A_2, %dma_start3A_128] : memref<4096x128xf32, #tpu.memory_space<hbm>> -> memref<128x128xf32, #tpu.memory_space<hbm>>
      tpu.enqueue_dma source(%arg15 : memref<128x128xf32, #tpu.memory_space<vmem>>) target(%dma_start3A_129 : memref<128x128xf32, #tpu.memory_space<hbm>>) target_semaphore(%run_scoped3A : memref<!tpu.dma_semaphore, #tpu.memory_space<semaphore_mem>>)
      %dma_wait3A_130 = arith.constant 0 : i32
      %dma_wait3A_131 = tpu.memref_slice %arg10[%mul3A_2, %dma_wait3A_130] : memref<4096x128xf32, #tpu.memory_space<hbm>> -> memref<128x128xf32, #tpu.memory_space<hbm>>
      %dma_wait3A_132 = arith.constant 0 : i32
      %dma_wait3A_133 = tpu.memref_slice %arg10[%mul3A_2, %dma_wait3A_132] : memref<4096x128xf32, #tpu.memory_space<hbm>> -> memref<128x128xf32, #tpu.memory_space<hbm>>
      tpu.wait_dma2 semaphore(%run_scoped3A : memref<!tpu.dma_semaphore, #tpu.memory_space<semaphore_mem>>) src(%arg15 : memref<128x128xf32, #tpu.memory_space<vmem>>) dst(%dma_wait3A_133 : memref<128x128xf32, #tpu.memory_space<hbm>>)
      tpu.yield
    }) : () -> ()
    "tpu.region"() ({
      %run_scoped3A = tpu.sem_alloc : memref<!tpu.dma_semaphore, #tpu.memory_space<semaphore_mem>>
      %dma_start3A_126 = arith.constant 0 : i32
      %dma_start3A_127 = tpu.memref_slice %arg11[%mul3A_2, %dma_start3A_126] : memref<4096x128xf32, #tpu.memory_space<hbm>> -> memref<128x128xf32, #tpu.memory_space<hbm>>
      %dma_start3A_128 = arith.constant 0 : i32
      %dma_start3A_129 = tpu.memref_slice %arg11[%mul3A_2, %dma_start3A_128] : memref<4096x128xf32, #tpu.memory_space<hbm>> -> memref<128x128xf32, #tpu.memory_space<hbm>>
      tpu.enqueue_dma source(%arg16 : memref<128x128xf32, #tpu.memory_space<vmem>>) target(%dma_start3A_129 : memref<128x128xf32, #tpu.memory_space<hbm>>) target_semaphore(%run_scoped3A : memref<!tpu.dma_semaphore, #tpu.memory_space<semaphore_mem>>)
      %dma_wait3A_130 = arith.constant 0 : i32
      %dma_wait3A_131 = tpu.memref_slice %arg11[%mul3A_2, %dma_wait3A_130] : memref<4096x128xf32, #tpu.memory_space<hbm>> -> memref<128x128xf32, #tpu.memory_space<hbm>>
      %dma_wait3A_132 = arith.constant 0 : i32
      %dma_wait3A_133 = tpu.memref_slice %arg11[%mul3A_2, %dma_wait3A_132] : memref<4096x128xf32, #tpu.memory_space<hbm>> -> memref<128x128xf32, #tpu.memory_space<hbm>>
      tpu.wait_dma2 semaphore(%run_scoped3A : memref<!tpu.dma_semaphore, #tpu.memory_space<semaphore_mem>>) src(%arg16 : memref<128x128xf32, #tpu.memory_space<vmem>>) dst(%dma_wait3A_133 : memref<128x128xf32, #tpu.memory_space<hbm>>)
      tpu.yield
    }) : () -> ()
    return
  }
}

module attributes {stable_mosaic.version = 14 : i64} {
  func.func @_final_body(%arg0: memref<4096x16xf32, #tpu.memory_space<vmem>>, %arg1: memref<4096x128xf32, #tpu.memory_space<vmem>>, %arg2: memref<4096x128xf32, #tpu.memory_space<vmem>>, %arg3: memref<1x1xf32, #tpu.memory_space<vmem>>) attributes {dimension_semantics = [], scalar_prefetch = 0 : i64, scratch_operands = 0 : i64, tpu.core_type = #tpu.core_type<tc>} {
    %get3A = arith.constant 0 : index
    %get3A_0 = arith.constant 0 : index
    %get3A_1 = vector.load %arg0[%get3A, %get3A_0] : memref<4096x16xf32, #tpu.memory_space<vmem>>, vector<4096x1xf32>
    %get3A_2 = arith.constant 0 : index
    %get3A_3 = arith.constant 1 : index
    %get3A_4 = vector.load %arg0[%get3A_2, %get3A_3] : memref<4096x16xf32, #tpu.memory_space<vmem>>, vector<4096x1xf32>
    %mul3A = arith.constant 1.000000e+05 : f32
    %mul3A_5 = vector.broadcast %mul3A : f32 to vector<4096x1xf32>
    %mul3A_6 = arith.mulf %get3A_4, %mul3A_5 : vector<4096x1xf32>
    %div3A = arith.constant 2.000000e+02 : f32
    %div3A_7 = vector.broadcast %div3A : f32 to vector<4096x1xf32>
    %div3A_8 = arith.divf %mul3A_6, %div3A_7 : vector<4096x1xf32>
    %add3A = arith.constant 1.000000e+00 : f32
    %add3A_9 = vector.broadcast %add3A : f32 to vector<4096x1xf32>
    %add3A_10 = arith.addf %div3A_8, %add3A_9 : vector<4096x1xf32>
    %log3A = math.log %add3A_10 : vector<4096x1xf32>
    %mul3A_11 = arith.mulf %log3A, %get3A_1 : vector<4096x1xf32>
    %reduce_sum3A = vector.shape_cast %mul3A_11 : vector<4096x1xf32> to vector<1x4096x1xf32>
    %reduce_sum3A_12 = arith.constant dense<0.000000e+00> : vector<1xf32>
    %reduce_sum3A_13 = vector.multi_reduction <add>, %reduce_sum3A, %reduce_sum3A_12 [1, 2] : vector<1x4096x1xf32> to vector<1xf32>
    %reduce_sum3A_14 = vector.shape_cast %reduce_sum3A_13 : vector<1xf32> to vector<1x1x1xf32>
    %reduce_sum3A_15 = vector.extract %reduce_sum3A_14[0, 0, 0] : f32 from vector<1x1x1xf32>
    %get3A_16 = arith.constant 0 : index
    %get3A_17 = arith.constant 0 : index
    %get3A_18 = vector.load %arg1[%get3A_16, %get3A_17] : memref<4096x128xf32, #tpu.memory_space<vmem>>, vector<4096x128xf32>
    %get3A_19 = arith.constant 0 : index
    %get3A_20 = arith.constant 0 : index
    %get3A_21 = vector.load %arg2[%get3A_19, %get3A_20] : memref<4096x128xf32, #tpu.memory_space<vmem>>, vector<4096x128xf32>
    %concatenate3A = tpu.concatenate %get3A_18, %get3A_21 in 0 : vector<4096x128xf32>, vector<4096x128xf32> -> vector<8192x128xf32>
    %reduce_sum3A_22 = arith.constant dense<0.000000e+00> : vector<128xf32>
    %reduce_sum3A_23 = vector.multi_reduction <add>, %concatenate3A, %reduce_sum3A_22 [0] : vector<8192x128xf32> to vector<128xf32>
    %broadcast_in_dim3A = vector.shape_cast %reduce_sum3A_23 : vector<128xf32> to vector<1x128xf32>
    %div3A_24 = arith.constant 8.192000e+03 : f32
    %div3A_25 = vector.broadcast %div3A_24 : f32 to vector<1x128xf32>
    %div3A_26 = arith.divf %broadcast_in_dim3A, %div3A_25 : vector<1x128xf32>
    %sub3A = vector.broadcast %div3A_26 : vector<1x128xf32> to vector<8192x128xf32>
    %sub3A_27 = arith.subf %concatenate3A, %sub3A : vector<8192x128xf32>
    %dot_general3A = arith.constant dense<0.000000e+00> : vector<128x128xf32>
    %dot_general3A_28 = tpu.matmul %sub3A_27, %sub3A_27, %dot_general3A {dimension_numbers = #tpu.dot_dimension_numbers<[0], [0], [1], [1], [0, 1, 1, 1], [], []>, transpose_lhs_hint = false} : vector<8192x128xf32>, vector<8192x128xf32>, vector<128x128xf32> -> vector<128x128xf32>
    %div3A_29 = arith.constant 8.192000e+03 : f32
    %div3A_30 = vector.broadcast %div3A_29 : f32 to vector<128x128xf32>
    %div3A_31 = arith.divf %dot_general3A_28, %div3A_30 : vector<128x128xf32>
    %mul3A_32 = arith.mulf %div3A_31, %div3A_31 : vector<128x128xf32>
    %reduce_sum3A_33 = vector.shape_cast %mul3A_32 : vector<128x128xf32> to vector<1x128x128xf32>
    %reduce_sum3A_34 = arith.constant dense<0.000000e+00> : vector<1xf32>
    %reduce_sum3A_35 = vector.multi_reduction <add>, %reduce_sum3A_33, %reduce_sum3A_34 [1, 2] : vector<1x128x128xf32> to vector<1xf32>
    %reduce_sum3A_36 = vector.shape_cast %reduce_sum3A_35 : vector<1xf32> to vector<1x1x1xf32>
    %reduce_sum3A_37 = vector.extract %reduce_sum3A_36[0, 0, 0] : f32 from vector<1x1x1xf32>
    %sqrt3A = math.sqrt %reduce_sum3A_37 : f32
    %iota3A = tpu.iota {dimensions = array<i32: 0>} : vector<128x128xi32>
    %iota3A_38 = tpu.iota {dimensions = array<i32: 1>} : vector<128x128xi32>
    %eq3A = arith.cmpi eq, %iota3A, %iota3A_38 : vector<128x128xi32>
    %jit3A = arith.constant 0.000000e+00 : f32
    %broadcast_in_dim3A_39 = vector.broadcast %jit3A : f32 to vector<128x128xf32>
    %select_n3A = arith.select %eq3A, %div3A_31, %broadcast_in_dim3A_39 : vector<128x128xi1>, vector<128x128xf32>
    %mul3A_40 = arith.mulf %select_n3A, %select_n3A : vector<128x128xf32>
    %reduce_sum3A_41 = vector.shape_cast %mul3A_40 : vector<128x128xf32> to vector<1x128x128xf32>
    %reduce_sum3A_42 = arith.constant dense<0.000000e+00> : vector<1xf32>
    %reduce_sum3A_43 = vector.multi_reduction <add>, %reduce_sum3A_41, %reduce_sum3A_42 [1, 2] : vector<1x128x128xf32> to vector<1xf32>
    %reduce_sum3A_44 = vector.shape_cast %reduce_sum3A_43 : vector<1xf32> to vector<1x1x1xf32>
    %reduce_sum3A_45 = vector.extract %reduce_sum3A_44[0, 0, 0] : f32 from vector<1x1x1xf32>
    %sub3A_46 = arith.subf %sqrt3A, %reduce_sum3A_45 : f32
    %div3A_47 = arith.constant 1.000000e+05 : f32
    %div3A_48 = arith.divf %sub3A_46, %div3A_47 : f32
    %mul3A_49 = arith.constant 1.000000e+01 : f32
    %mul3A_50 = arith.mulf %mul3A_49, %div3A_48 : f32
    %add3A_51 = arith.addf %reduce_sum3A_15, %mul3A_50 : f32
    %broadcast_in_dim3A_52 = vector.broadcast %add3A_51 : f32 to vector<1x1xf32>
    %swap3A = arith.constant 0 : index
    %swap3A_53 = arith.constant 0 : index
    %swap3A_54 = vector.load %arg3[%swap3A, %swap3A_53] : memref<1x1xf32, #tpu.memory_space<vmem>>, vector<1x1xf32>
    tpu.vector_store %arg3[%swap3A, %swap3A_53], %broadcast_in_dim3A_52 {strides = array<i32>} : memref<1x1xf32, #tpu.memory_space<vmem>>, vector<1x1xf32>,
    return
  }
}

</mosaic_0001>

<sc_bundles>
// kernel: kernel.5.cloned.1.call-start
scs
__scs_entry_jumppad:
0x0: {  	(pc) =	sbr.rel $0x88, $3  }
0x1: {  	(tag) =	ssettag $0x0;
	lr =	simm.s32 $0x1  }
0x2: {  	[smem:$0x3F9C] =	sst lr;
	_ =	strace $0xD0000000  }
0x3: {  	_ = 	snop  }
0x4: {  	_ = 	snop  }
0x5: {  	_ = 	snop  }
0x6: {  	_ = 	snop  }
0x7: {  	_ = 	snop  }
__scs_overlays_trampoline_lowered:
0x8: {  	[smem:$0x3FAB] =	sst s0  }
0x9: {  	[smem:$0x3FAC] =	sst s1  }
0xa: {  	[smem:$0x3FAD] =	sst s2  }
0xb: {  	[smem:$0x3FAE] =	sst s3  }
0xc: {  	[smem:$0x3FAF] =	sst s4  }
0xd: {  	[smem:$0x3FB0] =	sst s5  }
0xe: {  	[smem:$0x3FB1] =	sst s6  }
0xf: {  	[smem:$0x3FB2] =	sst s7  }
0x10: {  	[smem:$0x3FB3] =	sst s8  }
0x11: {  	[smem:$0x3FB4] =	sst s9;
	s0 =	simm.s32 @!p0 $0x0  }
0x12: {  	s1 =	sld [smem:$0x3F9A];
	s0 =	simm.s32 @p0 $0x1  }
0x13: {  	[smem:$0x3FB5] =	sst s0;
	s0 =	simm.s32 @!p1 $0x0  }
0x14: {  	s2 =	sld [smem:$0x3F99];
	s0 =	simm.s32 @p1 $0x1  }
0x15: {  	[smem:$0x3FB6] =	sst s0;
	s0 =	simm.s32 @!p2 $0x0  }
0x16: {  	s3 =	sld [smem:$0x3FDB];
	s0 =	simm.s32 @p2 $0x1  }
0x17: {  	s4 =	simm.s32 $0x1BF5;
	[smem:$0x3FB8] =	sst s0  }
0x18: {  	s0 =	sld [smem:$0x3F9B];
	_ =	swait.ge [sflag:s4], $0x0  }
0x19: {  	s7 =	sld [smem:$0x3F9C]  }
0x1a: {  	s8 =	sadd.s32 $0xFFFFE003, lr  }
0x1b: {  	s9 =	sadd.s32 $0xFFFFFEF7, lr;
	s5 =	simm.s32 $0xFFFFFFFF;
	p2 =	slt.u32 s8, $0xFFFFF086  }
0x1c: {  	p1 =	slt.u32 s9, $0xF7A;
	s5 =	simm.s32 @!p2 $0x0  }
0x1d: {  	s5 =	simm.s32 @p1 $0x1;
	p0 =	seq.s32 s7, s2  }
0x1e: {  	s7 =	smul.u32 @!p0 $0xF7A, s2;
	p2 =	seq.s32 @!p0 s5, $0x0  }
0x1f: {  	s9 =	smul.u32 $0xF7A, s1;
	s8 =	simm.s32 @!p0 $0x1BF5;
	p2 =	por !p2, p0  }
0x20: {  	[sflag:s8] =	ssyncset.s32 @!p0 $0xFFFFF086;
	s6 =	sadd.s32 @!p0 s3, s7;
	s7 =	simm.s32 @!p0 $0x108  }
0x21: {  	s3 =	sadd.s32 s3, s9;
	s6 =	sadd.s32 @!p0 $0x88, s6;
	s7 =	simm.s32 @p2 $0x1082  }
0x22: {  	[simem:s7], [sflag:s8] =	dma.local @!p0 [hbm:s6], $0xF7A  }
0x23: {  	s9 =	sor.u32 $0xD0000000, s2;
	s6 =	simm.s32 $0x108;
	_ =	swait.ge @!p0 [sflag:s8], $0x0  }
0x24: {  	s3 =	sadd.s32 $0x88, s3;
	s6 =	simm.s32 @!p1 $0x1082;
	[sflag:s4] =	ssyncset.s32 $0xFFFFF086  }
0x25: {  	[simem:s6], [sflag:s4] =	dma.local [hbm:s3], $0xF7A  }
0x26: {  	[smem:$0x3F9C] =	sst s1;
	(tag) =	ssettag s2;
	_ =	strace s9  }
0x27: {  	s1 =	sld [smem:$0x3FAC]  }
0x28: {  	s2 =	sld [smem:$0x3FAD]  }
0x29: {  	s4 =	sld [smem:$0x3FAF]  }
0x2a: {  	p0 =	seq.s32 s5, $0x0;
	s5 =	sld [smem:$0x3FB0]  }
0x2b: {  	s6 =	sld [smem:$0x3FB1]  }
0x2c: {  	s7 =	sld [smem:$0x3FB2]  }
0x2d: {  	s3 =	simm.s32 $0x108;
	s8 =	sld [smem:$0x3FB3]  }
0x2e: {  	s3 =	simm.s32 @!p0 $0x1082;
	s9 =	sld [smem:$0x3FB4]  }
0x2f: {  	lr =	sadd.s32 s0, s3;
	s0 =	sld [smem:$0x3FAB]  }
0x30: {  	s3 =	sld [smem:$0x3FAE]  }
0x31: {  	[smem:$0x3FB7] =	sst s10  }
0x32: {  	s10 =	sld [smem:$0x3FB5];
	_ =	sdelay $0x3  }
0x33: {  	p0 =	seq.s32 s10, $0x1;
	s10 =	sld [smem:$0x3FB7];
	_ =	sdelay $0x3  }
0x34: {  	[smem:$0x3FB7] =	sst s10  }
0x35: {  	s10 =	sld [smem:$0x3FB6];
	_ =	sdelay $0x3  }
0x36: {  	p1 =	seq.s32 s10, $0x1;
	s10 =	sld [smem:$0x3FB7];
	_ =	sdelay $0x3  }
0x37: {  	[smem:$0x3FB7] =	sst s10  }
0x38: {  	s10 =	sld [smem:$0x3FB8]  }
0x39: {  	_ = 	snop;
	(pc) =	sbr.ind lr, $3  }
0x3a: {  	_ = 	snop  }
0x3b: {  	_ = 	snop  }
0x3c: {  	p2 =	seq.s32 s10, $0x1;
	s10 =	sld [smem:$0x3FB7]  }
0x3d: {  	_ =	shalt  }
0x3e: {  	_ =	shalt  }
0x3f: {  	_ =	shalt  }
0x40: {  	_ =	shalt  }
0x41: {  	_ =	shalt  }
0x42: {  	_ =	shalt  }
0x43: {  	_ =	shalt  }
0x44: {  	_ =	shalt  }
0x45: {  	_ =	shalt  }
0x46: {  	_ =	shalt  }
0x47: {  	_ =	shalt  }
0x48: {  	_ =	shalt  }
0x49: {  	_ =	shalt  }
0x4a: {  	_ =	shalt  }
0x4b: {  	_ =	shalt  }
0x4c: {  	_ =	shalt  }
0x4d: {  	_ =	shalt  }
0x4e: {  	_ =	shalt  }
0x4f: {  	_ =	shalt  }
0x50: {  	_ =	shalt  }
0x51: {  	_ =	shalt  }
0x52: {  	_ =	shalt  }
0x53: {  	_ =	shalt  }
0x54: {  	_ =	shalt  }
0x55: {  	_ =	shalt  }
0x56: {  	_ =	shalt  }
0x57: {  	_ =	shalt  }
0x58: {  	_ =	shalt  }
0x59: {  	_ =	shalt  }
0x5a: {  	_ =	shalt  }
0x5b: {  	_ =	shalt  }
0x5c: {  	_ =	shalt  }
0x5d: {  	_ =	shalt  }
0x5e: {  	_ =	shalt  }
0x5f: {  	_ =	shalt  }
0x60: {  	_ =	shalt  }
0x61: {  	_ =	shalt  }
0x62: {  	_ =	shalt  }
0x63: {  	_ =	shalt  }
0x64: {  	_ =	shalt  }
0x65: {  	_ =	shalt  }
0x66: {  	_ =	shalt  }
0x67: {  	_ =	shalt  }
0x68: {  	_ =	shalt  }
0x69: {  	_ =	shalt  }
0x6a: {  	_ =	shalt  }
0x6b: {  	_ =	shalt  }
0x6c: {  	_ =	shalt  }
0x6d: {  	_ =	shalt  }
0x6e: {  	_ =	shalt  }
0x6f: {  	_ =	shalt  }
0x70: {  	_ =	shalt  }
0x71: {  	_ =	shalt  }
0x72: {  	_ =	shalt  }
0x73: {  	_ =	shalt  }
0x74: {  	_ =	shalt  }
0x75: {  	_ =	shalt  }
0x76: {  	_ =	shalt  }
0x77: {  	_ =	shalt  }
0x78: {  	_ =	shalt  }
0x79: {  	_ =	shalt  }
0x7a: {  	_ =	shalt  }
0x7b: {  	_ =	shalt  }
0x7c: {  	_ =	shalt  }
0x7d: {  	_ =	shalt  }
0x7e: {  	_ =	shalt  }
0x7f: {  	_ =	shalt  }
0x80: {  	_ =	shalt  }
0x81: {  	_ =	shalt  }
0x82: {  	_ =	shalt  }
0x83: {  	_ =	shalt  }
0x84: {  	_ =	shalt  }
0x85: {  	_ =	shalt  }
0x86: {  	_ =	shalt  }
0x87: {  	_ =	shalt  }
.Lfunc_end0:
.L_simem_size_0:
called_computation_lowered:
.L_overlay_start_0:
0x88: {  	s2 =	sld [smem:$0x3FD9]  }
0x89: {  	s3 =	sld [smem:$0x3FFE];
	_ =	sdelay $0x1  }
0x8a: {  	s1 =	srdreg.scid  }
0x8b: {  	s0 =	sand.u32 $0x1, s1  }
0x8c: {  	s17 =	sshll.u32 s0, $0xA;
	s2 =	sadd.s32 s3, s2  }
0x8d: {  	s2 =	sadd.s32 s2, s17  }
0x8e: {  	[smem:$0x3FC3] =	sst s2  }
0x8f: {  	_ = 	snop  }
0x90: {  	s2 =	sld [smem:$0x3FC6]  }
0x91: {  	s18 =	sld [smem:$0x3FC5];
	(tm) =	ssettm $0x1  }
0x92: {  	s4 =	sld [smem:$0x3FFB];
	_ =	sdelay $0x3  }
0x93: {  	_ =	strace s4  }
0x94: {  	s4 =	sld [smem:$0x3FFC];
	_ =	sdelay $0x3  }
0x95: {  	_ =	strace s4  }
0x96: {  	s4 =	sld [smem:$0x3FFD];
	_ =	sdelay $0x3  }
0x97: {  	_ =	strace s4  }
0x98: {  	_ =	strace $0x8FFFFFFF  }
0x99: {  	s19 =	sld [smem:$0x3FDB];
	_ =	sdelay $0x1  }
0x9a: {  	s5 =	simm.s32 $_scs_section_size  }
0x9b: {  	s6 =	simm.s32 $_size__tile_overlayer_lowered;
	s7 =	simm.s32 $_tile_overlayer_lowered  }
0x9c: {  	s22 =	simm.s32 $0x1BFF;
	s21 =	sshll.u32 s7, $0x1;
	s4 =	sadd.s32 s5, s19  }
0x9d: {  	s8 =	simm.s32 $0x0;
	s20 =	sshll.u32 s6, $0x1;
	s6 =	sadd.s32 s21, s4  }
0x9e: {  	[timem:s8], [sflag:s22] =	dma.local [hbm:s6], s20  }
0x9f: {  	_ =	swait.ge [sflag:s22], s20  }
0xa0: {  	s5 =	ssub.s32 $0x0, s20;
	[sflag:s22] =	ssyncset.done $0x0  }
0xa1: {  	[sflag:s22] =	ssyncadd.s32 s5;
	_ =	sdelay $0x1  }
0xa2: {  	s23 =	simm.s32 $0x1B8B  }
0xa3: {  	_ =	swait.ge [sflag:s23], $0x1  }
0xa4: {  	[sflag:s23] =	ssyncset.done $0x0  }
0xa5: {  	s25 =	simm.s32 $0x1B8E;
	s24 =	sld [smem:$0x3FFE];
	[sflag:s23] =	ssyncadd.s32 $0xFFFFFFFF  }
0xa6: {  	s26 =	simm.s32 $execute0_lowered;
	[smem:$0x3FD2] =	sst s25  }
0xa7: {  	s6 =	sshll.u32 s26, $0x1;
	_ =	strace $0x80000046;
	[dreg:$0x1] =	wrdreg $0xFFFFFFFF  }
0xa8: {  	s28 =	simm.s32 $_size_execute0_lowered;
	s4 =	sadd.s32 s4, s6;
	[dreg:$0x0] =	wrdreg $0x0  }
0xa9: {  	s6 =	sshll.u32 s28, $0x1;
	[dreg:$0x2] =	wrdreg s4  }
0xaa: {  	[dreg:$0x3] =	wrdreg s6  }
0xab: {  	[dreg:$0x4] =	wrdreg $0xC0  }
0xac: {  	_ =	task [dreg:s8], $0x5FFFF  }
0xad: {  	[dreg:$0x1] =	wrdreg $0xFFFFFFFF  }
0xae: {  	[dreg:$0x0] =	wrdreg $0x60  }
0xaf: {  	[dreg:$0x2] =	wrdreg s2  }
0xb0: {  	[dreg:$0x3] =	wrdreg s18  }
0xb1: {  	[dreg:$0x4] =	wrdreg s24  }
0xb2: {  	[dreg:$0x5] =	wrdreg $0x9  }
0xb3: {  	_ =	task.clear_ibuf [dreg:s8], $0x6FFFF;
	_ =	strace $0x90000046  }
0xb4: {  	s29 =	simm.s32 $0x9;
	_ =	strace $0x80000048  }
0xb5: {  	_ =	swait.ge [sflag:s29], $0x1  }
0xb6: {  	[sflag:s29] =	ssyncadd.s32 $0xFFFFFFFF  }
0xb7: {  	_ =	strace $0x90000048  }
0xb8: {  	_ =	sfence  }
0xb9: {  	s30 =	sld [smem:$0x0];
	_ =	sdelay $0x2  }
0xba: {  	s31 =	sshll.u32 s1, $0xD;
	s1 =	sshrl.u32 s1, $0x2  }
0xbb: {  	s3 =	sand.u32 $0x4000, s31;
	s1 =	sadd.s32 s1, s30  }
0xbc: {  	s0 =	sor.u32 s3, s0;
	s1 =	sshll.u32 s1, $0x11  }
0xbd: {  	s0 =	sor.u32 s1, s0  }
0xbe: {  	s0 =	sadd.s32 $0x8F2B, s0  }
0xbf: {  	[sflag:s0] =	ssyncadd.remote.s32 $0x1  }
0xc0: {  	_ =	sfence.sel $0xFFFF  }
0xc1: {  	[dreg:$0x0] =	wrdreg $0xFFFFFFFF;
	(pc) =	sbr.abs _section_cstart, $3  }
0xc2: {  	[dreg:$0x1] =	wrdreg $0xFFFFFFFF  }
0xc3: {  	_ =	task.clear_ibuf [dreg:s8], $0x2FFFF;
	_ =	strace $0x9FFFFFFF  }
0xc4: {  	(tm) =	ssettm $0x7FFFFFFF  }
0xc5: {  	_ =	shalt  }
tec
execute0_lowered:
.L_overlay_start_1:
0x0: {  	(tag) =	ssettag $0x1  }
0x1: {  	s1 =	rddreg [dreg:$0x0];
	s2 =	srdreg.scid  }
0x2: {  	s0 =	stileid.u32;
	s3 =	rddreg [dreg:$0x1]  }
0x3: {  	s6 =	rddreg [dreg:$0x2];
	s5 =	sand.u32 $0x1, s2;
	s31 =	sshll.u32 s0, $0x1  }
0x4: {  	s4 =	simm.s32 $0x0;
	s14 =	simm.s32 $0x8000;
	s7 =	sor.u32 s5, s31  }
0x5: {  	s15 =	simm.s32 $0x2;
	s16 =	simm.s32 $0x3;
	s8 =	smul.u32 $0x186A, s7  }
0x6: {  	s17 =	simm.s32 $0x0;
	s9 =	ssub.s32 $0x2, s5;
	s5 =	smul.u32 $0xC35, s7  }
0x7: {  	[smem:$0x7FF] =	sst s4;
	s10 =	sshrl.u32 s9, $0x1;
	s11 =	smul.u32 $0xC350, s7  }
0x8: {  	v0 =	vlaneseq.u32;
	s2 =	rddreg [dreg:$0x3];
	_ =	strace $0x80000047;
	s13 =	ssub.s32 s9, s10  }
0x9: {  	v2 =	vmul.u32 $0x10, v0;
	s12 =	sadd.s32 s8, s6;
	s6 =	sadd.s32 s1, s11;
	s7 =	sadd.s32 $0x100, s5  }
0xa: {  	s9 =	sadd.s32 s3, s11;
	s11 =	smax.u32 s13, $0x1;
	s13 =	simm.s32 $0x1  }
0xb: {  	v1 =	vmul.u32 $0x80, v0;
	v2 =	vadd.s32 $0xBB50, v2;
	s8 =	sadd.s32 $0x1600, s12;
	s10 =	sadd.s32 $0x32400, s12;
	s12 =	simm.s32 $0x4000  }
.LBB2_1:
0xc: {  	[tilespmem:s4], [sflag:$0x1] =	stream.linear.gather [hbm4b:s6+s4], $0x4000, $0x38;
	[tilespmem:$0x14350] =	vst v63  }
0xd: {  	s18 =	simm.s32 $0x0  }
.LBB2_2:
0xe: {  	s20 =	sshll.u32 s18, $0x8  }
0xf: {  	s19 =	sor.u32 $0x80, s20  }
0x10: {  	s21 =	sadd.s32 s5, s19  }
0x11: {  	s21 =	sshll.u32 s21, $0x4  }
0x12: {  	s21 =	sand.u32 $0x1FFFFFF0, s21  }
0x13: {  	s22 =	sadd.s32 s1, s21;
	s21 =	simm.s32 $0x0  }
0x14: {  	[tilespmem:s12], [sflag:$0x2] =	stream.linear.gather [hbm4b:s22+s21], $0x4000, $0x38;
	[tilespmem:$0x14350] =	vst v63  }
0x15: {  	_ =	swait.ge [sflag:s13], $0x4000  }
0x16: {  	[sflag:s13] =	ssyncset.done $0x0  }
0x17: {  	v3 =	vor.u32 s20, v0;
	s22 =	simm.s32 $0x0;
	[sflag:s13] =	ssyncadd.s32 $0xFFFFC000  }
.LBB2_3:
0x18: {  	s23 =	sshll.u32 s22, $0x4;
	s29 =	simm.s32 $0x1;
	s24 =	simm.s32 $0x3  }
0x19: {  	s25 =	simm.s32 $0x2;
	s30 =	simm.s32 $0x5;
	v4 =	vmov s23;
	v6 =	vmov s29;
	v7 =	vmov s24  }
0x1a: {  	v8 =	vmov s25;
	v10 =	vmov s30;
	v6 =	vand.u32 $0x7D, v6  }
0x1b: {  	s31 =	simm.s32 $0x6;
	v5 =	vshll.u32 v4, $0x7;
	v7 =	vand.u32 $0x7F, v7;
	v6 =	vbroadcast v6, $0x0  }
0x1c: {  	v11 =	vmov s31;
	v7 =	vbroadcast v7, $0x0;
	v5 =	vor.u32 v1, v5  }
0x1d: {  	v8 =	vand.u32 $0x7E, v8;
	v9 =	vor.u32 v5, v6;
	v6 =	vmov s21  }
0x1e: {  	s25 =	simm.s32 $0x7;
	v8 =	vbroadcast v8, $0x0;
	v7 =	vor.u32 v5, v7;
	v6 =	vand.u32 $0x7C, v6  }
0x1f: {  	v10 =	vand.u32 $0x7D, v10;
	v12 =	vmov s25;
	v6 =	vbroadcast v6, $0x0  }
0x20: {  	v10 =	vbroadcast v10, $0x0;
	v12 =	vand.u32 $0x7F, v12;
	v8 =	vor.u32 v5, v8  }
0x21: {  	v11 =	vand.u32 $0x7E, v11;
	v12 =	vbroadcast v12, $0x0;
	v13 =	vor.u32 v5, v6  }
0x22: {  	s28 =	simm.s32 $0x9;
	s29 =	simm.s32 $0xA;
	v11 =	vbroadcast v11, $0x0;
	v10 =	vor.u32 v5, v10  }
0x23: {  	s26 =	simm.s32 $0x4;
	v14 =	vmov s29;
	v16 =	vor.u32 v5, v12;
	v12 =	vmov s28;
	v7 =	vld.idx.msk [tilespmem:v7+s4+$0x0], $0xffff  }
0x24: {  	s31 =	simm.s32 $0x8;
	v18 =	vor.u32 v5, v11;
	v11 =	vmov s26;
	v12 =	vand.u32 $0x7D, v12;
	v9 =	vld.idx.msk [tilespmem:v9+s4+$0x0], $0xffff  }
0x25: {  	s30 =	simm.s32 $0xB;
	v20 =	vmov s31;
	v11 =	vand.u32 $0x7C, v11;
	v12 =	vbroadcast v12, $0x0;
	v8 =	vld.idx.msk [tilespmem:v8+s4+$0x0], $0xffff  }
0x26: {  	v11 =	vbroadcast v11, $0x0;
	v21 =	vld.idx.msk [tilespmem:v13+s4+$0x0], $0xffff;
	v13 =	vand.u32 $0x7E, v14;
	v14 =	vmov s30  }
0x27: {  	v6 =	vimm.f32 $0.0e+00;
	v17 =	vand.u32 $0x7F, v14;
	v14 =	vor.u32 v5, v12;
	v12 =	vld.idx.msk [tilespmem:v10+s4+$0x0], $0xffff  }
0x28: {  	v15 =	vor.u32 v5, v11;
	v7 =	vmul.f32 v7, v7;
	v13 =	vbroadcast v13, $0x0  }
0x29: {  	v19 =	vmul.f32 v9, v9;
	v9 =	vimm.f32 $0.0e+00;
	v22 =	vbroadcast v17, $0x0  }
0x2a: {  	v11 =	vld.idx.msk [tilespmem:v16+s4+$0x0], $0xffff;
	v10 =	vimm.f32 $0.0e+00;
	v17 =	vmul.f32 v8, v8;
	v8 =	vor.u32 v5, v13  }
0x2b: {  	s23 =	simm.s32 $0xC;
	v7 =	vadd.f32 v7, v6;
	v13 =	vld.idx.msk [tilespmem:v18+s4+$0x0], $0xffff;
	v16 =	vor.u32 v5, v22;
	v18 =	vmul.f32 v21, v21  }
.LBB2_4:
0x2c: {  	s24 =	sadd.s32 $0x1, s23;
	s25 =	sadd.s32 $0x2, s23;
	s26 =	sadd.s32 $0x3, s23;
	v20 =	vand.u32 $0x7C, v20;
	v6 =	vadd.f32 v19, v6;
	v9 =	vadd.f32 v17, v9;
	v19 =	vmovc v12  }
0x2d: {  	p0 =	sne.s32 s23, $0x7C;
	v12 =	vmov s24;
	v17 =	vmov s25;
	v20 =	vbroadcast v20, $0x0;
	v21 =	vld.idx.msk [tilespmem:v15+s4+$0x0], $0xffff;
	s24 =	smov.u32 s23;
	s23 =	sadd.s32 $0x4, s23  }
0x2e: {  	v10 =	vadd.f32 v18, v10;
	v15 =	vand.u32 $0x7D, v12;
	v17 =	vand.u32 $0x7E, v17;
	v12 =	vld.idx.msk [tilespmem:v14+s4+$0x0], $0xffff  }
.Ltmp0:
0x2f: {  	v18 =	vmul.f32 v11, v11;
	v14 =	vbroadcast v15, $0x0;
	v15 =	vmov s26;
	(pc) =	sbr.rel @p0 .LBB2_4-.Ltmp0, $4  }
0x30: {  	v22 =	vbroadcast v17, $0x0;
	v17 =	vand.u32 $0x7F, v15;
	v15 =	vor.u32 v5, v20;
	v11 =	vld.idx.msk [tilespmem:v16+s4+$0x0], $0xffff  }
0x31: {  	v14 =	vor.u32 v5, v14;
	v16 =	vbroadcast v17, $0x0;
	v17 =	vmul.f32 v13, v13  }
0x32: {  	v19 =	vmul.f32 v19, v19;
	v7 =	vadd.f32 v18, v7;
	v22 =	vor.u32 v5, v22  }
0x33: {  	v20 =	vmov s24;
	v18 =	vmul.f32 v21, v21;
	v16 =	vor.u32 v5, v16;
	v13 =	vld.idx.msk [tilespmem:v8+s4+$0x0], $0xffff;
	v8 =	vmovc v22  }
0x34: {  	v20 =	vand.u32 $0x7C, v20  }
0x35: {  	v20 =	vbroadcast v20, $0x0;
	_ =	sdelay $0x1  }
0x36: {  	v5 =	vor.u32 v5, v20  }
0x37: {  	v15 =	vld.idx.msk [tilespmem:v15+s4+$0x0], $0xffff  }
0x38: {  	v14 =	vld.idx.msk [tilespmem:v14+s4+$0x0], $0xffff  }
0x39: {  	v16 =	vld.idx.msk [tilespmem:v16+s4+$0x0], $0xffff  }
0x3a: {  	v8 =	vld.idx.msk [tilespmem:v8+s4+$0x0], $0xffff  }
0x3b: {  	v5 =	vld.idx.msk [tilespmem:v5+s4+$0x0], $0xffff  }
0x3c: {  	v6 =	vadd.f32 v19, v6;
	v12 =	vmul.f32 v12, v12;
	v9 =	vadd.f32 v17, v9  }
0x3d: {  	v11 =	vmul.f32 v11, v11;
	v10 =	vadd.f32 v18, v10;
	v13 =	vmul.f32 v13, v13  }
0x3e: {  	v6 =	vadd.f32 v12, v6;
	v57 =	vmul.f32 v15, v15;
	v58 =	vmul.f32 v16, v16  }
0x3f: {  	v7 =	vadd.f32 v11, v7;
	v59 =	vmul.f32 v14, v14;
	v8 =	vmul.f32 v8, v8  }
0x40: {  	v9 =	vadd.f32 v13, v9;
	v10 =	vadd.f32 v57, v10;
	v5 =	vmul.f32 v5, v5  }
0x41: {  	v7 =	vadd.f32 v58, v7;
	v6 =	vadd.f32 v59, v6  }
0x42: {  	v8 =	vadd.f32 v8, v9;
	v5 =	vadd.f32 v5, v10;
	_ =	sdelay $0x1  }
0x43: {  	v60 =	vadd.f32 v7, v8;
	v5 =	vadd.f32 v6, v5;
	_ =	sdelay $0x1  }
0x44: {  	v5 =	vadd.f32 v60, v5;
	_ =	sdelay $0x1  }
0x45: {  	v6 =	vshrl.u32 v5, $0x1;
	v61 =	vmul.f32 $5.000000000e-01, v5  }
0x46: {  	v6 =	vsub.s32 $0x5F3759DF, v6  }
0x47: {  	v62 =	vmul.f32 v6, v61;
	_ =	sdelay $0x1  }
0x48: {  	v8 =	vmul.f32 v6, v62;
	_ =	sdelay $0x1  }
0x49: {  	v8 =	vsub.f32 $1.500000000e+00, v8;
	_ =	sdelay $0x1  }
0x4a: {  	v6 =	vmul.f32 v6, v8;
	_ =	sdelay $0x1  }
0x4b: {  	v8 =	vmul.f32 v6, v61;
	_ =	sdelay $0x1  }
0x4c: {  	v8 =	vmul.f32 v8, v6;
	_ =	sdelay $0x1  }
0x4d: {  	v8 =	vsub.f32 $1.500000000e+00, v8;
	_ =	sdelay $0x1  }
0x4e: {  	v6 =	vmul.f32 v8, v6;
	_ =	sdelay $0x1  }
0x4f: {  	v7 =	vmul.f32 v6, v61;
	_ =	sdelay $0x1  }
0x50: {  	v4 =	vor.u32 v3, v4;
	v7 =	vmul.f32 v7, v6  }
0x51: {  	s22 =	sadd.s32 $0x1, s22;
	v4 =	vshll.u32 v4, $0x4  }
0x52: {  	p0 =	sne.s32 s22, $0x8;
	v63 =	vor.u32 $0x1, v4;
	v7 =	vsub.f32 $1.500000000e+00, v7  }
.Ltmp1:
0x53: {  	_ = 	snop;
	(pc) =	sbr.rel @p0 .LBB2_3-.Ltmp1, $4  }
0x54: {  	v6 =	vmul.f32 v7, v6  }
0x55: {  	v5 =	vmin.f32 v5, $1.000000000e+00  }
0x56: {  	[tilespmem:v4+s14+$0x0] =	vst.idx.msk $0xffff, v5;
	v6 =	vmin.f32 v6, $1.000000000e+00  }
0x57: {  	[tilespmem:v63+s14+$0x0] =	vst.idx.msk $0xffff, v6  }
0x58: {  	p0 =	slt.s32 s20, $0xAB5  }
0x59: {  	s20 =	simm.s32 @!p0 $0xAB5  }
0x5a: {  	s20 =	sadd.s32 s20, s7  }
0x5b: {  	s20 =	sshll.u32 s20, $0x4  }
0x5c: {  	s20 =	sand.u32 $0x1FFFFFF0, s20  }
0x5d: {  	s21 =	sadd.s32 s1, s20;
	s20 =	simm.s32 $0x0  }
0x5e: {  	[tilespmem:s20], [sflag:$0x1] =	stream.linear.gather [hbm4b:s21+s20], $0x4000, $0x38;
	[tilespmem:$0x14350] =	vst v63  }
0x5f: {  	_ =	swait.ge [sflag:s15], $0x4000  }
0x60: {  	[sflag:s15] =	ssyncset.done $0x0  }
0x61: {  	v3 =	vmov s19;
	s19 =	simm.s32 $0x0;
	[sflag:s15] =	ssyncadd.s32 $0xFFFFC000  }
.LBB2_7:
0x62: {  	s22 =	simm.s32 $0x1  }
0x63: {  	s21 =	sshll.u32 s19, $0x4;
	s23 =	simm.s32 $0x3;
	v9 =	vmov s20;
	v5 =	vmov s22  }
0x64: {  	s31 =	simm.s32 $0x2;
	v4 =	vor.u32 s21, v0;
	v6 =	vmov s23;
	v5 =	vand.u32 $0x7D, v5  }
0x65: {  	v7 =	vmov s31;
	v6 =	vand.u32 $0x7F, v6;
	v8 =	vbroadcast v5, $0x0  }
0x66: {  	s25 =	simm.s32 $0x7;
	v7 =	vand.u32 $0x7E, v7;
	v6 =	vbroadcast v6, $0x0;
	v5 =	vshll.u32 v4, $0x7  }
0x67: {  	s23 =	simm.s32 $0x5;
	v12 =	vmov s25;
	v7 =	vbroadcast v7, $0x0;
	v8 =	vor.u32 v5, v8  }
0x68: {  	v10 =	vor.u32 v5, v6;
	v6 =	vand.u32 $0x7C, v9;
	v9 =	vmov s23  }
0x69: {  	s24 =	simm.s32 $0x6;
	v7 =	vor.u32 v5, v7;
	v6 =	vbroadcast v6, $0x0;
	v9 =	vand.u32 $0x7D, v9  }
0x6a: {  	v11 =	vmov s24;
	v12 =	vand.u32 $0x7F, v12;
	v9 =	vbroadcast v9, $0x0  }
0x6b: {  	v11 =	vand.u32 $0x7E, v11;
	v12 =	vbroadcast v12, $0x0;
	v13 =	vor.u32 v5, v6  }
0x6c: {  	s28 =	simm.s32 $0x9;
	s29 =	simm.s32 $0xA;
	v11 =	vbroadcast v11, $0x0;
	v16 =	vld.idx.msk [tilespmem:v8+s12+$0x0], $0xffff;
	v8 =	vor.u32 v5, v9  }
0x6d: {  	s26 =	simm.s32 $0x4;
	v14 =	vmov s29;
	v18 =	vor.u32 v5, v12;
	v12 =	vmov s28;
	v10 =	vld.idx.msk [tilespmem:v10+s12+$0x0], $0xffff  }
0x6e: {  	s31 =	simm.s32 $0x8;
	v12 =	vand.u32 $0x7D, v12;
	v9 =	vor.u32 v5, v11;
	v11 =	vmov s26;
	v7 =	vld.idx.msk [tilespmem:v7+s12+$0x0], $0xffff  }
0x6f: {  	s30 =	simm.s32 $0xB;
	v20 =	vmov s31;
	v12 =	vbroadcast v12, $0x0;
	v11 =	vand.u32 $0x7C, v11  }
0x70: {  	v11 =	vbroadcast v11, $0x0;
	v21 =	vld.idx.msk [tilespmem:v13+s12+$0x0], $0xffff;
	v13 =	vand.u32 $0x7E, v14;
	v14 =	vmov s30  }
0x71: {  	v13 =	vbroadcast v13, $0x0;
	v17 =	vand.u32 $0x7F, v14;
	v14 =	vor.u32 v5, v12;
	v12 =	vld.idx.msk [tilespmem:v8+s12+$0x0], $0xffff  }
0x72: {  	v15 =	vor.u32 v5, v11;
	v10 =	vmul.f32 v10, v10;
	v22 =	vbroadcast v17, $0x0  }
0x73: {  	v6 =	vimm.f32 $0.0e+00;
	v11 =	vld.idx.msk [tilespmem:v18+s12+$0x0], $0xffff;
	v17 =	vmul.f32 v7, v7;
	v19 =	vmul.f32 v16, v16  }
0x74: {  	v8 =	vor.u32 v5, v13;
	v13 =	vld.idx.msk [tilespmem:v9+s12+$0x0], $0xffff;
	v9 =	vimm.f32 $0.0e+00;
	v7 =	vadd.f32 v10, v6  }
0x75: {  	s21 =	simm.s32 $0xC;
	v16 =	vor.u32 v5, v22;
	v10 =	vimm.f32 $0.0e+00;
	v18 =	vmul.f32 v21, v21  }
.LBB2_8:
0x76: {  	s22 =	sadd.s32 $0x1, s21;
	s23 =	sadd.s32 $0x2, s21;
	s24 =	sadd.s32 $0x3, s21;
	v20 =	vand.u32 $0x7C, v20;
	v6 =	vadd.f32 v19, v6;
	v9 =	vadd.f32 v17, v9;
	v19 =	vmovc v12  }
0x77: {  	p0 =	sne.s32 s21, $0x7C;
	v12 =	vmov s22;
	v17 =	vmov s23;
	v20 =	vbroadcast v20, $0x0;
	v21 =	vld.idx.msk [tilespmem:v15+s12+$0x0], $0xffff;
	s22 =	smov.u32 s21;
	s21 =	sadd.s32 $0x4, s21  }
0x78: {  	v10 =	vadd.f32 v18, v10;
	v15 =	vand.u32 $0x7D, v12;
	v17 =	vand.u32 $0x7E, v17;
	v12 =	vld.idx.msk [tilespmem:v14+s12+$0x0], $0xffff  }
.Ltmp2:
0x79: {  	v18 =	vmul.f32 v11, v11;
	v14 =	vbroadcast v15, $0x0;
	v15 =	vmov s24;
	(pc) =	sbr.rel @p0 .LBB2_8-.Ltmp2, $4  }
0x7a: {  	v22 =	vbroadcast v17, $0x0;
	v17 =	vand.u32 $0x7F, v15;
	v15 =	vor.u32 v5, v20;
	v11 =	vld.idx.msk [tilespmem:v16+s12+$0x0], $0xffff  }
0x7b: {  	v14 =	vor.u32 v5, v14;
	v16 =	vbroadcast v17, $0x0;
	v17 =	vmul.f32 v13, v13  }
0x7c: {  	v19 =	vmul.f32 v19, v19;
	v7 =	vadd.f32 v18, v7;
	v22 =	vor.u32 v5, v22  }
0x7d: {  	v20 =	vmov s22;
	v18 =	vmul.f32 v21, v21;
	v16 =	vor.u32 v5, v16;
	v13 =	vld.idx.msk [tilespmem:v8+s12+$0x0], $0xffff;
	v8 =	vmovc v22  }
0x7e: {  	v20 =	vand.u32 $0x7C, v20  }
0x7f: {  	v20 =	vbroadcast v20, $0x0;
	_ =	sdelay $0x1  }
0x80: {  	v5 =	vor.u32 v5, v20  }
0x81: {  	v15 =	vld.idx.msk [tilespmem:v15+s12+$0x0], $0xffff  }
0x82: {  	v14 =	vld.idx.msk [tilespmem:v14+s12+$0x0], $0xffff  }
0x83: {  	v16 =	vld.idx.msk [tilespmem:v16+s12+$0x0], $0xffff  }
0x84: {  	v8 =	vld.idx.msk [tilespmem:v8+s12+$0x0], $0xffff  }
0x85: {  	v5 =	vld.idx.msk [tilespmem:v5+s12+$0x0], $0xffff  }
0x86: {  	v6 =	vadd.f32 v19, v6;
	v12 =	vmul.f32 v12, v12;
	v9 =	vadd.f32 v17, v9  }
0x87: {  	v11 =	vmul.f32 v11, v11;
	v10 =	vadd.f32 v18, v10;
	v13 =	vmul.f32 v13, v13  }
0x88: {  	v6 =	vadd.f32 v12, v6;
	v57 =	vmul.f32 v15, v15;
	v58 =	vmul.f32 v16, v16  }
0x89: {  	v7 =	vadd.f32 v11, v7;
	v59 =	vmul.f32 v14, v14;
	v8 =	vmul.f32 v8, v8  }
0x8a: {  	v9 =	vadd.f32 v13, v9;
	v10 =	vadd.f32 v57, v10;
	v5 =	vmul.f32 v5, v5  }
0x8b: {  	v7 =	vadd.f32 v58, v7;
	v6 =	vadd.f32 v59, v6  }
0x8c: {  	v8 =	vadd.f32 v8, v9;
	v5 =	vadd.f32 v5, v10;
	_ =	sdelay $0x1  }
0x8d: {  	v60 =	vadd.f32 v7, v8;
	v5 =	vadd.f32 v6, v5;
	_ =	sdelay $0x1  }
0x8e: {  	v5 =	vadd.f32 v60, v5;
	_ =	sdelay $0x1  }
0x8f: {  	v6 =	vshrl.u32 v5, $0x1;
	v61 =	vmul.f32 $5.000000000e-01, v5  }
0x90: {  	v6 =	vsub.s32 $0x5F3759DF, v6  }
0x91: {  	v62 =	vmul.f32 v6, v61;
	_ =	sdelay $0x1  }
0x92: {  	v8 =	vmul.f32 v6, v62;
	_ =	sdelay $0x1  }
0x93: {  	v8 =	vsub.f32 $1.500000000e+00, v8;
	_ =	sdelay $0x1  }
0x94: {  	v6 =	vmul.f32 v6, v8;
	_ =	sdelay $0x1  }
0x95: {  	v8 =	vmul.f32 v6, v61;
	_ =	sdelay $0x1  }
0x96: {  	v8 =	vmul.f32 v8, v6;
	_ =	sdelay $0x1  }
0x97: {  	v8 =	vsub.f32 $1.500000000e+00, v8;
	_ =	sdelay $0x1  }
0x98: {  	v6 =	vmul.f32 v8, v6;
	_ =	sdelay $0x1  }
0x99: {  	v7 =	vmul.f32 v6, v61;
	_ =	sdelay $0x1  }
0x9a: {  	v4 =	vadd.s32 v3, v4;
	v7 =	vmul.f32 v7, v6  }
0x9b: {  	s19 =	sadd.s32 $0x1, s19;
	v4 =	vshll.u32 v4, $0x4  }
0x9c: {  	p0 =	sne.s32 s19, $0x8;
	v63 =	vor.u32 $0x1, v4;
	v7 =	vsub.f32 $1.500000000e+00, v7  }
.Ltmp3:
0x9d: {  	_ = 	snop;
	(pc) =	sbr.rel @p0 .LBB2_7-.Ltmp3, $4  }
0x9e: {  	v6 =	vmul.f32 v7, v6  }
0x9f: {  	v5 =	vmin.f32 v5, $1.000000000e+00  }
0xa0: {  	[tilespmem:v4+s14+$0x0] =	vst.idx.msk $0xffff, v5;
	v6 =	vmin.f32 v6, $1.000000000e+00  }
0xa1: {  	[tilespmem:v63+s14+$0x0] =	vst.idx.msk $0xffff, v6  }
0xa2: {  	s18 =	sadd.s32 $0x1, s18  }
0xa3: {  	p0 =	sne.s32 s18, $0xC  }
.Ltmp4:
0xa4: {  	_ = 	snop;
	(pc) =	sbr.rel @p0 .LBB2_2-.Ltmp4, $1  }
0xa5: {  	_ =	sdelay $0x3  }
0xa6: {  	_ =	swait.ge [sflag:s13], $0x4000  }
0xa7: {  	[sflag:s13] =	ssyncset.done $0x0  }
0xa8: {  	s18 =	simm.s32 $0x0;
	s19 =	simm.s32 $0x0;
	[sflag:s13] =	ssyncadd.s32 $0xFFFFC000  }
.LBB2_12:
0xa9: {  	s20 =	sshll.u32 s19, $0x4;
	s31 =	simm.s32 $0x1;
	s21 =	simm.s32 $0x3  }
0xaa: {  	s22 =	simm.s32 $0x2;
	s23 =	simm.s32 $0x5;
	v3 =	vmov s20;
	v5 =	vmov s31;
	v6 =	vmov s21  }
0xab: {  	v7 =	vmov s22;
	v9 =	vmov s23;
	v5 =	vand.u32 $0x7D, v5  }
0xac: {  	s24 =	simm.s32 $0x6;
	v4 =	vshll.u32 v3, $0x7;
	v6 =	vand.u32 $0x7F, v6;
	v5 =	vbroadcast v5, $0x0  }
0xad: {  	v10 =	vmov s24;
	v6 =	vbroadcast v6, $0x0;
	v4 =	vor.u32 v1, v4  }
0xae: {  	v7 =	vand.u32 $0x7E, v7;
	v8 =	vor.u32 v4, v5;
	v5 =	vmov s18  }
0xaf: {  	s25 =	simm.s32 $0x7;
	v7 =	vbroadcast v7, $0x0;
	v6 =	vor.u32 v4, v6;
	v5 =	vand.u32 $0x7C, v5  }
0xb0: {  	v11 =	vmov s25;
	v9 =	vand.u32 $0x7D, v9;
	v5 =	vbroadcast v5, $0x0  }
0xb1: {  	v11 =	vand.u32 $0x7F, v11;
	v9 =	vbroadcast v9, $0x0;
	v7 =	vor.u32 v4, v7  }
0xb2: {  	v10 =	vand.u32 $0x7E, v10;
	v11 =	vbroadcast v11, $0x0;
	v12 =	vor.u32 v4, v5  }
0xb3: {  	s28 =	simm.s32 $0x9;
	s29 =	simm.s32 $0xA;
	v10 =	vbroadcast v10, $0x0;
	v9 =	vor.u32 v4, v9  }
0xb4: {  	s26 =	simm.s32 $0x4;
	v13 =	vmov s29;
	v15 =	vor.u32 v4, v11;
	v11 =	vmov s28;
	v6 =	vld.idx.msk [tilespmem:v6+s4+$0x0], $0xffff  }
0xb5: {  	s31 =	simm.s32 $0x8;
	v17 =	vor.u32 v4, v10;
	v10 =	vmov s26;
	v11 =	vand.u32 $0x7D, v11;
	v8 =	vld.idx.msk [tilespmem:v8+s4+$0x0], $0xffff  }
0xb6: {  	s30 =	simm.s32 $0xB;
	v19 =	vmov s31;
	v10 =	vand.u32 $0x7C, v10;
	v11 =	vbroadcast v11, $0x0;
	v7 =	vld.idx.msk [tilespmem:v7+s4+$0x0], $0xffff  }
0xb7: {  	v10 =	vbroadcast v10, $0x0;
	v20 =	vld.idx.msk [tilespmem:v12+s4+$0x0], $0xffff;
	v12 =	vand.u32 $0x7E, v13;
	v13 =	vmov s30  }
0xb8: {  	v5 =	vimm.f32 $0.0e+00;
	v16 =	vand.u32 $0x7F, v13;
	v13 =	vor.u32 v4, v11;
	v11 =	vld.idx.msk [tilespmem:v9+s4+$0x0], $0xffff  }
0xb9: {  	v14 =	vor.u32 v4, v10;
	v6 =	vmul.f32 v6, v6;
	v12 =	vbroadcast v12, $0x0  }
0xba: {  	v18 =	vmul.f32 v8, v8;
	v8 =	vimm.f32 $0.0e+00;
	v21 =	vbroadcast v16, $0x0  }
0xbb: {  	v10 =	vld.idx.msk [tilespmem:v15+s4+$0x0], $0xffff;
	v9 =	vimm.f32 $0.0e+00;
	v16 =	vmul.f32 v7, v7;
	v7 =	vor.u32 v4, v12  }
0xbc: {  	s20 =	simm.s32 $0xC;
	v6 =	vadd.f32 v6, v5;
	v12 =	vld.idx.msk [tilespmem:v17+s4+$0x0], $0xffff;
	v15 =	vor.u32 v4, v21;
	v17 =	vmul.f32 v20, v20  }
.LBB2_13:
0xbd: {  	s21 =	sadd.s32 $0x1, s20;
	s22 =	sadd.s32 $0x2, s20;
	s23 =	sadd.s32 $0x3, s20;
	v19 =	vand.u32 $0x7C, v19;
	v5 =	vadd.f32 v18, v5;
	v8 =	vadd.f32 v16, v8;
	v18 =	vmovc v11  }
0xbe: {  	p0 =	sne.s32 s20, $0x7C;
	v11 =	vmov s21;
	v16 =	vmov s22;
	v19 =	vbroadcast v19, $0x0;
	v20 =	vld.idx.msk [tilespmem:v14+s4+$0x0], $0xffff;
	s21 =	smov.u32 s20;
	s20 =	sadd.s32 $0x4, s20  }
0xbf: {  	v9 =	vadd.f32 v17, v9;
	v14 =	vand.u32 $0x7D, v11;
	v16 =	vand.u32 $0x7E, v16;
	v11 =	vld.idx.msk [tilespmem:v13+s4+$0x0], $0xffff  }
.Ltmp5:
0xc0: {  	v17 =	vmul.f32 v10, v10;
	v13 =	vbroadcast v14, $0x0;
	v14 =	vmov s23;
	(pc) =	sbr.rel @p0 .LBB2_13-.Ltmp5, $4  }
0xc1: {  	v21 =	vbroadcast v16, $0x0;
	v16 =	vand.u32 $0x7F, v14;
	v14 =	vor.u32 v4, v19;
	v10 =	vld.idx.msk [tilespmem:v15+s4+$0x0], $0xffff  }
0xc2: {  	v13 =	vor.u32 v4, v13;
	v15 =	vbroadcast v16, $0x0;
	v16 =	vmul.f32 v12, v12  }
0xc3: {  	v18 =	vmul.f32 v18, v18;
	v6 =	vadd.f32 v17, v6;
	v21 =	vor.u32 v4, v21  }
0xc4: {  	v19 =	vmov s21;
	v17 =	vmul.f32 v20, v20;
	v15 =	vor.u32 v4, v15;
	v12 =	vld.idx.msk [tilespmem:v7+s4+$0x0], $0xffff;
	v7 =	vmovc v21  }
0xc5: {  	v19 =	vand.u32 $0x7C, v19  }
0xc6: {  	v19 =	vbroadcast v19, $0x0;
	_ =	sdelay $0x1  }
0xc7: {  	v4 =	vor.u32 v4, v19  }
0xc8: {  	v14 =	vld.idx.msk [tilespmem:v14+s4+$0x0], $0xffff  }
0xc9: {  	v13 =	vld.idx.msk [tilespmem:v13+s4+$0x0], $0xffff  }
0xca: {  	v15 =	vld.idx.msk [tilespmem:v15+s4+$0x0], $0xffff  }
0xcb: {  	v7 =	vld.idx.msk [tilespmem:v7+s4+$0x0], $0xffff  }
0xcc: {  	v4 =	vld.idx.msk [tilespmem:v4+s4+$0x0], $0xffff  }
0xcd: {  	v5 =	vadd.f32 v18, v5;
	v11 =	vmul.f32 v11, v11;
	v8 =	vadd.f32 v16, v8  }
0xce: {  	v10 =	vmul.f32 v10, v10;
	v9 =	vadd.f32 v17, v9;
	v12 =	vmul.f32 v12, v12  }
0xcf: {  	v5 =	vadd.f32 v11, v5;
	v57 =	vmul.f32 v14, v14;
	v58 =	vmul.f32 v15, v15  }
0xd0: {  	v6 =	vadd.f32 v10, v6;
	v59 =	vmul.f32 v13, v13;
	v7 =	vmul.f32 v7, v7  }
0xd1: {  	v8 =	vadd.f32 v12, v8;
	v9 =	vadd.f32 v57, v9;
	v4 =	vmul.f32 v4, v4  }
0xd2: {  	v6 =	vadd.f32 v58, v6;
	v5 =	vadd.f32 v59, v5  }
0xd3: {  	v7 =	vadd.f32 v7, v8;
	v4 =	vadd.f32 v4, v9;
	_ =	sdelay $0x1  }
0xd4: {  	v60 =	vadd.f32 v6, v7;
	v4 =	vadd.f32 v5, v4;
	_ =	sdelay $0x1  }
0xd5: {  	v4 =	vadd.f32 v60, v4;
	_ =	sdelay $0x1  }
0xd6: {  	v5 =	vshrl.u32 v4, $0x1;
	v61 =	vmul.f32 $5.000000000e-01, v4  }
0xd7: {  	v5 =	vsub.s32 $0x5F3759DF, v5  }
0xd8: {  	v62 =	vmul.f32 v5, v61;
	_ =	sdelay $0x1  }
0xd9: {  	v7 =	vmul.f32 v5, v62;
	_ =	sdelay $0x1  }
0xda: {  	v7 =	vsub.f32 $1.500000000e+00, v7;
	_ =	sdelay $0x1  }
0xdb: {  	v5 =	vmul.f32 v5, v7;
	_ =	sdelay $0x1  }
0xdc: {  	v7 =	vmul.f32 v5, v61;
	_ =	sdelay $0x1  }
0xdd: {  	v7 =	vmul.f32 v7, v5;
	_ =	sdelay $0x1  }
0xde: {  	v7 =	vsub.f32 $1.500000000e+00, v7;
	_ =	sdelay $0x1  }
0xdf: {  	v5 =	vmul.f32 v7, v5;
	_ =	sdelay $0x1  }
0xe0: {  	v6 =	vmul.f32 v5, v61;
	_ =	sdelay $0x1  }
0xe1: {  	v3 =	vshll.u32 v3, $0x4;
	v6 =	vmul.f32 v6, v5  }
0xe2: {  	s19 =	sadd.s32 $0x1, s19;
	v3 =	vadd.s32 v2, v3  }
0xe3: {  	p0 =	sne.s32 s19, $0x8;
	v63 =	vor.u32 $0x1, v3;
	v6 =	vsub.f32 $1.500000000e+00, v6  }
.Ltmp6:
0xe4: {  	_ = 	snop;
	(pc) =	sbr.rel @p0 .LBB2_12-.Ltmp6, $4  }
0xe5: {  	v5 =	vmul.f32 v6, v5  }
0xe6: {  	v4 =	vmin.f32 v4, $1.000000000e+00  }
0xe7: {  	[tilespmem:v3+s14+$0x0] =	vst.idx.msk $0xffff, v4;
	v5 =	vmin.f32 v5, $1.000000000e+00  }
0xe8: {  	[tilespmem:v63+s14+$0x0] =	vst.idx.msk $0xffff, v5  }
0xe9: {  	s18 =	simm.s32 $0x0  }
0xea: {  	[hbm4b:s8+s18] =	stream.linear.scatter [tilespmem:s14], [sflag:$0x3], $0xC350, $0x38;
	[tilespmem:$0x14350] =	vst v63  }
0xeb: {  	_ =	swait.ge [sflag:s16], $0xC350  }
0xec: {  	[sflag:s16] =	ssyncset.done $0x0  }
0xed: {  	s19 =	simm.s32 $0x0;
	[sflag:s16] =	ssyncadd.s32 $0xFFFF3CB0  }
0xee: {  	[tilespmem:s18], [sflag:$0x1] =	stream.linear.gather [hbm4b:s9+s18], $0x4000, $0x38;
	[tilespmem:$0x14350] =	vst v63  }
.LBB2_16:
0xef: {  	s21 =	sshll.u32 s19, $0x8  }
0xf0: {  	s20 =	sor.u32 $0x80, s21  }
0xf1: {  	s22 =	sadd.s32 s5, s20  }
0xf2: {  	s22 =	sshll.u32 s22, $0x4  }
0xf3: {  	s22 =	sand.u32 $0x1FFFFFF0, s22  }
0xf4: {  	s22 =	sadd.s32 s3, s22  }
0xf5: {  	[tilespmem:s12], [sflag:$0x2] =	stream.linear.gather [hbm4b:s22+s18], $0x4000, $0x38;
	[tilespmem:$0x14350] =	vst v63  }
0xf6: {  	_ =	swait.ge [sflag:s13], $0x4000  }
0xf7: {  	[sflag:s13] =	ssyncset.done $0x0  }
0xf8: {  	v3 =	vor.u32 s21, v0;
	s22 =	simm.s32 $0x0;
	[sflag:s13] =	ssyncadd.s32 $0xFFFFC000  }
.LBB2_17:
0xf9: {  	s23 =	sshll.u32 s22, $0x4;
	s28 =	simm.s32 $0x1;
	s24 =	simm.s32 $0x3  }
0xfa: {  	s25 =	simm.s32 $0x2;
	s30 =	simm.s32 $0x5;
	v4 =	vmov s23;
	v6 =	vmov s28;
	v7 =	vmov s24  }
0xfb: {  	v8 =	vmov s25;
	v10 =	vmov s30;
	v6 =	vand.u32 $0x7D, v6  }
0xfc: {  	s31 =	simm.s32 $0x6;
	v5 =	vshll.u32 v4, $0x7;
	v7 =	vand.u32 $0x7F, v7;
	v6 =	vbroadcast v6, $0x0  }
0xfd: {  	s29 =	simm.s32 $0x0;
	v11 =	vmov s31;
	v7 =	vbroadcast v7, $0x0;
	v5 =	vor.u32 v1, v5  }
0xfe: {  	v8 =	vand.u32 $0x7E, v8;
	v9 =	vor.u32 v5, v6;
	v6 =	vmov s29  }
0xff: {  	s25 =	simm.s32 $0x7;
	v8 =	vbroadcast v8, $0x0;
	v7 =	vor.u32 v5, v7;
	v6 =	vand.u32 $0x7C, v6  }
0x100: {  	v10 =	vand.u32 $0x7D, v10;
	v12 =	vmov s25;
	v6 =	vbroadcast v6, $0x0  }
0x101: {  	v10 =	vbroadcast v10, $0x0;
	v12 =	vand.u32 $0x7F, v12;
	v8 =	vor.u32 v5, v8  }
0x102: {  	v11 =	vand.u32 $0x7E, v11;
	v12 =	vbroadcast v12, $0x0;
	v13 =	vor.u32 v5, v6  }
0x103: {  	s28 =	simm.s32 $0x9;
	s31 =	simm.s32 $0x8;
	v11 =	vbroadcast v11, $0x0;
	v10 =	vor.u32 v5, v10  }
0x104: {  	s26 =	simm.s32 $0x4;
	v20 =	vmov s31;
	v16 =	vor.u32 v5, v12;
	v12 =	vmov s28;
	v7 =	vld.idx.msk [tilespmem:v7+s4+$0x0], $0xffff  }
0x105: {  	v18 =	vor.u32 v5, v11;
	v11 =	vmov s26;
	s29 =	simm.s32 $0xA;
	v12 =	vand.u32 $0x7D, v12;
	v9 =	vld.idx.msk [tilespmem:v9+s4+$0x0], $0xffff  }
0x106: {  	s30 =	simm.s32 $0xB;
	v11 =	vand.u32 $0x7C, v11;
	v14 =	vmov s29;
	v12 =	vbroadcast v12, $0x0;
	v8 =	vld.idx.msk [tilespmem:v8+s4+$0x0], $0xffff  }
0x107: {  	v11 =	vbroadcast v11, $0x0;
	v21 =	vld.idx.msk [tilespmem:v13+s4+$0x0], $0xffff;
	v13 =	vand.u32 $0x7E, v14;
	v14 =	vmov s30  }
0x108: {  	v6 =	vimm.f32 $0.0e+00;
	v17 =	vand.u32 $0x7F, v14;
	v14 =	vor.u32 v5, v12;
	v12 =	vld.idx.msk [tilespmem:v10+s4+$0x0], $0xffff  }
0x109: {  	v15 =	vor.u32 v5, v11;
	v7 =	vmul.f32 v7, v7;
	v13 =	vbroadcast v13, $0x0  }
0x10a: {  	v19 =	vmul.f32 v9, v9;
	v9 =	vimm.f32 $0.0e+00;
	v22 =	vbroadcast v17, $0x0  }
0x10b: {  	v11 =	vld.idx.msk [tilespmem:v16+s4+$0x0], $0xffff;
	v10 =	vimm.f32 $0.0e+00;
	v17 =	vmul.f32 v8, v8;
	v8 =	vor.u32 v5, v13  }
0x10c: {  	s23 =	simm.s32 $0xC;
	v7 =	vadd.f32 v7, v6;
	v13 =	vld.idx.msk [tilespmem:v18+s4+$0x0], $0xffff;
	v16 =	vor.u32 v5, v22;
	v18 =	vmul.f32 v21, v21  }
.LBB2_18:
0x10d: {  	s24 =	sadd.s32 $0x1, s23;
	s25 =	sadd.s32 $0x2, s23;
	s26 =	sadd.s32 $0x3, s23;
	v20 =	vand.u32 $0x7C, v20;
	v6 =	vadd.f32 v19, v6;
	v9 =	vadd.f32 v17, v9;
	v19 =	vmovc v12  }
0x10e: {  	p0 =	sne.s32 s23, $0x7C;
	v12 =	vmov s24;
	v17 =	vmov s25;
	v20 =	vbroadcast v20, $0x0;
	v21 =	vld.idx.msk [tilespmem:v15+s4+$0x0], $0xffff;
	s24 =	smov.u32 s23;
	s23 =	sadd.s32 $0x4, s23  }
0x10f: {  	v10 =	vadd.f32 v18, v10;
	v15 =	vand.u32 $0x7D, v12;
	v17 =	vand.u32 $0x7E, v17;
	v12 =	vld.idx.msk [tilespmem:v14+s4+$0x0], $0xffff  }
.Ltmp7:
0x110: {  	v18 =	vmul.f32 v11, v11;
	v14 =	vbroadcast v15, $0x0;
	v15 =	vmov s26;
	(pc) =	sbr.rel @p0 .LBB2_18-.Ltmp7, $4  }
0x111: {  	v22 =	vbroadcast v17, $0x0;
	v17 =	vand.u32 $0x7F, v15;
	v15 =	vor.u32 v5, v20;
	v11 =	vld.idx.msk [tilespmem:v16+s4+$0x0], $0xffff  }
0x112: {  	v14 =	vor.u32 v5, v14;
	v16 =	vbroadcast v17, $0x0;
	v17 =	vmul.f32 v13, v13  }
0x113: {  	v19 =	vmul.f32 v19, v19;
	v7 =	vadd.f32 v18, v7;
	v22 =	vor.u32 v5, v22  }
0x114: {  	v20 =	vmov s24;
	v18 =	vmul.f32 v21, v21;
	v16 =	vor.u32 v5, v16;
	v13 =	vld.idx.msk [tilespmem:v8+s4+$0x0], $0xffff;
	v8 =	vmovc v22  }
0x115: {  	v20 =	vand.u32 $0x7C, v20  }
0x116: {  	v20 =	vbroadcast v20, $0x0;
	_ =	sdelay $0x1  }
0x117: {  	v5 =	vor.u32 v5, v20  }
0x118: {  	v15 =	vld.idx.msk [tilespmem:v15+s4+$0x0], $0xffff  }
0x119: {  	v14 =	vld.idx.msk [tilespmem:v14+s4+$0x0], $0xffff  }
0x11a: {  	v16 =	vld.idx.msk [tilespmem:v16+s4+$0x0], $0xffff  }
0x11b: {  	v8 =	vld.idx.msk [tilespmem:v8+s4+$0x0], $0xffff  }
0x11c: {  	v5 =	vld.idx.msk [tilespmem:v5+s4+$0x0], $0xffff  }
0x11d: {  	v6 =	vadd.f32 v19, v6;
	v12 =	vmul.f32 v12, v12;
	v9 =	vadd.f32 v17, v9  }
0x11e: {  	v11 =	vmul.f32 v11, v11;
	v10 =	vadd.f32 v18, v10;
	v13 =	vmul.f32 v13, v13  }
0x11f: {  	v6 =	vadd.f32 v12, v6;
	v57 =	vmul.f32 v15, v15;
	v58 =	vmul.f32 v16, v16  }
0x120: {  	v7 =	vadd.f32 v11, v7;
	v59 =	vmul.f32 v14, v14;
	v8 =	vmul.f32 v8, v8  }
0x121: {  	v9 =	vadd.f32 v13, v9;
	v10 =	vadd.f32 v57, v10;
	v5 =	vmul.f32 v5, v5  }
0x122: {  	v7 =	vadd.f32 v58, v7;
	v6 =	vadd.f32 v59, v6  }
0x123: {  	v8 =	vadd.f32 v8, v9;
	v5 =	vadd.f32 v5, v10;
	_ =	sdelay $0x1  }
0x124: {  	v60 =	vadd.f32 v7, v8;
	v5 =	vadd.f32 v6, v5;
	_ =	sdelay $0x1  }
0x125: {  	v5 =	vadd.f32 v60, v5;
	_ =	sdelay $0x1  }
0x126: {  	v6 =	vshrl.u32 v5, $0x1;
	v61 =	vmul.f32 $5.000000000e-01, v5  }
0x127: {  	v6 =	vsub.s32 $0x5F3759DF, v6  }
0x128: {  	v62 =	vmul.f32 v6, v61;
	_ =	sdelay $0x1  }
0x129: {  	v8 =	vmul.f32 v6, v62;
	_ =	sdelay $0x1  }
0x12a: {  	v8 =	vsub.f32 $1.500000000e+00, v8;
	_ =	sdelay $0x1  }
0x12b: {  	v6 =	vmul.f32 v6, v8;
	_ =	sdelay $0x1  }
0x12c: {  	v8 =	vmul.f32 v6, v61;
	_ =	sdelay $0x1  }
0x12d: {  	v8 =	vmul.f32 v8, v6;
	_ =	sdelay $0x1  }
0x12e: {  	v8 =	vsub.f32 $1.500000000e+00, v8;
	_ =	sdelay $0x1  }
0x12f: {  	v6 =	vmul.f32 v8, v6;
	_ =	sdelay $0x1  }
0x130: {  	v7 =	vmul.f32 v6, v61;
	_ =	sdelay $0x1  }
0x131: {  	v4 =	vor.u32 v3, v4;
	v7 =	vmul.f32 v7, v6  }
0x132: {  	s22 =	sadd.s32 $0x1, s22;
	v4 =	vshll.u32 v4, $0x4  }
0x133: {  	p0 =	sne.s32 s22, $0x8;
	v63 =	vor.u32 $0x1, v4;
	v7 =	vsub.f32 $1.500000000e+00, v7  }
.Ltmp8:
0x134: {  	_ = 	snop;
	(pc) =	sbr.rel @p0 .LBB2_17-.Ltmp8, $4  }
0x135: {  	v6 =	vmul.f32 v7, v6  }
0x136: {  	v5 =	vmin.f32 v5, $1.000000000e+00  }
0x137: {  	[tilespmem:v4+s14+$0x0] =	vst.idx.msk $0xffff, v5;
	v6 =	vmin.f32 v6, $1.000000000e+00  }
0x138: {  	[tilespmem:v63+s14+$0x0] =	vst.idx.msk $0xffff, v6  }
0x139: {  	p0 =	slt.s32 s21, $0xAB5  }
0x13a: {  	s21 =	simm.s32 @!p0 $0xAB5  }
0x13b: {  	s21 =	sadd.s32 s21, s7  }
0x13c: {  	s21 =	sshll.u32 s21, $0x4  }
0x13d: {  	s21 =	sand.u32 $0x1FFFFFF0, s21  }
0x13e: {  	s22 =	sadd.s32 s3, s21;
	s21 =	simm.s32 $0x0  }
0x13f: {  	[tilespmem:s21], [sflag:$0x1] =	stream.linear.gather [hbm4b:s22+s21], $0x4000, $0x38;
	[tilespmem:$0x14350] =	vst v63  }
0x140: {  	_ =	swait.ge [sflag:s15], $0x4000  }
0x141: {  	[sflag:s15] =	ssyncset.done $0x0  }
0x142: {  	v3 =	vmov s20;
	s20 =	simm.s32 $0x0;
	[sflag:s15] =	ssyncadd.s32 $0xFFFFC000  }
.LBB2_21:
0x143: {  	s23 =	simm.s32 $0x1  }
0x144: {  	s22 =	sshll.u32 s20, $0x4;
	s24 =	simm.s32 $0x3;
	v9 =	vmov s21;
	v5 =	vmov s23  }
0x145: {  	s31 =	simm.s32 $0x2;
	v4 =	vor.u32 s22, v0;
	v6 =	vmov s24;
	v5 =	vand.u32 $0x7D, v5  }
0x146: {  	v7 =	vmov s31;
	v6 =	vand.u32 $0x7F, v6;
	v8 =	vbroadcast v5, $0x0  }
0x147: {  	s25 =	simm.s32 $0x7;
	v7 =	vand.u32 $0x7E, v7;
	v6 =	vbroadcast v6, $0x0;
	v5 =	vshll.u32 v4, $0x7  }
0x148: {  	s23 =	simm.s32 $0x5;
	v12 =	vmov s25;
	v7 =	vbroadcast v7, $0x0;
	v8 =	vor.u32 v5, v8  }
0x149: {  	v10 =	vor.u32 v5, v6;
	v6 =	vand.u32 $0x7C, v9;
	v9 =	vmov s23  }
0x14a: {  	s24 =	simm.s32 $0x6;
	v7 =	vor.u32 v5, v7;
	v6 =	vbroadcast v6, $0x0;
	v9 =	vand.u32 $0x7D, v9  }
0x14b: {  	v11 =	vmov s24;
	v12 =	vand.u32 $0x7F, v12;
	v9 =	vbroadcast v9, $0x0  }
0x14c: {  	v11 =	vand.u32 $0x7E, v11;
	v12 =	vbroadcast v12, $0x0;
	v13 =	vor.u32 v5, v6  }
0x14d: {  	s28 =	simm.s32 $0x9;
	s29 =	simm.s32 $0xA;
	v11 =	vbroadcast v11, $0x0;
	v16 =	vld.idx.msk [tilespmem:v8+s12+$0x0], $0xffff;
	v8 =	vor.u32 v5, v9  }
0x14e: {  	s26 =	simm.s32 $0x4;
	v14 =	vmov s29;
	v18 =	vor.u32 v5, v12;
	v12 =	vmov s28;
	v10 =	vld.idx.msk [tilespmem:v10+s12+$0x0], $0xffff  }
0x14f: {  	s31 =	simm.s32 $0x8;
	v12 =	vand.u32 $0x7D, v12;
	v9 =	vor.u32 v5, v11;
	v11 =	vmov s26;
	v7 =	vld.idx.msk [tilespmem:v7+s12+$0x0], $0xffff  }
0x150: {  	s30 =	simm.s32 $0xB;
	v20 =	vmov s31;
	v12 =	vbroadcast v12, $0x0;
	v11 =	vand.u32 $0x7C, v11  }
0x151: {  	v11 =	vbroadcast v11, $0x0;
	v21 =	vld.idx.msk [tilespmem:v13+s12+$0x0], $0xffff;
	v13 =	vand.u32 $0x7E, v14;
	v14 =	vmov s30  }
0x152: {  	v13 =	vbroadcast v13, $0x0;
	v17 =	vand.u32 $0x7F, v14;
	v14 =	vor.u32 v5, v12;
	v12 =	vld.idx.msk [tilespmem:v8+s12+$0x0], $0xffff  }
0x153: {  	v15 =	vor.u32 v5, v11;
	v10 =	vmul.f32 v10, v10;
	v22 =	vbroadcast v17, $0x0  }
0x154: {  	v6 =	vimm.f32 $0.0e+00;
	v11 =	vld.idx.msk [tilespmem:v18+s12+$0x0], $0xffff;
	v17 =	vmul.f32 v7, v7;
	v19 =	vmul.f32 v16, v16  }
0x155: {  	v8 =	vor.u32 v5, v13;
	v13 =	vld.idx.msk [tilespmem:v9+s12+$0x0], $0xffff;
	v9 =	vimm.f32 $0.0e+00;
	v7 =	vadd.f32 v10, v6  }
0x156: {  	s22 =	simm.s32 $0xC;
	v16 =	vor.u32 v5, v22;
	v10 =	vimm.f32 $0.0e+00;
	v18 =	vmul.f32 v21, v21  }
.LBB2_22:
0x157: {  	s23 =	sadd.s32 $0x1, s22;
	s24 =	sadd.s32 $0x2, s22;
	s25 =	sadd.s32 $0x3, s22;
	v20 =	vand.u32 $0x7C, v20;
	v6 =	vadd.f32 v19, v6;
	v9 =	vadd.f32 v17, v9;
	v19 =	vmovc v12  }
0x158: {  	p0 =	sne.s32 s22, $0x7C;
	v12 =	vmov s23;
	v17 =	vmov s24;
	v20 =	vbroadcast v20, $0x0;
	v21 =	vld.idx.msk [tilespmem:v15+s12+$0x0], $0xffff;
	s23 =	smov.u32 s22;
	s22 =	sadd.s32 $0x4, s22  }
0x159: {  	v10 =	vadd.f32 v18, v10;
	v15 =	vand.u32 $0x7D, v12;
	v17 =	vand.u32 $0x7E, v17;
	v12 =	vld.idx.msk [tilespmem:v14+s12+$0x0], $0xffff  }
.Ltmp9:
0x15a: {  	v18 =	vmul.f32 v11, v11;
	v14 =	vbroadcast v15, $0x0;
	v15 =	vmov s25;
	(pc) =	sbr.rel @p0 .LBB2_22-.Ltmp9, $4  }
0x15b: {  	v22 =	vbroadcast v17, $0x0;
	v17 =	vand.u32 $0x7F, v15;
	v15 =	vor.u32 v5, v20;
	v11 =	vld.idx.msk [tilespmem:v16+s12+$0x0], $0xffff  }
0x15c: {  	v14 =	vor.u32 v5, v14;
	v16 =	vbroadcast v17, $0x0;
	v17 =	vmul.f32 v13, v13  }
0x15d: {  	v19 =	vmul.f32 v19, v19;
	v7 =	vadd.f32 v18, v7;
	v22 =	vor.u32 v5, v22  }
0x15e: {  	v20 =	vmov s23;
	v18 =	vmul.f32 v21, v21;
	v16 =	vor.u32 v5, v16;
	v13 =	vld.idx.msk [tilespmem:v8+s12+$0x0], $0xffff;
	v8 =	vmovc v22  }
0x15f: {  	v20 =	vand.u32 $0x7C, v20  }
0x160: {  	v20 =	vbroadcast v20, $0x0;
	_ =	sdelay $0x1  }
0x161: {  	v5 =	vor.u32 v5, v20  }
0x162: {  	v15 =	vld.idx.msk [tilespmem:v15+s12+$0x0], $0xffff  }
0x163: {  	v14 =	vld.idx.msk [tilespmem:v14+s12+$0x0], $0xffff  }
0x164: {  	v16 =	vld.idx.msk [tilespmem:v16+s12+$0x0], $0xffff  }
0x165: {  	v8 =	vld.idx.msk [tilespmem:v8+s12+$0x0], $0xffff  }
0x166: {  	v5 =	vld.idx.msk [tilespmem:v5+s12+$0x0], $0xffff  }
0x167: {  	v6 =	vadd.f32 v19, v6;
	v12 =	vmul.f32 v12, v12;
	v9 =	vadd.f32 v17, v9  }
0x168: {  	v11 =	vmul.f32 v11, v11;
	v10 =	vadd.f32 v18, v10;
	v13 =	vmul.f32 v13, v13  }
0x169: {  	v6 =	vadd.f32 v12, v6;
	v57 =	vmul.f32 v15, v15;
	v58 =	vmul.f32 v16, v16  }
0x16a: {  	v7 =	vadd.f32 v11, v7;
	v59 =	vmul.f32 v14, v14;
	v8 =	vmul.f32 v8, v8  }
0x16b: {  	v9 =	vadd.f32 v13, v9;
	v10 =	vadd.f32 v57, v10;
	v5 =	vmul.f32 v5, v5  }
0x16c: {  	v7 =	vadd.f32 v58, v7;
	v6 =	vadd.f32 v59, v6  }
0x16d: {  	v8 =	vadd.f32 v8, v9;
	v5 =	vadd.f32 v5, v10;
	_ =	sdelay $0x1  }
0x16e: {  	v60 =	vadd.f32 v7, v8;
	v5 =	vadd.f32 v6, v5;
	_ =	sdelay $0x1  }
0x16f: {  	v5 =	vadd.f32 v60, v5;
	_ =	sdelay $0x1  }
0x170: {  	v6 =	vshrl.u32 v5, $0x1;
	v61 =	vmul.f32 $5.000000000e-01, v5  }
0x171: {  	v6 =	vsub.s32 $0x5F3759DF, v6  }
0x172: {  	v62 =	vmul.f32 v6, v61;
	_ =	sdelay $0x1  }
0x173: {  	v8 =	vmul.f32 v6, v62;
	_ =	sdelay $0x1  }
0x174: {  	v8 =	vsub.f32 $1.500000000e+00, v8;
	_ =	sdelay $0x1  }
0x175: {  	v6 =	vmul.f32 v6, v8;
	_ =	sdelay $0x1  }
0x176: {  	v8 =	vmul.f32 v6, v61;
	_ =	sdelay $0x1  }
0x177: {  	v8 =	vmul.f32 v8, v6;
	_ =	sdelay $0x1  }
0x178: {  	v8 =	vsub.f32 $1.500000000e+00, v8;
	_ =	sdelay $0x1  }
0x179: {  	v6 =	vmul.f32 v8, v6;
	_ =	sdelay $0x1  }
0x17a: {  	v7 =	vmul.f32 v6, v61;
	_ =	sdelay $0x1  }
0x17b: {  	v4 =	vadd.s32 v3, v4;
	v7 =	vmul.f32 v7, v6  }
0x17c: {  	s20 =	sadd.s32 $0x1, s20;
	v4 =	vshll.u32 v4, $0x4  }
0x17d: {  	p0 =	sne.s32 s20, $0x8;
	v63 =	vor.u32 $0x1, v4;
	v7 =	vsub.f32 $1.500000000e+00, v7  }
.Ltmp10:
0x17e: {  	_ = 	snop;
	(pc) =	sbr.rel @p0 .LBB2_21-.Ltmp10, $4  }
0x17f: {  	v6 =	vmul.f32 v7, v6  }
0x180: {  	v5 =	vmin.f32 v5, $1.000000000e+00  }
0x181: {  	[tilespmem:v4+s14+$0x0] =	vst.idx.msk $0xffff, v5;
	v6 =	vmin.f32 v6, $1.000000000e+00  }
0x182: {  	[tilespmem:v63+s14+$0x0] =	vst.idx.msk $0xffff, v6  }
0x183: {  	s19 =	sadd.s32 $0x1, s19  }
0x184: {  	p0 =	sne.s32 s19, $0xC  }
.Ltmp11:
0x185: {  	_ = 	snop;
	(pc) =	sbr.rel @p0 .LBB2_16-.Ltmp11, $1  }
0x186: {  	_ =	sdelay $0x3  }
0x187: {  	_ =	swait.ge [sflag:s13], $0x4000  }
0x188: {  	[sflag:s13] =	ssyncset.done $0x0  }
0x189: {  	s18 =	simm.s32 $0x0;
	s19 =	simm.s32 $0x0;
	[sflag:s13] =	ssyncadd.s32 $0xFFFFC000  }
.LBB2_26:
0x18a: {  	s20 =	sshll.u32 s19, $0x4;
	s31 =	simm.s32 $0x1;
	s21 =	simm.s32 $0x3  }
0x18b: {  	s22 =	simm.s32 $0x2;
	s23 =	simm.s32 $0x5;
	v3 =	vmov s20;
	v5 =	vmov s31;
	v6 =	vmov s21  }
0x18c: {  	v7 =	vmov s22;
	v9 =	vmov s23;
	v5 =	vand.u32 $0x7D, v5  }
0x18d: {  	s24 =	simm.s32 $0x6;
	v4 =	vshll.u32 v3, $0x7;
	v6 =	vand.u32 $0x7F, v6;
	v5 =	vbroadcast v5, $0x0  }
0x18e: {  	v10 =	vmov s24;
	v6 =	vbroadcast v6, $0x0;
	v4 =	vor.u32 v1, v4  }
0x18f: {  	v7 =	vand.u32 $0x7E, v7;
	v8 =	vor.u32 v4, v5;
	v5 =	vmov s18  }
0x190: {  	s25 =	simm.s32 $0x7;
	v7 =	vbroadcast v7, $0x0;
	v6 =	vor.u32 v4, v6;
	v5 =	vand.u32 $0x7C, v5  }
0x191: {  	v11 =	vmov s25;
	v9 =	vand.u32 $0x7D, v9;
	v5 =	vbroadcast v5, $0x0  }
0x192: {  	v11 =	vand.u32 $0x7F, v11;
	v9 =	vbroadcast v9, $0x0;
	v7 =	vor.u32 v4, v7  }
0x193: {  	v10 =	vand.u32 $0x7E, v10;
	v11 =	vbroadcast v11, $0x0;
	v12 =	vor.u32 v4, v5  }
0x194: {  	s28 =	simm.s32 $0x9;
	s29 =	simm.s32 $0xA;
	v10 =	vbroadcast v10, $0x0;
	v9 =	vor.u32 v4, v9  }
0x195: {  	s26 =	simm.s32 $0x4;
	v13 =	vmov s29;
	v15 =	vor.u32 v4, v11;
	v11 =	vmov s28;
	v6 =	vld.idx.msk [tilespmem:v6+s4+$0x0], $0xffff  }
0x196: {  	s31 =	simm.s32 $0x8;
	v17 =	vor.u32 v4, v10;
	v10 =	vmov s26;
	v11 =	vand.u32 $0x7D, v11;
	v8 =	vld.idx.msk [tilespmem:v8+s4+$0x0], $0xffff  }
0x197: {  	s30 =	simm.s32 $0xB;
	v19 =	vmov s31;
	v10 =	vand.u32 $0x7C, v10;
	v11 =	vbroadcast v11, $0x0;
	v7 =	vld.idx.msk [tilespmem:v7+s4+$0x0], $0xffff  }
0x198: {  	v10 =	vbroadcast v10, $0x0;
	v20 =	vld.idx.msk [tilespmem:v12+s4+$0x0], $0xffff;
	v12 =	vand.u32 $0x7E, v13;
	v13 =	vmov s30  }
0x199: {  	v5 =	vimm.f32 $0.0e+00;
	v16 =	vand.u32 $0x7F, v13;
	v13 =	vor.u32 v4, v11;
	v11 =	vld.idx.msk [tilespmem:v9+s4+$0x0], $0xffff  }
0x19a: {  	v14 =	vor.u32 v4, v10;
	v6 =	vmul.f32 v6, v6;
	v12 =	vbroadcast v12, $0x0  }
0x19b: {  	v18 =	vmul.f32 v8, v8;
	v8 =	vimm.f32 $0.0e+00;
	v21 =	vbroadcast v16, $0x0  }
0x19c: {  	v10 =	vld.idx.msk [tilespmem:v15+s4+$0x0], $0xffff;
	v9 =	vimm.f32 $0.0e+00;
	v16 =	vmul.f32 v7, v7;
	v7 =	vor.u32 v4, v12  }
0x19d: {  	s20 =	simm.s32 $0xC;
	v6 =	vadd.f32 v6, v5;
	v12 =	vld.idx.msk [tilespmem:v17+s4+$0x0], $0xffff;
	v15 =	vor.u32 v4, v21;
	v17 =	vmul.f32 v20, v20  }
.LBB2_27:
0x19e: {  	s21 =	sadd.s32 $0x1, s20;
	s22 =	sadd.s32 $0x2, s20;
	s23 =	sadd.s32 $0x3, s20;
	v19 =	vand.u32 $0x7C, v19;
	v5 =	vadd.f32 v18, v5;
	v8 =	vadd.f32 v16, v8;
	v18 =	vmovc v11  }
0x19f: {  	p0 =	sne.s32 s20, $0x7C;
	v11 =	vmov s21;
	v16 =	vmov s22;
	v19 =	vbroadcast v19, $0x0;
	v20 =	vld.idx.msk [tilespmem:v14+s4+$0x0], $0xffff;
	s21 =	smov.u32 s20;
	s20 =	sadd.s32 $0x4, s20  }
0x1a0: {  	v9 =	vadd.f32 v17, v9;
	v14 =	vand.u32 $0x7D, v11;
	v16 =	vand.u32 $0x7E, v16;
	v11 =	vld.idx.msk [tilespmem:v13+s4+$0x0], $0xffff  }
.Ltmp12:
0x1a1: {  	v17 =	vmul.f32 v10, v10;
	v13 =	vbroadcast v14, $0x0;
	v14 =	vmov s23;
	(pc) =	sbr.rel @p0 .LBB2_27-.Ltmp12, $4  }
0x1a2: {  	v21 =	vbroadcast v16, $0x0;
	v16 =	vand.u32 $0x7F, v14;
	v14 =	vor.u32 v4, v19;
	v10 =	vld.idx.msk [tilespmem:v15+s4+$0x0], $0xffff  }
0x1a3: {  	v13 =	vor.u32 v4, v13;
	v15 =	vbroadcast v16, $0x0;
	v16 =	vmul.f32 v12, v12  }
0x1a4: {  	v18 =	vmul.f32 v18, v18;
	v6 =	vadd.f32 v17, v6;
	v21 =	vor.u32 v4, v21  }
0x1a5: {  	v19 =	vmov s21;
	v17 =	vmul.f32 v20, v20;
	v15 =	vor.u32 v4, v15;
	v12 =	vld.idx.msk [tilespmem:v7+s4+$0x0], $0xffff;
	v7 =	vmovc v21  }
0x1a6: {  	v19 =	vand.u32 $0x7C, v19  }
0x1a7: {  	v19 =	vbroadcast v19, $0x0;
	_ =	sdelay $0x1  }
0x1a8: {  	v4 =	vor.u32 v4, v19  }
0x1a9: {  	v14 =	vld.idx.msk [tilespmem:v14+s4+$0x0], $0xffff  }
0x1aa: {  	v13 =	vld.idx.msk [tilespmem:v13+s4+$0x0], $0xffff  }
0x1ab: {  	v15 =	vld.idx.msk [tilespmem:v15+s4+$0x0], $0xffff  }
0x1ac: {  	v7 =	vld.idx.msk [tilespmem:v7+s4+$0x0], $0xffff  }
0x1ad: {  	v4 =	vld.idx.msk [tilespmem:v4+s4+$0x0], $0xffff  }
0x1ae: {  	v5 =	vadd.f32 v18, v5;
	v11 =	vmul.f32 v11, v11;
	v8 =	vadd.f32 v16, v8  }
0x1af: {  	v10 =	vmul.f32 v10, v10;
	v9 =	vadd.f32 v17, v9;
	v12 =	vmul.f32 v12, v12  }
0x1b0: {  	v5 =	vadd.f32 v11, v5;
	v57 =	vmul.f32 v14, v14;
	v58 =	vmul.f32 v15, v15  }
0x1b1: {  	v6 =	vadd.f32 v10, v6;
	v59 =	vmul.f32 v13, v13;
	v7 =	vmul.f32 v7, v7  }
0x1b2: {  	v8 =	vadd.f32 v12, v8;
	v9 =	vadd.f32 v57, v9;
	v4 =	vmul.f32 v4, v4  }
0x1b3: {  	v6 =	vadd.f32 v58, v6;
	v5 =	vadd.f32 v59, v5  }
0x1b4: {  	v7 =	vadd.f32 v7, v8;
	v4 =	vadd.f32 v4, v9;
	_ =	sdelay $0x1  }
0x1b5: {  	v60 =	vadd.f32 v6, v7;
	v4 =	vadd.f32 v5, v4;
	_ =	sdelay $0x1  }
0x1b6: {  	v4 =	vadd.f32 v60, v4;
	_ =	sdelay $0x1  }
0x1b7: {  	v5 =	vshrl.u32 v4, $0x1;
	v61 =	vmul.f32 $5.000000000e-01, v4  }
0x1b8: {  	v5 =	vsub.s32 $0x5F3759DF, v5  }
0x1b9: {  	v62 =	vmul.f32 v5, v61;
	_ =	sdelay $0x1  }
0x1ba: {  	v7 =	vmul.f32 v5, v62;
	_ =	sdelay $0x1  }
0x1bb: {  	v7 =	vsub.f32 $1.500000000e+00, v7;
	_ =	sdelay $0x1  }
0x1bc: {  	v5 =	vmul.f32 v5, v7;
	_ =	sdelay $0x1  }
0x1bd: {  	v7 =	vmul.f32 v5, v61;
	_ =	sdelay $0x1  }
0x1be: {  	v7 =	vmul.f32 v7, v5;
	_ =	sdelay $0x1  }
0x1bf: {  	v7 =	vsub.f32 $1.500000000e+00, v7;
	_ =	sdelay $0x1  }
0x1c0: {  	v5 =	vmul.f32 v7, v5;
	_ =	sdelay $0x1  }
0x1c1: {  	v6 =	vmul.f32 v5, v61;
	_ =	sdelay $0x1  }
0x1c2: {  	v3 =	vshll.u32 v3, $0x4;
	v6 =	vmul.f32 v6, v5  }
0x1c3: {  	s19 =	sadd.s32 $0x1, s19;
	v3 =	vadd.s32 v2, v3  }
0x1c4: {  	p0 =	sne.s32 s19, $0x8;
	v63 =	vor.u32 $0x1, v3;
	v6 =	vsub.f32 $1.500000000e+00, v6  }
.Ltmp13:
0x1c5: {  	_ = 	snop;
	(pc) =	sbr.rel @p0 .LBB2_26-.Ltmp13, $4  }
0x1c6: {  	v5 =	vmul.f32 v6, v5  }
0x1c7: {  	v4 =	vmin.f32 v4, $1.000000000e+00  }
0x1c8: {  	[tilespmem:v3+s14+$0x0] =	vst.idx.msk $0xffff, v4;
	v5 =	vmin.f32 v5, $1.000000000e+00  }
0x1c9: {  	[tilespmem:v63+s14+$0x0] =	vst.idx.msk $0xffff, v5  }
0x1ca: {  	s17 =	sadd.s32 $0x1, s17  }
0x1cb: {  	p0 =	sne.s32 s17, s11  }
.Ltmp14:
0x1cc: {  	_ = 	snop;
	(pc) =	sbr.rel @p0 .LBB2_1-.Ltmp14, $4  }
0x1cd: {  	[hbm4b:s10+s4] =	stream.linear.scatter [tilespmem:s14], [sflag:$0x3], $0xC350, $0x38;
	[tilespmem:$0x14350] =	vst v63  }
0x1ce: {  	_ =	swait.ge [sflag:s16], $0xC350  }
0x1cf: {  	[sflag:s16] =	ssyncset.done $0x0  }
0x1d0: {  	[sflag:s16] =	ssyncadd.s32 $0xFFFF3CB0  }
0x1d1: {  	_ =	sfence.sel $0x180000  }
0x1d2: {  	[bflag:$0x0] =	sbarrier.arrive $0xFFFF  }
0x1d3: {  	p0 =	sne.s32 s0, $0x0;
	_ =	strace $0x90000047  }
0x1d4: {  	s0 =	sadd.s32 @!p0 $0x100000, s2;
	[bflag:$0x2] =	sbarrier.arrive $0xFFFF  }
0x1d5: {  	[sflag:s0] =	ssyncadd.tile.s32 @!p0 $0x1;
	_ =	shalt  }
.Lfunc_end2:
_tile_overlayer_lowered:
.L_overlay_start_2:
0x1d6: {  	(tag) =	ssettag $0x2  }
0x1d7: {  	s0 =	rddreg [dreg:$0x0];
	s2 =	stileid.u32  }
0x1d8: {  	s1 =	rddreg [dreg:$0x1];
	p0 =	sne.s32 s2, $0x0  }
0x1d9: {  	s3 =	rddreg [dreg:$0x2];
	[bflag:$0x3] =	sbarrier.arrive $0xFFFF;
	s2 =	simm.s32 @!p0 $0x1C03  }
0x1da: {  	[timem:s3], [sflag:s2] =	dma.local @!p0 [hbm:s0], s1  }
0x1db: {  	s0 =	simm.s32 @!p0 $0x3  }
0x1dc: {  	_ =	swait.ge @!p0 [sflag:s0], s1  }
0x1dd: {  	s1 =	ssub.s32 @!p0 $0x0, s1;
	[sflag:s0] =	ssyncset.done @!p0 $0x0  }
0x1de: {  	[sflag:s0] =	ssyncadd.s32 @!p0 s1  }
0x1df: {  	[bflag:$0x3] =	sbarrier.arrive $0xFFFF  }
0x1e0: {  	_ =	shalt  }

// kernel: kernel.8.cloned.1.call-start
scs
__scs_entry_jumppad:
0x0: {  	(pc) =	sbr.rel $0x88, $3  }
0x1: {  	(tag) =	ssettag $0x0;
	lr =	simm.s32 $0x1  }
0x2: {  	[smem:$0x3F9C] =	sst lr;
	_ =	strace $0xD0000000  }
0x3: {  	_ = 	snop  }
0x4: {  	_ = 	snop  }
0x5: {  	_ = 	snop  }
0x6: {  	_ = 	snop  }
0x7: {  	_ = 	snop  }
__scs_overlays_trampoline_lowered:
0x8: {  	[smem:$0x3FAB] =	sst s0  }
0x9: {  	[smem:$0x3FAC] =	sst s1  }
0xa: {  	[smem:$0x3FAD] =	sst s2  }
0xb: {  	[smem:$0x3FAE] =	sst s3  }
0xc: {  	[smem:$0x3FAF] =	sst s4  }
0xd: {  	[smem:$0x3FB0] =	sst s5  }
0xe: {  	[smem:$0x3FB1] =	sst s6  }
0xf: {  	[smem:$0x3FB2] =	sst s7  }
0x10: {  	[smem:$0x3FB3] =	sst s8  }
0x11: {  	[smem:$0x3FB4] =	sst s9;
	s0 =	simm.s32 @!p0 $0x0  }
0x12: {  	s1 =	sld [smem:$0x3F9A];
	s0 =	simm.s32 @p0 $0x1  }
0x13: {  	[smem:$0x3FB5] =	sst s0;
	s0 =	simm.s32 @!p1 $0x0  }
0x14: {  	s2 =	sld [smem:$0x3F99];
	s0 =	simm.s32 @p1 $0x1  }
0x15: {  	[smem:$0x3FB6] =	sst s0;
	s0 =	simm.s32 @!p2 $0x0  }
0x16: {  	s3 =	sld [smem:$0x3FDB];
	s0 =	simm.s32 @p2 $0x1  }
0x17: {  	s4 =	simm.s32 $0x1BF5;
	[smem:$0x3FB8] =	sst s0  }
0x18: {  	s0 =	sld [smem:$0x3F9B];
	_ =	swait.ge [sflag:s4], $0x0  }
0x19: {  	s7 =	sld [smem:$0x3F9C]  }
0x1a: {  	s8 =	sadd.s32 $0xFFFFE003, lr  }
0x1b: {  	s9 =	sadd.s32 $0xFFFFFEF7, lr;
	s5 =	simm.s32 $0xFFFFFFFF;
	p2 =	slt.u32 s8, $0xFFFFF086  }
0x1c: {  	p1 =	slt.u32 s9, $0xF7A;
	s5 =	simm.s32 @!p2 $0x0  }
0x1d: {  	s5 =	simm.s32 @p1 $0x1;
	p0 =	seq.s32 s7, s2  }
0x1e: {  	s7 =	smul.u32 @!p0 $0xF7A, s2;
	p2 =	seq.s32 @!p0 s5, $0x0  }
0x1f: {  	s9 =	smul.u32 $0xF7A, s1;
	s8 =	simm.s32 @!p0 $0x1BF5;
	p2 =	por !p2, p0  }
0x20: {  	[sflag:s8] =	ssyncset.s32 @!p0 $0xFFFFF086;
	s6 =	sadd.s32 @!p0 s3, s7;
	s7 =	simm.s32 @!p0 $0x108  }
0x21: {  	s3 =	sadd.s32 s3, s9;
	s6 =	sadd.s32 @!p0 $0x88, s6;
	s7 =	simm.s32 @p2 $0x1082  }
0x22: {  	[simem:s7], [sflag:s8] =	dma.local @!p0 [hbm:s6], $0xF7A  }
0x23: {  	s9 =	sor.u32 $0xD0000000, s2;
	s6 =	simm.s32 $0x108;
	_ =	swait.ge @!p0 [sflag:s8], $0x0  }
0x24: {  	s3 =	sadd.s32 $0x88, s3;
	s6 =	simm.s32 @!p1 $0x1082;
	[sflag:s4] =	ssyncset.s32 $0xFFFFF086  }
0x25: {  	[simem:s6], [sflag:s4] =	dma.local [hbm:s3], $0xF7A  }
0x26: {  	[smem:$0x3F9C] =	sst s1;
	(tag) =	ssettag s2;
	_ =	strace s9  }
0x27: {  	s1 =	sld [smem:$0x3FAC]  }
0x28: {  	s2 =	sld [smem:$0x3FAD]  }
0x29: {  	s4 =	sld [smem:$0x3FAF]  }
0x2a: {  	p0 =	seq.s32 s5, $0x0;
	s5 =	sld [smem:$0x3FB0]  }
0x2b: {  	s6 =	sld [smem:$0x3FB1]  }
0x2c: {  	s7 =	sld [smem:$0x3FB2]  }
0x2d: {  	s3 =	simm.s32 $0x108;
	s8 =	sld [smem:$0x3FB3]  }
0x2e: {  	s3 =	simm.s32 @!p0 $0x1082;
	s9 =	sld [smem:$0x3FB4]  }
0x2f: {  	lr =	sadd.s32 s0, s3;
	s0 =	sld [smem:$0x3FAB]  }
0x30: {  	s3 =	sld [smem:$0x3FAE]  }
0x31: {  	[smem:$0x3FB7] =	sst s10  }
0x32: {  	s10 =	sld [smem:$0x3FB5];
	_ =	sdelay $0x3  }
0x33: {  	p0 =	seq.s32 s10, $0x1;
	s10 =	sld [smem:$0x3FB7];
	_ =	sdelay $0x3  }
0x34: {  	[smem:$0x3FB7] =	sst s10  }
0x35: {  	s10 =	sld [smem:$0x3FB6];
	_ =	sdelay $0x3  }
0x36: {  	p1 =	seq.s32 s10, $0x1;
	s10 =	sld [smem:$0x3FB7];
	_ =	sdelay $0x3  }
0x37: {  	[smem:$0x3FB7] =	sst s10  }
0x38: {  	s10 =	sld [smem:$0x3FB8]  }
0x39: {  	_ = 	snop;
	(pc) =	sbr.ind lr, $3  }
0x3a: {  	_ = 	snop  }
0x3b: {  	_ = 	snop  }
0x3c: {  	p2 =	seq.s32 s10, $0x1;
	s10 =	sld [smem:$0x3FB7]  }
0x3d: {  	_ =	shalt  }
0x3e: {  	_ =	shalt  }
0x3f: {  	_ =	shalt  }
0x40: {  	_ =	shalt  }
0x41: {  	_ =	shalt  }
0x42: {  	_ =	shalt  }
0x43: {  	_ =	shalt  }
0x44: {  	_ =	shalt  }
0x45: {  	_ =	shalt  }
0x46: {  	_ =	shalt  }
0x47: {  	_ =	shalt  }
0x48: {  	_ =	shalt  }
0x49: {  	_ =	shalt  }
0x4a: {  	_ =	shalt  }
0x4b: {  	_ =	shalt  }
0x4c: {  	_ =	shalt  }
0x4d: {  	_ =	shalt  }
0x4e: {  	_ =	shalt  }
0x4f: {  	_ =	shalt  }
0x50: {  	_ =	shalt  }
0x51: {  	_ =	shalt  }
0x52: {  	_ =	shalt  }
0x53: {  	_ =	shalt  }
0x54: {  	_ =	shalt  }
0x55: {  	_ =	shalt  }
0x56: {  	_ =	shalt  }
0x57: {  	_ =	shalt  }
0x58: {  	_ =	shalt  }
0x59: {  	_ =	shalt  }
0x5a: {  	_ =	shalt  }
0x5b: {  	_ =	shalt  }
0x5c: {  	_ =	shalt  }
0x5d: {  	_ =	shalt  }
0x5e: {  	_ =	shalt  }
0x5f: {  	_ =	shalt  }
0x60: {  	_ =	shalt  }
0x61: {  	_ =	shalt  }
0x62: {  	_ =	shalt  }
0x63: {  	_ =	shalt  }
0x64: {  	_ =	shalt  }
0x65: {  	_ =	shalt  }
0x66: {  	_ =	shalt  }
0x67: {  	_ =	shalt  }
0x68: {  	_ =	shalt  }
0x69: {  	_ =	shalt  }
0x6a: {  	_ =	shalt  }
0x6b: {  	_ =	shalt  }
0x6c: {  	_ =	shalt  }
0x6d: {  	_ =	shalt  }
0x6e: {  	_ =	shalt  }
0x6f: {  	_ =	shalt  }
0x70: {  	_ =	shalt  }
0x71: {  	_ =	shalt  }
0x72: {  	_ =	shalt  }
0x73: {  	_ =	shalt  }
0x74: {  	_ =	shalt  }
0x75: {  	_ =	shalt  }
0x76: {  	_ =	shalt  }
0x77: {  	_ =	shalt  }
0x78: {  	_ =	shalt  }
0x79: {  	_ =	shalt  }
0x7a: {  	_ =	shalt  }
0x7b: {  	_ =	shalt  }
0x7c: {  	_ =	shalt  }
0x7d: {  	_ =	shalt  }
0x7e: {  	_ =	shalt  }
0x7f: {  	_ =	shalt  }
0x80: {  	_ =	shalt  }
0x81: {  	_ =	shalt  }
0x82: {  	_ =	shalt  }
0x83: {  	_ =	shalt  }
0x84: {  	_ =	shalt  }
0x85: {  	_ =	shalt  }
0x86: {  	_ =	shalt  }
0x87: {  	_ =	shalt  }
.Lfunc_end0:
.L_simem_size_0:
called_computation.1_lowered:
.L_overlay_start_0:
0x88: {  	s2 =	sld [smem:$0x3FD9]  }
0x89: {  	s3 =	sld [smem:$0x3FFE];
	_ =	sdelay $0x1  }
0x8a: {  	s1 =	srdreg.scid  }
0x8b: {  	s0 =	sand.u32 $0x1, s1  }
0x8c: {  	s17 =	sshll.u32 s0, $0xA;
	s2 =	sadd.s32 s3, s2  }
0x8d: {  	s2 =	sadd.s32 s2, s17  }
0x8e: {  	[smem:$0x3FC3] =	sst s2  }
0x8f: {  	_ = 	snop  }
0x90: {  	s2 =	sld [smem:$0x3FC9]  }
0x91: {  	s18 =	sld [smem:$0x3FC8]  }
0x92: {  	s4 =	sld [smem:$0x3FC6]  }
0x93: {  	s5 =	sld [smem:$0x3FC5];
	(tm) =	ssettm $0x1  }
0x94: {  	s6 =	sld [smem:$0x3FFB];
	_ =	sdelay $0x3  }
0x95: {  	_ =	strace s6  }
0x96: {  	s6 =	sld [smem:$0x3FFC];
	_ =	sdelay $0x3  }
0x97: {  	_ =	strace s6  }
0x98: {  	s6 =	sld [smem:$0x3FFD];
	_ =	sdelay $0x3  }
0x99: {  	_ =	strace s6  }
0x9a: {  	_ =	strace $0x8FFFFFFF  }
0x9b: {  	s19 =	sld [smem:$0x3FDB];
	_ =	sdelay $0x1  }
0x9c: {  	s7 =	simm.s32 $_scs_section_size  }
0x9d: {  	s8 =	simm.s32 $_size__tile_overlayer_lowered;
	s9 =	simm.s32 $_tile_overlayer_lowered  }
0x9e: {  	s22 =	simm.s32 $0x1BFF;
	s21 =	sshll.u32 s9, $0x1;
	s6 =	sadd.s32 s7, s19  }
0x9f: {  	s10 =	simm.s32 $0x0;
	s20 =	sshll.u32 s8, $0x1;
	s8 =	sadd.s32 s21, s6  }
0xa0: {  	[timem:s10], [sflag:s22] =	dma.local [hbm:s8], s20  }
0xa1: {  	_ =	swait.ge [sflag:s22], s20  }
0xa2: {  	s7 =	ssub.s32 $0x0, s20;
	[sflag:s22] =	ssyncset.done $0x0  }
0xa3: {  	[sflag:s22] =	ssyncadd.s32 s7;
	_ =	sdelay $0x1  }
0xa4: {  	s23 =	simm.s32 $0x1B8B  }
0xa5: {  	_ =	swait.ge [sflag:s23], $0x1  }
0xa6: {  	[sflag:s23] =	ssyncset.done $0x0  }
0xa7: {  	s25 =	simm.s32 $0x1B8E;
	s24 =	sld [smem:$0x3FFE];
	[sflag:s23] =	ssyncadd.s32 $0xFFFFFFFF  }
0xa8: {  	s26 =	simm.s32 $execute0_lowered;
	[smem:$0x3FD2] =	sst s25  }
0xa9: {  	s8 =	sshll.u32 s26, $0x1;
	_ =	strace $0x80000049;
	[dreg:$0x1] =	wrdreg $0xFFFFFFFF  }
0xaa: {  	s28 =	simm.s32 $_size_execute0_lowered;
	s6 =	sadd.s32 s6, s8;
	[dreg:$0x0] =	wrdreg $0x0  }
0xab: {  	s8 =	sshll.u32 s28, $0x1;
	[dreg:$0x2] =	wrdreg s6  }
0xac: {  	[dreg:$0x3] =	wrdreg s8  }
0xad: {  	[dreg:$0x4] =	wrdreg $0xC0  }
0xae: {  	_ =	task [dreg:s10], $0x5FFFF  }
0xaf: {  	[dreg:$0x1] =	wrdreg $0xFFFFFFFF  }
0xb0: {  	[dreg:$0x0] =	wrdreg $0x60  }
0xb1: {  	[dreg:$0x2] =	wrdreg s2  }
0xb2: {  	[dreg:$0x3] =	wrdreg s18  }
0xb3: {  	[dreg:$0x4] =	wrdreg s24  }
0xb4: {  	[dreg:$0x5] =	wrdreg s4  }
0xb5: {  	[dreg:$0x6] =	wrdreg s5  }
0xb6: {  	[dreg:$0x7] =	wrdreg $0x9  }
0xb7: {  	_ =	task.clear_ibuf [dreg:s10], $0x8FFFF;
	_ =	strace $0x90000049  }
0xb8: {  	s29 =	simm.s32 $0x9;
	_ =	strace $0x8000004B  }
0xb9: {  	_ =	swait.ge [sflag:s29], $0x1  }
0xba: {  	[sflag:s29] =	ssyncadd.s32 $0xFFFFFFFF  }
0xbb: {  	_ =	strace $0x9000004B  }
0xbc: {  	_ =	sfence  }
0xbd: {  	s30 =	sld [smem:$0x0];
	_ =	sdelay $0x2  }
0xbe: {  	s31 =	sshll.u32 s1, $0xD;
	s1 =	sshrl.u32 s1, $0x2  }
0xbf: {  	s3 =	sand.u32 $0x4000, s31;
	s1 =	sadd.s32 s1, s30  }
0xc0: {  	s0 =	sor.u32 s3, s0;
	s1 =	sshll.u32 s1, $0x11  }
0xc1: {  	s0 =	sor.u32 s1, s0  }
0xc2: {  	s0 =	sadd.s32 $0x8F2B, s0  }
0xc3: {  	[sflag:s0] =	ssyncadd.remote.s32 $0x1  }
0xc4: {  	_ =	sfence.sel $0xFFFF  }
0xc5: {  	[dreg:$0x0] =	wrdreg $0xFFFFFFFF;
	(pc) =	sbr.abs _section_cstart, $3  }
0xc6: {  	[dreg:$0x1] =	wrdreg $0xFFFFFFFF  }
0xc7: {  	_ =	task.clear_ibuf [dreg:s10], $0x2FFFF;
	_ =	strace $0x9FFFFFFF  }
0xc8: {  	(tm) =	ssettm $0x7FFFFFFF  }
0xc9: {  	_ =	shalt  }
tec
execute0_lowered:
.L_overlay_start_1:
0x0: {  	(tag) =	ssettag $0x1  }
0x1: {  	s0 =	rddreg [dreg:$0x0]  }
0x2: {  	s1 =	rddreg [dreg:$0x1]  }
0x3: {  	s2 =	rddreg [dreg:$0x2]  }
0x4: {  	s3 =	srdreg.scid;
	s4 =	stileid.u32  }
0x5: {  	s14 =	simm.s32 $0x4;
	s15 =	simm.s32 $0x80;
	s16 =	simm.s32 $0x100  }
0x6: {  	s21 =	simm.s32 $0x64;
	s22 =	simm.s32 $0xF900;
	s28 =	simm.s32 $0x1  }
0x7: {  	s29 =	simm.s32 $0x15D00;
	s30 =	simm.s32 $0x18F00;
	s31 =	simm.s32 $0x1CD80  }
0x8: {  	v0 =	vimm.s32 $0xFEDCBA98;
	v1 =	vimm.s32 $0x76543210;
	v3 =	vimm.s32 $0x32107654;
	s20 =	simm.s32 $0x0;
	s5 =	sand.u32 $0x1, s3;
	s4 =	sshll.u32 s4, $0x1  }
0x9: {  	v4 =	vimm.s32 $0xDCFE98BA;
	v5 =	vimm.s32 $0x54761032;
	s3 =	rddreg [dreg:$0x4];
	s23 =	sadd.s32 $0x1600, s2;
	s7 =	sor.u32 s5, s4  }
0xa: {  	v6 =	vimm.s32 $0xEFCDAB89;
	v7 =	vimm.s32 $0x67452301;
	s4 =	simm.s32 $0x0;
	s5 =	ssub.s32 $0x2, s5;
	s6 =	smul.u32 $0xD00, s7  }
0xb: {  	vm0 =	vcmask $0x3F08;
	vm1 =	vmmov $0x1;
	v0 =	vunpack.c.l.s4.s8 v0;
	[smem:$0x7FF] =	sst s4;
	s9 =	sshll.u32 s7, $0x8;
	s10 =	sshll.u32 s7, $0xB  }
0xc: {  	v1 =	vunpack.c.l.s4.s8 v1;
	v3 =	vunpack.c.l.s4.s8 v3;
	v4 =	vunpack.c.l.s4.s8 v4;
	s24 =	sshrl.u32 s5, $0x1;
	s7 =	sshll.u32 s7, $0x4;
	_ =	strace $0x8000004A  }
0xd: {  	v5 =	vunpack.c.l.s4.s8 v5;
	v2 =	vunpack.c.0.s8.s32 v0;
	v0 =	vimm.s32 $0xBA98FEDC;
	[dreg:$0x6] =	wrdreg s23;
	s9 =	sadd.s32 s9, s2;
	s5 =	ssub.s32 s5, s24  }
0xe: {  	v6 =	vunpack.c.l.s4.s8 v6;
	v7 =	vunpack.c.l.s4.s8 v7;
	v0 =	vunpack.c.l.s4.s8 v0;
	s11 =	sadd.s32 s1, s7;
	s24 =	simm.s32 $0x12B00;
	s1 =	simm.s32 $0x1D3C0  }
0xf: {  	v3 =	vunpack.c.0.s8.s32 v3;
	v4 =	vunpack.c.0.s8.s32 v4;
	v5 =	vunpack.c.0.s8.s32 v5;
	s8 =	sadd.s32 s6, s2;
	s6 =	sadd.s32 $0x32400, s2;
	s2 =	sadd.s32 s10, s2  }
0x10: {  	v6 =	vunpack.c.0.s8.s32 v6;
	v7 =	vunpack.c.0.s8.s32 v7;
	s25 =	sadd.s32 $0x7D200, s9;
	s10 =	sadd.s32 s0, s7;
	s13 =	smax.u32 s5, $0x1;
	v0 =	vunpack.c.0.s8.s32 v0  }
0x11: {  	v8 =	vunpack.c.0.s8.s32 v1;
	s7 =	simm.s32 $0x6900;
	v9 =	vand.u32 $0xF, v2;
	v1 =	vcombine.low v5, v4;
	s0 =	simm.s32 $0x2;
	s8 =	sadd.s32 $0x63200, s8  }
0x12: {  	v2 =	vcombine.low v7, v6;
	v4 =	vimm.s32 $0x1;
	[dreg:$0x8] =	wrdreg s25;
	s26 =	sadd.s32 $0x7F200, s2;
	s12 =	sadd.s32 $0x8F200, s2;
	v0 =	vcombine.low v3, v0  }
0x13: {  	s25 =	simm.s32 $0x1C100;
	v5 =	vcombine.low v9, v8;
	v9 =	vimm.f32 $0.0e+00;
	s2 =	simm.s32 $0x3;
	[dreg:$0x7] =	wrdreg s8;
	v7 =	vand.u32 $0xF, v1  }
0x14: {  	[dreg:$0x9] =	wrdreg s26;
	s8 =	simm.s32 $0xA900;
	s26 =	simm.s32 $0x1C740;
	v8 =	vand.u32 $0xF, v2;
	v3 =	vimm.s32 $0x0;
	v6 =	vand.u32 $0xF, v0  }
.LBB2_1:
0x15: {  	[tilespmem:s4], [sflag:$0x4] =	stream.linear.gather [hbm4b:s10+s4], $0x80, $0x38;
	[tilespmem:$0x1E200] =	vst v63  }
0x16: {  	_ =	swait.ge [sflag:s14], $0x80  }
0x17: {  	[sflag:s14] =	ssyncset.done $0x0  }
0x18: {  	[sflag:s14] =	ssyncadd.s32 $0xFFFFFF80  }
0x19: {  	[tilespmem:s15], [sflag:$0x4] =	stream.linear.gather [hbm4b:s11+s4], $0x80, $0x38;
	[tilespmem:$0x1E200] =	vst v63  }
0x1a: {  	_ =	swait.ge [sflag:s14], $0x80  }
0x1b: {  	[sflag:s14] =	ssyncset.done $0x0  }
0x1c: {  	s5 =	rddreg [dreg:$0x7];
	[sflag:s14] =	ssyncadd.s32 $0xFFFFFF80  }
0x1d: {  	[tilespmem:s16], [sflag:$0x4] =	stream.linear.gather [hbm4b:s5+s4], $0x6800, $0x38;
	[tilespmem:$0x1E200] =	vst v63  }
0x1e: {  	_ =	swait.ge [sflag:s14], $0x6800  }
0x1f: {  	[sflag:s14] =	ssyncset.done $0x0  }
0x20: {  	[sflag:s14] =	ssyncadd.s32 $0xFFFF9800  }
0x21: {  	s9 =	rddreg [dreg:$0x3]  }
0x22: {  	[tilespmem:s7], [sflag:$0x1] =	stream.indirect.gather [hbm4b:s9+s15], $0x80, s4, s15, $0xb8;
	[tilespmem:$0x1E200] =	vst v63  }
0x23: {  	s18 =	simm.s32 $0xE900;
	s17 =	rddreg [dreg:$0x6]  }
0x24: {  	[tilespmem:s18], [sflag:$0x1] =	stream.indirect.gather [hbm4b:s17+s15], $0x10, s4, s15, $0xb8;
	[tilespmem:$0x1E200] =	vst v63  }
0x25: {  	_ = 	snop  }
0x26: {  	[tilespmem:s8], [sflag:$0x1] =	stream.indirect.gather [hbm4b:s3+s15], $0x80, s15, s15, $0xb8;
	[tilespmem:$0x1E200] =	vst v63  }
0x27: {  	s19 =	simm.s32 $0xF100  }
0x28: {  	[tilespmem:s19], [sflag:$0x1] =	stream.indirect.gather [hbm4b:s6+s15], $0x10, s15, s15, $0xb8;
	[tilespmem:$0x1E200] =	vst v63  }
0x29: {  	_ = 	snop  }
0x2a: {  	[tilespmem:s22], [sflag:$0x2] =	stream.indirect.gather [hbm4b:s3+s21], $0x80, s16, s21, $0xb8;
	[tilespmem:$0x1E200] =	vst v63  }
0x2b: {  	s23 =	simm.s32 $0x168  }
0x2c: {  	[tilespmem:s24], [sflag:$0x2] =	stream.indirect.gather [hbm4b:s3+s21], $0x80, s23, s21, $0xb8;
	[tilespmem:$0x1E200] =	vst v63  }
0x2d: {  	_ = 	snop  }
0x2e: {  	[tilespmem:s25], [sflag:$0x2] =	stream.indirect.gather [hbm4b:s6+s21], $0x10, s16, s21, $0xb8;
	[tilespmem:$0x1E200] =	vst v63  }
0x2f: {  	_ = 	snop  }
0x30: {  	[tilespmem:s26], [sflag:$0x2] =	stream.indirect.gather [hbm4b:s6+s21], $0x10, s23, s21, $0xb8;
	[tilespmem:$0x1E200] =	vst v63  }
0x31: {  	_ =	swait.ge [sflag:s28], $0x4000  }
0x32: {  	[sflag:s28] =	ssyncset.done $0x0  }
0x33: {  	[sflag:s28] =	ssyncadd.s32 $0xFFFFC000  }
0x34: {  	_ =	swait.ge [sflag:s28], $0x800  }
0x35: {  	[sflag:s28] =	ssyncset.done $0x0  }
0x36: {  	[sflag:s28] =	ssyncadd.s32 $0xFFFFF800  }
0x37: {  	_ =	swait.ge [sflag:s28], $0x4000  }
0x38: {  	[sflag:s28] =	ssyncset.done $0x0  }
0x39: {  	[sflag:s28] =	ssyncadd.s32 $0xFFFFC000  }
0x3a: {  	_ =	swait.ge [sflag:s28], $0x800  }
0x3b: {  	[sflag:s28] =	ssyncset.done $0x0  }
0x3c: {  	s18 =	simm.s32 $0x0;
	[sflag:s28] =	ssyncadd.s32 $0xFFFFF800  }
.LBB2_2:
0x3d: {  	s5 =	sshllo.u32 s18, $0x1  }
0x3e: {  	s7 =	smul.u32 $0x340, s5;
	_ =	sdelay $0x1  }
0x3f: {  	s7 =	sshra.s32 s7, $0x2  }
0x40: {  	s8 =	sadd.s32 $0x100, s7  }
0x41: {  	[tilespmem:s29], [sflag:$0x3] =	stream.indirect.gather [hbm4b:s3+s21], $0x80, s8, s21, $0xb8;
	[tilespmem:$0x1E200] =	vst v63  }
0x42: {  	s7 =	sadd.s32 $0x168, s7  }
0x43: {  	[tilespmem:s30], [sflag:$0x3] =	stream.indirect.gather [hbm4b:s3+s21], $0x80, s7, s21, $0xb8;
	[tilespmem:$0x1E200] =	vst v63  }
0x44: {  	_ = 	snop  }
0x45: {  	[tilespmem:s31], [sflag:$0x3] =	stream.indirect.gather [hbm4b:s6+s21], $0x10, s8, s21, $0xb8;
	[tilespmem:$0x1E200] =	vst v63  }
0x46: {  	_ = 	snop  }
0x47: {  	[tilespmem:s1], [sflag:$0x3] =	stream.indirect.gather [hbm4b:s6+s21], $0x10, s7, s21, $0xb8;
	[tilespmem:$0x1E200] =	vst v63  }
0x48: {  	_ =	swait.ge [sflag:s0], $0x6400  }
0x49: {  	[sflag:s0] =	ssyncset.done $0x0  }
0x4a: {  	[sflag:s0] =	ssyncadd.s32 $0xFFFF9C00  }
0x4b: {  	_ =	swait.ge [sflag:s0], $0xC80  }
0x4c: {  	[sflag:s0] =	ssyncset.done $0x0  }
0x4d: {  	s17 =	sshll.u32 s18, $0x5;
	[sflag:s0] =	ssyncadd.s32 $0xFFFFF380  }
0x4e: {  	v13 =	vld [tilespmem:s17+$0xE900]  }
0x4f: {  	s23 =	sshll.u32 s18, $0x8;
	v19 =	vld [tilespmem:s17+$0xF100]  }
0x50: {  	v10 =	vld [tilespmem:s23+$0x6900]  }
0x51: {  	v11 =	vld [tilespmem:s23+$0x6910]  }
0x52: {  	v14 =	vld [tilespmem:s23+$0xA900]  }
0x53: {  	v12 =	vld [tilespmem:s23+$0x6920]  }
0x54: {  	v15 =	vld [tilespmem:s23+$0xA910];
	v21 =	vperm.xlane v13, v4  }
0x55: {  	v20 =	vld [tilespmem:s23+$0xA920];
	v22 =	vperm.xlane v19, v4  }
0x56: {  	v23 =	vld [tilespmem:s23+$0x6930];
	v17 =	vmul.f32 v10, v21  }
0x57: {  	v24 =	vmul.f32 v14, v22  }
0x58: {  	v18 =	vmul.f32 v11, v21;
	v10 =	vld [tilespmem:s23+$0xA930];
	[tilespmem:s23+$0x6900] =	vst v17  }
0x59: {  	v11 =	vld [tilespmem:s23+$0x6940];
	v25 =	vmul.f32 v15, v22;
	[tilespmem:s23+$0xA900] =	vst v24  }
0x5a: {  	v16 =	vmul.f32 v12, v21;
	v12 =	vld [tilespmem:s23+$0xA940];
	[tilespmem:s23+$0x6910] =	vst v18  }
0x5b: {  	v26 =	vld [tilespmem:s23+$0x6950];
	v20 =	vmul.f32 v20, v22;
	v15 =	vmul.f32 v23, v21;
	[tilespmem:s23+$0xA910] =	vst v25  }
0x5c: {  	v23 =	vld [tilespmem:s23+$0xA950];
	v14 =	vmul.f32 v24, v17;
	v27 =	vmul.f32 v25, v18;
	[tilespmem:s23+$0x6920] =	vst v16  }
0x5d: {  	v30 =	vld [tilespmem:s23+$0xA960];
	[tilespmem:s23+$0xA920] =	vst v20;
	v29 =	vmul.f32 v10, v22  }
0x5e: {  	v28 =	vld [tilespmem:s23+$0x6960];
	[tilespmem:s23+$0x6930] =	vst v15;
	v10 =	vadd.f32 v27, v14;
	v27 =	vmul.f32 v20, v16;
	v14 =	vmul.f32 v11, v21  }
0x5f: {  	v31 =	vld [tilespmem:s23+$0x6970];
	v32 =	vmul.f32 v12, v22;
	[tilespmem:s23+$0xA930] =	vst v29  }
0x60: {  	v24 =	vld [tilespmem:s23+$0xA970];
	v11 =	vmul.f32 v26, v21;
	v10 =	vadd.f32 v27, v10;
	v12 =	vmul.f32 v29, v15;
	[tilespmem:s23+$0x6940] =	vst v14  }
0x61: {  	v23 =	vmul.f32 v23, v22;
	[tilespmem:s23+$0xA940] =	vst v32  }
0x62: {  	v26 =	vmul.f32 v30, v22;
	v25 =	vmul.f32 v32, v14;
	[tilespmem:s23+$0x6950] =	vst v11;
	v10 =	vadd.f32 v12, v10  }
0x63: {  	[tilespmem:s23+$0xA950] =	vst v23;
	v12 =	vmul.f32 v28, v21  }
0x64: {  	[tilespmem:s23+$0xA960] =	vst v26;
	v20 =	vadd.f32 v25, v10;
	v10 =	vmul.f32 v31, v21  }
0x65: {  	v21 =	vmul.f32 v24, v22;
	[tilespmem:s23+$0x6960] =	vst v12  }
0x66: {  	v25 =	vmul.f32 v23, v11;
	[tilespmem:s23+$0x6970] =	vst v10  }
0x67: {  	s8 =	simm.s32 $0xFA00;
	[tilespmem:s23+$0xA970] =	vst v21  }
0x68: {  	v22 =	vmul.f32 v26, v12;
	v20 =	vadd.f32 v25, v20;
	v23 =	vld [tilespmem:s8+$0x90]  }
0x69: {  	v24 =	vld [tilespmem:s8+$0xFFFFFF10]  }
0x6a: {  	v25 =	vld [tilespmem:s8+$0xFFFFFF80];
	v20 =	vadd.f32 v22, v20;
	v22 =	vmul.f32 v21, v10  }
0x6b: {  	v27 =	vld [tilespmem:s8+$0xB0]  }
0x6c: {  	v28 =	vld [tilespmem:s8+$0xFFFFFF90];
	v20 =	vadd.f32 v22, v20  }
0x6d: {  	v29 =	vld [tilespmem:s8+$0x0]  }
0x6e: {  	v30 =	vld [tilespmem:s8+$0xD0];
	v22 =	vperm.xlane v20, v5  }
0x6f: {  	v31 =	vld [tilespmem:s8+$0x10]  }
0x70: {  	v32 =	vld [tilespmem:s8+$0xFFFFFF20];
	v20 =	vadd.f32 v22, v20  }
0x71: {  	v33 =	vld [tilespmem:s8+$0xFFFFFFB0]  }
0x72: {  	v21 =	vld [tilespmem:s8+$0x80];
	v22 =	vperm.xlane v20, v0  }
0x73: {  	v34 =	vld [tilespmem:s8+$0xFFFFFF40]  }
0x74: {  	v20 =	vadd.f32 v22, v20;
	v22 =	vld [tilespmem:s8+$0xA0]  }
0x75: {  	s9 =	simm.s32 $0x30;
	v41 =	vld [tilespmem:s8+$0x40]  }
0x76: {  	s19 =	simm.s32 $0xFC00;
	v43 =	vld [tilespmem:s9+$0x1C100];
	v26 =	vperm.xlane v20, v1  }
0x77: {  	v36 =	vld [tilespmem:s19+$0xFFFFFF80];
	v23 =	vmul.f32 v23, v18;
	v21 =	vmul.f32 v21, v17  }
0x78: {  	v25 =	vmul.f32 v25, v17;
	v20 =	vadd.f32 v26, v20;
	v26 =	vld [tilespmem:s8+$0xC0]  }
0x79: {  	v39 =	vld [tilespmem:s19+$0xB0];
	v28 =	vmul.f32 v28, v18;
	v21 =	vadd.f32 v23, v21;
	v22 =	vmul.f32 v22, v16  }
0x7a: {  	v53 =	vld [tilespmem:s19+$0xC0];
	v23 =	vperm.xlane v20, v2  }
0x7b: {  	v25 =	vadd.f32 v28, v25;
	v28 =	vld [tilespmem:s8+$0xFFFFFF50];
	v21 =	vadd.f32 v22, v21;
	v22 =	vmul.f32 v27, v15  }
0x7c: {  	v13 =	vperm.xlane v13, v3;
	v19 =	vperm.xlane v19, v3;
	v20 =	vadd.f32 v23, v20;
	v23 =	vld [tilespmem:s8+$0xE0]  }
0x7d: {  	v27 =	vld [tilespmem:s8+$0xFFFFFF00];
	v21 =	vadd.f32 v22, v21;
	v22 =	vmul.f32 v26, v14  }
0x7e: {  	v19 =	vadd.f32 v19, v13;
	v26 =	vld [tilespmem:s8+$0xF0];
	v20 =	vadd.f32 v20, v20  }
0x7f: {  	v48 =	vld [tilespmem:s19+$0x90];
	v24 =	vmul.f32 v24, v18;
	v21 =	vadd.f32 v22, v21;
	v22 =	vmul.f32 v30, v11  }
0x80: {  	v44 =	vperm.xlane v43, v4;
	v54 =	vmul.f32 v36, v17;
	v19 =	vsub.f32 v19, v20;
	v20 =	vld [tilespmem:s8+$0xFFFFFFA0]  }
0x81: {  	v57 =	vmul.f32 v39, v15;
	v21 =	vadd.f32 v22, v21;
	v22 =	vmul.f32 v23, v12;
	v23 =	vld [tilespmem:s8+$0xFFFFFF30]  }
0x82: {  	v60 =	vmul.f32 v53, v14;
	v30 =	vld [tilespmem:s8+$0x20];
	v27 =	vmul.f32 v27, v17  }
0x83: {  	v56 =	vld [tilespmem:s19+$0x10];
	v28 =	vmul.f32 v28, v11;
	v21 =	vadd.f32 v22, v21;
	v22 =	vmul.f32 v26, v10  }
0x84: {  	v19 =	vadd.f32 $5.000000000e-01, v19;
	v24 =	vadd.f32 v24, v27;
	v27 =	vmul.f32 v32, v16;
	v26 =	vld [tilespmem:s8+$0x30]  }
0x85: {  	v21 =	vadd.f32 v22, v21;
	v22 =	vmul.f32 v29, v17;
	v29 =	vmul.f32 v31, v18;
	v31 =	vld [tilespmem:s8+$0xFFFFFFC0]  }
0x86: {  	v61 =	vld [tilespmem:s19+$0xF0];
	v24 =	vadd.f32 v27, v24;
	v20 =	vmul.f32 v20, v16;
	v23 =	vmul.f32 v23, v15  }
0x87: {  	v27 =	vmul.f32 v30, v16;
	v30 =	vld [tilespmem:s8+$0x50];
	v35 =	vperm.xlane v21, v5;
	v22 =	vadd.f32 v29, v22  }
0x88: {  	v29 =	vld [tilespmem:s8+$0xFFFFFFD0];
	v20 =	vadd.f32 v20, v25;
	v25 =	vmul.f32 v33, v15;
	v23 =	vadd.f32 v23, v24  }
0x89: {  	v24 =	vmul.f32 v34, v14;
	v21 =	vadd.f32 v35, v21;
	v22 =	vadd.f32 v27, v22;
	v27 =	vld [tilespmem:s8+$0xFFFFFF60]  }
0x8a: {  	v26 =	vmul.f32 v26, v15;
	v20 =	vadd.f32 v25, v20;
	v25 =	vld [tilespmem:s8+$0xFFFFFFE0];
	v31 =	vmul.f32 v31, v14  }
0x8b: {  	v23 =	vadd.f32 v24, v23;
	v24 =	vmul.f32 v41, v14;
	v41 =	vld [tilespmem:s19+$0x0];
	v42 =	vperm.xlane v21, v6  }
0x8c: {  	v32 =	vmul.f32 v61, v10;
	v35 =	vmul.f32 v48, v18;
	v22 =	vadd.f32 v26, v22;
	v26 =	vld [tilespmem:s8+$0x60]  }
0x8d: {  	v20 =	vadd.f32 v31, v20;
	v29 =	vmul.f32 v29, v11;
	v31 =	vld [tilespmem:s8+$0xFFFFFF70];
	v21 =	vadd.f32 v42, v21  }
0x8e: {  	v55 =	vld [tilespmem:s19+$0xD0];
	v22 =	vadd.f32 v24, v22;
	v24 =	vmul.f32 v30, v11;
	v42 =	vmul.f32 v56, v18  }
0x8f: {  	v49 =	vld [tilespmem:s19+$0xA0];
	v23 =	vadd.f32 v28, v23;
	v27 =	vmul.f32 v27, v12;
	v33 =	vperm.xlane v21, v7  }
0x90: {  	v28 =	vld [tilespmem:s8+$0xFFFFFFF0];
	v20 =	vadd.f32 v29, v20;
	v25 =	vmul.f32 v25, v12;
	v22 =	vadd.f32 v24, v22  }
0x91: {  	v29 =	vld [tilespmem:s8+$0x70];
	v62 =	vmul.f32 v41, v17;
	v26 =	vmul.f32 v26, v12;
	v21 =	vadd.f32 v33, v21  }
0x92: {  	v23 =	vadd.f32 v27, v23;
	v20 =	vadd.f32 v25, v20;
	v25 =	vmul.f32 v31, v10  }
0x93: {  	v13 =	vsub.f32 v19, v13;
	v24 =	vld [tilespmem:s9+$0x1C0D0];
	v41 =	vmul.f32 v55, v11;
	v30 =	vperm.xlane v21, v8  }
0x94: {  	v22 =	vadd.f32 v26, v22;
	v26 =	vperm.xlane v43, v3;
	v23 =	vadd.f32 v25, v23  }
0x95: {  	v27 =	vld [tilespmem:s9+$0x1C0E0];
	v25 =	vmul.f32 v28, v10;
	v21 =	vadd.f32 v30, v21;
	v30 =	vadd.f32 v44, v44  }
0x96: {  	v33 =	vmul.f32 v49, v16;
	v28 =	vmul.f32 v29, v10;
	v26 =	vsub.f32 v13, v26  }
0x97: {  	v31 =	vld [tilespmem:s9+$0x1C0F0];
	v20 =	vadd.f32 v25, v20;
	v21 =	vmul.f32 v30, v21;
	v30 =	vperm.xlane v23, v5  }
0x98: {  	v29 =	vperm.xlane v24, v4;
	v24 =	vperm.xlane v24, v3;
	v22 =	vadd.f32 v28, v22  }
0x99: {  	v21 =	vadd.f32 v21, v26;
	v23 =	vadd.f32 v30, v23;
	v26 =	vperm.xlane v20, v5  }
0x9a: {  	v19 =	vimm.f32 $0.0e+00;
	v25 =	vperm.xlane v27, v4;
	v30 =	vperm.xlane v22, v5  }
0x9b: {  	v44 =	vadd.f32 v42, v62;
	v20 =	vadd.f32 v26, v20;
	v26 =	vperm.xlane v23, v6  }
0x9c: {  	v28 =	vperm.xlane v31, v4;
	v45 =	vadd.f32 v25, v25;
	v25 =	vadd.f32 v30, v22;
	v30 =	vld [tilespmem:s19+$0x80]  }
0x9d: {  	v29 =	vadd.f32 v29, v29;
	v31 =	vperm.xlane v31, v3;
	v23 =	vadd.f32 v26, v23  }
0x9e: {  	v24 =	vsub.f32 v13, v24;
	v46 =	vperm.xlane v20, v6;
	v47 =	vperm.xlane v25, v6  }
0x9f: {  	v59 =	vld [tilespmem:s19+$0xE0];
	v28 =	vadd.f32 v28, v28;
	v31 =	vsub.f32 v13, v31;
	v50 =	vperm.xlane v23, v7  }
0xa0: {  	vm2 =	vle.f32 v21, $0.0e+00;
	v20 =	vadd.f32 v46, v20;
	v25 =	vadd.f32 v47, v25  }
0xa1: {  	v22 =	vsel vm2, $0x3F800000, v9;
	v30 =	vmul.f32 v30, v17;
	v23 =	vadd.f32 v50, v23  }
0xa2: {  	v51 =	vld [tilespmem:s19+$0xFFFFFF90];
	v22 =	vadd.f32 v22, v19;
	v37 =	vperm.xlane v20, v7;
	v38 =	vperm.xlane v25, v7  }
0xa3: {  	v26 =	vperm.xlane v27, v3;
	v27 =	vld [tilespmem:s19+$0xFFFFFF10];
	v30 =	vadd.f32 v35, v30;
	v40 =	vperm.xlane v23, v8  }
0xa4: {  	v43 =	vmul.f32 v59, v12;
	v46 =	vld [tilespmem:s19+$0x30];
	v20 =	vadd.f32 v37, v20;
	v52 =	vadd.f32 v38, v25  }
0xa5: {  	v63 =	vld [tilespmem:s19+$0xFFFFFF20];
	v21 =	vmax.f32 v21, $0.0e+00;
	v30 =	vadd.f32 v33, v30;
	v23 =	vadd.f32 v40, v23  }
0xa6: {  	v48 =	vld [tilespmem:s19+$0xFFFFFF40];
	v25 =	vadd.f32 v21, v19;
	v21 =	vperm.xlane v20, v8;
	v58 =	vperm.xlane v52, v8  }
0xa7: {  	v26 =	vsub.f32 v13, v26;
	v30 =	vadd.f32 v57, v30;
	v23 =	vmul.f32 v29, v23;
	v29 =	vld [tilespmem:s19+$0xFFFFFF00]  }
0xa8: {  	v20 =	vadd.f32 v21, v20;
	v21 =	vmul.f32 v51, v18;
	v37 =	vadd.f32 v58, v52;
	v51 =	vld [tilespmem:s19+$0x40]  }
0xa9: {  	v27 =	vmul.f32 v27, v18;
	v33 =	vmul.f32 v46, v15;
	v58 =	vld [tilespmem:s19+$0x60];
	v30 =	vadd.f32 v60, v30  }
0xaa: {  	v60 =	vld [tilespmem:s19+$0xFFFFFF70];
	v20 =	vmul.f32 v45, v20;
	v28 =	vmul.f32 v28, v37;
	v23 =	vadd.f32 v23, v24  }
0xab: {  	v21 =	vadd.f32 v21, v54;
	v24 =	vld [tilespmem:s19+$0xFFFFFFA0];
	v37 =	vmul.f32 v48, v14;
	v30 =	vadd.f32 v41, v30  }
0xac: {  	v20 =	vadd.f32 v20, v26;
	v26 =	vld [tilespmem:s19+$0x20];
	v28 =	vadd.f32 v28, v31;
	vm2 =	vle.f32 v23, $0.0e+00  }
0xad: {  	v31 =	vld [tilespmem:s19+$0xFFFFFF30];
	v53 =	vmax.f32 v23, $0.0e+00;
	v29 =	vmul.f32 v29, v17;
	v30 =	vadd.f32 v43, v30  }
0xae: {  	v45 =	vld [tilespmem:s19+$0xFFFFFFB0];
	v47 =	vsel vm2, $0x3F800000, v9;
	v57 =	vmul.f32 v51, v14;
	v48 =	vmul.f32 v58, v12  }
0xaf: {  	vm3 =	vle.f32 v20, $0.0e+00;
	v27 =	vadd.f32 v27, v29;
	v29 =	vmul.f32 v63, v16  }
0xb0: {  	vm4 =	vle.f32 v28, $0.0e+00;
	v30 =	vadd.f32 v32, v30;
	v24 =	vmul.f32 v24, v16  }
0xb1: {  	v28 =	vmax.f32 v28, $0.0e+00;
	v27 =	vadd.f32 v29, v27;
	v29 =	vld [tilespmem:s19+$0xFFFFFFC0];
	v26 =	vmul.f32 v26, v16  }
0xb2: {  	v52 =	vperm.xlane v30, v5;
	v31 =	vmul.f32 v31, v15;
	v21 =	vadd.f32 v24, v21;
	v24 =	vld [tilespmem:s19+$0xFFFFFF50]  }
0xb3: {  	v54 =	vld [tilespmem:s19+$0x50];
	v36 =	vmul.f32 v60, v10;
	v35 =	vmul.f32 v45, v15;
	v26 =	vadd.f32 v26, v44  }
0xb4: {  	v23 =	vld [tilespmem:s19+$0xFFFFFFD0];
	v49 =	vsel vm3, $0x3F800000, v9;
	v30 =	vadd.f32 v52, v30;
	v31 =	vadd.f32 v31, v27  }
0xb5: {  	v50 =	vsel vm4, $0x3F800000, v9;
	v21 =	vadd.f32 v35, v21;
	v27 =	vmax.f32 v20, $0.0e+00;
	v20 =	vld [tilespmem:s19+$0xFFFFFF60]  }
0xb6: {  	s23 =	simm.s32 $0x70;
	v46 =	vld [tilespmem:s19+$0x70];
	v55 =	vperm.xlane v30, v6;
	v26 =	vadd.f32 v33, v26;
	v31 =	vadd.f32 v37, v31  }
0xb7: {  	v42 =	vld [tilespmem:s23+$0x1C0F0];
	v29 =	vmul.f32 v29, v14;
	v59 =	vmul.f32 v24, v11;
	v24 =	vadd.f32 v47, v19  }
0xb8: {  	v56 =	vld [tilespmem:s19+$0xFFFFFFE0];
	v62 =	vmul.f32 v54, v11;
	v30 =	vadd.f32 v55, v30;
	v26 =	vadd.f32 v57, v26  }
0xb9: {  	v23 =	vmul.f32 v23, v11;
	v21 =	vadd.f32 v29, v21;
	v29 =	vld [tilespmem:s23+$0x1C100];
	v31 =	vadd.f32 v59, v31  }
0xba: {  	v63 =	vld [tilespmem:s19+$0xFFFFFFF0];
	v20 =	vmul.f32 v20, v12;
	v61 =	vperm.xlane v30, v7;
	v26 =	vadd.f32 v62, v26  }
0xbb: {  	v32 =	vmul.f32 v46, v10;
	v45 =	vadd.f32 v23, v21;
	v21 =	vadd.f32 v49, v19  }
0xbc: {  	v35 =	vperm.xlane v42, v3;
	v31 =	vadd.f32 v20, v31;
	v30 =	vadd.f32 v61, v30  }
0xbd: {  	v33 =	vmul.f32 v56, v12;
	v23 =	vadd.f32 v50, v19;
	v20 =	vadd.f32 v53, v19  }
0xbe: {  	v47 =	vld [tilespmem:s23+$0x1C0D0];
	v26 =	vadd.f32 v48, v26;
	v49 =	vperm.xlane v30, v8;
	v51 =	vperm.xlane v29, v4  }
0xbf: {  	v50 =	vld [tilespmem:s23+$0x1C0E0];
	v53 =	vmul.f32 v63, v10;
	v33 =	vadd.f32 v33, v45;
	v31 =	vadd.f32 v36, v31  }
0xc0: {  	v29 =	vperm.xlane v29, v3;
	v30 =	vadd.f32 v49, v30;
	v52 =	vadd.f32 v51, v51  }
0xc1: {  	v57 =	vperm.xlane v42, v4;
	v26 =	vadd.f32 v32, v26;
	v55 =	vperm.xlane v31, v5  }
0xc2: {  	v33 =	vadd.f32 v53, v33;
	v29 =	vsub.f32 v13, v29;
	v30 =	vmul.f32 v52, v30  }
0xc3: {  	v54 =	vperm.xlane v47, v4;
	v59 =	vperm.xlane v26, v5;
	v34 =	vadd.f32 v55, v31  }
0xc4: {  	v56 =	vperm.xlane v50, v4;
	v58 =	vadd.f32 v30, v29;
	v30 =	vperm.xlane v33, v5  }
0xc5: {  	v31 =	vadd.f32 v54, v54;
	v26 =	vadd.f32 v59, v26;
	v62 =	vperm.xlane v34, v6  }
0xc6: {  	v36 =	vperm.xlane v47, v3;
	v29 =	vadd.f32 v56, v56;
	v60 =	vadd.f32 v30, v33  }
0xc7: {  	v40 =	vperm.xlane v26, v6;
	v38 =	vadd.f32 v62, v34;
	v34 =	vperm.xlane v50, v3  }
0xc8: {  	s7 =	simm.s32 $0xFE00;
	vm2 =	vle.f32 v58, $0.0e+00;
	v30 =	vadd.f32 v57, v57;
	v63 =	vperm.xlane v60, v6  }
0xc9: {  	v37 =	vld [tilespmem:s7+$0x90];
	v32 =	vmax.f32 v58, $0.0e+00;
	v40 =	vadd.f32 v40, v26;
	v61 =	vsel vm2, $0x3F800000, v9  }
0xca: {  	s8 =	simm.s32 $0x2C0;
	s9 =	simm.s32 $0x3C0;
	s19 =	sshll.u32 s18, $0x1;
	v33 =	vld [tilespmem:s7+$0x80];
	v26 =	vimm.f32 $0.0e+00;
	v22 =	vadd.f32 v61, v22;
	v39 =	vadd.f32 v63, v60  }
.LBB2_3:
0xcb: {  	p0 =	sne.s32 s9, $0x31C0;
	v41 =	vld [tilespmem:s7+$0xFFFFFF10];
	v42 =	vperm.xlane v38, v7;
	v36 =	vsub.f32 v13, v36;
	v34 =	vsub.f32 v13, v34  }
0xcc: {  	v43 =	vld [tilespmem:s7+$0xA0];
	v44 =	vperm.xlane v39, v7;
	v45 =	vperm.xlane v40, v7;
	v35 =	vsub.f32 v13, v35  }
0xcd: {  	v19 =	vadd.f32 v27, v19;
	v46 =	vld [tilespmem:s7+$0xFFFFFF80];
	v38 =	vadd.f32 v42, v38  }
0xce: {  	v27 =	vld [tilespmem:s7+$0xB0];
	v39 =	vadd.f32 v44, v39;
	v40 =	vadd.f32 v45, v40  }
0xcf: {  	v26 =	vadd.f32 v28, v26;
	v33 =	vmul.f32 v33, v17;
	v42 =	vld [tilespmem:s7+$0xFFFFFF90];
	v37 =	vmul.f32 v37, v18  }
0xd0: {  	v25 =	vadd.f32 v32, v25;
	v44 =	vperm.xlane v38, v8;
	v28 =	vmul.f32 v41, v18;
	v41 =	vld [tilespmem:s7+$0xC0]  }
0xd1: {  	v32 =	vld [tilespmem:s7+$0x0];
	v33 =	vadd.f32 v37, v33;
	v37 =	vmul.f32 v43, v16;
	v43 =	vperm.xlane v39, v8  }
0xd2: {  	v38 =	vadd.f32 v44, v38;
	v44 =	vperm.xlane v40, v8;
	v45 =	vmul.f32 v46, v17;
	v46 =	vld [tilespmem:s7+$0xD0]  }
0xd3: {  	v47 =	vld [tilespmem:s7+$0x10];
	v33 =	vadd.f32 v37, v33;
	v27 =	vmul.f32 v27, v15;
	v37 =	vadd.f32 v43, v39  }
0xd4: {  	v31 =	vmul.f32 v31, v38;
	v38 =	vadd.f32 v44, v40;
	v39 =	vmul.f32 v42, v18;
	v42 =	vld [tilespmem:s7+$0xE0]  }
0xd5: {  	v40 =	vld [tilespmem:s7+$0xFFFFFF00];
	v27 =	vadd.f32 v27, v33;
	v33 =	vmul.f32 v41, v14;
	v29 =	vmul.f32 v29, v37  }
0xd6: {  	v30 =	vmul.f32 v30, v38;
	v37 =	vadd.f32 v39, v45;
	v32 =	vmul.f32 v32, v17;
	v39 =	vld [tilespmem:s7+$0xF0]  }
0xd7: {  	v31 =	vadd.f32 v31, v36;
	v38 =	vld [tilespmem:s7+$0xFFFFFF20];
	v27 =	vadd.f32 v33, v27;
	v33 =	vmul.f32 v46, v11  }
0xd8: {  	v29 =	vadd.f32 v29, v34;
	v30 =	vadd.f32 v30, v35;
	v36 =	vld [tilespmem:s7+$0xFFFFFFA0];
	v41 =	vmul.f32 v47, v18  }
0xd9: {  	vm2 =	vle.f32 v31, $0.0e+00;
	v34 =	vld [tilespmem:s7+$0x20];
	v27 =	vadd.f32 v33, v27;
	v33 =	vmul.f32 v42, v12  }
0xda: {  	vm3 =	vle.f32 v29, $0.0e+00;
	v35 =	vld [tilespmem:s7+$0xFFFFFF30];
	v40 =	vmul.f32 v40, v17;
	v32 =	vadd.f32 v41, v32  }
0xdb: {  	vm4 =	vle.f32 v30, $0.0e+00;
	v41 =	vld [tilespmem:s7+$0xFFFFFFB0];
	v27 =	vadd.f32 v33, v27;
	v33 =	vmul.f32 v39, v10  }
0xdc: {  	v28 =	vadd.f32 v28, v40;
	v38 =	vmul.f32 v38, v16;
	v39 =	vld [tilespmem:s7+$0x30];
	v40 =	vsel vm2, $0x3F800000, v9  }
0xdd: {  	v42 =	vld [tilespmem:s7+$0xFFFFFF40];
	v36 =	vmul.f32 v36, v16;
	v27 =	vadd.f32 v33, v27;
	v33 =	vsel vm3, $0x3F800000, v9  }
0xde: {  	v43 =	vsel vm4, $0x3F800000, v9;
	v28 =	vadd.f32 v38, v28;
	v38 =	vld [tilespmem:s7+$0xFFFFFFC0];
	v34 =	vmul.f32 v34, v16  }
0xdf: {  	v35 =	vmul.f32 v35, v15;
	v36 =	vadd.f32 v36, v37;
	v37 =	vld [tilespmem:s7+$0x40];
	v44 =	vperm.xlane v27, v5  }
0xe0: {  	v31 =	vmax.f32 v31, $0.0e+00;
	v45 =	vld [tilespmem:s7+$0xFFFFFF50];
	v41 =	vmul.f32 v41, v15;
	v32 =	vadd.f32 v34, v32  }
0xe1: {  	v28 =	vadd.f32 v35, v28;
	v34 =	vld [tilespmem:s7+$0xFFFFFFD0];
	v35 =	vmul.f32 v39, v15;
	v39 =	vadd.f32 v44, v27  }
0xe2: {  	v27 =	vmax.f32 v29, $0.0e+00;
	v42 =	vmul.f32 v42, v14;
	v36 =	vadd.f32 v41, v36;
	v41 =	vld [tilespmem:s7+$0x50]  }
0xe3: {  	v29 =	vld [tilespmem:s7+$0xFFFFFF60];
	v38 =	vmul.f32 v38, v14;
	v32 =	vadd.f32 v35, v32;
	v35 =	vperm.xlane v39, v6  }
0xe4: {  	v42 =	vadd.f32 v42, v28;
	v44 =	vld [tilespmem:s7+$0xFFFFFFE0];
	v37 =	vmul.f32 v37, v14;
	v28 =	vmax.f32 v30, $0.0e+00  }
0xe5: {  	s23 =	sshra.s32 s8, $0x2;
	s8 =	smov.u32 s9;
	v30 =	vmul.f32 v45, v11;
	v36 =	vadd.f32 v38, v36;
	v38 =	vld [tilespmem:s7+$0x60];
	v35 =	vadd.f32 v35, v39  }
0xe6: {  	v24 =	vadd.f32 v40, v24;
	v34 =	vmul.f32 v34, v11;
	v32 =	vadd.f32 v37, v32;
	v37 =	vld [tilespmem:s23+$0x1C100]  }
0xe7: {  	v39 =	vld [tilespmem:s7+$0xFFFFFF70];
	v30 =	vadd.f32 v30, v42;
	v40 =	vmul.f32 v41, v11;
	v41 =	vperm.xlane v35, v7  }
0xe8: {  	v21 =	vadd.f32 v33, v21;
	v29 =	vmul.f32 v29, v12;
	v42 =	vld [tilespmem:s7+$0xFFFFFFF0];
	v34 =	vadd.f32 v34, v36  }
0xe9: {  	v33 =	vmul.f32 v44, v12;
	v36 =	vld [tilespmem:s7+$0x70];
	v32 =	vadd.f32 v40, v32;
	v35 =	vadd.f32 v41, v35  }
0xea: {  	v23 =	vadd.f32 v43, v23;
	v40 =	vld [tilespmem:s23+$0x1C0D0];
	v29 =	vadd.f32 v29, v30;
	v30 =	vmul.f32 v38, v12  }
0xeb: {  	v41 =	vld [tilespmem:s23+$0x1C0E0];
	v33 =	vadd.f32 v33, v34;
	v34 =	vperm.xlane v35, v8;
	v38 =	vperm.xlane v37, v4  }
0xec: {  	v20 =	vadd.f32 v31, v20;
	v39 =	vmul.f32 v39, v10;
	v43 =	vld [tilespmem:s23+$0x1C0F0];
	v30 =	vadd.f32 v30, v32  }
0xed: {  	v32 =	vperm.xlane v37, v3;
	v31 =	vadd.f32 v34, v35;
	v34 =	vadd.f32 v38, v38  }
0xee: {  	v35 =	vmul.f32 v42, v10;
	v29 =	vadd.f32 v39, v29;
	v36 =	vmul.f32 v36, v10  }
0xef: {  	v32 =	vsub.f32 v13, v32;
	v37 =	vperm.xlane v40, v4;
	v31 =	vmul.f32 v34, v31  }
0xf0: {  	v33 =	vadd.f32 v35, v33;
	v34 =	vperm.xlane v29, v5;
	v30 =	vadd.f32 v36, v30  }
0xf1: {  	v35 =	vperm.xlane v41, v4;
	v36 =	vperm.xlane v43, v4;
	v32 =	vadd.f32 v31, v32  }
0xf2: {  	v38 =	vperm.xlane v33, v5;
	v34 =	vadd.f32 v34, v29;
	v39 =	vperm.xlane v30, v5  }
0xf3: {  	v31 =	vadd.f32 v37, v37;
	v29 =	vadd.f32 v35, v35;
	vm2 =	vle.f32 v32, $0.0e+00  }
.Ltmp0:
0xf4: {  	v35 =	vadd.f32 v38, v33;
	v42 =	vadd.f32 v39, v30;
	v33 =	vsel vm2, $0x3F800000, v9;
	(pc) =	sbr.rel @p0 .LBB2_3-.Ltmp0, $4  }
0xf5: {  	v37 =	vperm.xlane v34, v6;
	v30 =	vadd.f32 v36, v36;
	v22 =	vadd.f32 v33, v22  }
0xf6: {  	s7 =	sadd.s32 $0x200, s7;
	v32 =	vmax.f32 v32, $0.0e+00;
	v39 =	vperm.xlane v35, v6;
	v44 =	vperm.xlane v42, v6  }
0xf7: {  	v36 =	vperm.xlane v40, v3;
	v38 =	vadd.f32 v37, v34;
	v34 =	vperm.xlane v41, v3;
	v33 =	vld [tilespmem:s7+$0x80]  }
0xf8: {  	s9 =	sadd.s32 $0x100, s9;
	v39 =	vadd.f32 v39, v35;
	v35 =	vperm.xlane v43, v3;
	v37 =	vld [tilespmem:s7+$0x90];
	v40 =	vadd.f32 v44, v42  }
0xf9: {  	v41 =	vld [tilespmem:s7+$0xFFFFFF10]  }
0xfa: {  	v42 =	vld [tilespmem:s7+$0xA0]  }
0xfb: {  	v44 =	vld [tilespmem:s7+$0xFFFFFF80]  }
0xfc: {  	v46 =	vld [tilespmem:s7+$0xB0]  }
0xfd: {  	v53 =	vld [tilespmem:s7+$0xFFFFFF90]  }
0xfe: {  	v43 =	vperm.xlane v38, v7;
	v19 =	vadd.f32 v27, v19;
	v54 =	vld [tilespmem:s7+$0xC0];
	v26 =	vadd.f32 v28, v26  }
0xff: {  	v55 =	vld [tilespmem:s7+$0x0];
	v25 =	vadd.f32 v32, v25;
	v45 =	vperm.xlane v39, v7;
	v47 =	vperm.xlane v40, v7  }
0x100: {  	v56 =	vld [tilespmem:s7+$0xD0];
	v36 =	vsub.f32 v13, v36;
	v33 =	vmul.f32 v33, v17;
	v37 =	vmul.f32 v37, v18  }
0x101: {  	v59 =	vld [tilespmem:s7+$0x10];
	v38 =	vadd.f32 v43, v38;
	v27 =	vadd.f32 v45, v39  }
0x102: {  	v60 =	vld [tilespmem:s7+$0xE0];
	v40 =	vadd.f32 v47, v40;
	v57 =	vmul.f32 v42, v16;
	v33 =	vadd.f32 v37, v33  }
0x103: {  	v62 =	vld [tilespmem:s7+$0xFFFFFF00];
	v34 =	vsub.f32 v13, v34;
	v28 =	vperm.xlane v38, v8;
	v58 =	vperm.xlane v27, v8  }
0x104: {  	v63 =	vld [tilespmem:s7+$0xFFFFFF20];
	v61 =	vperm.xlane v40, v8;
	v46 =	vmul.f32 v46, v15;
	v33 =	vadd.f32 v57, v33  }
0x105: {  	v48 =	vld [tilespmem:s7+$0xFFFFFFA0];
	v44 =	vmul.f32 v44, v17;
	v43 =	vmul.f32 v53, v18;
	v28 =	vadd.f32 v28, v38  }
0x106: {  	v49 =	vld [tilespmem:s7+$0x20];
	v39 =	vmul.f32 v54, v14;
	v41 =	vmul.f32 v41, v18;
	v33 =	vadd.f32 v46, v33  }
0x107: {  	v35 =	vsub.f32 v13, v35;
	v50 =	vmul.f32 v55, v17;
	v28 =	vmul.f32 v31, v28;
	v31 =	vld [tilespmem:s7+$0xF0]  }
0x108: {  	v51 =	vld [tilespmem:s7+$0xFFFFFF30];
	v32 =	vmul.f32 v56, v11;
	v18 =	vmul.f32 v59, v18;
	v33 =	vadd.f32 v39, v33  }
0x109: {  	v17 =	vmul.f32 v62, v17;
	v27 =	vadd.f32 v58, v27;
	v37 =	vadd.f32 v61, v40  }
0x10a: {  	v52 =	vld [tilespmem:s7+$0xFFFFFFB0];
	v53 =	vmul.f32 v60, v12;
	v18 =	vadd.f32 v18, v50;
	v32 =	vadd.f32 v32, v33  }
0x10b: {  	v54 =	vld [tilespmem:s7+$0x30];
	v17 =	vadd.f32 v41, v17;
	v58 =	vmul.f32 v63, v16;
	v61 =	vmul.f32 v48, v16  }
0x10c: {  	v55 =	vld [tilespmem:s7+$0xFFFFFF40];
	v16 =	vmul.f32 v49, v16;
	v31 =	vmul.f32 v31, v10;
	v32 =	vadd.f32 v53, v32  }
0x10d: {  	v56 =	vld [tilespmem:s7+$0xFFFFFFC0];
	v48 =	vmul.f32 v51, v15;
	v27 =	vmul.f32 v29, v27;
	v29 =	vadd.f32 v43, v44  }
0x10e: {  	v60 =	vld [tilespmem:s7+$0xFFFFFF50];
	v30 =	vmul.f32 v30, v37;
	v17 =	vadd.f32 v58, v17;
	v31 =	vadd.f32 v31, v32  }
0x10f: {  	v63 =	vld [tilespmem:s7+$0xFFFFFFD0];
	v16 =	vadd.f32 v16, v18;
	v28 =	vadd.f32 v28, v36;
	v36 =	vmul.f32 v52, v15  }
0x110: {  	v57 =	vld [tilespmem:s7+$0x40];
	v27 =	vadd.f32 v27, v34;
	v30 =	vadd.f32 v30, v35;
	v49 =	vperm.xlane v31, v5  }
0x111: {  	v50 =	vld [tilespmem:s7+$0x50];
	v15 =	vmul.f32 v54, v15;
	v29 =	vadd.f32 v61, v29;
	v17 =	vadd.f32 v48, v17  }
0x112: {  	v51 =	vld [tilespmem:s7+$0xFFFFFFE0];
	v35 =	vmul.f32 v55, v14;
	vm3 =	vle.f32 v28, $0.0e+00;
	v31 =	vadd.f32 v49, v31  }
0x113: {  	v18 =	vld [tilespmem:s7+$0xFFFFFF60];
	v15 =	vadd.f32 v15, v16;
	v29 =	vadd.f32 v36, v29;
	v33 =	vmul.f32 v56, v14  }
0x114: {  	v52 =	vld [tilespmem:s7+$0x60];
	vm4 =	vle.f32 v27, $0.0e+00;
	vm2 =	vle.f32 v30, $0.0e+00;
	v16 =	vperm.xlane v31, v6  }
0x115: {  	v17 =	vadd.f32 v35, v17;
	v14 =	vmul.f32 v57, v14;
	v53 =	vld [tilespmem:s7+$0xFFFFFF70];
	v29 =	vadd.f32 v33, v29  }
0x116: {  	v54 =	vld [tilespmem:s7+$0xFFFFFFF0];
	v32 =	vmul.f32 v60, v11;
	v16 =	vadd.f32 v16, v31;
	v31 =	vmul.f32 v63, v11  }
0x117: {  	v59 =	vsel vm3, $0x3F800000, v9;
	v14 =	vadd.f32 v14, v15;
	v15 =	vld [tilespmem:s7+$0x70];
	v11 =	vmul.f32 v50, v11  }
0x118: {  	v18 =	vmul.f32 v18, v12;
	v17 =	vadd.f32 v32, v17;
	v29 =	vadd.f32 v31, v29  }
0x119: {  	v31 =	vmul.f32 v51, v12;
	v11 =	vadd.f32 v11, v14;
	v12 =	vmul.f32 v52, v12  }
0x11a: {  	v55 =	vperm.xlane v16, v7;
	v14 =	vadd.f32 v18, v17;
	v18 =	vmul.f32 v53, v10  }
0x11b: {  	s9 =	sshra.s32 s8, $0x2;
	v17 =	vadd.f32 v31, v29;
	v11 =	vadd.f32 v12, v11;
	v12 =	vmul.f32 v54, v10  }
0x11c: {  	v29 =	vld [tilespmem:s9+$0x1C100];
	v10 =	vmul.f32 v15, v10;
	v15 =	vsel vm2, $0x3F800000, v9;
	v16 =	vadd.f32 v55, v16  }
0x11d: {  	v62 =	vsel vm4, $0x3F800000, v9;
	v14 =	vadd.f32 v18, v14;
	v15 =	vadd.f32 v15, v23  }
0x11e: {  	v18 =	vmax.f32 v28, $0.0e+00;
	v12 =	vadd.f32 v12, v17;
	v10 =	vadd.f32 v10, v11  }
0x11f: {  	v11 =	vadd.f32 v62, v21;
	v17 =	vperm.xlane v16, v8;
	v21 =	vperm.xlane v14, v5  }
0x120: {  	v31 =	vld [tilespmem:s9+$0x1C0D0];
	v18 =	vadd.f32 v18, v20;
	v23 =	vperm.xlane v12, v5;
	v28 =	vperm.xlane v10, v5  }
0x121: {  	v16 =	vadd.f32 v17, v16;
	v14 =	vadd.f32 v21, v14;
	v56 =	vperm.xlane v29, v4  }
0x122: {  	v21 =	vld [tilespmem:s9+$0x1C0E0];
	v12 =	vadd.f32 v23, v12;
	v10 =	vadd.f32 v28, v10;
	v23 =	vperm.xlane v29, v3  }
0x123: {  	v17 =	vmax.f32 v27, $0.0e+00;
	v28 =	vperm.xlane v14, v6;
	v27 =	vadd.f32 v56, v56  }
0x124: {  	v29 =	vld [tilespmem:s9+$0x1C0F0];
	v20 =	vperm.xlane v12, v6;
	v57 =	vperm.xlane v10, v6;
	v23 =	vsub.f32 v13, v23  }
0x125: {  	v14 =	vadd.f32 v28, v14;
	v16 =	vmul.f32 v27, v16;
	v27 =	vperm.xlane v31, v4  }
0x126: {  	v31 =	vperm.xlane v31, v3;
	v12 =	vadd.f32 v20, v12;
	v10 =	vadd.f32 v57, v10  }
0x127: {  	v20 =	vperm.xlane v21, v4;
	v16 =	vadd.f32 v16, v23;
	v23 =	vperm.xlane v14, v7  }
0x128: {  	v24 =	vadd.f32 v59, v24;
	v28 =	vperm.xlane v12, v7;
	v32 =	vperm.xlane v10, v7  }
0x129: {  	v27 =	vadd.f32 v27, v27;
	v58 =	vperm.xlane v29, v4;
	v14 =	vadd.f32 v23, v14  }
0x12a: {  	vm2 =	vle.f32 v16, $0.0e+00;
	v12 =	vadd.f32 v28, v12;
	v10 =	vadd.f32 v32, v10  }
0x12b: {  	v20 =	vadd.f32 v20, v20;
	v23 =	vsel vm2, $0x3F800000, v9;
	v59 =	vperm.xlane v14, v8  }
0x12c: {  	v22 =	vadd.f32 v23, v22;
	v23 =	vperm.xlane v12, v8;
	v60 =	vperm.xlane v10, v8  }
0x12d: {  	v21 =	vperm.xlane v21, v3;
	v28 =	vadd.f32 v58, v58;
	v14 =	vadd.f32 v59, v14  }
0x12e: {  	v29 =	vperm.xlane v29, v3;
	v12 =	vadd.f32 v23, v12;
	v10 =	vadd.f32 v60, v10  }
0x12f: {  	v21 =	vsub.f32 v13, v21;
	v23 =	vsub.f32 v13, v31;
	v14 =	vmul.f32 v27, v14  }
0x130: {  	v13 =	vsub.f32 v13, v29;
	v12 =	vmul.f32 v20, v12;
	v10 =	vmul.f32 v28, v10  }
0x131: {  	v17 =	vadd.f32 v17, v19;
	v16 =	vmax.f32 v16, $0.0e+00;
	v14 =	vadd.f32 v14, v23  }
0x132: {  	v20 =	vmax.f32 v30, $0.0e+00;
	v12 =	vadd.f32 v12, v21;
	v10 =	vadd.f32 v10, v13  }
0x133: {  	v16 =	vadd.f32 v16, v25;
	v13 =	vadd.f32 v20, v26;
	vm2 =	vle.f32 v14, $0.0e+00  }
0x134: {  	v14 =	vmax.f32 v14, $0.0e+00;
	vm3 =	vle.f32 v12, $0.0e+00;
	vm14 =	vle.f32 v10, $0.0e+00  }
0x135: {  	v19 =	vsel vm2, $0x3F800000, v9;
	v12 =	vmax.f32 v12, $0.0e+00;
	v14 =	vadd.f32 v14, v18  }
0x136: {  	v20 =	vsel vm3, $0x3F800000, v9;
	v21 =	vsel vm14, $0x3F800000, v9;
	v19 =	vadd.f32 v19, v24  }
0x137: {  	v10 =	vmax.f32 v10, $0.0e+00;
	v11 =	vadd.f32 v20, v11;
	v15 =	vadd.f32 v21, v15  }
0x138: {  	v12 =	vadd.f32 v12, v17;
	v10 =	vadd.f32 v10, v13  }
0x139: {  	v11 =	vadd.f32 v11, v19;
	v13 =	vadd.f32 v22, v15  }
0x13a: {  	v12 =	vadd.f32 v12, v14;
	v10 =	vadd.f32 v16, v10  }
0x13b: {  	s19 =	smin.u32 s19, $0x7D;
	v11 =	vadd.f32 v13, v11  }
0x13c: {  	s7 =	smul.u32 $0x340, s19;
	v10 =	vadd.f32 v10, v12  }
0x13d: {  	v11 =	vsel vm0, $0x0, v11  }
0x13e: {  	s7 =	sshrl.u32 s7, $0x2;
	v10 =	vsel vm1, v10, v11  }
0x13f: {  	s23 =	sadd.s32 $0x2A0, s7;
	[tilespmem:s17+$0x1DA00] =	vst v10  }
0x140: {  	[tilespmem:s22], [sflag:$0x2] =	stream.indirect.gather [hbm4b:s3+s21], $0x80, s23, s21, $0xb8;
	[tilespmem:$0x1E200] =	vst v63  }
0x141: {  	s7 =	sadd.s32 $0x308, s7  }
0x142: {  	[tilespmem:s24], [sflag:$0x2] =	stream.indirect.gather [hbm4b:s3+s21], $0x80, s7, s21, $0xb8;
	[tilespmem:$0x1E200] =	vst v63  }
0x143: {  	_ = 	snop  }
0x144: {  	[tilespmem:s25], [sflag:$0x2] =	stream.indirect.gather [hbm4b:s6+s21], $0x10, s23, s21, $0xb8;
	[tilespmem:$0x1E200] =	vst v63  }
0x145: {  	_ = 	snop  }
0x146: {  	[tilespmem:s26], [sflag:$0x2] =	stream.indirect.gather [hbm4b:s6+s21], $0x10, s7, s21, $0xb8;
	[tilespmem:$0x1E200] =	vst v63  }
0x147: {  	_ =	swait.ge [sflag:s2], $0x6400  }
0x148: {  	[sflag:s2] =	ssyncset.done $0x0  }
0x149: {  	[sflag:s2] =	ssyncadd.s32 $0xFFFF9C00  }
0x14a: {  	_ =	swait.ge [sflag:s2], $0xC80  }
0x14b: {  	[sflag:s2] =	ssyncset.done $0x0  }
0x14c: {  	s17 =	sshll.u32 s5, $0x4;
	[sflag:s2] =	ssyncadd.s32 $0xFFFFF380  }
0x14d: {  	v16 =	vld [tilespmem:s17+$0xE900]  }
0x14e: {  	s8 =	sshll.u32 s5, $0x7;
	v19 =	vld [tilespmem:s17+$0xF100]  }
0x14f: {  	v10 =	vld [tilespmem:s8+$0x6900]  }
0x150: {  	v11 =	vld [tilespmem:s8+$0x6910]  }
0x151: {  	v13 =	vld [tilespmem:s8+$0xA900]  }
0x152: {  	v12 =	vld [tilespmem:s8+$0x6920]  }
0x153: {  	v14 =	vld [tilespmem:s8+$0xA910];
	v21 =	vperm.xlane v16, v4  }
0x154: {  	v20 =	vld [tilespmem:s8+$0xA920];
	v22 =	vperm.xlane v19, v4  }
0x155: {  	v18 =	vmul.f32 v10, v21  }
0x156: {  	v23 =	vld [tilespmem:s8+$0x6930];
	v24 =	vmul.f32 v13, v22  }
0x157: {  	v17 =	vmul.f32 v11, v21;
	v10 =	vld [tilespmem:s8+$0xA930];
	[tilespmem:s8+$0x6900] =	vst v18  }
0x158: {  	v11 =	vld [tilespmem:s8+$0x6940];
	v25 =	vmul.f32 v14, v22;
	[tilespmem:s8+$0xA900] =	vst v24  }
0x159: {  	v15 =	vmul.f32 v12, v21;
	v12 =	vld [tilespmem:s8+$0xA940];
	v20 =	vmul.f32 v20, v22;
	[tilespmem:s8+$0x6910] =	vst v17  }
0x15a: {  	v26 =	vld [tilespmem:s8+$0x6950];
	v14 =	vmul.f32 v24, v18;
	v27 =	vmul.f32 v25, v17;
	[tilespmem:s8+$0xA910] =	vst v25  }
0x15b: {  	v13 =	vmul.f32 v23, v21;
	v23 =	vld [tilespmem:s8+$0xA950];
	[tilespmem:s8+$0x6920] =	vst v15  }
0x15c: {  	v28 =	vld [tilespmem:s8+$0x6960];
	v24 =	vmul.f32 v20, v15;
	[tilespmem:s8+$0xA920] =	vst v20;
	v29 =	vmul.f32 v10, v22;
	v10 =	vadd.f32 v27, v14  }
0x15d: {  	[tilespmem:s8+$0x6930] =	vst v13;
	v14 =	vmul.f32 v11, v21;
	v11 =	vld [tilespmem:s8+$0xA960]  }
0x15e: {  	v27 =	vld [tilespmem:s8+$0x6970];
	v30 =	vmul.f32 v12, v22;
	v10 =	vadd.f32 v24, v10;
	v24 =	vmul.f32 v29, v13;
	[tilespmem:s8+$0xA930] =	vst v29  }
0x15f: {  	v25 =	vld [tilespmem:s8+$0xA970];
	v12 =	vmul.f32 v26, v21;
	[tilespmem:s8+$0x6940] =	vst v14  }
0x160: {  	v23 =	vmul.f32 v23, v22;
	[tilespmem:s8+$0xA940] =	vst v30;
	v20 =	vadd.f32 v24, v10;
	v24 =	vmul.f32 v30, v14  }
0x161: {  	[tilespmem:s8+$0x6950] =	vst v12;
	v10 =	vmul.f32 v28, v21  }
0x162: {  	[tilespmem:s8+$0xA950] =	vst v23;
	v26 =	vmul.f32 v11, v22;
	v20 =	vadd.f32 v24, v20;
	v24 =	vmul.f32 v23, v12  }
0x163: {  	v11 =	vmul.f32 v27, v21;
	[tilespmem:s8+$0x6960] =	vst v10  }
0x164: {  	v21 =	vmul.f32 v25, v22;
	v22 =	vmul.f32 v26, v10;
	[tilespmem:s8+$0xA960] =	vst v26;
	v20 =	vadd.f32 v24, v20  }
0x165: {  	[tilespmem:s8+$0x6970] =	vst v11  }
0x166: {  	s9 =	simm.s32 $0x0;
	[tilespmem:s8+$0xA970] =	vst v21;
	v20 =	vadd.f32 v22, v20;
	v22 =	vmul.f32 v21, v11  }
0x167: {  	v23 =	vld [tilespmem:s9+$0x15D00]  }
0x168: {  	v25 =	vld [tilespmem:s9+$0x15EA0];
	v20 =	vadd.f32 v22, v20  }
0x169: {  	v26 =	vld [tilespmem:s9+$0x15D10]  }
0x16a: {  	v27 =	vld [tilespmem:s9+$0x15D80];
	v21 =	vperm.xlane v20, v5  }
0x16b: {  	v22 =	vld [tilespmem:s9+$0x15E80]  }
0x16c: {  	v20 =	vadd.f32 v21, v20;
	v21 =	vld [tilespmem:s9+$0x15E90]  }
0x16d: {  	v29 =	vld [tilespmem:s9+$0x15EC0]  }
0x16e: {  	v30 =	vld [tilespmem:s9+$0x15D90];
	v24 =	vperm.xlane v20, v0  }
0x16f: {  	v31 =	vld [tilespmem:s9+$0x15EE0]  }
0x170: {  	v20 =	vadd.f32 v24, v20;
	v24 =	vld [tilespmem:s9+$0x15EB0]  }
0x171: {  	v61 =	vld [tilespmem:s9+$0x15E10];
	v22 =	vmul.f32 v22, v18;
	v21 =	vmul.f32 v21, v17  }
0x172: {  	v62 =	vld [tilespmem:s9+$0x15E20];
	v28 =	vperm.xlane v20, v1  }
0x173: {  	v63 =	vld [tilespmem:s9+$0x15D40];
	v21 =	vadd.f32 v21, v22;
	v22 =	vmul.f32 v25, v15  }
0x174: {  	s23 =	simm.s32 $0x200;
	v25 =	vld [tilespmem:s9+$0x15ED0];
	v20 =	vadd.f32 v28, v20  }
0x175: {  	v49 =	vld [tilespmem:s23+$0x15D00];
	v21 =	vadd.f32 v22, v21;
	v22 =	vmul.f32 v24, v13  }
0x176: {  	v52 =	vld [tilespmem:s23+$0x15D10];
	v24 =	vperm.xlane v20, v2  }
0x177: {  	v28 =	vld [tilespmem:s9+$0x15E00];
	v21 =	vadd.f32 v22, v21;
	v22 =	vmul.f32 v29, v14  }
0x178: {  	v16 =	vperm.xlane v16, v3;
	v19 =	vperm.xlane v19, v3;
	v20 =	vadd.f32 v24, v20;
	v24 =	vld [tilespmem:s9+$0x15EF0]  }
0x179: {  	s19 =	simm.s32 $0x1CDB0;
	v59 =	vld [tilespmem:s23+$0x15D90];
	v21 =	vadd.f32 v22, v21;
	v22 =	vmul.f32 v25, v12  }
0x17a: {  	v19 =	vadd.f32 v19, v16;
	v46 =	vld [tilespmem:s19+$0xFFFFFFF0];
	v23 =	vmul.f32 v23, v18;
	v26 =	vmul.f32 v26, v17  }
0x17b: {  	v27 =	vmul.f32 v27, v18;
	v29 =	vld [tilespmem:s9+$0x15D20];
	v21 =	vadd.f32 v22, v21;
	v22 =	vmul.f32 v31, v10  }
0x17c: {  	v32 =	vmul.f32 v61, v17;
	v35 =	vmul.f32 v49, v18;
	v25 =	vld [tilespmem:s9+$0x15DA0];
	v20 =	vadd.f32 v20, v20  }
0x17d: {  	v40 =	vld [tilespmem:s9+$0x15E40];
	v28 =	vmul.f32 v28, v18;
	v21 =	vadd.f32 v22, v21;
	v22 =	vmul.f32 v24, v11  }
0x17e: {  	v36 =	vmul.f32 v52, v17;
	v49 =	vmul.f32 v59, v17;
	v19 =	vsub.f32 v19, v20;
	v20 =	vld [tilespmem:s9+$0x15D30]  }
0x17f: {  	v31 =	vld [tilespmem:s9+$0x15DB0];
	v28 =	vadd.f32 v32, v28;
	v32 =	vperm.xlane v46, v3;
	v21 =	vadd.f32 v22, v21  }
0x180: {  	v23 =	vadd.f32 v26, v23;
	v26 =	vmul.f32 v29, v15;
	v24 =	vld [tilespmem:s9+$0x15E30];
	v22 =	vmul.f32 v30, v17  }
0x181: {  	v42 =	vld [tilespmem:s9+$0x15E50];
	v25 =	vmul.f32 v25, v15;
	v41 =	vperm.xlane v21, v5  }
0x182: {  	v23 =	vadd.f32 v26, v23;
	v26 =	vmul.f32 v62, v15;
	v30 =	vld [tilespmem:s9+$0x15DC0];
	v22 =	vadd.f32 v22, v27  }
0x183: {  	v19 =	vadd.f32 $5.000000000e-01, v19;
	v27 =	vld [tilespmem:s9+$0x15D50];
	v20 =	vmul.f32 v20, v13;
	v21 =	vadd.f32 v41, v21  }
0x184: {  	v29 =	vld [tilespmem:s9+$0x15DD0];
	v26 =	vadd.f32 v26, v28;
	v22 =	vadd.f32 v25, v22;
	v25 =	vmul.f32 v31, v13  }
0x185: {  	v31 =	vld [tilespmem:s9+$0x15D60];
	v20 =	vadd.f32 v20, v23;
	v23 =	vmul.f32 v24, v13;
	v43 =	vperm.xlane v21, v6  }
0x186: {  	v16 =	vsub.f32 v19, v16;
	v28 =	vmul.f32 v63, v14;
	v24 =	vld [tilespmem:s9+$0x15DE0];
	v22 =	vadd.f32 v25, v22  }
0x187: {  	v30 =	vmul.f32 v30, v14;
	v25 =	vld [tilespmem:s9+$0x15E60];
	v23 =	vadd.f32 v23, v26;
	v21 =	vadd.f32 v43, v21  }
0x188: {  	v44 =	vld [tilespmem:s19+$0x0];
	v26 =	vmul.f32 v40, v14;
	v20 =	vadd.f32 v28, v20;
	v27 =	vmul.f32 v27, v12  }
0x189: {  	v29 =	vmul.f32 v29, v12;
	v28 =	vld [tilespmem:s9+$0x15D70];
	v22 =	vadd.f32 v30, v22;
	v45 =	vperm.xlane v21, v7  }
0x18a: {  	v23 =	vadd.f32 v26, v23;
	v26 =	vld [tilespmem:s9+$0x15DF0];
	v20 =	vadd.f32 v27, v20;
	v27 =	vmul.f32 v42, v12  }
0x18b: {  	v30 =	vld [tilespmem:s9+$0x15E70];
	v24 =	vmul.f32 v24, v10;
	v22 =	vadd.f32 v29, v22;
	v21 =	vadd.f32 v45, v21  }
0x18c: {  	v31 =	vmul.f32 v31, v10;
	v23 =	vadd.f32 v27, v23;
	v25 =	vmul.f32 v25, v10  }
0x18d: {  	v22 =	vadd.f32 v24, v22;
	v24 =	vperm.xlane v44, v4;
	v27 =	vperm.xlane v21, v8  }
0x18e: {  	v29 =	vld [tilespmem:s19+$0xFFFFFFD0];
	v20 =	vadd.f32 v31, v20;
	v28 =	vmul.f32 v28, v11;
	v23 =	vadd.f32 v25, v23  }
0x18f: {  	v25 =	vperm.xlane v44, v3;
	v24 =	vadd.f32 v24, v24;
	v21 =	vadd.f32 v27, v21  }
0x190: {  	v31 =	vld [tilespmem:s19+$0xFFFFFFE0];
	v26 =	vmul.f32 v26, v11;
	v20 =	vadd.f32 v28, v20;
	v27 =	vmul.f32 v30, v11  }
0x191: {  	v19 =	vimm.f32 $0.0e+00;
	v25 =	vsub.f32 v16, v25;
	v21 =	vmul.f32 v24, v21  }
0x192: {  	v22 =	vadd.f32 v26, v22;
	v24 =	vperm.xlane v20, v5;
	v23 =	vadd.f32 v27, v23  }
0x193: {  	v32 =	vsub.f32 v16, v32;
	v28 =	vperm.xlane v29, v4;
	v21 =	vadd.f32 v21, v25  }
0x194: {  	v25 =	vperm.xlane v22, v5;
	v24 =	vadd.f32 v24, v20;
	v20 =	vperm.xlane v23, v5  }
0x195: {  	v56 =	vld [tilespmem:s23+$0x15D80];
	v45 =	vadd.f32 v36, v35;
	v29 =	vperm.xlane v29, v3;
	v26 =	vperm.xlane v31, v4  }
0x196: {  	v30 =	vld [tilespmem:s23+$0x15E80];
	v22 =	vadd.f32 v25, v22;
	v23 =	vadd.f32 v20, v23;
	v25 =	vperm.xlane v24, v6  }
0x197: {  	v31 =	vperm.xlane v31, v3;
	v28 =	vadd.f32 v28, v28;
	v29 =	vsub.f32 v16, v29  }
0x198: {  	v47 =	vperm.xlane v22, v6;
	v48 =	vperm.xlane v23, v6;
	v24 =	vadd.f32 v25, v24;
	v25 =	vld [tilespmem:s23+$0x15E90]  }
0x199: {  	v51 =	vld [tilespmem:s23+$0x15EA0];
	v27 =	vperm.xlane v46, v4;
	v26 =	vadd.f32 v26, v26;
	v31 =	vsub.f32 v16, v31  }
0x19a: {  	v55 =	vld [tilespmem:s23+$0x15EB0];
	v22 =	vadd.f32 v47, v22;
	v23 =	vadd.f32 v48, v23;
	v50 =	vperm.xlane v24, v7  }
0x19b: {  	v57 =	vld [tilespmem:s23+$0x15EC0];
	v46 =	vmul.f32 v56, v18;
	v27 =	vadd.f32 v27, v27;
	v30 =	vmul.f32 v30, v18  }
0x19c: {  	v48 =	vld [tilespmem:s23+$0x15E10];
	v53 =	vperm.xlane v22, v7;
	v54 =	vperm.xlane v23, v7;
	v24 =	vadd.f32 v50, v24  }
0x19d: {  	v61 =	vld [tilespmem:s23+$0x15ED0];
	vm2 =	vle.f32 v21, $0.0e+00;
	v21 =	vmax.f32 v21, $0.0e+00;
	v25 =	vmul.f32 v25, v17  }
0x19e: {  	v22 =	vadd.f32 v53, v22;
	v23 =	vadd.f32 v54, v23;
	v58 =	vperm.xlane v24, v8;
	v53 =	vld [tilespmem:s23+$0x15E30]  }
0x19f: {  	v20 =	vsel vm2, $0x3F800000, v9;
	v54 =	vld [tilespmem:s23+$0x15D40];
	v25 =	vadd.f32 v25, v30;
	v30 =	vmul.f32 v51, v15  }
0x1a0: {  	v63 =	vld [tilespmem:s23+$0x15E00];
	v60 =	vperm.xlane v22, v8;
	v24 =	vadd.f32 v58, v24;
	v62 =	vperm.xlane v23, v8  }
0x1a1: {  	v47 =	vld [tilespmem:s23+$0x15EE0];
	v52 =	vmul.f32 v48, v17;
	v25 =	vadd.f32 v30, v25;
	v30 =	vmul.f32 v55, v13  }
0x1a2: {  	v51 =	vld [tilespmem:s23+$0x15E20];
	v22 =	vadd.f32 v60, v22;
	v24 =	vmul.f32 v28, v24;
	v28 =	vadd.f32 v62, v23  }
0x1a3: {  	v55 =	vld [tilespmem:s23+$0x15DC0];
	v25 =	vadd.f32 v30, v25;
	v30 =	vmul.f32 v57, v14;
	v60 =	vmul.f32 v53, v13  }
0x1a4: {  	v23 =	vadd.f32 v21, v19;
	v21 =	vld [tilespmem:s23+$0x15D20];
	v35 =	vmul.f32 v54, v14;
	v22 =	vmul.f32 v26, v22  }
0x1a5: {  	v20 =	vadd.f32 v20, v19;
	v62 =	vld [tilespmem:s23+$0x15E50];
	v26 =	vmul.f32 v61, v12;
	v27 =	vmul.f32 v27, v28  }
0x1a6: {  	v50 =	vld [tilespmem:s23+$0x15EF0];
	v24 =	vadd.f32 v24, v29;
	v29 =	vmul.f32 v63, v18;
	v25 =	vadd.f32 v30, v25  }
0x1a7: {  	v28 =	vld [tilespmem:s23+$0x15DA0];
	v34 =	vmul.f32 v51, v15;
	v30 =	vadd.f32 v49, v46;
	v22 =	vadd.f32 v22, v31  }
0x1a8: {  	v31 =	vld [tilespmem:s23+$0x15D30];
	vm2 =	vle.f32 v24, $0.0e+00;
	v32 =	vadd.f32 v27, v32;
	v29 =	vadd.f32 v52, v29  }
0x1a9: {  	v27 =	vld [tilespmem:s23+$0x15DB0];
	v33 =	vmul.f32 v55, v14;
	v25 =	vadd.f32 v26, v25;
	v26 =	vmul.f32 v47, v10  }
0x1aa: {  	s5 =	simm.s32 $0x1CDF0;
	v57 =	vld [tilespmem:s23+$0x15E40];
	v21 =	vmul.f32 v21, v15;
	v39 =	vmul.f32 v62, v12;
	vm3 =	vle.f32 v22, $0.0e+00  }
0x1ab: {  	v46 =	vld [tilespmem:s5+$0x0];
	vm15 =	vle.f32 v32, $0.0e+00;
	v25 =	vadd.f32 v26, v25;
	v26 =	vmul.f32 v50, v11  }
0x1ac: {  	v52 =	vld [tilespmem:s5+$0xFFFFFFD0];
	v29 =	vadd.f32 v34, v29;
	v28 =	vmul.f32 v28, v15;
	v21 =	vadd.f32 v21, v45  }
0x1ad: {  	v55 =	vld [tilespmem:s5+$0xFFFFFFE0];
	v56 =	vsel vm3, $0x3F800000, v9;
	v25 =	vadd.f32 v26, v25;
	v31 =	vmul.f32 v31, v13  }
0x1ae: {  	v59 =	vsel vm15, $0x3F800000, v9;
	v28 =	vadd.f32 v28, v30;
	v30 =	vld [tilespmem:s23+$0x15D50];
	v27 =	vmul.f32 v27, v13  }
0x1af: {  	v45 =	vmul.f32 v57, v14;
	v58 =	vperm.xlane v25, v5;
	v21 =	vadd.f32 v31, v21;
	v31 =	vld [tilespmem:s23+$0x15DD0]  }
0x1b0: {  	v29 =	vadd.f32 v60, v29;
	v61 =	vadd.f32 v27, v28;
	v27 =	vmax.f32 v24, $0.0e+00;
	v24 =	vld [tilespmem:s23+$0x15D60]  }
0x1b1: {  	v44 =	vld [tilespmem:s23+$0x15DE0];
	v54 =	vperm.xlane v46, v4;
	v26 =	vsel vm2, $0x3F800000, v9;
	v25 =	vadd.f32 v58, v25  }
0x1b2: {  	v47 =	vld [tilespmem:s23+$0x15D70];
	v60 =	vperm.xlane v55, v4;
	v37 =	vperm.xlane v52, v3;
	v28 =	vmax.f32 v22, $0.0e+00  }
0x1b3: {  	v21 =	vadd.f32 v35, v21;
	v22 =	vmul.f32 v30, v12;
	v30 =	vld [tilespmem:s23+$0x15E60];
	v63 =	vperm.xlane v25, v6  }
0x1b4: {  	v49 =	vld [tilespmem:s23+$0x15DF0];
	v33 =	vadd.f32 v33, v61;
	v35 =	vadd.f32 v45, v29;
	v31 =	vmul.f32 v31, v12  }
0x1b5: {  	v50 =	vld [tilespmem:s23+$0x15E70];
	v21 =	vadd.f32 v22, v21;
	v24 =	vmul.f32 v24, v10;
	v25 =	vadd.f32 v63, v25  }
0x1b6: {  	v34 =	vld [tilespmem:s5+$0xFFFFFFF0];
	v22 =	vadd.f32 v26, v19;
	v26 =	vmul.f32 v44, v10;
	v31 =	vadd.f32 v31, v33  }
0x1b7: {  	v51 =	vadd.f32 v39, v35;
	v21 =	vadd.f32 v24, v21;
	v48 =	vperm.xlane v25, v7  }
0x1b8: {  	v30 =	vmul.f32 v30, v10;
	v26 =	vadd.f32 v26, v31;
	v31 =	vmul.f32 v47, v11  }
0x1b9: {  	v57 =	vadd.f32 v54, v54;
	v58 =	vmul.f32 v49, v11;
	v25 =	vadd.f32 v48, v25  }
0x1ba: {  	v33 =	vmul.f32 v50, v11;
	v30 =	vadd.f32 v30, v51;
	v31 =	vadd.f32 v31, v21  }
0x1bb: {  	v62 =	vperm.xlane v34, v4;
	v21 =	vadd.f32 v59, v19;
	v53 =	vperm.xlane v25, v8  }
0x1bc: {  	v26 =	vadd.f32 v58, v26;
	v33 =	vadd.f32 v33, v30;
	v59 =	vperm.xlane v31, v5  }
0x1bd: {  	v24 =	vadd.f32 v56, v19;
	v56 =	vperm.xlane v46, v3;
	v25 =	vadd.f32 v53, v25  }
0x1be: {  	v61 =	vperm.xlane v33, v5;
	v36 =	vadd.f32 v59, v31;
	v31 =	vperm.xlane v26, v5  }
0x1bf: {  	v29 =	vmax.f32 v32, $0.0e+00;
	v32 =	vsub.f32 v16, v56;
	v25 =	vmul.f32 v57, v25  }
0x1c0: {  	v30 =	vperm.xlane v52, v4;
	v38 =	vadd.f32 v61, v33;
	v39 =	vadd.f32 v31, v26  }
0x1c1: {  	v35 =	vperm.xlane v55, v3;
	v31 =	vadd.f32 v62, v62;
	v25 =	vadd.f32 v25, v32  }
0x1c2: {  	v63 =	vperm.xlane v36, v6;
	v32 =	vadd.f32 v30, v30;
	v30 =	vadd.f32 v60, v60  }
0x1c3: {  	v41 =	vperm.xlane v38, v6;
	v42 =	vperm.xlane v39, v6;
	vm2 =	vle.f32 v25, $0.0e+00  }
0x1c4: {  	s7 =	simm.s32 $0x400;
	v40 =	vadd.f32 v63, v36;
	v33 =	vmax.f32 v25, $0.0e+00;
	v26 =	vsel vm2, $0x3F800000, v9  }
0x1c5: {  	s8 =	simm.s32 $0x1800;
	v36 =	vld [tilespmem:s7+$0x15E80];
	v25 =	vimm.f32 $0.0e+00;
	v20 =	vadd.f32 v26, v20;
	v26 =	vimm.f32 $0.0e+00  }
.LBB2_5:
0x1c6: {  	p0 =	sne.s32 s8, $0x18800;
	v43 =	vld [tilespmem:s7+$0x15E90];
	v39 =	vadd.f32 v42, v39;
	v38 =	vadd.f32 v41, v38;
	v34 =	vperm.xlane v34, v3  }
0x1c7: {  	v41 =	vld [tilespmem:s7+$0x15D00];
	v42 =	vperm.xlane v40, v7;
	v37 =	vsub.f32 v16, v37;
	v35 =	vsub.f32 v16, v35  }
0x1c8: {  	v44 =	vld [tilespmem:s7+$0x15EA0];
	v45 =	vperm.xlane v39, v7;
	v46 =	vperm.xlane v38, v7;
	v34 =	vsub.f32 v16, v34  }
0x1c9: {  	v19 =	vadd.f32 v27, v19;
	v47 =	vld [tilespmem:s7+$0x15D10];
	v40 =	vadd.f32 v42, v40  }
0x1ca: {  	v27 =	vld [tilespmem:s7+$0x15EB0];
	v39 =	vadd.f32 v45, v39;
	v38 =	vadd.f32 v46, v38  }
0x1cb: {  	v26 =	vadd.f32 v28, v26;
	v36 =	vmul.f32 v36, v18;
	v42 =	vld [tilespmem:s7+$0x15D80];
	v43 =	vmul.f32 v43, v17  }
0x1cc: {  	v25 =	vadd.f32 v29, v25;
	v45 =	vperm.xlane v40, v8;
	v28 =	vmul.f32 v41, v18;
	v41 =	vld [tilespmem:s7+$0x15EC0]  }
0x1cd: {  	v29 =	vld [tilespmem:s7+$0x15D90];
	v36 =	vadd.f32 v43, v36;
	v43 =	vmul.f32 v44, v15;
	v44 =	vperm.xlane v39, v8  }
0x1ce: {  	v40 =	vadd.f32 v45, v40;
	v45 =	vperm.xlane v38, v8;
	v46 =	vmul.f32 v47, v17;
	v47 =	vld [tilespmem:s7+$0x15ED0]  }
0x1cf: {  	v48 =	vld [tilespmem:s7+$0x15E00];
	v36 =	vadd.f32 v43, v36;
	v27 =	vmul.f32 v27, v13;
	v39 =	vadd.f32 v44, v39  }
0x1d0: {  	v38 =	vadd.f32 v45, v38;
	v28 =	vadd.f32 v46, v28;
	v42 =	vmul.f32 v42, v18;
	v43 =	vld [tilespmem:s7+$0x15EE0]  }
0x1d1: {  	v32 =	vmul.f32 v32, v40;
	v44 =	vld [tilespmem:s7+$0x15E10];
	v27 =	vadd.f32 v27, v36;
	v36 =	vmul.f32 v41, v14  }
0x1d2: {  	v23 =	vadd.f32 v33, v23;
	v30 =	vmul.f32 v30, v39;
	v29 =	vmul.f32 v29, v17;
	v40 =	vld [tilespmem:s7+$0x15EF0]  }
0x1d3: {  	v31 =	vmul.f32 v31, v38;
	v33 =	vld [tilespmem:s7+$0x15D20];
	v27 =	vadd.f32 v36, v27;
	v36 =	vmul.f32 v47, v12  }
0x1d4: {  	v32 =	vadd.f32 v32, v37;
	v38 =	vld [tilespmem:s7+$0x15DA0];
	v29 =	vadd.f32 v29, v42;
	v39 =	vmul.f32 v48, v18  }
0x1d5: {  	v30 =	vadd.f32 v30, v35;
	v37 =	vld [tilespmem:s7+$0x15E20];
	v27 =	vadd.f32 v36, v27;
	v36 =	vmul.f32 v43, v10  }
0x1d6: {  	vm2 =	vle.f32 v32, $0.0e+00;
	v31 =	vadd.f32 v31, v34;
	v35 =	vld [tilespmem:s7+$0x15D30];
	v41 =	vmul.f32 v44, v17  }
0x1d7: {  	vm3 =	vle.f32 v30, $0.0e+00;
	v34 =	vld [tilespmem:s7+$0x15DB0];
	v27 =	vadd.f32 v36, v27;
	v36 =	vmul.f32 v40, v11  }
0x1d8: {  	vm4 =	vle.f32 v31, $0.0e+00;
	v33 =	vmul.f32 v33, v15;
	v40 =	vld [tilespmem:s7+$0x15E30];
	v39 =	vadd.f32 v41, v39  }
0x1d9: {  	v41 =	vld [tilespmem:s7+$0x15D40];
	v38 =	vmul.f32 v38, v15;
	v27 =	vadd.f32 v36, v27;
	v36 =	vsel vm2, $0x3F800000, v9  }
0x1da: {  	v42 =	vsel vm3, $0x3F800000, v9;
	v28 =	vadd.f32 v33, v28;
	v33 =	vld [tilespmem:s7+$0x15DC0];
	v37 =	vmul.f32 v37, v15  }
0x1db: {  	v35 =	vmul.f32 v35, v13;
	v29 =	vadd.f32 v38, v29;
	v38 =	vld [tilespmem:s7+$0x15E40];
	v43 =	vperm.xlane v27, v5  }
0x1dc: {  	v44 =	vld [tilespmem:s7+$0x15D50];
	v34 =	vmul.f32 v34, v13;
	v37 =	vadd.f32 v37, v39;
	v39 =	vsel vm4, $0x3F800000, v9  }
0x1dd: {  	v28 =	vadd.f32 v35, v28;
	v35 =	vld [tilespmem:s7+$0x15DD0];
	v40 =	vmul.f32 v40, v13;
	v43 =	vadd.f32 v43, v27  }
0x1de: {  	v27 =	vmax.f32 v32, $0.0e+00;
	v41 =	vmul.f32 v41, v14;
	v29 =	vadd.f32 v34, v29;
	v34 =	vld [tilespmem:s7+$0x15E50]  }
0x1df: {  	v32 =	vld [tilespmem:s7+$0x15D60];
	v33 =	vmul.f32 v33, v14;
	v37 =	vadd.f32 v40, v37;
	v40 =	vperm.xlane v43, v6  }
0x1e0: {  	v41 =	vadd.f32 v41, v28;
	v45 =	vld [tilespmem:s7+$0x15DE0];
	v38 =	vmul.f32 v38, v14;
	v28 =	vmax.f32 v30, $0.0e+00  }
0x1e1: {  	s5 =	sadd.s32 $0x40, s5;
	v30 =	vmul.f32 v44, v12;
	v33 =	vadd.f32 v33, v29;
	v44 =	vld [tilespmem:s7+$0x15E60];
	v40 =	vadd.f32 v40, v43  }
0x1e2: {  	v29 =	vmax.f32 v31, $0.0e+00;
	v35 =	vmul.f32 v35, v12;
	v37 =	vadd.f32 v38, v37;
	v38 =	vld [tilespmem:s5+$0x0]  }
0x1e3: {  	v31 =	vld [tilespmem:s7+$0x15D70];
	v30 =	vadd.f32 v30, v41;
	v34 =	vmul.f32 v34, v12;
	v41 =	vperm.xlane v40, v7  }
0x1e4: {  	v22 =	vadd.f32 v36, v22;
	v32 =	vmul.f32 v32, v10;
	v43 =	vld [tilespmem:s7+$0x15DF0];
	v33 =	vadd.f32 v35, v33  }
0x1e5: {  	v35 =	vmul.f32 v45, v10;
	v36 =	vld [tilespmem:s7+$0x15E70];
	v37 =	vadd.f32 v34, v37;
	v40 =	vadd.f32 v41, v40  }
0x1e6: {  	v24 =	vadd.f32 v42, v24;
	v45 =	vld [tilespmem:s5+$0xFFFFFFD0];
	v30 =	vadd.f32 v32, v30;
	v32 =	vmul.f32 v44, v10  }
0x1e7: {  	v44 =	vld [tilespmem:s5+$0xFFFFFFE0];
	v33 =	vadd.f32 v35, v33;
	v35 =	vperm.xlane v40, v8;
	v41 =	vperm.xlane v38, v4  }
0x1e8: {  	v21 =	vadd.f32 v39, v21;
	v31 =	vmul.f32 v31, v11;
	v34 =	vld [tilespmem:s5+$0xFFFFFFF0];
	v32 =	vadd.f32 v32, v37  }
0x1e9: {  	v37 =	vperm.xlane v38, v3;
	v35 =	vadd.f32 v35, v40;
	v38 =	vadd.f32 v41, v41  }
0x1ea: {  	v30 =	vadd.f32 v31, v30;
	v31 =	vmul.f32 v43, v11;
	v36 =	vmul.f32 v36, v11  }
0x1eb: {  	v37 =	vsub.f32 v16, v37;
	v39 =	vperm.xlane v45, v4;
	v35 =	vmul.f32 v38, v35  }
0x1ec: {  	v38 =	vperm.xlane v30, v5;
	v31 =	vadd.f32 v31, v33;
	v33 =	vadd.f32 v36, v32  }
0x1ed: {  	v36 =	vperm.xlane v44, v4;
	v40 =	vperm.xlane v34, v4;
	v35 =	vadd.f32 v35, v37  }
0x1ee: {  	v37 =	vadd.f32 v38, v30;
	v38 =	vperm.xlane v31, v5;
	v41 =	vperm.xlane v33, v5  }
.Ltmp1:
0x1ef: {  	v32 =	vadd.f32 v39, v39;
	v30 =	vadd.f32 v36, v36;
	vm2 =	vle.f32 v35, $0.0e+00;
	(pc) =	sbr.rel @p0 .LBB2_5-.Ltmp1, $4  }
0x1f0: {  	v39 =	vadd.f32 v38, v31;
	v38 =	vadd.f32 v41, v33;
	v33 =	vsel vm2, $0x3F800000, v9  }
0x1f1: {  	v43 =	vperm.xlane v37, v6;
	v31 =	vadd.f32 v40, v40;
	v20 =	vadd.f32 v33, v20  }
0x1f2: {  	s7 =	sshra.s32 s8, $0x2;
	v33 =	vmax.f32 v35, $0.0e+00;
	v42 =	vperm.xlane v39, v6;
	v41 =	vperm.xlane v38, v6  }
0x1f3: {  	s8 =	sadd.s32 $0x800, s8;
	v35 =	vperm.xlane v44, v3;
	v40 =	vadd.f32 v43, v37;
	v37 =	vperm.xlane v45, v3;
	v36 =	vld [tilespmem:s7+$0x15E80]  }
0x1f4: {  	v43 =	vld [tilespmem:s7+$0x15E90]  }
0x1f5: {  	v44 =	vld [tilespmem:s7+$0x15D00]  }
0x1f6: {  	v55 =	vld [tilespmem:s7+$0x15EA0]  }
0x1f7: {  	v45 =	vld [tilespmem:s7+$0x15D10]  }
0x1f8: {  	v47 =	vld [tilespmem:s7+$0x15EB0]  }
0x1f9: {  	v38 =	vadd.f32 v41, v38;
	v41 =	vld [tilespmem:s7+$0x15D80]  }
0x1fa: {  	v39 =	vadd.f32 v42, v39;
	v58 =	vld [tilespmem:s7+$0x15EC0]  }
0x1fb: {  	v34 =	vperm.xlane v34, v3;
	v19 =	vadd.f32 v27, v19;
	v61 =	vld [tilespmem:s7+$0x15ED0];
	v56 =	vperm.xlane v40, v7  }
0x1fc: {  	v26 =	vadd.f32 v28, v26;
	v25 =	vadd.f32 v29, v25;
	v42 =	vld [tilespmem:s7+$0x15E00];
	v46 =	vperm.xlane v39, v7  }
0x1fd: {  	v50 =	vld [tilespmem:s7+$0x15EE0];
	v48 =	vperm.xlane v38, v7;
	v40 =	vadd.f32 v56, v40;
	v36 =	vmul.f32 v36, v18  }
0x1fe: {  	v54 =	vld [tilespmem:s7+$0x15EF0];
	v23 =	vadd.f32 v33, v23;
	v43 =	vmul.f32 v43, v17;
	v59 =	vmul.f32 v44, v18  }
0x1ff: {  	v37 =	vsub.f32 v16, v37;
	v60 =	vperm.xlane v40, v8;
	v63 =	vmul.f32 v55, v15  }
0x200: {  	v52 =	vld [tilespmem:s7+$0x15E10];
	v35 =	vsub.f32 v16, v35;
	v45 =	vmul.f32 v45, v17;
	v51 =	vmul.f32 v47, v13  }
0x201: {  	v56 =	vld [tilespmem:s7+$0x15D20];
	v57 =	vadd.f32 v46, v39;
	v55 =	vmul.f32 v58, v14;
	v41 =	vmul.f32 v41, v18  }
0x202: {  	v38 =	vadd.f32 v48, v38;
	v46 =	vld [tilespmem:s7+$0x15D90];
	v58 =	vmul.f32 v61, v12;
	v61 =	vmul.f32 v50, v10  }
0x203: {  	v34 =	vsub.f32 v16, v34;
	v48 =	vmul.f32 v42, v18;
	v50 =	vmul.f32 v54, v11  }
0x204: {  	v54 =	vld [tilespmem:s7+$0x15E40];
	v49 =	vperm.xlane v57, v8;
	v53 =	vperm.xlane v38, v8;
	v62 =	vadd.f32 v43, v36  }
0x205: {  	v52 =	vmul.f32 v52, v17;
	v40 =	vadd.f32 v60, v40;
	v28 =	vadd.f32 v45, v59;
	v59 =	vld [tilespmem:s7+$0x15E20]  }
0x206: {  	v60 =	vld [tilespmem:s7+$0x15D30];
	v27 =	vadd.f32 v49, v57;
	v38 =	vadd.f32 v53, v38;
	v39 =	vmul.f32 v56, v15  }
0x207: {  	v57 =	vld [tilespmem:s7+$0x15DA0];
	v29 =	vadd.f32 v63, v62;
	v32 =	vmul.f32 v32, v40;
	v46 =	vmul.f32 v46, v17  }
0x208: {  	v53 =	vld [tilespmem:s7+$0x15DC0];
	v17 =	vadd.f32 v52, v48;
	v27 =	vmul.f32 v30, v27;
	v28 =	vadd.f32 v39, v28  }
0x209: {  	v62 =	vld [tilespmem:s7+$0x15DB0];
	v31 =	vmul.f32 v31, v38;
	v29 =	vadd.f32 v51, v29;
	v63 =	vadd.f32 v46, v41  }
0x20a: {  	v45 =	vld [tilespmem:s7+$0x15DE0];
	v32 =	vadd.f32 v32, v37;
	v27 =	vadd.f32 v27, v35  }
0x20b: {  	s5 =	sadd.s32 $0x40, s5;
	v49 =	vld [tilespmem:s7+$0x15E30];
	v31 =	vadd.f32 v31, v34;
	v59 =	vmul.f32 v59, v15;
	v30 =	vmul.f32 v60, v13  }
0x20c: {  	v43 =	vld [tilespmem:s5+$0xFFFFFFF0];
	v29 =	vadd.f32 v55, v29;
	vm3 =	vle.f32 v32, $0.0e+00;
	v55 =	vmul.f32 v57, v15  }
0x20d: {  	v51 =	vld [tilespmem:s7+$0x15D40];
	v34 =	vmul.f32 v53, v14;
	vm4 =	vle.f32 v27, $0.0e+00;
	vm2 =	vle.f32 v31, $0.0e+00  }
0x20e: {  	v56 =	vld [tilespmem:s7+$0x15D50];
	v42 =	vsel vm3, $0x3F800000, v9;
	v36 =	vmul.f32 v62, v13;
	v15 =	vadd.f32 v59, v17  }
0x20f: {  	v60 =	vld [tilespmem:s7+$0x15E50];
	v62 =	vadd.f32 v30, v28;
	v28 =	vmul.f32 v45, v10;
	v29 =	vadd.f32 v58, v29  }
0x210: {  	v58 =	vld [tilespmem:s7+$0x15DD0];
	v40 =	vsel vm4, $0x3F800000, v9;
	v18 =	vadd.f32 v55, v63;
	v63 =	vmul.f32 v49, v13  }
0x211: {  	v48 =	vld [tilespmem:s7+$0x15E60];
	v49 =	vmul.f32 v54, v14;
	v22 =	vadd.f32 v42, v22;
	v42 =	vmax.f32 v32, $0.0e+00  }
0x212: {  	v52 =	vld [tilespmem:s7+$0x15DF0];
	v32 =	vperm.xlane v43, v3;
	v46 =	vmul.f32 v51, v14;
	v29 =	vadd.f32 v61, v29  }
0x213: {  	v51 =	vmul.f32 v56, v12;
	v61 =	vld [tilespmem:s7+$0x15D60];
	v18 =	vadd.f32 v36, v18;
	v13 =	vadd.f32 v63, v15  }
0x214: {  	v55 =	vmul.f32 v60, v12;
	v17 =	vadd.f32 v46, v62;
	v29 =	vadd.f32 v50, v29;
	v50 =	vld [tilespmem:s7+$0x15D70]  }
0x215: {  	v54 =	vld [tilespmem:s7+$0x15E70];
	v18 =	vadd.f32 v34, v18;
	v13 =	vadd.f32 v49, v13;
	v53 =	vmul.f32 v58, v12  }
0x216: {  	v37 =	vld [tilespmem:s5+$0xFFFFFFD0];
	v19 =	vadd.f32 v42, v19;
	v17 =	vadd.f32 v51, v17;
	v57 =	vperm.xlane v29, v5  }
0x217: {  	v60 =	vmul.f32 v52, v11;
	v58 =	vld [tilespmem:s5+$0x0];
	v12 =	vadd.f32 v55, v13;
	v18 =	vadd.f32 v53, v18  }
0x218: {  	v29 =	vadd.f32 v57, v29;
	v57 =	vmul.f32 v61, v10;
	v10 =	vmul.f32 v48, v10  }
0x219: {  	v61 =	vsel vm2, $0x3F800000, v9;
	v18 =	vadd.f32 v28, v18;
	v15 =	vmul.f32 v50, v11  }
0x21a: {  	v11 =	vmul.f32 v54, v11;
	v17 =	vadd.f32 v57, v17;
	v10 =	vadd.f32 v10, v12  }
0x21b: {  	v28 =	vperm.xlane v37, v3;
	v47 =	vperm.xlane v29, v6;
	v12 =	vadd.f32 v60, v18  }
0x21c: {  	v63 =	vperm.xlane v58, v4;
	v15 =	vadd.f32 v15, v17;
	v10 =	vadd.f32 v11, v10  }
0x21d: {  	v14 =	vadd.f32 v61, v21;
	v41 =	vperm.xlane v58, v3;
	v38 =	vperm.xlane v12, v5  }
0x21e: {  	v29 =	vadd.f32 v47, v29;
	v36 =	vperm.xlane v15, v5;
	v39 =	vperm.xlane v10, v5  }
0x21f: {  	v57 =	vsub.f32 v16, v32;
	v58 =	vmax.f32 v31, $0.0e+00;
	v12 =	vadd.f32 v38, v12  }
0x220: {  	v56 =	vperm.xlane v29, v7;
	v15 =	vadd.f32 v36, v15;
	v10 =	vadd.f32 v39, v10  }
0x221: {  	v28 =	vsub.f32 v16, v28;
	v60 =	vadd.f32 v58, v25;
	v46 =	vperm.xlane v12, v6  }
0x222: {  	v59 =	vadd.f32 v56, v29;
	v45 =	vperm.xlane v15, v6;
	v29 =	vperm.xlane v10, v6  }
0x223: {  	v11 =	vadd.f32 v40, v24;
	v40 =	vld [tilespmem:s5+$0xFFFFFFE0];
	v12 =	vadd.f32 v46, v12  }
0x224: {  	v49 =	vperm.xlane v43, v4;
	v15 =	vadd.f32 v45, v15;
	v10 =	vadd.f32 v29, v10  }
0x225: {  	v18 =	vadd.f32 v63, v63;
	v47 =	vperm.xlane v37, v4;
	v52 =	vperm.xlane v12, v7  }
0x226: {  	v44 =	vsub.f32 v16, v41;
	v51 =	vperm.xlane v15, v7;
	v53 =	vperm.xlane v10, v7  }
0x227: {  	v50 =	vadd.f32 v47, v47;
	v62 =	vperm.xlane v59, v8;
	v12 =	vadd.f32 v52, v12  }
0x228: {  	v48 =	vperm.xlane v40, v4;
	v15 =	vadd.f32 v51, v15;
	v10 =	vadd.f32 v53, v10  }
0x229: {  	v55 =	vperm.xlane v40, v3;
	v13 =	vadd.f32 v62, v59;
	v33 =	vperm.xlane v12, v8  }
0x22a: {  	v17 =	vadd.f32 v48, v48;
	v56 =	vperm.xlane v15, v8;
	v34 =	vperm.xlane v10, v8  }
0x22b: {  	v13 =	vmul.f32 v18, v13;
	v18 =	vadd.f32 v49, v49;
	v12 =	vadd.f32 v33, v12  }
0x22c: {  	v27 =	vmax.f32 v27, $0.0e+00;
	v15 =	vadd.f32 v56, v15;
	v10 =	vadd.f32 v34, v10  }
0x22d: {  	v29 =	vsub.f32 v16, v55;
	v13 =	vadd.f32 v13, v44;
	v12 =	vmul.f32 v17, v12  }
0x22e: {  	v59 =	vadd.f32 v27, v26;
	v15 =	vmul.f32 v50, v15;
	v10 =	vmul.f32 v18, v10  }
0x22f: {  	vm2 =	vle.f32 v13, $0.0e+00;
	v13 =	vmax.f32 v13, $0.0e+00;
	v12 =	vadd.f32 v12, v29  }
0x230: {  	v54 =	vsel vm2, $0x3F800000, v9;
	v15 =	vadd.f32 v15, v28;
	v10 =	vadd.f32 v10, v57  }
0x231: {  	v13 =	vadd.f32 v13, v23;
	v20 =	vadd.f32 v54, v20;
	vm3 =	vle.f32 v12, $0.0e+00  }
0x232: {  	v12 =	vmax.f32 v12, $0.0e+00;
	vm2 =	vle.f32 v15, $0.0e+00;
	vm15 =	vle.f32 v10, $0.0e+00  }
0x233: {  	v62 =	vsel vm3, $0x3F800000, v9;
	v15 =	vmax.f32 v15, $0.0e+00;
	v12 =	vadd.f32 v12, v59  }
0x234: {  	v61 =	vsel vm2, $0x3F800000, v9;
	v63 =	vsel vm15, $0x3F800000, v9;
	v11 =	vadd.f32 v62, v11  }
0x235: {  	v10 =	vmax.f32 v10, $0.0e+00;
	v17 =	vadd.f32 v61, v22;
	v14 =	vadd.f32 v63, v14  }
0x236: {  	v15 =	vadd.f32 v15, v19;
	v10 =	vadd.f32 v10, v60  }
0x237: {  	s18 =	sadd.s32 $0x1, s18;
	v11 =	vadd.f32 v11, v17;
	v14 =	vadd.f32 v20, v14  }
0x238: {  	p0 =	sne.s32 s18, $0x40;
	v12 =	vadd.f32 v12, v15;
	v10 =	vadd.f32 v13, v10  }
.Ltmp2:
0x239: {  	v11 =	vadd.f32 v14, v11;
	(pc) =	sbr.rel @p0 .LBB2_2-.Ltmp2, $4  }
0x23a: {  	v10 =	vadd.f32 v10, v12  }
0x23b: {  	v11 =	vsel vm0, $0x0, v11  }
0x23c: {  	v10 =	vsel vm1, v10, v11  }
0x23d: {  	[tilespmem:s17+$0x1DA00] =	vst v10  }
0x23e: {  	_ =	swait.ge [sflag:s0], $0x6400  }
0x23f: {  	[sflag:s0] =	ssyncset.done $0x0  }
0x240: {  	[sflag:s0] =	ssyncadd.s32 $0xFFFF9C00  }
0x241: {  	_ =	swait.ge [sflag:s0], $0xC80  }
0x242: {  	[sflag:s0] =	ssyncset.done $0x0  }
0x243: {  	s7 =	simm.s32 $0x1DA00;
	s5 =	rddreg [dreg:$0x8];
	[sflag:s0] =	ssyncadd.s32 $0xFFFFF380  }
0x244: {  	[hbm4b:s5+s4] =	stream.linear.scatter [tilespmem:s7], [sflag:$0x4], $0x800, $0x38;
	[tilespmem:$0x1E200] =	vst v63  }
0x245: {  	_ =	swait.ge [sflag:s14], $0x800  }
0x246: {  	[sflag:s14] =	ssyncset.done $0x0  }
0x247: {  	s7 =	simm.s32 $0x6900;
	s23 =	rddreg [dreg:$0x9];
	[sflag:s14] =	ssyncadd.s32 $0xFFFFF800  }
0x248: {  	[hbm4b:s23+s4] =	stream.linear.scatter [tilespmem:s7], [sflag:$0x4], $0x4000, $0x38;
	[tilespmem:$0x1E200] =	vst v63  }
0x249: {  	s20 =	sadd.s32 $0x1, s20;
	_ =	swait.ge [sflag:s14], $0x4000  }
0x24a: {  	p0 =	sne.s32 s20, s13;
	[sflag:s14] =	ssyncset.done $0x0  }
.Ltmp3:
0x24b: {  	s8 =	simm.s32 $0xA900;
	[sflag:s14] =	ssyncadd.s32 $0xFFFFC000;
	(pc) =	sbr.rel @p0 .LBB2_1-.Ltmp3, $4  }
0x24c: {  	[hbm4b:s12+s4] =	stream.linear.scatter [tilespmem:s8], [sflag:$0x4], $0x4000, $0x38;
	[tilespmem:$0x1E200] =	vst v63  }
0x24d: {  	_ =	swait.ge [sflag:s14], $0x4000  }
0x24e: {  	[sflag:s14] =	ssyncset.done $0x0  }
0x24f: {  	[sflag:s14] =	ssyncadd.s32 $0xFFFFC000  }
0x250: {  	_ =	sfence.sel $0x180000  }
0x251: {  	[bflag:$0x0] =	sbarrier.arrive $0xFFFF  }
0x252: {  	_ =	strace $0x9000004A  }
0x253: {  	s0 =	stileid.u32;
	[bflag:$0x2] =	sbarrier.arrive $0xFFFF  }
0x254: {  	p0 =	sne.s32 s0, $0x0;
	s0 =	rddreg [dreg:$0x5]  }
0x255: {  	s0 =	sadd.s32 @!p0 $0x100000, s0  }
0x256: {  	[sflag:s0] =	ssyncadd.tile.s32 @!p0 $0x1;
	_ =	shalt  }
.Lfunc_end2:
_tile_overlayer_lowered:
.L_overlay_start_2:
0x257: {  	(tag) =	ssettag $0x2  }
0x258: {  	s0 =	rddreg [dreg:$0x0];
	s2 =	stileid.u32  }
0x259: {  	s1 =	rddreg [dreg:$0x1];
	p0 =	sne.s32 s2, $0x0  }
0x25a: {  	s3 =	rddreg [dreg:$0x2];
	[bflag:$0x3] =	sbarrier.arrive $0xFFFF;
	s2 =	simm.s32 @!p0 $0x1C04  }
0x25b: {  	[timem:s3], [sflag:s2] =	dma.local @!p0 [hbm:s0], s1  }
0x25c: {  	s0 =	simm.s32 @!p0 $0x4  }
0x25d: {  	_ =	swait.ge @!p0 [sflag:s0], s1  }
0x25e: {  	s1 =	ssub.s32 @!p0 $0x0, s1;
	[sflag:s0] =	ssyncset.done @!p0 $0x0  }
0x25f: {  	[sflag:s0] =	ssyncadd.s32 @!p0 s1  }
0x260: {  	[bflag:$0x3] =	sbarrier.arrive $0xFFFF  }
0x261: {  	_ =	shalt  }

</sc_bundles>
